<compile_context>
chip_gen: v7x
topology: tpu7x:2x2x1
jax: 0.10.2.dev20260603
libtpu: 0.0.44.dev20260713+nightly
codegen_flags: <defaults>
</compile_context>

<pallas_src>
import jax
import jax.numpy as jnp
import numpy as np
from jax import lax
from jax.experimental import pallas as pl
from jax.experimental.pallas import tpu as pltpu
from jax.experimental.pallas import tpu_sc as plsc

N_NODES = 100000
D = 128
B = 10000
K = 10
F = K + 1

NC, NS, L = 2, 16, 16
NW = NC * NS
B_PAD = 10240
BPW = B_PAD // NW
C = 8
STEPS = BPW // C
NPW = BPW * K
NVREG = D // L
NBUF = 5
ICHUNK = 128

_INV_DENOM = 1.0 / 11.0

_WIDX = np.arange(D // 2, dtype=np.int32)
_IDX_LO = 32 * (_WIDX // 16) + (_WIDX % 16)
_IDX_HI = _IDX_LO + 16


def _sc_body(nodes_hbm, adjf_hbm, x_hbm, agg_hbm,
             nodes_v, npos_v, neigh_v,
             rows0, rows1, rows2, rows3, rows4,
             sem0, sem1, sem2, sem3, sem4, out_v, sem_w, sem_a):
    bufs = (rows0, rows1, rows2, rows3, rows4)
    sems = (sem0, sem1, sem2, sem3, sem4)
    wid = lax.axis_index("s") * NC + lax.axis_index("c")
    base = wid * BPW

    pltpu.sync_copy(nodes_hbm.at[pl.ds(base, BPW)], nodes_v)

    lanes = lax.iota(jnp.int32, L)

    def posstep(t, carry):
        p = t * L + lanes
        n = p // K
        s = p - n * K
        ids = plsc.load_gather(nodes_v, [n])
        npos_v[pl.ds(t * L, L)] = s * N_NODES + ids
        return carry

    lax.fori_loop(0, NPW // L, posstep, 0)

    adescs = [
        pltpu.async_copy(
            adjf_hbm.at[npos_v.at[pl.ds(a * ICHUNK, ICHUNK)]],
            neigh_v.at[pl.ds(a * ICHUNK, ICHUNK)], sem_a)
        for a in range(NPW // ICHUNK)
    ]
    for d in adescs:
        d.wait()

    def issue(s, b):
        pltpu.async_copy(
            x_hbm.at[nodes_v.at[pl.ds(s * C, C)]],
            bufs[b].at[pl.ds(0, C)], sems[b])
        pltpu.async_copy(
            x_hbm.at[neigh_v.at[pl.ds(s * C * K, C * K)]],
            bufs[b].at[pl.ds(C, C * K)], sems[b])

    def drain(b):
        pltpu.make_async_copy(
            x_hbm.at[pl.ds(0, C * F)], bufs[b], sems[b]).wait()

    def compute(s, b):
        buf = bufs[b]

        def node(i, carry):
            for g in range(NVREG // 2):
                accs = []
                for h in range(2):
                    v = 2 * g + h
                    acc = buf[i, pl.ds(v * L, L)]
                    for j in range(K):
                        acc = acc + buf[C + i * K + j, pl.ds(v * L, L)]
                    accs.append(acc * _INV_DENOM)
                packed = plsc.bitcast(
                    plsc.pack(accs[0], accs[1],
                              format=plsc.PackFormat.INTERLEAVED),
                    jnp.float32)
                out_v[s * C + i, pl.ds(g * L, L)] = packed
            return carry

        lax.fori_loop(0, C, node, 0)
        pltpu.async_copy(
            out_v.at[pl.ds(s * C, C)],
            agg_hbm.at[pl.ds(base + s * C, C)], sem_w)

    for b in range(NBUF - 1):
        issue(b, b)

    def body(t, carry):
        s0 = NBUF * t
        issue(s0 + NBUF - 1, NBUF - 1)
        for b in range(NBUF):
            drain(b)
            compute(s0 + b, b)
            if b < NBUF - 1:
                @pl.when(s0 + NBUF + b < STEPS)
                def _():
                    issue(s0 + NBUF + b, b)
        return carry

    lax.fori_loop(0, STEPS // NBUF, body, 0)

    pltpu.make_async_copy(
        out_v, agg_hbm.at[pl.ds(base, BPW)], sem_w).wait()


@jax.jit
def _sc_aggregate(nodes_pad, adj_flat, x):
    mesh = plsc.VectorSubcoreMesh(core_axis_name="c", subcore_axis_name="s")
    return pl.kernel(
        _sc_body,
        out_type=jax.ShapeDtypeStruct((B_PAD, D // 2), jnp.float32),
        mesh=mesh,
        compiler_params=pltpu.CompilerParams(needs_layout_passes=False),
        scratch_types=[
            pltpu.VMEM((BPW,), jnp.int32),
            pltpu.VMEM((NPW,), jnp.int32),
            pltpu.VMEM((NPW,), jnp.int32),
            pltpu.VMEM((C * F, D), jnp.float32),
            pltpu.VMEM((C * F, D), jnp.float32),
            pltpu.VMEM((C * F, D), jnp.float32),
            pltpu.VMEM((C * F, D), jnp.float32),
            pltpu.VMEM((C * F, D), jnp.float32),
            pltpu.SemaphoreType.DMA,
            pltpu.SemaphoreType.DMA,
            pltpu.SemaphoreType.DMA,
            pltpu.SemaphoreType.DMA,
            pltpu.SemaphoreType.DMA,
            pltpu.VMEM((BPW, D // 2), jnp.float32),
            pltpu.SemaphoreType.DMA,
            pltpu.SemaphoreType.DMA,
        ],
    )(nodes_pad, adj_flat, x)


def _mm_body(a_ref, wlo_ref, whi_ref, o_ref):
    u = lax.bitcast_convert_type(a_ref[...], jnp.uint32)
    lo = lax.bitcast_convert_type(u << jnp.uint32(16), jnp.float32)
    hi = lax.bitcast_convert_type(u & jnp.uint32(0xFFFF0000), jnp.float32)
    acc = jnp.dot(lo, wlo_ref[...], preferred_element_type=jnp.float32)
    acc = acc + jnp.dot(hi, whi_ref[...], preferred_element_type=jnp.float32)
    o_ref[...] = jnp.maximum(acc, 0.0)


MM_BLOCK = 2000


@jax.jit
def _tc_matmul_relu(agg_pad, Wlo, Whi):
    return pl.pallas_call(
        _mm_body,
        grid=(B // MM_BLOCK,),
        in_specs=[
            pl.BlockSpec((MM_BLOCK, D // 2), lambda i: (i, 0)),
            pl.BlockSpec((D // 2, D), lambda i: (0, 0)),
            pl.BlockSpec((D // 2, D), lambda i: (0, 0)),
        ],
        out_specs=pl.BlockSpec((MM_BLOCK, D), lambda i: (i, 0)),
        out_shape=jax.ShapeDtypeStruct((B, D), jnp.float32),
    )(agg_pad, Wlo, Whi)


def kernel(nodes, adj, x, W):
    nodes_pad = jnp.pad(nodes, (0, B_PAD - B))
    agg_pad = _sc_aggregate(nodes_pad, adj.T.reshape(-1), x)
    Wt = W.T
    return _tc_matmul_relu(agg_pad, Wt[_IDX_LO], Wt[_IDX_HI])

# --- scband reference (transcript-rebuilt; emitter-appended) ---
"""Pipeline reference for scband-graph-convolution-5909875000109 (READ-ONLY COPY).

The authoritative reference and input builder live on the scoring server;
editing this copy changes nothing except your own understanding.
"""

import jax, jax.numpy as jnp
import numpy as np

N_NODES = 100000
D_IN = 128
D_OUT = 128
BATCH = 10000
NUM_SAMPLE = 10


def setup_inputs(seed: int = 0) -> dict:
    key = jax.random.key(seed)
    k1, k2, k3, k4 = jax.random.split(key, 4)
    # forward arg: batch of node ids
    nodes = jax.random.randint(k1, (BATCH,), 0, N_NODES, dtype=jnp.int32)
    # adjacency: pre-sampled NUM_SAMPLE neighbors per node (stand-in for adj_dict + random.sample)
    adj = jax.random.randint(k2, (N_NODES, NUM_SAMPLE), 0, N_NODES, dtype=jnp.int32)
    # in_features_func: embedding lookup into a node-feature table
    x = jax.random.normal(k3, (N_NODES, D_IN), dtype=jnp.float32)
    # weight [out_features, in_features], xavier uniform init
    limit = float(np.sqrt(6.0 / (D_IN + D_OUT)))
    W = jax.random.uniform(k4, (D_OUT, D_IN), minval=-limit, maxval=limit, dtype=jnp.float32)
    return {"nodes": nodes, "adj": adj, "x": x, "W": W}


def reference(nodes, adj, x, W):
    # aggregate(nodes, adj_dict, include_self=True):
    # sampled neighbors of each node, plus the node itself
    neigh = jnp.take(adj, nodes, axis=0)                      # [B, NUM_SAMPLE]
    all_idx = jnp.concatenate([nodes[:, None], neigh], axis=1)  # [B, NUM_SAMPLE+1]
    # gather neighbor embeddings via in_features_func (embedding lookup)
    feats = jnp.take(x, all_idx, axis=0)                      # [B, NUM_SAMPLE+1, D_IN]
    # mean aggregation (mask.mm(unique_neighbors_embeddings) with row-normalized mask)
    denom = jnp.float32(all_idx.shape[1])
    agg = feats.sum(axis=1) / (denom + 1e-10)                 # [B, D_IN]
    # activation(agg.mm(W.T))
    return jax.nn.relu(agg @ W.T)                             # [B, D_OUT]

if __name__ == "__main__":
    import jax
    _d = setup_inputs()
    print(jax.jit(kernel)(*tuple(_d.values())))

</pallas_src>

<mosaic_0001>
#map = affine_map<(d0, d1) -> (0)>
#map1 = affine_map<(d0, d1) -> (0, 0)>
module attributes {stable_mosaic.version = 14 : i64} {
  func.func @_sc_body(%arg0: i32, %arg1: i32, %arg2: memref<10240xi32, #tpu.memory_space<hbm>>, %arg3: memref<1000000xi32, #tpu.memory_space<hbm>>, %arg4: memref<100000x128xf32, #tpu.memory_space<hbm>>, %arg5: memref<10240x64xf32, #tpu.memory_space<hbm>>, %arg6: memref<320xi32, #tpu.memory_space<vmem>>, %arg7: memref<3200xi32, #tpu.memory_space<vmem>>, %arg8: memref<3200xi32, #tpu.memory_space<vmem>>, %arg9: memref<88x128xf32, #tpu.memory_space<vmem>>, %arg10: memref<88x128xf32, #tpu.memory_space<vmem>>, %arg11: memref<88x128xf32, #tpu.memory_space<vmem>>, %arg12: memref<88x128xf32, #tpu.memory_space<vmem>>, %arg13: memref<88x128xf32, #tpu.memory_space<vmem>>, %arg14: memref<!tpu.dma_semaphore, #tpu.memory_space<semaphore_mem>>, %arg15: memref<!tpu.dma_semaphore, #tpu.memory_space<semaphore_mem>>, %arg16: memref<!tpu.dma_semaphore, #tpu.memory_space<semaphore_mem>>, %arg17: memref<!tpu.dma_semaphore, #tpu.memory_space<semaphore_mem>>, %arg18: memref<!tpu.dma_semaphore, #tpu.memory_space<semaphore_mem>>, %arg19: memref<320x64xf32, #tpu.memory_space<vmem>>, %arg20: memref<!tpu.dma_semaphore, #tpu.memory_space<semaphore_mem>>, %arg21: memref<!tpu.dma_semaphore, #tpu.memory_space<semaphore_mem>>) attributes {dimension_semantics = [#tpu.dimension_semantics<core_parallel>, #tpu.dimension_semantics<subcore_parallel>], iteration_bounds = array<i64: 2, 16>, scalar_prefetch = 0 : i64, scratch_operands = 16 : i64, tpu.core_type = #tpu.core_type<sc_vector_subcore>, window_params = [{transform_indices = #map}, {transform_indices = #map}, {transform_indices = #map1}, {transform_indices = #map1}]} {
    %mul3A = arith.constant 2 : i32
    %mul3A_0 = arith.muli %arg1, %mul3A : i32
    %add3A = arith.addi %mul3A_0, %arg0 : i32
    %mul3A_1 = arith.constant 320 : i32
    %mul3A_2 = arith.muli %add3A, %mul3A_1 : i32
    "tpu.region"() ({
      %run_scoped3A = tpu.sem_alloc : memref<!tpu.dma_semaphore, #tpu.memory_space<semaphore_mem>>
      %dma_start3A_380 = tpu.memref_slice %arg2[%mul3A_2] : memref<10240xi32, #tpu.memory_space<hbm>> -> memref<320xi32, #tpu.memory_space<hbm>>
      %dma_start3A_381 = tpu.memref_slice %arg2[%mul3A_2] : memref<10240xi32, #tpu.memory_space<hbm>> -> memref<320xi32, #tpu.memory_space<hbm>>
      tpu.enqueue_dma source(%dma_start3A_381 : memref<320xi32, #tpu.memory_space<hbm>>) target(%arg6 : memref<320xi32, #tpu.memory_space<vmem>>) target_semaphore(%run_scoped3A : memref<!tpu.dma_semaphore, #tpu.memory_space<semaphore_mem>>)
      %dma_wait3A_382 = tpu.memref_slice %arg2[%mul3A_2] : memref<10240xi32, #tpu.memory_space<hbm>> -> memref<320xi32, #tpu.memory_space<hbm>>
      %dma_wait3A_383 = tpu.memref_slice %arg2[%mul3A_2] : memref<10240xi32, #tpu.memory_space<hbm>> -> memref<320xi32, #tpu.memory_space<hbm>>
      tpu.wait_dma2 semaphore(%run_scoped3A : memref<!tpu.dma_semaphore, #tpu.memory_space<semaphore_mem>>) src(%dma_wait3A_383 : memref<320xi32, #tpu.memory_space<hbm>>) dst(%arg6 : memref<320xi32, #tpu.memory_space<vmem>>)
      tpu.yield
    }) : () -> ()
    %iota3A = tpu.iota {dimensions = array<i32: 0>} : vector<16xi32>
    %scan3A = arith.constant 0 : i32
    %scan3A_3 = arith.constant 0 : i32
    %scan3A_4 = arith.constant 200 : i32
    %scan3A_5 = arith.addi %scan3A_3, %scan3A_4 : i32
    %scan3A_6 = arith.constant 1 : i32
    scf.for %scan3A_380 = %scan3A_3 to %scan3A_5 step %scan3A_6  : i32 {
      %mul3A_381 = arith.constant 16 : i32
      %mul3A_382 = arith.muli %scan3A_380, %mul3A_381 : i32
      %add3A_383 = vector.broadcast %mul3A_382 : i32 to vector<16xi32>
      %add3A_384 = arith.addi %add3A_383, %iota3A : vector<16xi32>
      %jit3A = arith.constant 10 : i32
      %div3A = vector.broadcast %jit3A : i32 to vector<16xi32>
      %div3A_385 = arith.divsi %add3A_384, %div3A : vector<16xi32>
      %sign3A = arith.constant 0 : i32
      %sign3A_386 = vector.broadcast %sign3A : i32 to vector<16xi32>
      %sign3A_387 = arith.cmpi sgt, %add3A_384, %sign3A_386 : vector<16xi32>
      %sign3A_388 = arith.extui %sign3A_387 : vector<16xi1> to vector<16xi32>
      %sign3A_389 = arith.constant 0 : i32
      %sign3A_390 = vector.broadcast %sign3A_389 : i32 to vector<16xi32>
      %sign3A_391 = arith.cmpi slt, %add3A_384, %sign3A_390 : vector<16xi32>
      %sign3A_392 = arith.extui %sign3A_391 : vector<16xi1> to vector<16xi32>
      %sign3A_393 = arith.subi %sign3A_388, %sign3A_392 : vector<16xi32>
      %sign3A_394 = arith.constant 0 : i32
      %sign3A_395 = arith.cmpi sgt, %jit3A, %sign3A_394 : i32
      %sign3A_396 = arith.extui %sign3A_395 : i1 to i32
      %sign3A_397 = arith.constant 0 : i32
      %sign3A_398 = arith.cmpi slt, %jit3A, %sign3A_397 : i32
      %sign3A_399 = arith.extui %sign3A_398 : i1 to i32
      %sign3A_400 = arith.subi %sign3A_396, %sign3A_399 : i32
      %ne3A = vector.broadcast %sign3A_400 : i32 to vector<16xi32>
      %ne3A_401 = arith.cmpi ne, %sign3A_393, %ne3A : vector<16xi32>
      %rem3A = vector.broadcast %jit3A : i32 to vector<16xi32>
      %rem3A_402 = arith.remsi %add3A_384, %rem3A : vector<16xi32>
      %ne3A_403 = arith.constant 0 : i32
      %ne3A_404 = vector.broadcast %ne3A_403 : i32 to vector<16xi32>
      %ne3A_405 = arith.cmpi ne, %rem3A_402, %ne3A_404 : vector<16xi32>
      %and3A = arith.andi %ne3A_401, %ne3A_405 : vector<16xi1>
      %sub3A = arith.constant 1 : i32
      %sub3A_406 = vector.broadcast %sub3A : i32 to vector<16xi32>
      %sub3A_407 = arith.subi %div3A_385, %sub3A_406 : vector<16xi32>
      %select_n3A = arith.select %and3A, %sub3A_407, %div3A_385 : vector<16xi1>, vector<16xi32>
      %mul3A_408 = arith.constant 10 : i32
      %mul3A_409 = vector.broadcast %mul3A_408 : i32 to vector<16xi32>
      %mul3A_410 = arith.muli %select_n3A, %mul3A_409 : vector<16xi32>
      %sub3A_411 = arith.subi %add3A_384, %mul3A_410 : vector<16xi32>
      %gather3A = tpu.vector_load_idx %arg6[%select_n3A] : memref<320xi32, #tpu.memory_space<vmem>>[vector<16xi32>], vector<16xi32>,
      %mul3A_412 = arith.constant 100000 : i32
      %mul3A_413 = vector.broadcast %mul3A_412 : i32 to vector<16xi32>
      %mul3A_414 = arith.muli %sub3A_411, %mul3A_413 : vector<16xi32>
      %add3A_415 = arith.addi %mul3A_414, %gather3A : vector<16xi32>
      %mul3A_416 = arith.constant 16 : i32
      %mul3A_417 = arith.muli %scan3A_380, %mul3A_416 : i32
      %swap3A = arith.index_cast %mul3A_417 : i32 to index
      %swap3A_418 = tpu.vector_load %arg7[%swap3A] {strides = array<i32>} : memref<3200xi32, #tpu.memory_space<vmem>>, vector<16xi32>,
      tpu.vector_store %arg7[%swap3A], %add3A_415 {strides = array<i32>} : memref<3200xi32, #tpu.memory_space<vmem>>, vector<16xi32>,
    }
    %scan3A_7 = arith.constant 200 : i32
    %dma_start3A = arith.constant 0 : i32
    %dma_start3A_8 = tpu.memref_slice %arg8[%dma_start3A] : memref<3200xi32, #tpu.memory_space<vmem>> -> memref<128xi32, #tpu.memory_space<vmem>>
    %dma_start3A_9 = arith.constant 0 : i32
    %dma_start3A_10 = tpu.memref_slice %arg7[%dma_start3A_9] : memref<3200xi32, #tpu.memory_space<vmem>> -> memref<128xi32, #tpu.memory_space<vmem>>
    %dma_start3A_11 = arith.constant 0 : i32
    %dma_start3A_12 = tpu.memref_slice %arg3[%dma_start3A_11] : memref<1000000xi32, #tpu.memory_space<hbm>> -> memref<1000000xi32, #tpu.memory_space<hbm>>
    tpu.enqueue_indirect_dma source(%dma_start3A_12 : memref<1000000xi32, #tpu.memory_space<hbm>>) target(%dma_start3A_8 : memref<128xi32, #tpu.memory_space<vmem>>) offsets(%dma_start3A_10 : memref<128xi32, #tpu.memory_space<vmem>>) semaphore(%arg21 : memref<!tpu.dma_semaphore, #tpu.memory_space<semaphore_mem>>)
    %dma_start3A_13 = arith.constant 128 : i32
    %dma_start3A_14 = tpu.memref_slice %arg8[%dma_start3A_13] : memref<3200xi32, #tpu.memory_space<vmem>> -> memref<128xi32, #tpu.memory_space<vmem>>
    %dma_start3A_15 = arith.constant 128 : i32
    %dma_start3A_16 = tpu.memref_slice %arg7[%dma_start3A_15] : memref<3200xi32, #tpu.memory_space<vmem>> -> memref<128xi32, #tpu.memory_space<vmem>>
    %dma_start3A_17 = arith.constant 0 : i32
    %dma_start3A_18 = tpu.memref_slice %arg3[%dma_start3A_17] : memref<1000000xi32, #tpu.memory_space<hbm>> -> memref<1000000xi32, #tpu.memory_space<hbm>>
    tpu.enqueue_indirect_dma source(%dma_start3A_18 : memref<1000000xi32, #tpu.memory_space<hbm>>) target(%dma_start3A_14 : memref<128xi32, #tpu.memory_space<vmem>>) offsets(%dma_start3A_16 : memref<128xi32, #tpu.memory_space<vmem>>) semaphore(%arg21 : memref<!tpu.dma_semaphore, #tpu.memory_space<semaphore_mem>>)
    %dma_start3A_19 = arith.constant 256 : i32
    %dma_start3A_20 = tpu.memref_slice %arg8[%dma_start3A_19] : memref<3200xi32, #tpu.memory_space<vmem>> -> memref<128xi32, #tpu.memory_space<vmem>>
    %dma_start3A_21 = arith.constant 256 : i32
    %dma_start3A_22 = tpu.memref_slice %arg7[%dma_start3A_21] : memref<3200xi32, #tpu.memory_space<vmem>> -> memref<128xi32, #tpu.memory_space<vmem>>
    %dma_start3A_23 = arith.constant 0 : i32
    %dma_start3A_24 = tpu.memref_slice %arg3[%dma_start3A_23] : memref<1000000xi32, #tpu.memory_space<hbm>> -> memref<1000000xi32, #tpu.memory_space<hbm>>
    tpu.enqueue_indirect_dma source(%dma_start3A_24 : memref<1000000xi32, #tpu.memory_space<hbm>>) target(%dma_start3A_20 : memref<128xi32, #tpu.memory_space<vmem>>) offsets(%dma_start3A_22 : memref<128xi32, #tpu.memory_space<vmem>>) semaphore(%arg21 : memref<!tpu.dma_semaphore, #tpu.memory_space<semaphore_mem>>)
    %dma_start3A_25 = arith.constant 384 : i32
    %dma_start3A_26 = tpu.memref_slice %arg8[%dma_start3A_25] : memref<3200xi32, #tpu.memory_space<vmem>> -> memref<128xi32, #tpu.memory_space<vmem>>
    %dma_start3A_27 = arith.constant 384 : i32
    %dma_start3A_28 = tpu.memref_slice %arg7[%dma_start3A_27] : memref<3200xi32, #tpu.memory_space<vmem>> -> memref<128xi32, #tpu.memory_space<vmem>>
    %dma_start3A_29 = arith.constant 0 : i32
    %dma_start3A_30 = tpu.memref_slice %arg3[%dma_start3A_29] : memref<1000000xi32, #tpu.memory_space<hbm>> -> memref<1000000xi32, #tpu.memory_space<hbm>>
    tpu.enqueue_indirect_dma source(%dma_start3A_30 : memref<1000000xi32, #tpu.memory_space<hbm>>) target(%dma_start3A_26 : memref<128xi32, #tpu.memory_space<vmem>>) offsets(%dma_start3A_28 : memref<128xi32, #tpu.memory_space<vmem>>) semaphore(%arg21 : memref<!tpu.dma_semaphore, #tpu.memory_space<semaphore_mem>>)
    %dma_start3A_31 = arith.constant 512 : i32
    %dma_start3A_32 = tpu.memref_slice %arg8[%dma_start3A_31] : memref<3200xi32, #tpu.memory_space<vmem>> -> memref<128xi32, #tpu.memory_space<vmem>>
    %dma_start3A_33 = arith.constant 512 : i32
    %dma_start3A_34 = tpu.memref_slice %arg7[%dma_start3A_33] : memref<3200xi32, #tpu.memory_space<vmem>> -> memref<128xi32, #tpu.memory_space<vmem>>
    %dma_start3A_35 = arith.constant 0 : i32
    %dma_start3A_36 = tpu.memref_slice %arg3[%dma_start3A_35] : memref<1000000xi32, #tpu.memory_space<hbm>> -> memref<1000000xi32, #tpu.memory_space<hbm>>
    tpu.enqueue_indirect_dma source(%dma_start3A_36 : memref<1000000xi32, #tpu.memory_space<hbm>>) target(%dma_start3A_32 : memref<128xi32, #tpu.memory_space<vmem>>) offsets(%dma_start3A_34 : memref<128xi32, #tpu.memory_space<vmem>>) semaphore(%arg21 : memref<!tpu.dma_semaphore, #tpu.memory_space<semaphore_mem>>)
    %dma_start3A_37 = arith.constant 640 : i32
    %dma_start3A_38 = tpu.memref_slice %arg8[%dma_start3A_37] : memref<3200xi32, #tpu.memory_space<vmem>> -> memref<128xi32, #tpu.memory_space<vmem>>
    %dma_start3A_39 = arith.constant 640 : i32
    %dma_start3A_40 = tpu.memref_slice %arg7[%dma_start3A_39] : memref<3200xi32, #tpu.memory_space<vmem>> -> memref<128xi32, #tpu.memory_space<vmem>>
    %dma_start3A_41 = arith.constant 0 : i32
    %dma_start3A_42 = tpu.memref_slice %arg3[%dma_start3A_41] : memref<1000000xi32, #tpu.memory_space<hbm>> -> memref<1000000xi32, #tpu.memory_space<hbm>>
    tpu.enqueue_indirect_dma source(%dma_start3A_42 : memref<1000000xi32, #tpu.memory_space<hbm>>) target(%dma_start3A_38 : memref<128xi32, #tpu.memory_space<vmem>>) offsets(%dma_start3A_40 : memref<128xi32, #tpu.memory_space<vmem>>) semaphore(%arg21 : memref<!tpu.dma_semaphore, #tpu.memory_space<semaphore_mem>>)
    %dma_start3A_43 = arith.constant 768 : i32
    %dma_start3A_44 = tpu.memref_slice %arg8[%dma_start3A_43] : memref<3200xi32, #tpu.memory_space<vmem>> -> memref<128xi32, #tpu.memory_space<vmem>>
    %dma_start3A_45 = arith.constant 768 : i32
    %dma_start3A_46 = tpu.memref_slice %arg7[%dma_start3A_45] : memref<3200xi32, #tpu.memory_space<vmem>> -> memref<128xi32, #tpu.memory_space<vmem>>
    %dma_start3A_47 = arith.constant 0 : i32
    %dma_start3A_48 = tpu.memref_slice %arg3[%dma_start3A_47] : memref<1000000xi32, #tpu.memory_space<hbm>> -> memref<1000000xi32, #tpu.memory_space<hbm>>
    tpu.enqueue_indirect_dma source(%dma_start3A_48 : memref<1000000xi32, #tpu.memory_space<hbm>>) target(%dma_start3A_44 : memref<128xi32, #tpu.memory_space<vmem>>) offsets(%dma_start3A_46 : memref<128xi32, #tpu.memory_space<vmem>>) semaphore(%arg21 : memref<!tpu.dma_semaphore, #tpu.memory_space<semaphore_mem>>)
    %dma_start3A_49 = arith.constant 896 : i32
    %dma_start3A_50 = tpu.memref_slice %arg8[%dma_start3A_49] : memref<3200xi32, #tpu.memory_space<vmem>> -> memref<128xi32, #tpu.memory_space<vmem>>
    %dma_start3A_51 = arith.constant 896 : i32
    %dma_start3A_52 = tpu.memref_slice %arg7[%dma_start3A_51] : memref<3200xi32, #tpu.memory_space<vmem>> -> memref<128xi32, #tpu.memory_space<vmem>>
    %dma_start3A_53 = arith.constant 0 : i32
    %dma_start3A_54 = tpu.memref_slice %arg3[%dma_start3A_53] : memref<1000000xi32, #tpu.memory_space<hbm>> -> memref<1000000xi32, #tpu.memory_space<hbm>>
    tpu.enqueue_indirect_dma source(%dma_start3A_54 : memref<1000000xi32, #tpu.memory_space<hbm>>) target(%dma_start3A_50 : memref<128xi32, #tpu.memory_space<vmem>>) offsets(%dma_start3A_52 : memref<128xi32, #tpu.memory_space<vmem>>) semaphore(%arg21 : memref<!tpu.dma_semaphore, #tpu.memory_space<semaphore_mem>>)
    %dma_start3A_55 = arith.constant 1024 : i32
    %dma_start3A_56 = tpu.memref_slice %arg8[%dma_start3A_55] : memref<3200xi32, #tpu.memory_space<vmem>> -> memref<128xi32, #tpu.memory_space<vmem>>
    %dma_start3A_57 = arith.constant 1024 : i32
    %dma_start3A_58 = tpu.memref_slice %arg7[%dma_start3A_57] : memref<3200xi32, #tpu.memory_space<vmem>> -> memref<128xi32, #tpu.memory_space<vmem>>
    %dma_start3A_59 = arith.constant 0 : i32
    %dma_start3A_60 = tpu.memref_slice %arg3[%dma_start3A_59] : memref<1000000xi32, #tpu.memory_space<hbm>> -> memref<1000000xi32, #tpu.memory_space<hbm>>
    tpu.enqueue_indirect_dma source(%dma_start3A_60 : memref<1000000xi32, #tpu.memory_space<hbm>>) target(%dma_start3A_56 : memref<128xi32, #tpu.memory_space<vmem>>) offsets(%dma_start3A_58 : memref<128xi32, #tpu.memory_space<vmem>>) semaphore(%arg21 : memref<!tpu.dma_semaphore, #tpu.memory_space<semaphore_mem>>)
    %dma_start3A_61 = arith.constant 1152 : i32
    %dma_start3A_62 = tpu.memref_slice %arg8[%dma_start3A_61] : memref<3200xi32, #tpu.memory_space<vmem>> -> memref<128xi32, #tpu.memory_space<vmem>>
    %dma_start3A_63 = arith.constant 1152 : i32
    %dma_start3A_64 = tpu.memref_slice %arg7[%dma_start3A_63] : memref<3200xi32, #tpu.memory_space<vmem>> -> memref<128xi32, #tpu.memory_space<vmem>>
    %dma_start3A_65 = arith.constant 0 : i32
    %dma_start3A_66 = tpu.memref_slice %arg3[%dma_start3A_65] : memref<1000000xi32, #tpu.memory_space<hbm>> -> memref<1000000xi32, #tpu.memory_space<hbm>>
    tpu.enqueue_indirect_dma source(%dma_start3A_66 : memref<1000000xi32, #tpu.memory_space<hbm>>) target(%dma_start3A_62 : memref<128xi32, #tpu.memory_space<vmem>>) offsets(%dma_start3A_64 : memref<128xi32, #tpu.memory_space<vmem>>) semaphore(%arg21 : memref<!tpu.dma_semaphore, #tpu.memory_space<semaphore_mem>>)
    %dma_start3A_67 = arith.constant 1280 : i32
    %dma_start3A_68 = tpu.memref_slice %arg8[%dma_start3A_67] : memref<3200xi32, #tpu.memory_space<vmem>> -> memref<128xi32, #tpu.memory_space<vmem>>
    %dma_start3A_69 = arith.constant 1280 : i32
    %dma_start3A_70 = tpu.memref_slice %arg7[%dma_start3A_69] : memref<3200xi32, #tpu.memory_space<vmem>> -> memref<128xi32, #tpu.memory_space<vmem>>
    %dma_start3A_71 = arith.constant 0 : i32
    %dma_start3A_72 = tpu.memref_slice %arg3[%dma_start3A_71] : memref<1000000xi32, #tpu.memory_space<hbm>> -> memref<1000000xi32, #tpu.memory_space<hbm>>
    tpu.enqueue_indirect_dma source(%dma_start3A_72 : memref<1000000xi32, #tpu.memory_space<hbm>>) target(%dma_start3A_68 : memref<128xi32, #tpu.memory_space<vmem>>) offsets(%dma_start3A_70 : memref<128xi32, #tpu.memory_space<vmem>>) semaphore(%arg21 : memref<!tpu.dma_semaphore, #tpu.memory_space<semaphore_mem>>)
    %dma_start3A_73 = arith.constant 1408 : i32
    %dma_start3A_74 = tpu.memref_slice %arg8[%dma_start3A_73] : memref<3200xi32, #tpu.memory_space<vmem>> -> memref<128xi32, #tpu.memory_space<vmem>>
    %dma_start3A_75 = arith.constant 1408 : i32
    %dma_start3A_76 = tpu.memref_slice %arg7[%dma_start3A_75] : memref<3200xi32, #tpu.memory_space<vmem>> -> memref<128xi32, #tpu.memory_space<vmem>>
    %dma_start3A_77 = arith.constant 0 : i32
    %dma_start3A_78 = tpu.memref_slice %arg3[%dma_start3A_77] : memref<1000000xi32, #tpu.memory_space<hbm>> -> memref<1000000xi32, #tpu.memory_space<hbm>>
    tpu.enqueue_indirect_dma source(%dma_start3A_78 : memref<1000000xi32, #tpu.memory_space<hbm>>) target(%dma_start3A_74 : memref<128xi32, #tpu.memory_space<vmem>>) offsets(%dma_start3A_76 : memref<128xi32, #tpu.memory_space<vmem>>) semaphore(%arg21 : memref<!tpu.dma_semaphore, #tpu.memory_space<semaphore_mem>>)
    %dma_start3A_79 = arith.constant 1536 : i32
    %dma_start3A_80 = tpu.memref_slice %arg8[%dma_start3A_79] : memref<3200xi32, #tpu.memory_space<vmem>> -> memref<128xi32, #tpu.memory_space<vmem>>
    %dma_start3A_81 = arith.constant 1536 : i32
    %dma_start3A_82 = tpu.memref_slice %arg7[%dma_start3A_81] : memref<3200xi32, #tpu.memory_space<vmem>> -> memref<128xi32, #tpu.memory_space<vmem>>
    %dma_start3A_83 = arith.constant 0 : i32
    %dma_start3A_84 = tpu.memref_slice %arg3[%dma_start3A_83] : memref<1000000xi32, #tpu.memory_space<hbm>> -> memref<1000000xi32, #tpu.memory_space<hbm>>
    tpu.enqueue_indirect_dma source(%dma_start3A_84 : memref<1000000xi32, #tpu.memory_space<hbm>>) target(%dma_start3A_80 : memref<128xi32, #tpu.memory_space<vmem>>) offsets(%dma_start3A_82 : memref<128xi32, #tpu.memory_space<vmem>>) semaphore(%arg21 : memref<!tpu.dma_semaphore, #tpu.memory_space<semaphore_mem>>)
    %dma_start3A_85 = arith.constant 1664 : i32
    %dma_start3A_86 = tpu.memref_slice %arg8[%dma_start3A_85] : memref<3200xi32, #tpu.memory_space<vmem>> -> memref<128xi32, #tpu.memory_space<vmem>>
    %dma_start3A_87 = arith.constant 1664 : i32
    %dma_start3A_88 = tpu.memref_slice %arg7[%dma_start3A_87] : memref<3200xi32, #tpu.memory_space<vmem>> -> memref<128xi32, #tpu.memory_space<vmem>>
    %dma_start3A_89 = arith.constant 0 : i32
    %dma_start3A_90 = tpu.memref_slice %arg3[%dma_start3A_89] : memref<1000000xi32, #tpu.memory_space<hbm>> -> memref<1000000xi32, #tpu.memory_space<hbm>>
    tpu.enqueue_indirect_dma source(%dma_start3A_90 : memref<1000000xi32, #tpu.memory_space<hbm>>) target(%dma_start3A_86 : memref<128xi32, #tpu.memory_space<vmem>>) offsets(%dma_start3A_88 : memref<128xi32, #tpu.memory_space<vmem>>) semaphore(%arg21 : memref<!tpu.dma_semaphore, #tpu.memory_space<semaphore_mem>>)
    %dma_start3A_91 = arith.constant 1792 : i32
    %dma_start3A_92 = tpu.memref_slice %arg8[%dma_start3A_91] : memref<3200xi32, #tpu.memory_space<vmem>> -> memref<128xi32, #tpu.memory_space<vmem>>
    %dma_start3A_93 = arith.constant 1792 : i32
    %dma_start3A_94 = tpu.memref_slice %arg7[%dma_start3A_93] : memref<3200xi32, #tpu.memory_space<vmem>> -> memref<128xi32, #tpu.memory_space<vmem>>
    %dma_start3A_95 = arith.constant 0 : i32
    %dma_start3A_96 = tpu.memref_slice %arg3[%dma_start3A_95] : memref<1000000xi32, #tpu.memory_space<hbm>> -> memref<1000000xi32, #tpu.memory_space<hbm>>
    tpu.enqueue_indirect_dma source(%dma_start3A_96 : memref<1000000xi32, #tpu.memory_space<hbm>>) target(%dma_start3A_92 : memref<128xi32, #tpu.memory_space<vmem>>) offsets(%dma_start3A_94 : memref<128xi32, #tpu.memory_space<vmem>>) semaphore(%arg21 : memref<!tpu.dma_semaphore, #tpu.memory_space<semaphore_mem>>)
    %dma_start3A_97 = arith.constant 1920 : i32
    %dma_start3A_98 = tpu.memref_slice %arg8[%dma_start3A_97] : memref<3200xi32, #tpu.memory_space<vmem>> -> memref<128xi32, #tpu.memory_space<vmem>>
    %dma_start3A_99 = arith.constant 1920 : i32
    %dma_start3A_100 = tpu.memref_slice %arg7[%dma_start3A_99] : memref<3200xi32, #tpu.memory_space<vmem>> -> memref<128xi32, #tpu.memory_space<vmem>>
    %dma_start3A_101 = arith.constant 0 : i32
    %dma_start3A_102 = tpu.memref_slice %arg3[%dma_start3A_101] : memref<1000000xi32, #tpu.memory_space<hbm>> -> memref<1000000xi32, #tpu.memory_space<hbm>>
    tpu.enqueue_indirect_dma source(%dma_start3A_102 : memref<1000000xi32, #tpu.memory_space<hbm>>) target(%dma_start3A_98 : memref<128xi32, #tpu.memory_space<vmem>>) offsets(%dma_start3A_100 : memref<128xi32, #tpu.memory_space<vmem>>) semaphore(%arg21 : memref<!tpu.dma_semaphore, #tpu.memory_space<semaphore_mem>>)
    %dma_start3A_103 = arith.constant 2048 : i32
    %dma_start3A_104 = tpu.memref_slice %arg8[%dma_start3A_103] : memref<3200xi32, #tpu.memory_space<vmem>> -> memref<128xi32, #tpu.memory_space<vmem>>
    %dma_start3A_105 = arith.constant 2048 : i32
    %dma_start3A_106 = tpu.memref_slice %arg7[%dma_start3A_105] : memref<3200xi32, #tpu.memory_space<vmem>> -> memref<128xi32, #tpu.memory_space<vmem>>
    %dma_start3A_107 = arith.constant 0 : i32
    %dma_start3A_108 = tpu.memref_slice %arg3[%dma_start3A_107] : memref<1000000xi32, #tpu.memory_space<hbm>> -> memref<1000000xi32, #tpu.memory_space<hbm>>
    tpu.enqueue_indirect_dma source(%dma_start3A_108 : memref<1000000xi32, #tpu.memory_space<hbm>>) target(%dma_start3A_104 : memref<128xi32, #tpu.memory_space<vmem>>) offsets(%dma_start3A_106 : memref<128xi32, #tpu.memory_space<vmem>>) semaphore(%arg21 : memref<!tpu.dma_semaphore, #tpu.memory_space<semaphore_mem>>)
    %dma_start3A_109 = arith.constant 2176 : i32
    %dma_start3A_110 = tpu.memref_slice %arg8[%dma_start3A_109] : memref<3200xi32, #tpu.memory_space<vmem>> -> memref<128xi32, #tpu.memory_space<vmem>>
    %dma_start3A_111 = arith.constant 2176 : i32
    %dma_start3A_112 = tpu.memref_slice %arg7[%dma_start3A_111] : memref<3200xi32, #tpu.memory_space<vmem>> -> memref<128xi32, #tpu.memory_space<vmem>>
    %dma_start3A_113 = arith.constant 0 : i32
    %dma_start3A_114 = tpu.memref_slice %arg3[%dma_start3A_113] : memref<1000000xi32, #tpu.memory_space<hbm>> -> memref<1000000xi32, #tpu.memory_space<hbm>>
    tpu.enqueue_indirect_dma source(%dma_start3A_114 : memref<1000000xi32, #tpu.memory_space<hbm>>) target(%dma_start3A_110 : memref<128xi32, #tpu.memory_space<vmem>>) offsets(%dma_start3A_112 : memref<128xi32, #tpu.memory_space<vmem>>) semaphore(%arg21 : memref<!tpu.dma_semaphore, #tpu.memory_space<semaphore_mem>>)
    %dma_start3A_115 = arith.constant 2304 : i32
    %dma_start3A_116 = tpu.memref_slice %arg8[%dma_start3A_115] : memref<3200xi32, #tpu.memory_space<vmem>> -> memref<128xi32, #tpu.memory_space<vmem>>
    %dma_start3A_117 = arith.constant 2304 : i32
    %dma_start3A_118 = tpu.memref_slice %arg7[%dma_start3A_117] : memref<3200xi32, #tpu.memory_space<vmem>> -> memref<128xi32, #tpu.memory_space<vmem>>
    %dma_start3A_119 = arith.constant 0 : i32
    %dma_start3A_120 = tpu.memref_slice %arg3[%dma_start3A_119] : memref<1000000xi32, #tpu.memory_space<hbm>> -> memref<1000000xi32, #tpu.memory_space<hbm>>
    tpu.enqueue_indirect_dma source(%dma_start3A_120 : memref<1000000xi32, #tpu.memory_space<hbm>>) target(%dma_start3A_116 : memref<128xi32, #tpu.memory_space<vmem>>) offsets(%dma_start3A_118 : memref<128xi32, #tpu.memory_space<vmem>>) semaphore(%arg21 : memref<!tpu.dma_semaphore, #tpu.memory_space<semaphore_mem>>)
    %dma_start3A_121 = arith.constant 2432 : i32
    %dma_start3A_122 = tpu.memref_slice %arg8[%dma_start3A_121] : memref<3200xi32, #tpu.memory_space<vmem>> -> memref<128xi32, #tpu.memory_space<vmem>>
    %dma_start3A_123 = arith.constant 2432 : i32
    %dma_start3A_124 = tpu.memref_slice %arg7[%dma_start3A_123] : memref<3200xi32, #tpu.memory_space<vmem>> -> memref<128xi32, #tpu.memory_space<vmem>>
    %dma_start3A_125 = arith.constant 0 : i32
    %dma_start3A_126 = tpu.memref_slice %arg3[%dma_start3A_125] : memref<1000000xi32, #tpu.memory_space<hbm>> -> memref<1000000xi32, #tpu.memory_space<hbm>>
    tpu.enqueue_indirect_dma source(%dma_start3A_126 : memref<1000000xi32, #tpu.memory_space<hbm>>) target(%dma_start3A_122 : memref<128xi32, #tpu.memory_space<vmem>>) offsets(%dma_start3A_124 : memref<128xi32, #tpu.memory_space<vmem>>) semaphore(%arg21 : memref<!tpu.dma_semaphore, #tpu.memory_space<semaphore_mem>>)
    %dma_start3A_127 = arith.constant 2560 : i32
    %dma_start3A_128 = tpu.memref_slice %arg8[%dma_start3A_127] : memref<3200xi32, #tpu.memory_space<vmem>> -> memref<128xi32, #tpu.memory_space<vmem>>
    %dma_start3A_129 = arith.constant 2560 : i32
    %dma_start3A_130 = tpu.memref_slice %arg7[%dma_start3A_129] : memref<3200xi32, #tpu.memory_space<vmem>> -> memref<128xi32, #tpu.memory_space<vmem>>
    %dma_start3A_131 = arith.constant 0 : i32
    %dma_start3A_132 = tpu.memref_slice %arg3[%dma_start3A_131] : memref<1000000xi32, #tpu.memory_space<hbm>> -> memref<1000000xi32, #tpu.memory_space<hbm>>
    tpu.enqueue_indirect_dma source(%dma_start3A_132 : memref<1000000xi32, #tpu.memory_space<hbm>>) target(%dma_start3A_128 : memref<128xi32, #tpu.memory_space<vmem>>) offsets(%dma_start3A_130 : memref<128xi32, #tpu.memory_space<vmem>>) semaphore(%arg21 : memref<!tpu.dma_semaphore, #tpu.memory_space<semaphore_mem>>)
    %dma_start3A_133 = arith.constant 2688 : i32
    %dma_start3A_134 = tpu.memref_slice %arg8[%dma_start3A_133] : memref<3200xi32, #tpu.memory_space<vmem>> -> memref<128xi32, #tpu.memory_space<vmem>>
    %dma_start3A_135 = arith.constant 2688 : i32
    %dma_start3A_136 = tpu.memref_slice %arg7[%dma_start3A_135] : memref<3200xi32, #tpu.memory_space<vmem>> -> memref<128xi32, #tpu.memory_space<vmem>>
    %dma_start3A_137 = arith.constant 0 : i32
    %dma_start3A_138 = tpu.memref_slice %arg3[%dma_start3A_137] : memref<1000000xi32, #tpu.memory_space<hbm>> -> memref<1000000xi32, #tpu.memory_space<hbm>>
    tpu.enqueue_indirect_dma source(%dma_start3A_138 : memref<1000000xi32, #tpu.memory_space<hbm>>) target(%dma_start3A_134 : memref<128xi32, #tpu.memory_space<vmem>>) offsets(%dma_start3A_136 : memref<128xi32, #tpu.memory_space<vmem>>) semaphore(%arg21 : memref<!tpu.dma_semaphore, #tpu.memory_space<semaphore_mem>>)
    %dma_start3A_139 = arith.constant 2816 : i32
    %dma_start3A_140 = tpu.memref_slice %arg8[%dma_start3A_139] : memref<3200xi32, #tpu.memory_space<vmem>> -> memref<128xi32, #tpu.memory_space<vmem>>
    %dma_start3A_141 = arith.constant 2816 : i32
    %dma_start3A_142 = tpu.memref_slice %arg7[%dma_start3A_141] : memref<3200xi32, #tpu.memory_space<vmem>> -> memref<128xi32, #tpu.memory_space<vmem>>
    %dma_start3A_143 = arith.constant 0 : i32
    %dma_start3A_144 = tpu.memref_slice %arg3[%dma_start3A_143] : memref<1000000xi32, #tpu.memory_space<hbm>> -> memref<1000000xi32, #tpu.memory_space<hbm>>
    tpu.enqueue_indirect_dma source(%dma_start3A_144 : memref<1000000xi32, #tpu.memory_space<hbm>>) target(%dma_start3A_140 : memref<128xi32, #tpu.memory_space<vmem>>) offsets(%dma_start3A_142 : memref<128xi32, #tpu.memory_space<vmem>>) semaphore(%arg21 : memref<!tpu.dma_semaphore, #tpu.memory_space<semaphore_mem>>)
    %dma_start3A_145 = arith.constant 2944 : i32
    %dma_start3A_146 = tpu.memref_slice %arg8[%dma_start3A_145] : memref<3200xi32, #tpu.memory_space<vmem>> -> memref<128xi32, #tpu.memory_space<vmem>>
    %dma_start3A_147 = arith.constant 2944 : i32
    %dma_start3A_148 = tpu.memref_slice %arg7[%dma_start3A_147] : memref<3200xi32, #tpu.memory_space<vmem>> -> memref<128xi32, #tpu.memory_space<vmem>>
    %dma_start3A_149 = arith.constant 0 : i32
    %dma_start3A_150 = tpu.memref_slice %arg3[%dma_start3A_149] : memref<1000000xi32, #tpu.memory_space<hbm>> -> memref<1000000xi32, #tpu.memory_space<hbm>>
    tpu.enqueue_indirect_dma source(%dma_start3A_150 : memref<1000000xi32, #tpu.memory_space<hbm>>) target(%dma_start3A_146 : memref<128xi32, #tpu.memory_space<vmem>>) offsets(%dma_start3A_148 : memref<128xi32, #tpu.memory_space<vmem>>) semaphore(%arg21 : memref<!tpu.dma_semaphore, #tpu.memory_space<semaphore_mem>>)
    %dma_start3A_151 = arith.constant 3072 : i32
    %dma_start3A_152 = tpu.memref_slice %arg8[%dma_start3A_151] : memref<3200xi32, #tpu.memory_space<vmem>> -> memref<128xi32, #tpu.memory_space<vmem>>
    %dma_start3A_153 = arith.constant 3072 : i32
    %dma_start3A_154 = tpu.memref_slice %arg7[%dma_start3A_153] : memref<3200xi32, #tpu.memory_space<vmem>> -> memref<128xi32, #tpu.memory_space<vmem>>
    %dma_start3A_155 = arith.constant 0 : i32
    %dma_start3A_156 = tpu.memref_slice %arg3[%dma_start3A_155] : memref<1000000xi32, #tpu.memory_space<hbm>> -> memref<1000000xi32, #tpu.memory_space<hbm>>
    tpu.enqueue_indirect_dma source(%dma_start3A_156 : memref<1000000xi32, #tpu.memory_space<hbm>>) target(%dma_start3A_152 : memref<128xi32, #tpu.memory_space<vmem>>) offsets(%dma_start3A_154 : memref<128xi32, #tpu.memory_space<vmem>>) semaphore(%arg21 : memref<!tpu.dma_semaphore, #tpu.memory_space<semaphore_mem>>)
    %dma_wait3A = arith.constant 0 : i32
    %dma_wait3A_157 = tpu.memref_slice %arg8[%dma_wait3A] : memref<3200xi32, #tpu.memory_space<vmem>> -> memref<128xi32, #tpu.memory_space<vmem>>
    %dma_wait3A_158 = arith.constant 0 : i32
    %dma_wait3A_159 = tpu.memref_slice %arg7[%dma_wait3A_158] : memref<3200xi32, #tpu.memory_space<vmem>> -> memref<128xi32, #tpu.memory_space<vmem>>
    %dma_wait3A_160 = arith.constant 0 : i32
    %dma_wait3A_161 = tpu.memref_slice %arg3[%dma_wait3A_160] : memref<1000000xi32, #tpu.memory_space<hbm>> -> memref<1000000xi32, #tpu.memory_space<hbm>>
    tpu.wait_indirect_dma semaphore(%arg21 : memref<!tpu.dma_semaphore, #tpu.memory_space<semaphore_mem>>) src(%dma_wait3A_161 : memref<1000000xi32, #tpu.memory_space<hbm>>) dst(%dma_wait3A_157 : memref<128xi32, #tpu.memory_space<vmem>>)
    %dma_wait3A_162 = arith.constant 128 : i32
    %dma_wait3A_163 = tpu.memref_slice %arg8[%dma_wait3A_162] : memref<3200xi32, #tpu.memory_space<vmem>> -> memref<128xi32, #tpu.memory_space<vmem>>
    %dma_wait3A_164 = arith.constant 128 : i32
    %dma_wait3A_165 = tpu.memref_slice %arg7[%dma_wait3A_164] : memref<3200xi32, #tpu.memory_space<vmem>> -> memref<128xi32, #tpu.memory_space<vmem>>
    %dma_wait3A_166 = arith.constant 0 : i32
    %dma_wait3A_167 = tpu.memref_slice %arg3[%dma_wait3A_166] : memref<1000000xi32, #tpu.memory_space<hbm>> -> memref<1000000xi32, #tpu.memory_space<hbm>>
    tpu.wait_indirect_dma semaphore(%arg21 : memref<!tpu.dma_semaphore, #tpu.memory_space<semaphore_mem>>) src(%dma_wait3A_167 : memref<1000000xi32, #tpu.memory_space<hbm>>) dst(%dma_wait3A_163 : memref<128xi32, #tpu.memory_space<vmem>>)
    %dma_wait3A_168 = arith.constant 256 : i32
    %dma_wait3A_169 = tpu.memref_slice %arg8[%dma_wait3A_168] : memref<3200xi32, #tpu.memory_space<vmem>> -> memref<128xi32, #tpu.memory_space<vmem>>
    %dma_wait3A_170 = arith.constant 256 : i32
    %dma_wait3A_171 = tpu.memref_slice %arg7[%dma_wait3A_170] : memref<3200xi32, #tpu.memory_space<vmem>> -> memref<128xi32, #tpu.memory_space<vmem>>
    %dma_wait3A_172 = arith.constant 0 : i32
    %dma_wait3A_173 = tpu.memref_slice %arg3[%dma_wait3A_172] : memref<1000000xi32, #tpu.memory_space<hbm>> -> memref<1000000xi32, #tpu.memory_space<hbm>>
    tpu.wait_indirect_dma semaphore(%arg21 : memref<!tpu.dma_semaphore, #tpu.memory_space<semaphore_mem>>) src(%dma_wait3A_173 : memref<1000000xi32, #tpu.memory_space<hbm>>) dst(%dma_wait3A_169 : memref<128xi32, #tpu.memory_space<vmem>>)
    %dma_wait3A_174 = arith.constant 384 : i32
    %dma_wait3A_175 = tpu.memref_slice %arg8[%dma_wait3A_174] : memref<3200xi32, #tpu.memory_space<vmem>> -> memref<128xi32, #tpu.memory_space<vmem>>
    %dma_wait3A_176 = arith.constant 384 : i32
    %dma_wait3A_177 = tpu.memref_slice %arg7[%dma_wait3A_176] : memref<3200xi32, #tpu.memory_space<vmem>> -> memref<128xi32, #tpu.memory_space<vmem>>
    %dma_wait3A_178 = arith.constant 0 : i32
    %dma_wait3A_179 = tpu.memref_slice %arg3[%dma_wait3A_178] : memref<1000000xi32, #tpu.memory_space<hbm>> -> memref<1000000xi32, #tpu.memory_space<hbm>>
    tpu.wait_indirect_dma semaphore(%arg21 : memref<!tpu.dma_semaphore, #tpu.memory_space<semaphore_mem>>) src(%dma_wait3A_179 : memref<1000000xi32, #tpu.memory_space<hbm>>) dst(%dma_wait3A_175 : memref<128xi32, #tpu.memory_space<vmem>>)
    %dma_wait3A_180 = arith.constant 512 : i32
    %dma_wait3A_181 = tpu.memref_slice %arg8[%dma_wait3A_180] : memref<3200xi32, #tpu.memory_space<vmem>> -> memref<128xi32, #tpu.memory_space<vmem>>
    %dma_wait3A_182 = arith.constant 512 : i32
    %dma_wait3A_183 = tpu.memref_slice %arg7[%dma_wait3A_182] : memref<3200xi32, #tpu.memory_space<vmem>> -> memref<128xi32, #tpu.memory_space<vmem>>
    %dma_wait3A_184 = arith.constant 0 : i32
    %dma_wait3A_185 = tpu.memref_slice %arg3[%dma_wait3A_184] : memref<1000000xi32, #tpu.memory_space<hbm>> -> memref<1000000xi32, #tpu.memory_space<hbm>>
    tpu.wait_indirect_dma semaphore(%arg21 : memref<!tpu.dma_semaphore, #tpu.memory_space<semaphore_mem>>) src(%dma_wait3A_185 : memref<1000000xi32, #tpu.memory_space<hbm>>) dst(%dma_wait3A_181 : memref<128xi32, #tpu.memory_space<vmem>>)
    %dma_wait3A_186 = arith.constant 640 : i32
    %dma_wait3A_187 = tpu.memref_slice %arg8[%dma_wait3A_186] : memref<3200xi32, #tpu.memory_space<vmem>> -> memref<128xi32, #tpu.memory_space<vmem>>
    %dma_wait3A_188 = arith.constant 640 : i32
    %dma_wait3A_189 = tpu.memref_slice %arg7[%dma_wait3A_188] : memref<3200xi32, #tpu.memory_space<vmem>> -> memref<128xi32, #tpu.memory_space<vmem>>
    %dma_wait3A_190 = arith.constant 0 : i32
    %dma_wait3A_191 = tpu.memref_slice %arg3[%dma_wait3A_190] : memref<1000000xi32, #tpu.memory_space<hbm>> -> memref<1000000xi32, #tpu.memory_space<hbm>>
    tpu.wait_indirect_dma semaphore(%arg21 : memref<!tpu.dma_semaphore, #tpu.memory_space<semaphore_mem>>) src(%dma_wait3A_191 : memref<1000000xi32, #tpu.memory_space<hbm>>) dst(%dma_wait3A_187 : memref<128xi32, #tpu.memory_space<vmem>>)
    %dma_wait3A_192 = arith.constant 768 : i32
    %dma_wait3A_193 = tpu.memref_slice %arg8[%dma_wait3A_192] : memref<3200xi32, #tpu.memory_space<vmem>> -> memref<128xi32, #tpu.memory_space<vmem>>
    %dma_wait3A_194 = arith.constant 768 : i32
    %dma_wait3A_195 = tpu.memref_slice %arg7[%dma_wait3A_194] : memref<3200xi32, #tpu.memory_space<vmem>> -> memref<128xi32, #tpu.memory_space<vmem>>
    %dma_wait3A_196 = arith.constant 0 : i32
    %dma_wait3A_197 = tpu.memref_slice %arg3[%dma_wait3A_196] : memref<1000000xi32, #tpu.memory_space<hbm>> -> memref<1000000xi32, #tpu.memory_space<hbm>>
    tpu.wait_indirect_dma semaphore(%arg21 : memref<!tpu.dma_semaphore, #tpu.memory_space<semaphore_mem>>) src(%dma_wait3A_197 : memref<1000000xi32, #tpu.memory_space<hbm>>) dst(%dma_wait3A_193 : memref<128xi32, #tpu.memory_space<vmem>>)
    %dma_wait3A_198 = arith.constant 896 : i32
    %dma_wait3A_199 = tpu.memref_slice %arg8[%dma_wait3A_198] : memref<3200xi32, #tpu.memory_space<vmem>> -> memref<128xi32, #tpu.memory_space<vmem>>
    %dma_wait3A_200 = arith.constant 896 : i32
    %dma_wait3A_201 = tpu.memref_slice %arg7[%dma_wait3A_200] : memref<3200xi32, #tpu.memory_space<vmem>> -> memref<128xi32, #tpu.memory_space<vmem>>
    %dma_wait3A_202 = arith.constant 0 : i32
    %dma_wait3A_203 = tpu.memref_slice %arg3[%dma_wait3A_202] : memref<1000000xi32, #tpu.memory_space<hbm>> -> memref<1000000xi32, #tpu.memory_space<hbm>>
    tpu.wait_indirect_dma semaphore(%arg21 : memref<!tpu.dma_semaphore, #tpu.memory_space<semaphore_mem>>) src(%dma_wait3A_203 : memref<1000000xi32, #tpu.memory_space<hbm>>) dst(%dma_wait3A_199 : memref<128xi32, #tpu.memory_space<vmem>>)
    %dma_wait3A_204 = arith.constant 1024 : i32
    %dma_wait3A_205 = tpu.memref_slice %arg8[%dma_wait3A_204] : memref<3200xi32, #tpu.memory_space<vmem>> -> memref<128xi32, #tpu.memory_space<vmem>>
    %dma_wait3A_206 = arith.constant 1024 : i32
    %dma_wait3A_207 = tpu.memref_slice %arg7[%dma_wait3A_206] : memref<3200xi32, #tpu.memory_space<vmem>> -> memref<128xi32, #tpu.memory_space<vmem>>
    %dma_wait3A_208 = arith.constant 0 : i32
    %dma_wait3A_209 = tpu.memref_slice %arg3[%dma_wait3A_208] : memref<1000000xi32, #tpu.memory_space<hbm>> -> memref<1000000xi32, #tpu.memory_space<hbm>>
    tpu.wait_indirect_dma semaphore(%arg21 : memref<!tpu.dma_semaphore, #tpu.memory_space<semaphore_mem>>) src(%dma_wait3A_209 : memref<1000000xi32, #tpu.memory_space<hbm>>) dst(%dma_wait3A_205 : memref<128xi32, #tpu.memory_space<vmem>>)
    %dma_wait3A_210 = arith.constant 1152 : i32
    %dma_wait3A_211 = tpu.memref_slice %arg8[%dma_wait3A_210] : memref<3200xi32, #tpu.memory_space<vmem>> -> memref<128xi32, #tpu.memory_space<vmem>>
    %dma_wait3A_212 = arith.constant 1152 : i32
    %dma_wait3A_213 = tpu.memref_slice %arg7[%dma_wait3A_212] : memref<3200xi32, #tpu.memory_space<vmem>> -> memref<128xi32, #tpu.memory_space<vmem>>
    %dma_wait3A_214 = arith.constant 0 : i32
    %dma_wait3A_215 = tpu.memref_slice %arg3[%dma_wait3A_214] : memref<1000000xi32, #tpu.memory_space<hbm>> -> memref<1000000xi32, #tpu.memory_space<hbm>>
    tpu.wait_indirect_dma semaphore(%arg21 : memref<!tpu.dma_semaphore, #tpu.memory_space<semaphore_mem>>) src(%dma_wait3A_215 : memref<1000000xi32, #tpu.memory_space<hbm>>) dst(%dma_wait3A_211 : memref<128xi32, #tpu.memory_space<vmem>>)
    %dma_wait3A_216 = arith.constant 1280 : i32
    %dma_wait3A_217 = tpu.memref_slice %arg8[%dma_wait3A_216] : memref<3200xi32, #tpu.memory_space<vmem>> -> memref<128xi32, #tpu.memory_space<vmem>>
    %dma_wait3A_218 = arith.constant 1280 : i32
    %dma_wait3A_219 = tpu.memref_slice %arg7[%dma_wait3A_218] : memref<3200xi32, #tpu.memory_space<vmem>> -> memref<128xi32, #tpu.memory_space<vmem>>
    %dma_wait3A_220 = arith.constant 0 : i32
    %dma_wait3A_221 = tpu.memref_slice %arg3[%dma_wait3A_220] : memref<1000000xi32, #tpu.memory_space<hbm>> -> memref<1000000xi32, #tpu.memory_space<hbm>>
    tpu.wait_indirect_dma semaphore(%arg21 : memref<!tpu.dma_semaphore, #tpu.memory_space<semaphore_mem>>) src(%dma_wait3A_221 : memref<1000000xi32, #tpu.memory_space<hbm>>) dst(%dma_wait3A_217 : memref<128xi32, #tpu.memory_space<vmem>>)
    %dma_wait3A_222 = arith.constant 1408 : i32
    %dma_wait3A_223 = tpu.memref_slice %arg8[%dma_wait3A_222] : memref<3200xi32, #tpu.memory_space<vmem>> -> memref<128xi32, #tpu.memory_space<vmem>>
    %dma_wait3A_224 = arith.constant 1408 : i32
    %dma_wait3A_225 = tpu.memref_slice %arg7[%dma_wait3A_224] : memref<3200xi32, #tpu.memory_space<vmem>> -> memref<128xi32, #tpu.memory_space<vmem>>
    %dma_wait3A_226 = arith.constant 0 : i32
    %dma_wait3A_227 = tpu.memref_slice %arg3[%dma_wait3A_226] : memref<1000000xi32, #tpu.memory_space<hbm>> -> memref<1000000xi32, #tpu.memory_space<hbm>>
    tpu.wait_indirect_dma semaphore(%arg21 : memref<!tpu.dma_semaphore, #tpu.memory_space<semaphore_mem>>) src(%dma_wait3A_227 : memref<1000000xi32, #tpu.memory_space<hbm>>) dst(%dma_wait3A_223 : memref<128xi32, #tpu.memory_space<vmem>>)
    %dma_wait3A_228 = arith.constant 1536 : i32
    %dma_wait3A_229 = tpu.memref_slice %arg8[%dma_wait3A_228] : memref<3200xi32, #tpu.memory_space<vmem>> -> memref<128xi32, #tpu.memory_space<vmem>>
    %dma_wait3A_230 = arith.constant 1536 : i32
    %dma_wait3A_231 = tpu.memref_slice %arg7[%dma_wait3A_230] : memref<3200xi32, #tpu.memory_space<vmem>> -> memref<128xi32, #tpu.memory_space<vmem>>
    %dma_wait3A_232 = arith.constant 0 : i32
    %dma_wait3A_233 = tpu.memref_slice %arg3[%dma_wait3A_232] : memref<1000000xi32, #tpu.memory_space<hbm>> -> memref<1000000xi32, #tpu.memory_space<hbm>>
    tpu.wait_indirect_dma semaphore(%arg21 : memref<!tpu.dma_semaphore, #tpu.memory_space<semaphore_mem>>) src(%dma_wait3A_233 : memref<1000000xi32, #tpu.memory_space<hbm>>) dst(%dma_wait3A_229 : memref<128xi32, #tpu.memory_space<vmem>>)
    %dma_wait3A_234 = arith.constant 1664 : i32
    %dma_wait3A_235 = tpu.memref_slice %arg8[%dma_wait3A_234] : memref<3200xi32, #tpu.memory_space<vmem>> -> memref<128xi32, #tpu.memory_space<vmem>>
    %dma_wait3A_236 = arith.constant 1664 : i32
    %dma_wait3A_237 = tpu.memref_slice %arg7[%dma_wait3A_236] : memref<3200xi32, #tpu.memory_space<vmem>> -> memref<128xi32, #tpu.memory_space<vmem>>
    %dma_wait3A_238 = arith.constant 0 : i32
    %dma_wait3A_239 = tpu.memref_slice %arg3[%dma_wait3A_238] : memref<1000000xi32, #tpu.memory_space<hbm>> -> memref<1000000xi32, #tpu.memory_space<hbm>>
    tpu.wait_indirect_dma semaphore(%arg21 : memref<!tpu.dma_semaphore, #tpu.memory_space<semaphore_mem>>) src(%dma_wait3A_239 : memref<1000000xi32, #tpu.memory_space<hbm>>) dst(%dma_wait3A_235 : memref<128xi32, #tpu.memory_space<vmem>>)
    %dma_wait3A_240 = arith.constant 1792 : i32
    %dma_wait3A_241 = tpu.memref_slice %arg8[%dma_wait3A_240] : memref<3200xi32, #tpu.memory_space<vmem>> -> memref<128xi32, #tpu.memory_space<vmem>>
    %dma_wait3A_242 = arith.constant 1792 : i32
    %dma_wait3A_243 = tpu.memref_slice %arg7[%dma_wait3A_242] : memref<3200xi32, #tpu.memory_space<vmem>> -> memref<128xi32, #tpu.memory_space<vmem>>
    %dma_wait3A_244 = arith.constant 0 : i32
    %dma_wait3A_245 = tpu.memref_slice %arg3[%dma_wait3A_244] : memref<1000000xi32, #tpu.memory_space<hbm>> -> memref<1000000xi32, #tpu.memory_space<hbm>>
    tpu.wait_indirect_dma semaphore(%arg21 : memref<!tpu.dma_semaphore, #tpu.memory_space<semaphore_mem>>) src(%dma_wait3A_245 : memref<1000000xi32, #tpu.memory_space<hbm>>) dst(%dma_wait3A_241 : memref<128xi32, #tpu.memory_space<vmem>>)
    %dma_wait3A_246 = arith.constant 1920 : i32
    %dma_wait3A_247 = tpu.memref_slice %arg8[%dma_wait3A_246] : memref<3200xi32, #tpu.memory_space<vmem>> -> memref<128xi32, #tpu.memory_space<vmem>>
    %dma_wait3A_248 = arith.constant 1920 : i32
    %dma_wait3A_249 = tpu.memref_slice %arg7[%dma_wait3A_248] : memref<3200xi32, #tpu.memory_space<vmem>> -> memref<128xi32, #tpu.memory_space<vmem>>
    %dma_wait3A_250 = arith.constant 0 : i32
    %dma_wait3A_251 = tpu.memref_slice %arg3[%dma_wait3A_250] : memref<1000000xi32, #tpu.memory_space<hbm>> -> memref<1000000xi32, #tpu.memory_space<hbm>>
    tpu.wait_indirect_dma semaphore(%arg21 : memref<!tpu.dma_semaphore, #tpu.memory_space<semaphore_mem>>) src(%dma_wait3A_251 : memref<1000000xi32, #tpu.memory_space<hbm>>) dst(%dma_wait3A_247 : memref<128xi32, #tpu.memory_space<vmem>>)
    %dma_wait3A_252 = arith.constant 2048 : i32
    %dma_wait3A_253 = tpu.memref_slice %arg8[%dma_wait3A_252] : memref<3200xi32, #tpu.memory_space<vmem>> -> memref<128xi32, #tpu.memory_space<vmem>>
    %dma_wait3A_254 = arith.constant 2048 : i32
    %dma_wait3A_255 = tpu.memref_slice %arg7[%dma_wait3A_254] : memref<3200xi32, #tpu.memory_space<vmem>> -> memref<128xi32, #tpu.memory_space<vmem>>
    %dma_wait3A_256 = arith.constant 0 : i32
    %dma_wait3A_257 = tpu.memref_slice %arg3[%dma_wait3A_256] : memref<1000000xi32, #tpu.memory_space<hbm>> -> memref<1000000xi32, #tpu.memory_space<hbm>>
    tpu.wait_indirect_dma semaphore(%arg21 : memref<!tpu.dma_semaphore, #tpu.memory_space<semaphore_mem>>) src(%dma_wait3A_257 : memref<1000000xi32, #tpu.memory_space<hbm>>) dst(%dma_wait3A_253 : memref<128xi32, #tpu.memory_space<vmem>>)
    %dma_wait3A_258 = arith.constant 2176 : i32
    %dma_wait3A_259 = tpu.memref_slice %arg8[%dma_wait3A_258] : memref<3200xi32, #tpu.memory_space<vmem>> -> memref<128xi32, #tpu.memory_space<vmem>>
    %dma_wait3A_260 = arith.constant 2176 : i32
    %dma_wait3A_261 = tpu.memref_slice %arg7[%dma_wait3A_260] : memref<3200xi32, #tpu.memory_space<vmem>> -> memref<128xi32, #tpu.memory_space<vmem>>
    %dma_wait3A_262 = arith.constant 0 : i32
    %dma_wait3A_263 = tpu.memref_slice %arg3[%dma_wait3A_262] : memref<1000000xi32, #tpu.memory_space<hbm>> -> memref<1000000xi32, #tpu.memory_space<hbm>>
    tpu.wait_indirect_dma semaphore(%arg21 : memref<!tpu.dma_semaphore, #tpu.memory_space<semaphore_mem>>) src(%dma_wait3A_263 : memref<1000000xi32, #tpu.memory_space<hbm>>) dst(%dma_wait3A_259 : memref<128xi32, #tpu.memory_space<vmem>>)
    %dma_wait3A_264 = arith.constant 2304 : i32
    %dma_wait3A_265 = tpu.memref_slice %arg8[%dma_wait3A_264] : memref<3200xi32, #tpu.memory_space<vmem>> -> memref<128xi32, #tpu.memory_space<vmem>>
    %dma_wait3A_266 = arith.constant 2304 : i32
    %dma_wait3A_267 = tpu.memref_slice %arg7[%dma_wait3A_266] : memref<3200xi32, #tpu.memory_space<vmem>> -> memref<128xi32, #tpu.memory_space<vmem>>
    %dma_wait3A_268 = arith.constant 0 : i32
    %dma_wait3A_269 = tpu.memref_slice %arg3[%dma_wait3A_268] : memref<1000000xi32, #tpu.memory_space<hbm>> -> memref<1000000xi32, #tpu.memory_space<hbm>>
    tpu.wait_indirect_dma semaphore(%arg21 : memref<!tpu.dma_semaphore, #tpu.memory_space<semaphore_mem>>) src(%dma_wait3A_269 : memref<1000000xi32, #tpu.memory_space<hbm>>) dst(%dma_wait3A_265 : memref<128xi32, #tpu.memory_space<vmem>>)
    %dma_wait3A_270 = arith.constant 2432 : i32
    %dma_wait3A_271 = tpu.memref_slice %arg8[%dma_wait3A_270] : memref<3200xi32, #tpu.memory_space<vmem>> -> memref<128xi32, #tpu.memory_space<vmem>>
    %dma_wait3A_272 = arith.constant 2432 : i32
    %dma_wait3A_273 = tpu.memref_slice %arg7[%dma_wait3A_272] : memref<3200xi32, #tpu.memory_space<vmem>> -> memref<128xi32, #tpu.memory_space<vmem>>
    %dma_wait3A_274 = arith.constant 0 : i32
    %dma_wait3A_275 = tpu.memref_slice %arg3[%dma_wait3A_274] : memref<1000000xi32, #tpu.memory_space<hbm>> -> memref<1000000xi32, #tpu.memory_space<hbm>>
    tpu.wait_indirect_dma semaphore(%arg21 : memref<!tpu.dma_semaphore, #tpu.memory_space<semaphore_mem>>) src(%dma_wait3A_275 : memref<1000000xi32, #tpu.memory_space<hbm>>) dst(%dma_wait3A_271 : memref<128xi32, #tpu.memory_space<vmem>>)
    %dma_wait3A_276 = arith.constant 2560 : i32
    %dma_wait3A_277 = tpu.memref_slice %arg8[%dma_wait3A_276] : memref<3200xi32, #tpu.memory_space<vmem>> -> memref<128xi32, #tpu.memory_space<vmem>>
    %dma_wait3A_278 = arith.constant 2560 : i32
    %dma_wait3A_279 = tpu.memref_slice %arg7[%dma_wait3A_278] : memref<3200xi32, #tpu.memory_space<vmem>> -> memref<128xi32, #tpu.memory_space<vmem>>
    %dma_wait3A_280 = arith.constant 0 : i32
    %dma_wait3A_281 = tpu.memref_slice %arg3[%dma_wait3A_280] : memref<1000000xi32, #tpu.memory_space<hbm>> -> memref<1000000xi32, #tpu.memory_space<hbm>>
    tpu.wait_indirect_dma semaphore(%arg21 : memref<!tpu.dma_semaphore, #tpu.memory_space<semaphore_mem>>) src(%dma_wait3A_281 : memref<1000000xi32, #tpu.memory_space<hbm>>) dst(%dma_wait3A_277 : memref<128xi32, #tpu.memory_space<vmem>>)
    %dma_wait3A_282 = arith.constant 2688 : i32
    %dma_wait3A_283 = tpu.memref_slice %arg8[%dma_wait3A_282] : memref<3200xi32, #tpu.memory_space<vmem>> -> memref<128xi32, #tpu.memory_space<vmem>>
    %dma_wait3A_284 = arith.constant 2688 : i32
    %dma_wait3A_285 = tpu.memref_slice %arg7[%dma_wait3A_284] : memref<3200xi32, #tpu.memory_space<vmem>> -> memref<128xi32, #tpu.memory_space<vmem>>
    %dma_wait3A_286 = arith.constant 0 : i32
    %dma_wait3A_287 = tpu.memref_slice %arg3[%dma_wait3A_286] : memref<1000000xi32, #tpu.memory_space<hbm>> -> memref<1000000xi32, #tpu.memory_space<hbm>>
    tpu.wait_indirect_dma semaphore(%arg21 : memref<!tpu.dma_semaphore, #tpu.memory_space<semaphore_mem>>) src(%dma_wait3A_287 : memref<1000000xi32, #tpu.memory_space<hbm>>) dst(%dma_wait3A_283 : memref<128xi32, #tpu.memory_space<vmem>>)
    %dma_wait3A_288 = arith.constant 2816 : i32
    %dma_wait3A_289 = tpu.memref_slice %arg8[%dma_wait3A_288] : memref<3200xi32, #tpu.memory_space<vmem>> -> memref<128xi32, #tpu.memory_space<vmem>>
    %dma_wait3A_290 = arith.constant 2816 : i32
    %dma_wait3A_291 = tpu.memref_slice %arg7[%dma_wait3A_290] : memref<3200xi32, #tpu.memory_space<vmem>> -> memref<128xi32, #tpu.memory_space<vmem>>
    %dma_wait3A_292 = arith.constant 0 : i32
    %dma_wait3A_293 = tpu.memref_slice %arg3[%dma_wait3A_292] : memref<1000000xi32, #tpu.memory_space<hbm>> -> memref<1000000xi32, #tpu.memory_space<hbm>>
    tpu.wait_indirect_dma semaphore(%arg21 : memref<!tpu.dma_semaphore, #tpu.memory_space<semaphore_mem>>) src(%dma_wait3A_293 : memref<1000000xi32, #tpu.memory_space<hbm>>) dst(%dma_wait3A_289 : memref<128xi32, #tpu.memory_space<vmem>>)
    %dma_wait3A_294 = arith.constant 2944 : i32
    %dma_wait3A_295 = tpu.memref_slice %arg8[%dma_wait3A_294] : memref<3200xi32, #tpu.memory_space<vmem>> -> memref<128xi32, #tpu.memory_space<vmem>>
    %dma_wait3A_296 = arith.constant 2944 : i32
    %dma_wait3A_297 = tpu.memref_slice %arg7[%dma_wait3A_296] : memref<3200xi32, #tpu.memory_space<vmem>> -> memref<128xi32, #tpu.memory_space<vmem>>
    %dma_wait3A_298 = arith.constant 0 : i32
    %dma_wait3A_299 = tpu.memref_slice %arg3[%dma_wait3A_298] : memref<1000000xi32, #tpu.memory_space<hbm>> -> memref<1000000xi32, #tpu.memory_space<hbm>>
    tpu.wait_indirect_dma semaphore(%arg21 : memref<!tpu.dma_semaphore, #tpu.memory_space<semaphore_mem>>) src(%dma_wait3A_299 : memref<1000000xi32, #tpu.memory_space<hbm>>) dst(%dma_wait3A_295 : memref<128xi32, #tpu.memory_space<vmem>>)
    %dma_wait3A_300 = arith.constant 3072 : i32
    %dma_wait3A_301 = tpu.memref_slice %arg8[%dma_wait3A_300] : memref<3200xi32, #tpu.memory_space<vmem>> -> memref<128xi32, #tpu.memory_space<vmem>>
    %dma_wait3A_302 = arith.constant 3072 : i32
    %dma_wait3A_303 = tpu.memref_slice %arg7[%dma_wait3A_302] : memref<3200xi32, #tpu.memory_space<vmem>> -> memref<128xi32, #tpu.memory_space<vmem>>
    %dma_wait3A_304 = arith.constant 0 : i32
    %dma_wait3A_305 = tpu.memref_slice %arg3[%dma_wait3A_304] : memref<1000000xi32, #tpu.memory_space<hbm>> -> memref<1000000xi32, #tpu.memory_space<hbm>>
    tpu.wait_indirect_dma semaphore(%arg21 : memref<!tpu.dma_semaphore, #tpu.memory_space<semaphore_mem>>) src(%dma_wait3A_305 : memref<1000000xi32, #tpu.memory_space<hbm>>) dst(%dma_wait3A_301 : memref<128xi32, #tpu.memory_space<vmem>>)
    %dma_start3A_306 = arith.constant 0 : i32
    %dma_start3A_307 = arith.constant 0 : i32
    %dma_start3A_308 = tpu.memref_slice %arg9[%dma_start3A_306, %dma_start3A_307] : memref<88x128xf32, #tpu.memory_space<vmem>> -> memref<8x128xf32, #tpu.memory_space<vmem>>
    %dma_start3A_309 = arith.constant 0 : i32
    %dma_start3A_310 = tpu.memref_slice %arg6[%dma_start3A_309] : memref<320xi32, #tpu.memory_space<vmem>> -> memref<8xi32, #tpu.memory_space<vmem>>
    %dma_start3A_311 = arith.constant 0 : i32
    %dma_start3A_312 = arith.constant 0 : i32
    %dma_start3A_313 = tpu.memref_slice %arg4[%dma_start3A_311, %dma_start3A_312] : memref<100000x128xf32, #tpu.memory_space<hbm>> -> memref<100000x128xf32, #tpu.memory_space<hbm>>
    tpu.enqueue_indirect_dma source(%dma_start3A_313 : memref<100000x128xf32, #tpu.memory_space<hbm>>) target(%dma_start3A_308 : memref<8x128xf32, #tpu.memory_space<vmem>>) offsets(%dma_start3A_310 : memref<8xi32, #tpu.memory_space<vmem>>) semaphore(%arg14 : memref<!tpu.dma_semaphore, #tpu.memory_space<semaphore_mem>>)
    %dma_start3A_314 = arith.constant 8 : i32
    %dma_start3A_315 = arith.constant 0 : i32
    %dma_start3A_316 = tpu.memref_slice %arg9[%dma_start3A_314, %dma_start3A_315] : memref<88x128xf32, #tpu.memory_space<vmem>> -> memref<80x128xf32, #tpu.memory_space<vmem>>
    %dma_start3A_317 = arith.constant 0 : i32
    %dma_start3A_318 = tpu.memref_slice %arg8[%dma_start3A_317] : memref<3200xi32, #tpu.memory_space<vmem>> -> memref<80xi32, #tpu.memory_space<vmem>>
    %dma_start3A_319 = arith.constant 0 : i32
    %dma_start3A_320 = arith.constant 0 : i32
    %dma_start3A_321 = tpu.memref_slice %arg4[%dma_start3A_319, %dma_start3A_320] : memref<100000x128xf32, #tpu.memory_space<hbm>> -> memref<100000x128xf32, #tpu.memory_space<hbm>>
    tpu.enqueue_indirect_dma source(%dma_start3A_321 : memref<100000x128xf32, #tpu.memory_space<hbm>>) target(%dma_start3A_316 : memref<80x128xf32, #tpu.memory_space<vmem>>) offsets(%dma_start3A_318 : memref<80xi32, #tpu.memory_space<vmem>>) semaphore(%arg14 : memref<!tpu.dma_semaphore, #tpu.memory_space<semaphore_mem>>)
    %dma_start3A_322 = arith.constant 0 : i32
    %dma_start3A_323 = arith.constant 0 : i32
    %dma_start3A_324 = tpu.memref_slice %arg10[%dma_start3A_322, %dma_start3A_323] : memref<88x128xf32, #tpu.memory_space<vmem>> -> memref<8x128xf32, #tpu.memory_space<vmem>>
    %dma_start3A_325 = arith.constant 8 : i32
    %dma_start3A_326 = tpu.memref_slice %arg6[%dma_start3A_325] : memref<320xi32, #tpu.memory_space<vmem>> -> memref<8xi32, #tpu.memory_space<vmem>>
    %dma_start3A_327 = arith.constant 0 : i32
    %dma_start3A_328 = arith.constant 0 : i32
    %dma_start3A_329 = tpu.memref_slice %arg4[%dma_start3A_327, %dma_start3A_328] : memref<100000x128xf32, #tpu.memory_space<hbm>> -> memref<100000x128xf32, #tpu.memory_space<hbm>>
    tpu.enqueue_indirect_dma source(%dma_start3A_329 : memref<100000x128xf32, #tpu.memory_space<hbm>>) target(%dma_start3A_324 : memref<8x128xf32, #tpu.memory_space<vmem>>) offsets(%dma_start3A_326 : memref<8xi32, #tpu.memory_space<vmem>>) semaphore(%arg15 : memref<!tpu.dma_semaphore, #tpu.memory_space<semaphore_mem>>)
    %dma_start3A_330 = arith.constant 8 : i32
    %dma_start3A_331 = arith.constant 0 : i32
    %dma_start3A_332 = tpu.memref_slice %arg10[%dma_start3A_330, %dma_start3A_331] : memref<88x128xf32, #tpu.memory_space<vmem>> -> memref<80x128xf32, #tpu.memory_space<vmem>>
    %dma_start3A_333 = arith.constant 80 : i32
    %dma_start3A_334 = tpu.memref_slice %arg8[%dma_start3A_333] : memref<3200xi32, #tpu.memory_space<vmem>> -> memref<80xi32, #tpu.memory_space<vmem>>
    %dma_start3A_335 = arith.constant 0 : i32
    %dma_start3A_336 = arith.constant 0 : i32
    %dma_start3A_337 = tpu.memref_slice %arg4[%dma_start3A_335, %dma_start3A_336] : memref<100000x128xf32, #tpu.memory_space<hbm>> -> memref<100000x128xf32, #tpu.memory_space<hbm>>
    tpu.enqueue_indirect_dma source(%dma_start3A_337 : memref<100000x128xf32, #tpu.memory_space<hbm>>) target(%dma_start3A_332 : memref<80x128xf32, #tpu.memory_space<vmem>>) offsets(%dma_start3A_334 : memref<80xi32, #tpu.memory_space<vmem>>) semaphore(%arg15 : memref<!tpu.dma_semaphore, #tpu.memory_space<semaphore_mem>>)
    %dma_start3A_338 = arith.constant 0 : i32
    %dma_start3A_339 = arith.constant 0 : i32
    %dma_start3A_340 = tpu.memref_slice %arg11[%dma_start3A_338, %dma_start3A_339] : memref<88x128xf32, #tpu.memory_space<vmem>> -> memref<8x128xf32, #tpu.memory_space<vmem>>
    %dma_start3A_341 = arith.constant 16 : i32
    %dma_start3A_342 = tpu.memref_slice %arg6[%dma_start3A_341] : memref<320xi32, #tpu.memory_space<vmem>> -> memref<8xi32, #tpu.memory_space<vmem>>
    %dma_start3A_343 = arith.constant 0 : i32
    %dma_start3A_344 = arith.constant 0 : i32
    %dma_start3A_345 = tpu.memref_slice %arg4[%dma_start3A_343, %dma_start3A_344] : memref<100000x128xf32, #tpu.memory_space<hbm>> -> memref<100000x128xf32, #tpu.memory_space<hbm>>
    tpu.enqueue_indirect_dma source(%dma_start3A_345 : memref<100000x128xf32, #tpu.memory_space<hbm>>) target(%dma_start3A_340 : memref<8x128xf32, #tpu.memory_space<vmem>>) offsets(%dma_start3A_342 : memref<8xi32, #tpu.memory_space<vmem>>) semaphore(%arg16 : memref<!tpu.dma_semaphore, #tpu.memory_space<semaphore_mem>>)
    %dma_start3A_346 = arith.constant 8 : i32
    %dma_start3A_347 = arith.constant 0 : i32
    %dma_start3A_348 = tpu.memref_slice %arg11[%dma_start3A_346, %dma_start3A_347] : memref<88x128xf32, #tpu.memory_space<vmem>> -> memref<80x128xf32, #tpu.memory_space<vmem>>
    %dma_start3A_349 = arith.constant 160 : i32
    %dma_start3A_350 = tpu.memref_slice %arg8[%dma_start3A_349] : memref<3200xi32, #tpu.memory_space<vmem>> -> memref<80xi32, #tpu.memory_space<vmem>>
    %dma_start3A_351 = arith.constant 0 : i32
    %dma_start3A_352 = arith.constant 0 : i32
    %dma_start3A_353 = tpu.memref_slice %arg4[%dma_start3A_351, %dma_start3A_352] : memref<100000x128xf32, #tpu.memory_space<hbm>> -> memref<100000x128xf32, #tpu.memory_space<hbm>>
    tpu.enqueue_indirect_dma source(%dma_start3A_353 : memref<100000x128xf32, #tpu.memory_space<hbm>>) target(%dma_start3A_348 : memref<80x128xf32, #tpu.memory_space<vmem>>) offsets(%dma_start3A_350 : memref<80xi32, #tpu.memory_space<vmem>>) semaphore(%arg16 : memref<!tpu.dma_semaphore, #tpu.memory_space<semaphore_mem>>)
    %dma_start3A_354 = arith.constant 0 : i32
    %dma_start3A_355 = arith.constant 0 : i32
    %dma_start3A_356 = tpu.memref_slice %arg12[%dma_start3A_354, %dma_start3A_355] : memref<88x128xf32, #tpu.memory_space<vmem>> -> memref<8x128xf32, #tpu.memory_space<vmem>>
    %dma_start3A_357 = arith.constant 24 : i32
    %dma_start3A_358 = tpu.memref_slice %arg6[%dma_start3A_357] : memref<320xi32, #tpu.memory_space<vmem>> -> memref<8xi32, #tpu.memory_space<vmem>>
    %dma_start3A_359 = arith.constant 0 : i32
    %dma_start3A_360 = arith.constant 0 : i32
    %dma_start3A_361 = tpu.memref_slice %arg4[%dma_start3A_359, %dma_start3A_360] : memref<100000x128xf32, #tpu.memory_space<hbm>> -> memref<100000x128xf32, #tpu.memory_space<hbm>>
    tpu.enqueue_indirect_dma source(%dma_start3A_361 : memref<100000x128xf32, #tpu.memory_space<hbm>>) target(%dma_start3A_356 : memref<8x128xf32, #tpu.memory_space<vmem>>) offsets(%dma_start3A_358 : memref<8xi32, #tpu.memory_space<vmem>>) semaphore(%arg17 : memref<!tpu.dma_semaphore, #tpu.memory_space<semaphore_mem>>)
    %dma_start3A_362 = arith.constant 8 : i32
    %dma_start3A_363 = arith.constant 0 : i32
    %dma_start3A_364 = tpu.memref_slice %arg12[%dma_start3A_362, %dma_start3A_363] : memref<88x128xf32, #tpu.memory_space<vmem>> -> memref<80x128xf32, #tpu.memory_space<vmem>>
    %dma_start3A_365 = arith.constant 240 : i32
    %dma_start3A_366 = tpu.memref_slice %arg8[%dma_start3A_365] : memref<3200xi32, #tpu.memory_space<vmem>> -> memref<80xi32, #tpu.memory_space<vmem>>
    %dma_start3A_367 = arith.constant 0 : i32
    %dma_start3A_368 = arith.constant 0 : i32
    %dma_start3A_369 = tpu.memref_slice %arg4[%dma_start3A_367, %dma_start3A_368] : memref<100000x128xf32, #tpu.memory_space<hbm>> -> memref<100000x128xf32, #tpu.memory_space<hbm>>
    tpu.enqueue_indirect_dma source(%dma_start3A_369 : memref<100000x128xf32, #tpu.memory_space<hbm>>) target(%dma_start3A_364 : memref<80x128xf32, #tpu.memory_space<vmem>>) offsets(%dma_start3A_366 : memref<80xi32, #tpu.memory_space<vmem>>) semaphore(%arg17 : memref<!tpu.dma_semaphore, #tpu.memory_space<semaphore_mem>>)
    %scan3A_370 = arith.constant 0 : i32
    %scan3A_371 = arith.constant 0 : i32
    %scan3A_372 = arith.constant 8 : i32
    %scan3A_373 = arith.addi %scan3A_371, %scan3A_372 : i32
    %scan3A_374 = arith.constant 1 : i32
    scf.for %scan3A_380 = %scan3A_371 to %scan3A_373 step %scan3A_374  : i32 {
      %mul3A_381 = arith.constant 5 : i32
      %mul3A_382 = arith.muli %mul3A_381, %scan3A_380 : i32
      %add3A_383 = arith.constant 5 : i32
      %add3A_384 = arith.addi %mul3A_382, %add3A_383 : i32
      %sub3A = arith.constant 1 : i32
      %sub3A_385 = arith.subi %add3A_384, %sub3A : i32
      %mul3A_386 = arith.constant 8 : i32
      %mul3A_387 = arith.muli %sub3A_385, %mul3A_386 : i32
      %dma_start3A_388 = arith.constant 0 : i32
      %dma_start3A_389 = arith.constant 0 : i32
      %dma_start3A_390 = tpu.memref_slice %arg13[%dma_start3A_388, %dma_start3A_389] : memref<88x128xf32, #tpu.memory_space<vmem>> -> memref<8x128xf32, #tpu.memory_space<vmem>>
      %dma_start3A_391 = tpu.memref_slice %arg6[%mul3A_387] : memref<320xi32, #tpu.memory_space<vmem>> -> memref<8xi32, #tpu.memory_space<vmem>>
      %dma_start3A_392 = arith.constant 0 : i32
      %dma_start3A_393 = arith.constant 0 : i32
      %dma_start3A_394 = tpu.memref_slice %arg4[%dma_start3A_392, %dma_start3A_393] : memref<100000x128xf32, #tpu.memory_space<hbm>> -> memref<100000x128xf32, #tpu.memory_space<hbm>>
      tpu.enqueue_indirect_dma source(%dma_start3A_394 : memref<100000x128xf32, #tpu.memory_space<hbm>>) target(%dma_start3A_390 : memref<8x128xf32, #tpu.memory_space<vmem>>) offsets(%dma_start3A_391 : memref<8xi32, #tpu.memory_space<vmem>>) semaphore(%arg18 : memref<!tpu.dma_semaphore, #tpu.memory_space<semaphore_mem>>)
      %mul3A_395 = arith.constant 8 : i32
      %mul3A_396 = arith.muli %sub3A_385, %mul3A_395 : i32
      %mul3A_397 = arith.constant 10 : i32
      %mul3A_398 = arith.muli %mul3A_396, %mul3A_397 : i32
      %dma_start3A_399 = arith.constant 8 : i32
      %dma_start3A_400 = arith.constant 0 : i32
      %dma_start3A_401 = tpu.memref_slice %arg13[%dma_start3A_399, %dma_start3A_400] : memref<88x128xf32, #tpu.memory_space<vmem>> -> memref<80x128xf32, #tpu.memory_space<vmem>>
      %dma_start3A_402 = tpu.memref_slice %arg8[%mul3A_398] : memref<3200xi32, #tpu.memory_space<vmem>> -> memref<80xi32, #tpu.memory_space<vmem>>
      %dma_start3A_403 = arith.constant 0 : i32
      %dma_start3A_404 = arith.constant 0 : i32
      %dma_start3A_405 = tpu.memref_slice %arg4[%dma_start3A_403, %dma_start3A_404] : memref<100000x128xf32, #tpu.memory_space<hbm>> -> memref<100000x128xf32, #tpu.memory_space<hbm>>
      tpu.enqueue_indirect_dma source(%dma_start3A_405 : memref<100000x128xf32, #tpu.memory_space<hbm>>) target(%dma_start3A_401 : memref<80x128xf32, #tpu.memory_space<vmem>>) offsets(%dma_start3A_402 : memref<80xi32, #tpu.memory_space<vmem>>) semaphore(%arg18 : memref<!tpu.dma_semaphore, #tpu.memory_space<semaphore_mem>>)
      %dma_wait3A_406 = arith.constant 0 : i32
      %dma_wait3A_407 = arith.constant 0 : i32
      %dma_wait3A_408 = tpu.memref_slice %arg4[%dma_wait3A_406, %dma_wait3A_407] : memref<100000x128xf32, #tpu.memory_space<hbm>> -> memref<88x128xf32, #tpu.memory_space<hbm>>
      %dma_wait3A_409 = arith.constant 0 : i32
      %dma_wait3A_410 = arith.constant 0 : i32
      %dma_wait3A_411 = tpu.memref_slice %arg4[%dma_wait3A_409, %dma_wait3A_410] : memref<100000x128xf32, #tpu.memory_space<hbm>> -> memref<88x128xf32, #tpu.memory_space<hbm>>
      tpu.wait_dma2 semaphore(%arg14 : memref<!tpu.dma_semaphore, #tpu.memory_space<semaphore_mem>>) src(%dma_wait3A_411 : memref<88x128xf32, #tpu.memory_space<hbm>>) dst(%arg9 : memref<88x128xf32, #tpu.memory_space<vmem>>)
      %add3A_412 = arith.constant 0 : i32
      %add3A_413 = arith.addi %mul3A_382, %add3A_412 : i32
      %scan3A_414 = arith.constant 0 : i32
      %scan3A_415 = arith.constant 0 : i32
      %scan3A_416 = arith.constant 8 : i32
      %scan3A_417 = arith.addi %scan3A_415, %scan3A_416 : i32
      %scan3A_418 = arith.constant 1 : i32
      scf.for %scan3A_574 = %scan3A_415 to %scan3A_417 step %scan3A_418  : i32 {
        %get3A = arith.index_cast %scan3A_574 : i32 to index
        %get3A_575 = arith.constant 0 : index
        %get3A_576 = tpu.vector_load %arg9[%get3A, %get3A_575] {strides = array<i32>} : memref<88x128xf32, #tpu.memory_space<vmem>>, vector<16xf32>,
        %mul3A_577 = arith.constant 10 : i32
        %mul3A_578 = arith.muli %scan3A_574, %mul3A_577 : i32
        %add3A_579 = arith.constant 8 : i32
        %add3A_580 = arith.addi %add3A_579, %mul3A_578 : i32
        %add3A_581 = arith.constant 0 : i32
        %add3A_582 = arith.addi %add3A_580, %add3A_581 : i32
        %get3A_583 = arith.index_cast %add3A_582 : i32 to index
        %get3A_584 = arith.constant 0 : index
        %get3A_585 = tpu.vector_load %arg9[%get3A_583, %get3A_584] {strides = array<i32>} : memref<88x128xf32, #tpu.memory_space<vmem>>, vector<16xf32>,
        %add3A_586 = arith.addf %get3A_576, %get3A_585 : vector<16xf32>
        %mul3A_587 = arith.constant 10 : i32
        %mul3A_588 = arith.muli %scan3A_574, %mul3A_587 : i32
        %add3A_589 = arith.constant 8 : i32
        %add3A_590 = arith.addi %add3A_589, %mul3A_588 : i32
        %add3A_591 = arith.constant 1 : i32
        %add3A_592 = arith.addi %add3A_590, %add3A_591 : i32
        %get3A_593 = arith.index_cast %add3A_592 : i32 to index
        %get3A_594 = arith.constant 0 : index
        %get3A_595 = tpu.vector_load %arg9[%get3A_593, %get3A_594] {strides = array<i32>} : memref<88x128xf32, #tpu.memory_space<vmem>>, vector<16xf32>,
        %add3A_596 = arith.addf %add3A_586, %get3A_595 : vector<16xf32>
        %mul3A_597 = arith.constant 10 : i32
        %mul3A_598 = arith.muli %scan3A_574, %mul3A_597 : i32
        %add3A_599 = arith.constant 8 : i32
        %add3A_600 = arith.addi %add3A_599, %mul3A_598 : i32
        %add3A_601 = arith.constant 2 : i32
        %add3A_602 = arith.addi %add3A_600, %add3A_601 : i32
        %get3A_603 = arith.index_cast %add3A_602 : i32 to index
        %get3A_604 = arith.constant 0 : index
        %get3A_605 = tpu.vector_load %arg9[%get3A_603, %get3A_604] {strides = array<i32>} : memref<88x128xf32, #tpu.memory_space<vmem>>, vector<16xf32>,
        %add3A_606 = arith.addf %add3A_596, %get3A_605 : vector<16xf32>
        %mul3A_607 = arith.constant 10 : i32
        %mul3A_608 = arith.muli %scan3A_574, %mul3A_607 : i32
        %add3A_609 = arith.constant 8 : i32
        %add3A_610 = arith.addi %add3A_609, %mul3A_608 : i32
        %add3A_611 = arith.constant 3 : i32
        %add3A_612 = arith.addi %add3A_610, %add3A_611 : i32
        %get3A_613 = arith.index_cast %add3A_612 : i32 to index
        %get3A_614 = arith.constant 0 : index
        %get3A_615 = tpu.vector_load %arg9[%get3A_613, %get3A_614] {strides = array<i32>} : memref<88x128xf32, #tpu.memory_space<vmem>>, vector<16xf32>,
        %add3A_616 = arith.addf %add3A_606, %get3A_615 : vector<16xf32>
        %mul3A_617 = arith.constant 10 : i32
        %mul3A_618 = arith.muli %scan3A_574, %mul3A_617 : i32
        %add3A_619 = arith.constant 8 : i32
        %add3A_620 = arith.addi %add3A_619, %mul3A_618 : i32
        %add3A_621 = arith.constant 4 : i32
        %add3A_622 = arith.addi %add3A_620, %add3A_621 : i32
        %get3A_623 = arith.index_cast %add3A_622 : i32 to index
        %get3A_624 = arith.constant 0 : index
        %get3A_625 = tpu.vector_load %arg9[%get3A_623, %get3A_624] {strides = array<i32>} : memref<88x128xf32, #tpu.memory_space<vmem>>, vector<16xf32>,
        %add3A_626 = arith.addf %add3A_616, %get3A_625 : vector<16xf32>
        %mul3A_627 = arith.constant 10 : i32
        %mul3A_628 = arith.muli %scan3A_574, %mul3A_627 : i32
        %add3A_629 = arith.constant 8 : i32
        %add3A_630 = arith.addi %add3A_629, %mul3A_628 : i32
        %add3A_631 = arith.constant 5 : i32
        %add3A_632 = arith.addi %add3A_630, %add3A_631 : i32
        %get3A_633 = arith.index_cast %add3A_632 : i32 to index
        %get3A_634 = arith.constant 0 : index
        %get3A_635 = tpu.vector_load %arg9[%get3A_633, %get3A_634] {strides = array<i32>} : memref<88x128xf32, #tpu.memory_space<vmem>>, vector<16xf32>,
        %add3A_636 = arith.addf %add3A_626, %get3A_635 : vector<16xf32>
        %mul3A_637 = arith.constant 10 : i32
        %mul3A_638 = arith.muli %scan3A_574, %mul3A_637 : i32
        %add3A_639 = arith.constant 8 : i32
        %add3A_640 = arith.addi %add3A_639, %mul3A_638 : i32
        %add3A_641 = arith.constant 6 : i32
        %add3A_642 = arith.addi %add3A_640, %add3A_641 : i32
        %get3A_643 = arith.index_cast %add3A_642 : i32 to index
        %get3A_644 = arith.constant 0 : index
        %get3A_645 = tpu.vector_load %arg9[%get3A_643, %get3A_644] {strides = array<i32>} : memref<88x128xf32, #tpu.memory_space<vmem>>, vector<16xf32>,
        %add3A_646 = arith.addf %add3A_636, %get3A_645 : vector<16xf32>
        %mul3A_647 = arith.constant 10 : i32
        %mul3A_648 = arith.muli %scan3A_574, %mul3A_647 : i32
        %add3A_649 = arith.constant 8 : i32
        %add3A_650 = arith.addi %add3A_649, %mul3A_648 : i32
        %add3A_651 = arith.constant 7 : i32
        %add3A_652 = arith.addi %add3A_650, %add3A_651 : i32
        %get3A_653 = arith.index_cast %add3A_652 : i32 to index
        %get3A_654 = arith.constant 0 : index
        %get3A_655 = tpu.vector_load %arg9[%get3A_653, %get3A_654] {strides = array<i32>} : memref<88x128xf32, #tpu.memory_space<vmem>>, vector<16xf32>,
        %add3A_656 = arith.addf %add3A_646, %get3A_655 : vector<16xf32>
        %mul3A_657 = arith.constant 10 : i32
        %mul3A_658 = arith.muli %scan3A_574, %mul3A_657 : i32
        %add3A_659 = arith.constant 8 : i32
        %add3A_660 = arith.addi %add3A_659, %mul3A_658 : i32
        %add3A_661 = arith.constant 8 : i32
        %add3A_662 = arith.addi %add3A_660, %add3A_661 : i32
        %get3A_663 = arith.index_cast %add3A_662 : i32 to index
        %get3A_664 = arith.constant 0 : index
        %get3A_665 = tpu.vector_load %arg9[%get3A_663, %get3A_664] {strides = array<i32>} : memref<88x128xf32, #tpu.memory_space<vmem>>, vector<16xf32>,
        %add3A_666 = arith.addf %add3A_656, %get3A_665 : vector<16xf32>
        %mul3A_667 = arith.constant 10 : i32
        %mul3A_668 = arith.muli %scan3A_574, %mul3A_667 : i32
        %add3A_669 = arith.constant 8 : i32
        %add3A_670 = arith.addi %add3A_669, %mul3A_668 : i32
        %add3A_671 = arith.constant 9 : i32
        %add3A_672 = arith.addi %add3A_670, %add3A_671 : i32
        %get3A_673 = arith.index_cast %add3A_672 : i32 to index
        %get3A_674 = arith.constant 0 : index
        %get3A_675 = tpu.vector_load %arg9[%get3A_673, %get3A_674] {strides = array<i32>} : memref<88x128xf32, #tpu.memory_space<vmem>>, vector<16xf32>,
        %add3A_676 = arith.addf %add3A_666, %get3A_675 : vector<16xf32>
        %mul3A_677 = arith.constant 0.0909090936 : f32
        %mul3A_678 = vector.broadcast %mul3A_677 : f32 to vector<16xf32>
        %mul3A_679 = arith.mulf %add3A_676, %mul3A_678 : vector<16xf32>
        %get3A_680 = arith.index_cast %scan3A_574 : i32 to index
        %get3A_681 = arith.constant 16 : index
        %get3A_682 = tpu.vector_load %arg9[%get3A_680, %get3A_681] {strides = array<i32>} : memref<88x128xf32, #tpu.memory_space<vmem>>, vector<16xf32>,
        %mul3A_683 = arith.constant 10 : i32
        %mul3A_684 = arith.muli %scan3A_574, %mul3A_683 : i32
        %add3A_685 = arith.constant 8 : i32
        %add3A_686 = arith.addi %add3A_685, %mul3A_684 : i32
        %add3A_687 = arith.constant 0 : i32
        %add3A_688 = arith.addi %add3A_686, %add3A_687 : i32
        %get3A_689 = arith.index_cast %add3A_688 : i32 to index
        %get3A_690 = arith.constant 16 : index
        %get3A_691 = tpu.vector_load %arg9[%get3A_689, %get3A_690] {strides = array<i32>} : memref<88x128xf32, #tpu.memory_space<vmem>>, vector<16xf32>,
        %add3A_692 = arith.addf %get3A_682, %get3A_691 : vector<16xf32>
        %mul3A_693 = arith.constant 10 : i32
        %mul3A_694 = arith.muli %scan3A_574, %mul3A_693 : i32
        %add3A_695 = arith.constant 8 : i32
        %add3A_696 = arith.addi %add3A_695, %mul3A_694 : i32
        %add3A_697 = arith.constant 1 : i32
        %add3A_698 = arith.addi %add3A_696, %add3A_697 : i32
        %get3A_699 = arith.index_cast %add3A_698 : i32 to index
        %get3A_700 = arith.constant 16 : index
        %get3A_701 = tpu.vector_load %arg9[%get3A_699, %get3A_700] {strides = array<i32>} : memref<88x128xf32, #tpu.memory_space<vmem>>, vector<16xf32>,
        %add3A_702 = arith.addf %add3A_692, %get3A_701 : vector<16xf32>
        %mul3A_703 = arith.constant 10 : i32
        %mul3A_704 = arith.muli %scan3A_574, %mul3A_703 : i32
        %add3A_705 = arith.constant 8 : i32
        %add3A_706 = arith.addi %add3A_705, %mul3A_704 : i32
        %add3A_707 = arith.constant 2 : i32
        %add3A_708 = arith.addi %add3A_706, %add3A_707 : i32
        %get3A_709 = arith.index_cast %add3A_708 : i32 to index
        %get3A_710 = arith.constant 16 : index
        %get3A_711 = tpu.vector_load %arg9[%get3A_709, %get3A_710] {strides = array<i32>} : memref<88x128xf32, #tpu.memory_space<vmem>>, vector<16xf32>,
        %add3A_712 = arith.addf %add3A_702, %get3A_711 : vector<16xf32>
        %mul3A_713 = arith.constant 10 : i32
        %mul3A_714 = arith.muli %scan3A_574, %mul3A_713 : i32
        %add3A_715 = arith.constant 8 : i32
        %add3A_716 = arith.addi %add3A_715, %mul3A_714 : i32
        %add3A_717 = arith.constant 3 : i32
        %add3A_718 = arith.addi %add3A_716, %add3A_717 : i32
        %get3A_719 = arith.index_cast %add3A_718 : i32 to index
        %get3A_720 = arith.constant 16 : index
        %get3A_721 = tpu.vector_load %arg9[%get3A_719, %get3A_720] {strides = array<i32>} : memref<88x128xf32, #tpu.memory_space<vmem>>, vector<16xf32>,
        %add3A_722 = arith.addf %add3A_712, %get3A_721 : vector<16xf32>
        %mul3A_723 = arith.constant 10 : i32
        %mul3A_724 = arith.muli %scan3A_574, %mul3A_723 : i32
        %add3A_725 = arith.constant 8 : i32
        %add3A_726 = arith.addi %add3A_725, %mul3A_724 : i32
        %add3A_727 = arith.constant 4 : i32
        %add3A_728 = arith.addi %add3A_726, %add3A_727 : i32
        %get3A_729 = arith.index_cast %add3A_728 : i32 to index
        %get3A_730 = arith.constant 16 : index
        %get3A_731 = tpu.vector_load %arg9[%get3A_729, %get3A_730] {strides = array<i32>} : memref<88x128xf32, #tpu.memory_space<vmem>>, vector<16xf32>,
        %add3A_732 = arith.addf %add3A_722, %get3A_731 : vector<16xf32>
        %mul3A_733 = arith.constant 10 : i32
        %mul3A_734 = arith.muli %scan3A_574, %mul3A_733 : i32
        %add3A_735 = arith.constant 8 : i32
        %add3A_736 = arith.addi %add3A_735, %mul3A_734 : i32
        %add3A_737 = arith.constant 5 : i32
        %add3A_738 = arith.addi %add3A_736, %add3A_737 : i32
        %get3A_739 = arith.index_cast %add3A_738 : i32 to index
        %get3A_740 = arith.constant 16 : index
        %get3A_741 = tpu.vector_load %arg9[%get3A_739, %get3A_740] {strides = array<i32>} : memref<88x128xf32, #tpu.memory_space<vmem>>, vector<16xf32>,
        %add3A_742 = arith.addf %add3A_732, %get3A_741 : vector<16xf32>
        %mul3A_743 = arith.constant 10 : i32
        %mul3A_744 = arith.muli %scan3A_574, %mul3A_743 : i32
        %add3A_745 = arith.constant 8 : i32
        %add3A_746 = arith.addi %add3A_745, %mul3A_744 : i32
        %add3A_747 = arith.constant 6 : i32
        %add3A_748 = arith.addi %add3A_746, %add3A_747 : i32
        %get3A_749 = arith.index_cast %add3A_748 : i32 to index
        %get3A_750 = arith.constant 16 : index
        %get3A_751 = tpu.vector_load %arg9[%get3A_749, %get3A_750] {strides = array<i32>} : memref<88x128xf32, #tpu.memory_space<vmem>>, vector<16xf32>,
        %add3A_752 = arith.addf %add3A_742, %get3A_751 : vector<16xf32>
        %mul3A_753 = arith.constant 10 : i32
        %mul3A_754 = arith.muli %scan3A_574, %mul3A_753 : i32
        %add3A_755 = arith.constant 8 : i32
        %add3A_756 = arith.addi %add3A_755, %mul3A_754 : i32
        %add3A_757 = arith.constant 7 : i32
        %add3A_758 = arith.addi %add3A_756, %add3A_757 : i32
        %get3A_759 = arith.index_cast %add3A_758 : i32 to index
        %get3A_760 = arith.constant 16 : index
        %get3A_761 = tpu.vector_load %arg9[%get3A_759, %get3A_760] {strides = array<i32>} : memref<88x128xf32, #tpu.memory_space<vmem>>, vector<16xf32>,
        %add3A_762 = arith.addf %add3A_752, %get3A_761 : vector<16xf32>
        %mul3A_763 = arith.constant 10 : i32
        %mul3A_764 = arith.muli %scan3A_574, %mul3A_763 : i32
        %add3A_765 = arith.constant 8 : i32
        %add3A_766 = arith.addi %add3A_765, %mul3A_764 : i32
        %add3A_767 = arith.constant 8 : i32
        %add3A_768 = arith.addi %add3A_766, %add3A_767 : i32
        %get3A_769 = arith.index_cast %add3A_768 : i32 to index
        %get3A_770 = arith.constant 16 : index
        %get3A_771 = tpu.vector_load %arg9[%get3A_769, %get3A_770] {strides = array<i32>} : memref<88x128xf32, #tpu.memory_space<vmem>>, vector<16xf32>,
        %add3A_772 = arith.addf %add3A_762, %get3A_771 : vector<16xf32>
        %mul3A_773 = arith.constant 10 : i32
        %mul3A_774 = arith.muli %scan3A_574, %mul3A_773 : i32
        %add3A_775 = arith.constant 8 : i32
        %add3A_776 = arith.addi %add3A_775, %mul3A_774 : i32
        %add3A_777 = arith.constant 9 : i32
        %add3A_778 = arith.addi %add3A_776, %add3A_777 : i32
        %get3A_779 = arith.index_cast %add3A_778 : i32 to index
        %get3A_780 = arith.constant 16 : index
        %get3A_781 = tpu.vector_load %arg9[%get3A_779, %get3A_780] {strides = array<i32>} : memref<88x128xf32, #tpu.memory_space<vmem>>, vector<16xf32>,
        %add3A_782 = arith.addf %add3A_772, %get3A_781 : vector<16xf32>
        %mul3A_783 = arith.constant 0.0909090936 : f32
        %mul3A_784 = vector.broadcast %mul3A_783 : f32 to vector<16xf32>
        %mul3A_785 = arith.mulf %add3A_782, %mul3A_784 : vector<16xf32>
        %pack3A = tpu.pack_subelements %mul3A_679, %mul3A_785 {pack_format = #tpu.pack_format<interleaved>, positions = array<i32: 0, 1>} : vector<16xf32>, vector<16xf32> -> vector<32xbf16>
        %bitcast3A = vector.bitcast %pack3A : vector<32xbf16> to vector<16xf32>
        %mul3A_786 = arith.constant 8 : i32
        %mul3A_787 = arith.muli %add3A_413, %mul3A_786 : i32
        %add3A_788 = arith.addi %mul3A_787, %scan3A_574 : i32
        %swap3A = arith.index_cast %add3A_788 : i32 to index
        %swap3A_789 = arith.constant 0 : index
        %swap3A_790 = tpu.vector_load %arg19[%swap3A, %swap3A_789] {strides = array<i32>} : memref<320x64xf32, #tpu.memory_space<vmem>>, vector<16xf32>,
        tpu.vector_store %arg19[%swap3A, %swap3A_789], %bitcast3A {strides = array<i32>} : memref<320x64xf32, #tpu.memory_space<vmem>>, vector<16xf32>,
        %get3A_791 = arith.index_cast %scan3A_574 : i32 to index
        %get3A_792 = arith.constant 32 : index
        %get3A_793 = tpu.vector_load %arg9[%get3A_791, %get3A_792] {strides = array<i32>} : memref<88x128xf32, #tpu.memory_space<vmem>>, vector<16xf32>,
        %mul3A_794 = arith.constant 10 : i32
        %mul3A_795 = arith.muli %scan3A_574, %mul3A_794 : i32
        %add3A_796 = arith.constant 8 : i32
        %add3A_797 = arith.addi %add3A_796, %mul3A_795 : i32
        %add3A_798 = arith.constant 0 : i32
        %add3A_799 = arith.addi %add3A_797, %add3A_798 : i32
        %get3A_800 = arith.index_cast %add3A_799 : i32 to index
        %get3A_801 = arith.constant 32 : index
        %get3A_802 = tpu.vector_load %arg9[%get3A_800, %get3A_801] {strides = array<i32>} : memref<88x128xf32, #tpu.memory_space<vmem>>, vector<16xf32>,
        %add3A_803 = arith.addf %get3A_793, %get3A_802 : vector<16xf32>
        %mul3A_804 = arith.constant 10 : i32
        %mul3A_805 = arith.muli %scan3A_574, %mul3A_804 : i32
        %add3A_806 = arith.constant 8 : i32
        %add3A_807 = arith.addi %add3A_806, %mul3A_805 : i32
        %add3A_808 = arith.constant 1 : i32
        %add3A_809 = arith.addi %add3A_807, %add3A_808 : i32
        %get3A_810 = arith.index_cast %add3A_809 : i32 to index
        %get3A_811 = arith.constant 32 : index
        %get3A_812 = tpu.vector_load %arg9[%get3A_810, %get3A_811] {strides = array<i32>} : memref<88x128xf32, #tpu.memory_space<vmem>>, vector<16xf32>,
        %add3A_813 = arith.addf %add3A_803, %get3A_812 : vector<16xf32>
        %mul3A_814 = arith.constant 10 : i32
        %mul3A_815 = arith.muli %scan3A_574, %mul3A_814 : i32
        %add3A_816 = arith.constant 8 : i32
        %add3A_817 = arith.addi %add3A_816, %mul3A_815 : i32
        %add3A_818 = arith.constant 2 : i32
        %add3A_819 = arith.addi %add3A_817, %add3A_818 : i32
        %get3A_820 = arith.index_cast %add3A_819 : i32 to index
        %get3A_821 = arith.constant 32 : index
        %get3A_822 = tpu.vector_load %arg9[%get3A_820, %get3A_821] {strides = array<i32>} : memref<88x128xf32, #tpu.memory_space<vmem>>, vector<16xf32>,
        %add3A_823 = arith.addf %add3A_813, %get3A_822 : vector<16xf32>
        %mul3A_824 = arith.constant 10 : i32
        %mul3A_825 = arith.muli %scan3A_574, %mul3A_824 : i32
        %add3A_826 = arith.constant 8 : i32
        %add3A_827 = arith.addi %add3A_826, %mul3A_825 : i32
        %add3A_828 = arith.constant 3 : i32
        %add3A_829 = arith.addi %add3A_827, %add3A_828 : i32
        %get3A_830 = arith.index_cast %add3A_829 : i32 to index
        %get3A_831 = arith.constant 32 : index
        %get3A_832 = tpu.vector_load %arg9[%get3A_830, %get3A_831] {strides = array<i32>} : memref<88x128xf32, #tpu.memory_space<vmem>>, vector<16xf32>,
        %add3A_833 = arith.addf %add3A_823, %get3A_832 : vector<16xf32>
        %mul3A_834 = arith.constant 10 : i32
        %mul3A_835 = arith.muli %scan3A_574, %mul3A_834 : i32
        %add3A_836 = arith.constant 8 : i32
        %add3A_837 = arith.addi %add3A_836, %mul3A_835 : i32
        %add3A_838 = arith.constant 4 : i32
        %add3A_839 = arith.addi %add3A_837, %add3A_838 : i32
        %get3A_840 = arith.index_cast %add3A_839 : i32 to index
        %get3A_841 = arith.constant 32 : index
        %get3A_842 = tpu.vector_load %arg9[%get3A_840, %get3A_841] {strides = array<i32>} : memref<88x128xf32, #tpu.memory_space<vmem>>, vector<16xf32>,
        %add3A_843 = arith.addf %add3A_833, %get3A_842 : vector<16xf32>
        %mul3A_844 = arith.constant 10 : i32
        %mul3A_845 = arith.muli %scan3A_574, %mul3A_844 : i32
        %add3A_846 = arith.constant 8 : i32
        %add3A_847 = arith.addi %add3A_846, %mul3A_845 : i32
        %add3A_848 = arith.constant 5 : i32
        %add3A_849 = arith.addi %add3A_847, %add3A_848 : i32
        %get3A_850 = arith.index_cast %add3A_849 : i32 to index
        %get3A_851 = arith.constant 32 : index
        %get3A_852 = tpu.vector_load %arg9[%get3A_850, %get3A_851] {strides = array<i32>} : memref<88x128xf32, #tpu.memory_space<vmem>>, vector<16xf32>,
        %add3A_853 = arith.addf %add3A_843, %get3A_852 : vector<16xf32>
        %mul3A_854 = arith.constant 10 : i32
        %mul3A_855 = arith.muli %scan3A_574, %mul3A_854 : i32
        %add3A_856 = arith.constant 8 : i32
        %add3A_857 = arith.addi %add3A_856, %mul3A_855 : i32
        %add3A_858 = arith.constant 6 : i32
        %add3A_859 = arith.addi %add3A_857, %add3A_858 : i32
        %get3A_860 = arith.index_cast %add3A_859 : i32 to index
        %get3A_861 = arith.constant 32 : index
        %get3A_862 = tpu.vector_load %arg9[%get3A_860, %get3A_861] {strides = array<i32>} : memref<88x128xf32, #tpu.memory_space<vmem>>, vector<16xf32>,
        %add3A_863 = arith.addf %add3A_853, %get3A_862 : vector<16xf32>
        %mul3A_864 = arith.constant 10 : i32
        %mul3A_865 = arith.muli %scan3A_574, %mul3A_864 : i32
        %add3A_866 = arith.constant 8 : i32
        %add3A_867 = arith.addi %add3A_866, %mul3A_865 : i32
        %add3A_868 = arith.constant 7 : i32
        %add3A_869 = arith.addi %add3A_867, %add3A_868 : i32
        %get3A_870 = arith.index_cast %add3A_869 : i32 to index
        %get3A_871 = arith.constant 32 : index
        %get3A_872 = tpu.vector_load %arg9[%get3A_870, %get3A_871] {strides = array<i32>} : memref<88x128xf32, #tpu.memory_space<vmem>>, vector<16xf32>,
        %add3A_873 = arith.addf %add3A_863, %get3A_872 : vector<16xf32>
        %mul3A_874 = arith.constant 10 : i32
        %mul3A_875 = arith.muli %scan3A_574, %mul3A_874 : i32
        %add3A_876 = arith.constant 8 : i32
        %add3A_877 = arith.addi %add3A_876, %mul3A_875 : i32
        %add3A_878 = arith.constant 8 : i32
        %add3A_879 = arith.addi %add3A_877, %add3A_878 : i32
        %get3A_880 = arith.index_cast %add3A_879 : i32 to index
        %get3A_881 = arith.constant 32 : index
        %get3A_882 = tpu.vector_load %arg9[%get3A_880, %get3A_881] {strides = array<i32>} : memref<88x128xf32, #tpu.memory_space<vmem>>, vector<16xf32>,
        %add3A_883 = arith.addf %add3A_873, %get3A_882 : vector<16xf32>
        %mul3A_884 = arith.constant 10 : i32
        %mul3A_885 = arith.muli %scan3A_574, %mul3A_884 : i32
        %add3A_886 = arith.constant 8 : i32
        %add3A_887 = arith.addi %add3A_886, %mul3A_885 : i32
        %add3A_888 = arith.constant 9 : i32
        %add3A_889 = arith.addi %add3A_887, %add3A_888 : i32
        %get3A_890 = arith.index_cast %add3A_889 : i32 to index
        %get3A_891 = arith.constant 32 : index
        %get3A_892 = tpu.vector_load %arg9[%get3A_890, %get3A_891] {strides = array<i32>} : memref<88x128xf32, #tpu.memory_space<vmem>>, vector<16xf32>,
        %add3A_893 = arith.addf %add3A_883, %get3A_892 : vector<16xf32>
        %mul3A_894 = arith.constant 0.0909090936 : f32
        %mul3A_895 = vector.broadcast %mul3A_894 : f32 to vector<16xf32>
        %mul3A_896 = arith.mulf %add3A_893, %mul3A_895 : vector<16xf32>
        %get3A_897 = arith.index_cast %scan3A_574 : i32 to index
        %get3A_898 = arith.constant 48 : index
        %get3A_899 = tpu.vector_load %arg9[%get3A_897, %get3A_898] {strides = array<i32>} : memref<88x128xf32, #tpu.memory_space<vmem>>, vector<16xf32>,
        %mul3A_900 = arith.constant 10 : i32
        %mul3A_901 = arith.muli %scan3A_574, %mul3A_900 : i32
        %add3A_902 = arith.constant 8 : i32
        %add3A_903 = arith.addi %add3A_902, %mul3A_901 : i32
        %add3A_904 = arith.constant 0 : i32
        %add3A_905 = arith.addi %add3A_903, %add3A_904 : i32
        %get3A_906 = arith.index_cast %add3A_905 : i32 to index
        %get3A_907 = arith.constant 48 : index
        %get3A_908 = tpu.vector_load %arg9[%get3A_906, %get3A_907] {strides = array<i32>} : memref<88x128xf32, #tpu.memory_space<vmem>>, vector<16xf32>,
        %add3A_909 = arith.addf %get3A_899, %get3A_908 : vector<16xf32>
        %mul3A_910 = arith.constant 10 : i32
        %mul3A_911 = arith.muli %scan3A_574, %mul3A_910 : i32
        %add3A_912 = arith.constant 8 : i32
        %add3A_913 = arith.addi %add3A_912, %mul3A_911 : i32
        %add3A_914 = arith.constant 1 : i32
        %add3A_915 = arith.addi %add3A_913, %add3A_914 : i32
        %get3A_916 = arith.index_cast %add3A_915 : i32 to index
        %get3A_917 = arith.constant 48 : index
        %get3A_918 = tpu.vector_load %arg9[%get3A_916, %get3A_917] {strides = array<i32>} : memref<88x128xf32, #tpu.memory_space<vmem>>, vector<16xf32>,
        %add3A_919 = arith.addf %add3A_909, %get3A_918 : vector<16xf32>
        %mul3A_920 = arith.constant 10 : i32
        %mul3A_921 = arith.muli %scan3A_574, %mul3A_920 : i32
        %add3A_922 = arith.constant 8 : i32
        %add3A_923 = arith.addi %add3A_922, %mul3A_921 : i32
        %add3A_924 = arith.constant 2 : i32
        %add3A_925 = arith.addi %add3A_923, %add3A_924 : i32
        %get3A_926 = arith.index_cast %add3A_925 : i32 to index
        %get3A_927 = arith.constant 48 : index
        %get3A_928 = tpu.vector_load %arg9[%get3A_926, %get3A_927] {strides = array<i32>} : memref<88x128xf32, #tpu.memory_space<vmem>>, vector<16xf32>,
        %add3A_929 = arith.addf %add3A_919, %get3A_928 : vector<16xf32>
        %mul3A_930 = arith.constant 10 : i32
        %mul3A_931 = arith.muli %scan3A_574, %mul3A_930 : i32
        %add3A_932 = arith.constant 8 : i32
        %add3A_933 = arith.addi %add3A_932, %mul3A_931 : i32
        %add3A_934 = arith.constant 3 : i32
        %add3A_935 = arith.addi %add3A_933, %add3A_934 : i32
        %get3A_936 = arith.index_cast %add3A_935 : i32 to index
        %get3A_937 = arith.constant 48 : index
        %get3A_938 = tpu.vector_load %arg9[%get3A_936, %get3A_937] {strides = array<i32>} : memref<88x128xf32, #tpu.memory_space<vmem>>, vector<16xf32>,
        %add3A_939 = arith.addf %add3A_929, %get3A_938 : vector<16xf32>
        %mul3A_940 = arith.constant 10 : i32
        %mul3A_941 = arith.muli %scan3A_574, %mul3A_940 : i32
        %add3A_942 = arith.constant 8 : i32
        %add3A_943 = arith.addi %add3A_942, %mul3A_941 : i32
        %add3A_944 = arith.constant 4 : i32
        %add3A_945 = arith.addi %add3A_943, %add3A_944 : i32
        %get3A_946 = arith.index_cast %add3A_945 : i32 to index
        %get3A_947 = arith.constant 48 : index
        %get3A_948 = tpu.vector_load %arg9[%get3A_946, %get3A_947] {strides = array<i32>} : memref<88x128xf32, #tpu.memory_space<vmem>>, vector<16xf32>,
        %add3A_949 = arith.addf %add3A_939, %get3A_948 : vector<16xf32>
        %mul3A_950 = arith.constant 10 : i32
        %mul3A_951 = arith.muli %scan3A_574, %mul3A_950 : i32
        %add3A_952 = arith.constant 8 : i32
        %add3A_953 = arith.addi %add3A_952, %mul3A_951 : i32
        %add3A_954 = arith.constant 5 : i32
        %add3A_955 = arith.addi %add3A_953, %add3A_954 : i32
        %get3A_956 = arith.index_cast %add3A_955 : i32 to index
        %get3A_957 = arith.constant 48 : index
        %get3A_958 = tpu.vector_load %arg9[%get3A_956, %get3A_957] {strides = array<i32>} : memref<88x128xf32, #tpu.memory_space<vmem>>, vector<16xf32>,
        %add3A_959 = arith.addf %add3A_949, %get3A_958 : vector<16xf32>
        %mul3A_960 = arith.constant 10 : i32
        %mul3A_961 = arith.muli %scan3A_574, %mul3A_960 : i32
        %add3A_962 = arith.constant 8 : i32
        %add3A_963 = arith.addi %add3A_962, %mul3A_961 : i32
        %add3A_964 = arith.constant 6 : i32
        %add3A_965 = arith.addi %add3A_963, %add3A_964 : i32
        %get3A_966 = arith.index_cast %add3A_965 : i32 to index
        %get3A_967 = arith.constant 48 : index
        %get3A_968 = tpu.vector_load %arg9[%get3A_966, %get3A_967] {strides = array<i32>} : memref<88x128xf32, #tpu.memory_space<vmem>>, vector<16xf32>,
        %add3A_969 = arith.addf %add3A_959, %get3A_968 : vector<16xf32>
        %mul3A_970 = arith.constant 10 : i32
        %mul3A_971 = arith.muli %scan3A_574, %mul3A_970 : i32
        %add3A_972 = arith.constant 8 : i32
        %add3A_973 = arith.addi %add3A_972, %mul3A_971 : i32
        %add3A_974 = arith.constant 7 : i32
        %add3A_975 = arith.addi %add3A_973, %add3A_974 : i32
        %get3A_976 = arith.index_cast %add3A_975 : i32 to index
        %get3A_977 = arith.constant 48 : index
        %get3A_978 = tpu.vector_load %arg9[%get3A_976, %get3A_977] {strides = array<i32>} : memref<88x128xf32, #tpu.memory_space<vmem>>, vector<16xf32>,
        %add3A_979 = arith.addf %add3A_969, %get3A_978 : vector<16xf32>
        %mul3A_980 = arith.constant 10 : i32
        %mul3A_981 = arith.muli %scan3A_574, %mul3A_980 : i32
        %add3A_982 = arith.constant 8 : i32
        %add3A_983 = arith.addi %add3A_982, %mul3A_981 : i32
        %add3A_984 = arith.constant 8 : i32
        %add3A_985 = arith.addi %add3A_983, %add3A_984 : i32
        %get3A_986 = arith.index_cast %add3A_985 : i32 to index
        %get3A_987 = arith.constant 48 : index
        %get3A_988 = tpu.vector_load %arg9[%get3A_986, %get3A_987] {strides = array<i32>} : memref<88x128xf32, #tpu.memory_space<vmem>>, vector<16xf32>,
        %add3A_989 = arith.addf %add3A_979, %get3A_988 : vector<16xf32>
        %mul3A_990 = arith.constant 10 : i32
        %mul3A_991 = arith.muli %scan3A_574, %mul3A_990 : i32
        %add3A_992 = arith.constant 8 : i32
        %add3A_993 = arith.addi %add3A_992, %mul3A_991 : i32
        %add3A_994 = arith.constant 9 : i32
        %add3A_995 = arith.addi %add3A_993, %add3A_994 : i32
        %get3A_996 = arith.index_cast %add3A_995 : i32 to index
        %get3A_997 = arith.constant 48 : index
        %get3A_998 = tpu.vector_load %arg9[%get3A_996, %get3A_997] {strides = array<i32>} : memref<88x128xf32, #tpu.memory_space<vmem>>, vector<16xf32>,
        %add3A_999 = arith.addf %add3A_989, %get3A_998 : vector<16xf32>
        %mul3A_1000 = arith.constant 0.0909090936 : f32
        %mul3A_1001 = vector.broadcast %mul3A_1000 : f32 to vector<16xf32>
        %mul3A_1002 = arith.mulf %add3A_999, %mul3A_1001 : vector<16xf32>
        %pack3A_1003 = tpu.pack_subelements %mul3A_896, %mul3A_1002 {pack_format = #tpu.pack_format<interleaved>, positions = array<i32: 0, 1>} : vector<16xf32>, vector<16xf32> -> vector<32xbf16>
        %bitcast3A_1004 = vector.bitcast %pack3A_1003 : vector<32xbf16> to vector<16xf32>
        %mul3A_1005 = arith.constant 8 : i32
        %mul3A_1006 = arith.muli %add3A_413, %mul3A_1005 : i32
        %add3A_1007 = arith.addi %mul3A_1006, %scan3A_574 : i32
        %swap3A_1008 = arith.index_cast %add3A_1007 : i32 to index
        %swap3A_1009 = arith.constant 16 : index
        %swap3A_1010 = tpu.vector_load %arg19[%swap3A_1008, %swap3A_1009] {strides = array<i32>} : memref<320x64xf32, #tpu.memory_space<vmem>>, vector<16xf32>,
        tpu.vector_store %arg19[%swap3A_1008, %swap3A_1009], %bitcast3A_1004 {strides = array<i32>} : memref<320x64xf32, #tpu.memory_space<vmem>>, vector<16xf32>,
        %get3A_1011 = arith.index_cast %scan3A_574 : i32 to index
        %get3A_1012 = arith.constant 64 : index
        %get3A_1013 = tpu.vector_load %arg9[%get3A_1011, %get3A_1012] {strides = array<i32>} : memref<88x128xf32, #tpu.memory_space<vmem>>, vector<16xf32>,
        %mul3A_1014 = arith.constant 10 : i32
        %mul3A_1015 = arith.muli %scan3A_574, %mul3A_1014 : i32
        %add3A_1016 = arith.constant 8 : i32
        %add3A_1017 = arith.addi %add3A_1016, %mul3A_1015 : i32
        %add3A_1018 = arith.constant 0 : i32
        %add3A_1019 = arith.addi %add3A_1017, %add3A_1018 : i32
        %get3A_1020 = arith.index_cast %add3A_1019 : i32 to index
        %get3A_1021 = arith.constant 64 : index
        %get3A_1022 = tpu.vector_load %arg9[%get3A_1020, %get3A_1021] {strides = array<i32>} : memref<88x128xf32, #tpu.memory_space<vmem>>, vector<16xf32>,
        %add3A_1023 = arith.addf %get3A_1013, %get3A_1022 : vector<16xf32>
        %mul3A_1024 = arith.constant 10 : i32
        %mul3A_1025 = arith.muli %scan3A_574, %mul3A_1024 : i32
        %add3A_1026 = arith.constant 8 : i32
        %add3A_1027 = arith.addi %add3A_1026, %mul3A_1025 : i32
        %add3A_1028 = arith.constant 1 : i32
        %add3A_1029 = arith.addi %add3A_1027, %add3A_1028 : i32
        %get3A_1030 = arith.index_cast %add3A_1029 : i32 to index
        %get3A_1031 = arith.constant 64 : index
        %get3A_1032 = tpu.vector_load %arg9[%get3A_1030, %get3A_1031] {strides = array<i32>} : memref<88x128xf32, #tpu.memory_space<vmem>>, vector<16xf32>,
        %add3A_1033 = arith.addf %add3A_1023, %get3A_1032 : vector<16xf32>
        %mul3A_1034 = arith.constant 10 : i32
        %mul3A_1035 = arith.muli %scan3A_574, %mul3A_1034 : i32
        %add3A_1036 = arith.constant 8 : i32
        %add3A_1037 = arith.addi %add3A_1036, %mul3A_1035 : i32
        %add3A_1038 = arith.constant 2 : i32
        %add3A_1039 = arith.addi %add3A_1037, %add3A_1038 : i32
        %get3A_1040 = arith.index_cast %add3A_1039 : i32 to index
        %get3A_1041 = arith.constant 64 : index
        %get3A_1042 = tpu.vector_load %arg9[%get3A_1040, %get3A_1041] {strides = array<i32>} : memref<88x128xf32, #tpu.memory_space<vmem>>, vector<16xf32>,
        %add3A_1043 = arith.addf %add3A_1033, %get3A_1042 : vector<16xf32>
        %mul3A_1044 = arith.constant 10 : i32
        %mul3A_1045 = arith.muli %scan3A_574, %mul3A_1044 : i32
        %add3A_1046 = arith.constant 8 : i32
        %add3A_1047 = arith.addi %add3A_1046, %mul3A_1045 : i32
        %add3A_1048 = arith.constant 3 : i32
        %add3A_1049 = arith.addi %add3A_1047, %add3A_1048 : i32
        %get3A_1050 = arith.index_cast %add3A_1049 : i32 to index
        %get3A_1051 = arith.constant 64 : index
        %get3A_1052 = tpu.vector_load %arg9[%get3A_1050, %get3A_1051] {strides = array<i32>} : memref<88x128xf32, #tpu.memory_space<vmem>>, vector<16xf32>,
        %add3A_1053 = arith.addf %add3A_1043, %get3A_1052 : vector<16xf32>
        %mul3A_1054 = arith.constant 10 : i32
        %mul3A_1055 = arith.muli %scan3A_574, %mul3A_1054 : i32
        %add3A_1056 = arith.constant 8 : i32
        %add3A_1057 = arith.addi %add3A_1056, %mul3A_1055 : i32
        %add3A_1058 = arith.constant 4 : i32
        %add3A_1059 = arith.addi %add3A_1057, %add3A_1058 : i32
        %get3A_1060 = arith.index_cast %add3A_1059 : i32 to index
        %get3A_1061 = arith.constant 64 : index
        %get3A_1062 = tpu.vector_load %arg9[%get3A_1060, %get3A_1061] {strides = array<i32>} : memref<88x128xf32, #tpu.memory_space<vmem>>, vector<16xf32>,
        %add3A_1063 = arith.addf %add3A_1053, %get3A_1062 : vector<16xf32>
        %mul3A_1064 = arith.constant 10 : i32
        %mul3A_1065 = arith.muli %scan3A_574, %mul3A_1064 : i32
        %add3A_1066 = arith.constant 8 : i32
        %add3A_1067 = arith.addi %add3A_1066, %mul3A_1065 : i32
        %add3A_1068 = arith.constant 5 : i32
        %add3A_1069 = arith.addi %add3A_1067, %add3A_1068 : i32
        %get3A_1070 = arith.index_cast %add3A_1069 : i32 to index
        %get3A_1071 = arith.constant 64 : index
        %get3A_1072 = tpu.vector_load %arg9[%get3A_1070, %get3A_1071] {strides = array<i32>} : memref<88x128xf32, #tpu.memory_space<vmem>>, vector<16xf32>,
        %add3A_1073 = arith.addf %add3A_1063, %get3A_1072 : vector<16xf32>
        %mul3A_1074 = arith.constant 10 : i32
        %mul3A_1075 = arith.muli %scan3A_574, %mul3A_1074 : i32
        %add3A_1076 = arith.constant 8 : i32
        %add3A_1077 = arith.addi %add3A_1076, %mul3A_1075 : i32
        %add3A_1078 = arith.constant 6 : i32
        %add3A_1079 = arith.addi %add3A_1077, %add3A_1078 : i32
        %get3A_1080 = arith.index_cast %add3A_1079 : i32 to index
        %get3A_1081 = arith.constant 64 : index
        %get3A_1082 = tpu.vector_load %arg9[%get3A_1080, %get3A_1081] {strides = array<i32>} : memref<88x128xf32, #tpu.memory_space<vmem>>, vector<16xf32>,
        %add3A_1083 = arith.addf %add3A_1073, %get3A_1082 : vector<16xf32>
        %mul3A_1084 = arith.constant 10 : i32
        %mul3A_1085 = arith.muli %scan3A_574, %mul3A_1084 : i32
        %add3A_1086 = arith.constant 8 : i32
        %add3A_1087 = arith.addi %add3A_1086, %mul3A_1085 : i32
        %add3A_1088 = arith.constant 7 : i32
        %add3A_1089 = arith.addi %add3A_1087, %add3A_1088 : i32
        %get3A_1090 = arith.index_cast %add3A_1089 : i32 to index
        %get3A_1091 = arith.constant 64 : index
        %get3A_1092 = tpu.vector_load %arg9[%get3A_1090, %get3A_1091] {strides = array<i32>} : memref<88x128xf32, #tpu.memory_space<vmem>>, vector<16xf32>,
        %add3A_1093 = arith.addf %add3A_1083, %get3A_1092 : vector<16xf32>
        %mul3A_1094 = arith.constant 10 : i32
        %mul3A_1095 = arith.muli %scan3A_574, %mul3A_1094 : i32
        %add3A_1096 = arith.constant 8 : i32
        %add3A_1097 = arith.addi %add3A_1096, %mul3A_1095 : i32
        %add3A_1098 = arith.constant 8 : i32
        %add3A_1099 = arith.addi %add3A_1097, %add3A_1098 : i32
        %get3A_1100 = arith.index_cast %add3A_1099 : i32 to index
        %get3A_1101 = arith.constant 64 : index
        %get3A_1102 = tpu.vector_load %arg9[%get3A_1100, %get3A_1101] {strides = array<i32>} : memref<88x128xf32, #tpu.memory_space<vmem>>, vector<16xf32>,
        %add3A_1103 = arith.addf %add3A_1093, %get3A_1102 : vector<16xf32>
        %mul3A_1104 = arith.constant 10 : i32
        %mul3A_1105 = arith.muli %scan3A_574, %mul3A_1104 : i32
        %add3A_1106 = arith.constant 8 : i32
        %add3A_1107 = arith.addi %add3A_1106, %mul3A_1105 : i32
        %add3A_1108 = arith.constant 9 : i32
        %add3A_1109 = arith.addi %add3A_1107, %add3A_1108 : i32
        %get3A_1110 = arith.index_cast %add3A_1109 : i32 to index
        %get3A_1111 = arith.constant 64 : index
        %get3A_1112 = tpu.vector_load %arg9[%get3A_1110, %get3A_1111] {strides = array<i32>} : memref<88x128xf32, #tpu.memory_space<vmem>>, vector<16xf32>,
        %add3A_1113 = arith.addf %add3A_1103, %get3A_1112 : vector<16xf32>
        %mul3A_1114 = arith.constant 0.0909090936 : f32
        %mul3A_1115 = vector.broadcast %mul3A_1114 : f32 to vector<16xf32>
        %mul3A_1116 = arith.mulf %add3A_1113, %mul3A_1115 : vector<16xf32>
        %get3A_1117 = arith.index_cast %scan3A_574 : i32 to index
        %get3A_1118 = arith.constant 80 : index
        %get3A_1119 = tpu.vector_load %arg9[%get3A_1117, %get3A_1118] {strides = array<i32>} : memref<88x128xf32, #tpu.memory_space<vmem>>, vector<16xf32>,
        %mul3A_1120 = arith.constant 10 : i32
        %mul3A_1121 = arith.muli %scan3A_574, %mul3A_1120 : i32
        %add3A_1122 = arith.constant 8 : i32
        %add3A_1123 = arith.addi %add3A_1122, %mul3A_1121 : i32
        %add3A_1124 = arith.constant 0 : i32
        %add3A_1125 = arith.addi %add3A_1123, %add3A_1124 : i32
        %get3A_1126 = arith.index_cast %add3A_1125 : i32 to index
        %get3A_1127 = arith.constant 80 : index
        %get3A_1128 = tpu.vector_load %arg9[%get3A_1126, %get3A_1127] {strides = array<i32>} : memref<88x128xf32, #tpu.memory_space<vmem>>, vector<16xf32>,
        %add3A_1129 = arith.addf %get3A_1119, %get3A_1128 : vector<16xf32>
        %mul3A_1130 = arith.constant 10 : i32
        %mul3A_1131 = arith.muli %scan3A_574, %mul3A_1130 : i32
        %add3A_1132 = arith.constant 8 : i32
        %add3A_1133 = arith.addi %add3A_1132, %mul3A_1131 : i32
        %add3A_1134 = arith.constant 1 : i32
        %add3A_1135 = arith.addi %add3A_1133, %add3A_1134 : i32
        %get3A_1136 = arith.index_cast %add3A_1135 : i32 to index
        %get3A_1137 = arith.constant 80 : index
        %get3A_1138 = tpu.vector_load %arg9[%get3A_1136, %get3A_1137] {strides = array<i32>} : memref<88x128xf32, #tpu.memory_space<vmem>>, vector<16xf32>,
        %add3A_1139 = arith.addf %add3A_1129, %get3A_1138 : vector<16xf32>
        %mul3A_1140 = arith.constant 10 : i32
        %mul3A_1141 = arith.muli %scan3A_574, %mul3A_1140 : i32
        %add3A_1142 = arith.constant 8 : i32
        %add3A_1143 = arith.addi %add3A_1142, %mul3A_1141 : i32
        %add3A_1144 = arith.constant 2 : i32
        %add3A_1145 = arith.addi %add3A_1143, %add3A_1144 : i32
        %get3A_1146 = arith.index_cast %add3A_1145 : i32 to index
        %get3A_1147 = arith.constant 80 : index
        %get3A_1148 = tpu.vector_load %arg9[%get3A_1146, %get3A_1147] {strides = array<i32>} : memref<88x128xf32, #tpu.memory_space<vmem>>, vector<16xf32>,
        %add3A_1149 = arith.addf %add3A_1139, %get3A_1148 : vector<16xf32>
        %mul3A_1150 = arith.constant 10 : i32
        %mul3A_1151 = arith.muli %scan3A_574, %mul3A_1150 : i32
        %add3A_1152 = arith.constant 8 : i32
        %add3A_1153 = arith.addi %add3A_1152, %mul3A_1151 : i32
        %add3A_1154 = arith.constant 3 : i32
        %add3A_1155 = arith.addi %add3A_1153, %add3A_1154 : i32
        %get3A_1156 = arith.index_cast %add3A_1155 : i32 to index
        %get3A_1157 = arith.constant 80 : index
        %get3A_1158 = tpu.vector_load %arg9[%get3A_1156, %get3A_1157] {strides = array<i32>} : memref<88x128xf32, #tpu.memory_space<vmem>>, vector<16xf32>,
        %add3A_1159 = arith.addf %add3A_1149, %get3A_1158 : vector<16xf32>
        %mul3A_1160 = arith.constant 10 : i32
        %mul3A_1161 = arith.muli %scan3A_574, %mul3A_1160 : i32
        %add3A_1162 = arith.constant 8 : i32
        %add3A_1163 = arith.addi %add3A_1162, %mul3A_1161 : i32
        %add3A_1164 = arith.constant 4 : i32
        %add3A_1165 = arith.addi %add3A_1163, %add3A_1164 : i32
        %get3A_1166 = arith.index_cast %add3A_1165 : i32 to index
        %get3A_1167 = arith.constant 80 : index
        %get3A_1168 = tpu.vector_load %arg9[%get3A_1166, %get3A_1167] {strides = array<i32>} : memref<88x128xf32, #tpu.memory_space<vmem>>, vector<16xf32>,
        %add3A_1169 = arith.addf %add3A_1159, %get3A_1168 : vector<16xf32>
        %mul3A_1170 = arith.constant 10 : i32
        %mul3A_1171 = arith.muli %scan3A_574, %mul3A_1170 : i32
        %add3A_1172 = arith.constant 8 : i32
        %add3A_1173 = arith.addi %add3A_1172, %mul3A_1171 : i32
        %add3A_1174 = arith.constant 5 : i32
        %add3A_1175 = arith.addi %add3A_1173, %add3A_1174 : i32
        %get3A_1176 = arith.index_cast %add3A_1175 : i32 to index
        %get3A_1177 = arith.constant 80 : index
        %get3A_1178 = tpu.vector_load %arg9[%get3A_1176, %get3A_1177] {strides = array<i32>} : memref<88x128xf32, #tpu.memory_space<vmem>>, vector<16xf32>,
        %add3A_1179 = arith.addf %add3A_1169, %get3A_1178 : vector<16xf32>
        %mul3A_1180 = arith.constant 10 : i32
        %mul3A_1181 = arith.muli %scan3A_574, %mul3A_1180 : i32
        %add3A_1182 = arith.constant 8 : i32
        %add3A_1183 = arith.addi %add3A_1182, %mul3A_1181 : i32
        %add3A_1184 = arith.constant 6 : i32
        %add3A_1185 = arith.addi %add3A_1183, %add3A_1184 : i32
        %get3A_1186 = arith.index_cast %add3A_1185 : i32 to index
        %get3A_1187 = arith.constant 80 : index
        %get3A_1188 = tpu.vector_load %arg9[%get3A_1186, %get3A_1187] {strides = array<i32>} : memref<88x128xf32, #tpu.memory_space<vmem>>, vector<16xf32>,
        %add3A_1189 = arith.addf %add3A_1179, %get3A_1188 : vector<16xf32>
        %mul3A_1190 = arith.constant 10 : i32
        %mul3A_1191 = arith.muli %scan3A_574, %mul3A_1190 : i32
        %add3A_1192 = arith.constant 8 : i32
        %add3A_1193 = arith.addi %add3A_1192, %mul3A_1191 : i32
        %add3A_1194 = arith.constant 7 : i32
        %add3A_1195 = arith.addi %add3A_1193, %add3A_1194 : i32
        %get3A_1196 = arith.index_cast %add3A_1195 : i32 to index
        %get3A_1197 = arith.constant 80 : index
        %get3A_1198 = tpu.vector_load %arg9[%get3A_1196, %get3A_1197] {strides = array<i32>} : memref<88x128xf32, #tpu.memory_space<vmem>>, vector<16xf32>,
        %add3A_1199 = arith.addf %add3A_1189, %get3A_1198 : vector<16xf32>
        %mul3A_1200 = arith.constant 10 : i32
        %mul3A_1201 = arith.muli %scan3A_574, %mul3A_1200 : i32
        %add3A_1202 = arith.constant 8 : i32
        %add3A_1203 = arith.addi %add3A_1202, %mul3A_1201 : i32
        %add3A_1204 = arith.constant 8 : i32
        %add3A_1205 = arith.addi %add3A_1203, %add3A_1204 : i32
        %get3A_1206 = arith.index_cast %add3A_1205 : i32 to index
        %get3A_1207 = arith.constant 80 : index
        %get3A_1208 = tpu.vector_load %arg9[%get3A_1206, %get3A_1207] {strides = array<i32>} : memref<88x128xf32, #tpu.memory_space<vmem>>, vector<16xf32>,
        %add3A_1209 = arith.addf %add3A_1199, %get3A_1208 : vector<16xf32>
        %mul3A_1210 = arith.constant 10 : i32
        %mul3A_1211 = arith.muli %scan3A_574, %mul3A_1210 : i32
        %add3A_1212 = arith.constant 8 : i32
        %add3A_1213 = arith.addi %add3A_1212, %mul3A_1211 : i32
        %add3A_1214 = arith.constant 9 : i32
        %add3A_1215 = arith.addi %add3A_1213, %add3A_1214 : i32
        %get3A_1216 = arith.index_cast %add3A_1215 : i32 to index
        %get3A_1217 = arith.constant 80 : index
        %get3A_1218 = tpu.vector_load %arg9[%get3A_1216, %get3A_1217] {strides = array<i32>} : memref<88x128xf32, #tpu.memory_space<vmem>>, vector<16xf32>,
        %add3A_1219 = arith.addf %add3A_1209, %get3A_1218 : vector<16xf32>
        %mul3A_1220 = arith.constant 0.0909090936 : f32
        %mul3A_1221 = vector.broadcast %mul3A_1220 : f32 to vector<16xf32>
        %mul3A_1222 = arith.mulf %add3A_1219, %mul3A_1221 : vector<16xf32>
        %pack3A_1223 = tpu.pack_subelements %mul3A_1116, %mul3A_1222 {pack_format = #tpu.pack_format<interleaved>, positions = array<i32: 0, 1>} : vector<16xf32>, vector<16xf32> -> vector<32xbf16>
        %bitcast3A_1224 = vector.bitcast %pack3A_1223 : vector<32xbf16> to vector<16xf32>
        %mul3A_1225 = arith.constant 8 : i32
        %mul3A_1226 = arith.muli %add3A_413, %mul3A_1225 : i32
        %add3A_1227 = arith.addi %mul3A_1226, %scan3A_574 : i32
        %swap3A_1228 = arith.index_cast %add3A_1227 : i32 to index
        %swap3A_1229 = arith.constant 32 : index
        %swap3A_1230 = tpu.vector_load %arg19[%swap3A_1228, %swap3A_1229] {strides = array<i32>} : memref<320x64xf32, #tpu.memory_space<vmem>>, vector<16xf32>,
        tpu.vector_store %arg19[%swap3A_1228, %swap3A_1229], %bitcast3A_1224 {strides = array<i32>} : memref<320x64xf32, #tpu.memory_space<vmem>>, vector<16xf32>,
        %get3A_1231 = arith.index_cast %scan3A_574 : i32 to index
        %get3A_1232 = arith.constant 96 : index
        %get3A_1233 = tpu.vector_load %arg9[%get3A_1231, %get3A_1232] {strides = array<i32>} : memref<88x128xf32, #tpu.memory_space<vmem>>, vector<16xf32>,
        %mul3A_1234 = arith.constant 10 : i32
        %mul3A_1235 = arith.muli %scan3A_574, %mul3A_1234 : i32
        %add3A_1236 = arith.constant 8 : i32
        %add3A_1237 = arith.addi %add3A_1236, %mul3A_1235 : i32
        %add3A_1238 = arith.constant 0 : i32
        %add3A_1239 = arith.addi %add3A_1237, %add3A_1238 : i32
        %get3A_1240 = arith.index_cast %add3A_1239 : i32 to index
        %get3A_1241 = arith.constant 96 : index
        %get3A_1242 = tpu.vector_load %arg9[%get3A_1240, %get3A_1241] {strides = array<i32>} : memref<88x128xf32, #tpu.memory_space<vmem>>, vector<16xf32>,
        %add3A_1243 = arith.addf %get3A_1233, %get3A_1242 : vector<16xf32>
        %mul3A_1244 = arith.constant 10 : i32
        %mul3A_1245 = arith.muli %scan3A_574, %mul3A_1244 : i32
        %add3A_1246 = arith.constant 8 : i32
        %add3A_1247 = arith.addi %add3A_1246, %mul3A_1245 : i32
        %add3A_1248 = arith.constant 1 : i32
        %add3A_1249 = arith.addi %add3A_1247, %add3A_1248 : i32
        %get3A_1250 = arith.index_cast %add3A_1249 : i32 to index
        %get3A_1251 = arith.constant 96 : index
        %get3A_1252 = tpu.vector_load %arg9[%get3A_1250, %get3A_1251] {strides = array<i32>} : memref<88x128xf32, #tpu.memory_space<vmem>>, vector<16xf32>,
        %add3A_1253 = arith.addf %add3A_1243, %get3A_1252 : vector<16xf32>
        %mul3A_1254 = arith.constant 10 : i32
        %mul3A_1255 = arith.muli %scan3A_574, %mul3A_1254 : i32
        %add3A_1256 = arith.constant 8 : i32
        %add3A_1257 = arith.addi %add3A_1256, %mul3A_1255 : i32
        %add3A_1258 = arith.constant 2 : i32
        %add3A_1259 = arith.addi %add3A_1257, %add3A_1258 : i32
        %get3A_1260 = arith.index_cast %add3A_1259 : i32 to index
        %get3A_1261 = arith.constant 96 : index
        %get3A_1262 = tpu.vector_load %arg9[%get3A_1260, %get3A_1261] {strides = array<i32>} : memref<88x128xf32, #tpu.memory_space<vmem>>, vector<16xf32>,
        %add3A_1263 = arith.addf %add3A_1253, %get3A_1262 : vector<16xf32>
        %mul3A_1264 = arith.constant 10 : i32
        %mul3A_1265 = arith.muli %scan3A_574, %mul3A_1264 : i32
        %add3A_1266 = arith.constant 8 : i32
        %add3A_1267 = arith.addi %add3A_1266, %mul3A_1265 : i32
        %add3A_1268 = arith.constant 3 : i32
        %add3A_1269 = arith.addi %add3A_1267, %add3A_1268 : i32
        %get3A_1270 = arith.index_cast %add3A_1269 : i32 to index
        %get3A_1271 = arith.constant 96 : index
        %get3A_1272 = tpu.vector_load %arg9[%get3A_1270, %get3A_1271] {strides = array<i32>} : memref<88x128xf32, #tpu.memory_space<vmem>>, vector<16xf32>,
        %add3A_1273 = arith.addf %add3A_1263, %get3A_1272 : vector<16xf32>
        %mul3A_1274 = arith.constant 10 : i32
        %mul3A_1275 = arith.muli %scan3A_574, %mul3A_1274 : i32
        %add3A_1276 = arith.constant 8 : i32
        %add3A_1277 = arith.addi %add3A_1276, %mul3A_1275 : i32
        %add3A_1278 = arith.constant 4 : i32
        %add3A_1279 = arith.addi %add3A_1277, %add3A_1278 : i32
        %get3A_1280 = arith.index_cast %add3A_1279 : i32 to index
        %get3A_1281 = arith.constant 96 : index
        %get3A_1282 = tpu.vector_load %arg9[%get3A_1280, %get3A_1281] {strides = array<i32>} : memref<88x128xf32, #tpu.memory_space<vmem>>, vector<16xf32>,
        %add3A_1283 = arith.addf %add3A_1273, %get3A_1282 : vector<16xf32>
        %mul3A_1284 = arith.constant 10 : i32
        %mul3A_1285 = arith.muli %scan3A_574, %mul3A_1284 : i32
        %add3A_1286 = arith.constant 8 : i32
        %add3A_1287 = arith.addi %add3A_1286, %mul3A_1285 : i32
        %add3A_1288 = arith.constant 5 : i32
        %add3A_1289 = arith.addi %add3A_1287, %add3A_1288 : i32
        %get3A_1290 = arith.index_cast %add3A_1289 : i32 to index
        %get3A_1291 = arith.constant 96 : index
        %get3A_1292 = tpu.vector_load %arg9[%get3A_1290, %get3A_1291] {strides = array<i32>} : memref<88x128xf32, #tpu.memory_space<vmem>>, vector<16xf32>,
        %add3A_1293 = arith.addf %add3A_1283, %get3A_1292 : vector<16xf32>
        %mul3A_1294 = arith.constant 10 : i32
        %mul3A_1295 = arith.muli %scan3A_574, %mul3A_1294 : i32
        %add3A_1296 = arith.constant 8 : i32
        %add3A_1297 = arith.addi %add3A_1296, %mul3A_1295 : i32
        %add3A_1298 = arith.constant 6 : i32
        %add3A_1299 = arith.addi %add3A_1297, %add3A_1298 : i32
        %get3A_1300 = arith.index_cast %add3A_1299 : i32 to index
        %get3A_1301 = arith.constant 96 : index
        %get3A_1302 = tpu.vector_load %arg9[%get3A_1300, %get3A_1301] {strides = array<i32>} : memref<88x128xf32, #tpu.memory_space<vmem>>, vector<16xf32>,
        %add3A_1303 = arith.addf %add3A_1293, %get3A_1302 : vector<16xf32>
        %mul3A_1304 = arith.constant 10 : i32
        %mul3A_1305 = arith.muli %scan3A_574, %mul3A_1304 : i32
        %add3A_1306 = arith.constant 8 : i32
        %add3A_1307 = arith.addi %add3A_1306, %mul3A_1305 : i32
        %add3A_1308 = arith.constant 7 : i32
        %add3A_1309 = arith.addi %add3A_1307, %add3A_1308 : i32
        %get3A_1310 = arith.index_cast %add3A_1309 : i32 to index
        %get3A_1311 = arith.constant 96 : index
        %get3A_1312 = tpu.vector_load %arg9[%get3A_1310, %get3A_1311] {strides = array<i32>} : memref<88x128xf32, #tpu.memory_space<vmem>>, vector<16xf32>,
        %add3A_1313 = arith.addf %add3A_1303, %get3A_1312 : vector<16xf32>
        %mul3A_1314 = arith.constant 10 : i32
        %mul3A_1315 = arith.muli %scan3A_574, %mul3A_1314 : i32
        %add3A_1316 = arith.constant 8 : i32
        %add3A_1317 = arith.addi %add3A_1316, %mul3A_1315 : i32
        %add3A_1318 = arith.constant 8 : i32
        %add3A_1319 = arith.addi %add3A_1317, %add3A_1318 : i32
        %get3A_1320 = arith.index_cast %add3A_1319 : i32 to index
        %get3A_1321 = arith.constant 96 : index
        %get3A_1322 = tpu.vector_load %arg9[%get3A_1320, %get3A_1321] {strides = array<i32>} : memref<88x128xf32, #tpu.memory_space<vmem>>, vector<16xf32>,
        %add3A_1323 = arith.addf %add3A_1313, %get3A_1322 : vector<16xf32>
        %mul3A_1324 = arith.constant 10 : i32
        %mul3A_1325 = arith.muli %scan3A_574, %mul3A_1324 : i32
        %add3A_1326 = arith.constant 8 : i32
        %add3A_1327 = arith.addi %add3A_1326, %mul3A_1325 : i32
        %add3A_1328 = arith.constant 9 : i32
        %add3A_1329 = arith.addi %add3A_1327, %add3A_1328 : i32
        %get3A_1330 = arith.index_cast %add3A_1329 : i32 to index
        %get3A_1331 = arith.constant 96 : index
        %get3A_1332 = tpu.vector_load %arg9[%get3A_1330, %get3A_1331] {strides = array<i32>} : memref<88x128xf32, #tpu.memory_space<vmem>>, vector<16xf32>,
        %add3A_1333 = arith.addf %add3A_1323, %get3A_1332 : vector<16xf32>
        %mul3A_1334 = arith.constant 0.0909090936 : f32
        %mul3A_1335 = vector.broadcast %mul3A_1334 : f32 to vector<16xf32>
        %mul3A_1336 = arith.mulf %add3A_1333, %mul3A_1335 : vector<16xf32>
        %get3A_1337 = arith.index_cast %scan3A_574 : i32 to index
        %get3A_1338 = arith.constant 112 : index
        %get3A_1339 = tpu.vector_load %arg9[%get3A_1337, %get3A_1338] {strides = array<i32>} : memref<88x128xf32, #tpu.memory_space<vmem>>, vector<16xf32>,
        %mul3A_1340 = arith.constant 10 : i32
        %mul3A_1341 = arith.muli %scan3A_574, %mul3A_1340 : i32
        %add3A_1342 = arith.constant 8 : i32
        %add3A_1343 = arith.addi %add3A_1342, %mul3A_1341 : i32
        %add3A_1344 = arith.constant 0 : i32
        %add3A_1345 = arith.addi %add3A_1343, %add3A_1344 : i32
        %get3A_1346 = arith.index_cast %add3A_1345 : i32 to index
        %get3A_1347 = arith.constant 112 : index
        %get3A_1348 = tpu.vector_load %arg9[%get3A_1346, %get3A_1347] {strides = array<i32>} : memref<88x128xf32, #tpu.memory_space<vmem>>, vector<16xf32>,
        %add3A_1349 = arith.addf %get3A_1339, %get3A_1348 : vector<16xf32>
        %mul3A_1350 = arith.constant 10 : i32
        %mul3A_1351 = arith.muli %scan3A_574, %mul3A_1350 : i32
        %add3A_1352 = arith.constant 8 : i32
        %add3A_1353 = arith.addi %add3A_1352, %mul3A_1351 : i32
        %add3A_1354 = arith.constant 1 : i32
        %add3A_1355 = arith.addi %add3A_1353, %add3A_1354 : i32
        %get3A_1356 = arith.index_cast %add3A_1355 : i32 to index
        %get3A_1357 = arith.constant 112 : index
        %get3A_1358 = tpu.vector_load %arg9[%get3A_1356, %get3A_1357] {strides = array<i32>} : memref<88x128xf32, #tpu.memory_space<vmem>>, vector<16xf32>,
        %add3A_1359 = arith.addf %add3A_1349, %get3A_1358 : vector<16xf32>
        %mul3A_1360 = arith.constant 10 : i32
        %mul3A_1361 = arith.muli %scan3A_574, %mul3A_1360 : i32
        %add3A_1362 = arith.constant 8 : i32
        %add3A_1363 = arith.addi %add3A_1362, %mul3A_1361 : i32
        %add3A_1364 = arith.constant 2 : i32
        %add3A_1365 = arith.addi %add3A_1363, %add3A_1364 : i32
        %get3A_1366 = arith.index_cast %add3A_1365 : i32 to index
        %get3A_1367 = arith.constant 112 : index
        %get3A_1368 = tpu.vector_load %arg9[%get3A_1366, %get3A_1367] {strides = array<i32>} : memref<88x128xf32, #tpu.memory_space<vmem>>, vector<16xf32>,
        %add3A_1369 = arith.addf %add3A_1359, %get3A_1368 : vector<16xf32>
        %mul3A_1370 = arith.constant 10 : i32
        %mul3A_1371 = arith.muli %scan3A_574, %mul3A_1370 : i32
        %add3A_1372 = arith.constant 8 : i32
        %add3A_1373 = arith.addi %add3A_1372, %mul3A_1371 : i32
        %add3A_1374 = arith.constant 3 : i32
        %add3A_1375 = arith.addi %add3A_1373, %add3A_1374 : i32
        %get3A_1376 = arith.index_cast %add3A_1375 : i32 to index
        %get3A_1377 = arith.constant 112 : index
        %get3A_1378 = tpu.vector_load %arg9[%get3A_1376, %get3A_1377] {strides = array<i32>} : memref<88x128xf32, #tpu.memory_space<vmem>>, vector<16xf32>,
        %add3A_1379 = arith.addf %add3A_1369, %get3A_1378 : vector<16xf32>
        %mul3A_1380 = arith.constant 10 : i32
        %mul3A_1381 = arith.muli %scan3A_574, %mul3A_1380 : i32
        %add3A_1382 = arith.constant 8 : i32
        %add3A_1383 = arith.addi %add3A_1382, %mul3A_1381 : i32
        %add3A_1384 = arith.constant 4 : i32
        %add3A_1385 = arith.addi %add3A_1383, %add3A_1384 : i32
        %get3A_1386 = arith.index_cast %add3A_1385 : i32 to index
        %get3A_1387 = arith.constant 112 : index
        %get3A_1388 = tpu.vector_load %arg9[%get3A_1386, %get3A_1387] {strides = array<i32>} : memref<88x128xf32, #tpu.memory_space<vmem>>, vector<16xf32>,
        %add3A_1389 = arith.addf %add3A_1379, %get3A_1388 : vector<16xf32>
        %mul3A_1390 = arith.constant 10 : i32
        %mul3A_1391 = arith.muli %scan3A_574, %mul3A_1390 : i32
        %add3A_1392 = arith.constant 8 : i32
        %add3A_1393 = arith.addi %add3A_1392, %mul3A_1391 : i32
        %add3A_1394 = arith.constant 5 : i32
        %add3A_1395 = arith.addi %add3A_1393, %add3A_1394 : i32
        %get3A_1396 = arith.index_cast %add3A_1395 : i32 to index
        %get3A_1397 = arith.constant 112 : index
        %get3A_1398 = tpu.vector_load %arg9[%get3A_1396, %get3A_1397] {strides = array<i32>} : memref<88x128xf32, #tpu.memory_space<vmem>>, vector<16xf32>,
        %add3A_1399 = arith.addf %add3A_1389, %get3A_1398 : vector<16xf32>
        %mul3A_1400 = arith.constant 10 : i32
        %mul3A_1401 = arith.muli %scan3A_574, %mul3A_1400 : i32
        %add3A_1402 = arith.constant 8 : i32
        %add3A_1403 = arith.addi %add3A_1402, %mul3A_1401 : i32
        %add3A_1404 = arith.constant 6 : i32
        %add3A_1405 = arith.addi %add3A_1403, %add3A_1404 : i32
        %get3A_1406 = arith.index_cast %add3A_1405 : i32 to index
        %get3A_1407 = arith.constant 112 : index
        %get3A_1408 = tpu.vector_load %arg9[%get3A_1406, %get3A_1407] {strides = array<i32>} : memref<88x128xf32, #tpu.memory_space<vmem>>, vector<16xf32>,
        %add3A_1409 = arith.addf %add3A_1399, %get3A_1408 : vector<16xf32>
        %mul3A_1410 = arith.constant 10 : i32
        %mul3A_1411 = arith.muli %scan3A_574, %mul3A_1410 : i32
        %add3A_1412 = arith.constant 8 : i32
        %add3A_1413 = arith.addi %add3A_1412, %mul3A_1411 : i32
        %add3A_1414 = arith.constant 7 : i32
        %add3A_1415 = arith.addi %add3A_1413, %add3A_1414 : i32
        %get3A_1416 = arith.index_cast %add3A_1415 : i32 to index
        %get3A_1417 = arith.constant 112 : index
        %get3A_1418 = tpu.vector_load %arg9[%get3A_1416, %get3A_1417] {strides = array<i32>} : memref<88x128xf32, #tpu.memory_space<vmem>>, vector<16xf32>,
        %add3A_1419 = arith.addf %add3A_1409, %get3A_1418 : vector<16xf32>
        %mul3A_1420 = arith.constant 10 : i32
        %mul3A_1421 = arith.muli %scan3A_574, %mul3A_1420 : i32
        %add3A_1422 = arith.constant 8 : i32
        %add3A_1423 = arith.addi %add3A_1422, %mul3A_1421 : i32
        %add3A_1424 = arith.constant 8 : i32
        %add3A_1425 = arith.addi %add3A_1423, %add3A_1424 : i32
        %get3A_1426 = arith.index_cast %add3A_1425 : i32 to index
        %get3A_1427 = arith.constant 112 : index
        %get3A_1428 = tpu.vector_load %arg9[%get3A_1426, %get3A_1427] {strides = array<i32>} : memref<88x128xf32, #tpu.memory_space<vmem>>, vector<16xf32>,
        %add3A_1429 = arith.addf %add3A_1419, %get3A_1428 : vector<16xf32>
        %mul3A_1430 = arith.constant 10 : i32
        %mul3A_1431 = arith.muli %scan3A_574, %mul3A_1430 : i32
        %add3A_1432 = arith.constant 8 : i32
        %add3A_1433 = arith.addi %add3A_1432, %mul3A_1431 : i32
        %add3A_1434 = arith.constant 9 : i32
        %add3A_1435 = arith.addi %add3A_1433, %add3A_1434 : i32
        %get3A_1436 = arith.index_cast %add3A_1435 : i32 to index
        %get3A_1437 = arith.constant 112 : index
        %get3A_1438 = tpu.vector_load %arg9[%get3A_1436, %get3A_1437] {strides = array<i32>} : memref<88x128xf32, #tpu.memory_space<vmem>>, vector<16xf32>,
        %add3A_1439 = arith.addf %add3A_1429, %get3A_1438 : vector<16xf32>
        %mul3A_1440 = arith.constant 0.0909090936 : f32
        %mul3A_1441 = vector.broadcast %mul3A_1440 : f32 to vector<16xf32>
        %mul3A_1442 = arith.mulf %add3A_1439, %mul3A_1441 : vector<16xf32>
        %pack3A_1443 = tpu.pack_subelements %mul3A_1336, %mul3A_1442 {pack_format = #tpu.pack_format<interleaved>, positions = array<i32: 0, 1>} : vector<16xf32>, vector<16xf32> -> vector<32xbf16>
        %bitcast3A_1444 = vector.bitcast %pack3A_1443 : vector<32xbf16> to vector<16xf32>
        %mul3A_1445 = arith.constant 8 : i32
        %mul3A_1446 = arith.muli %add3A_413, %mul3A_1445 : i32
        %add3A_1447 = arith.addi %mul3A_1446, %scan3A_574 : i32
        %swap3A_1448 = arith.index_cast %add3A_1447 : i32 to index
        %swap3A_1449 = arith.constant 48 : index
        %swap3A_1450 = tpu.vector_load %arg19[%swap3A_1448, %swap3A_1449] {strides = array<i32>} : memref<320x64xf32, #tpu.memory_space<vmem>>, vector<16xf32>,
        tpu.vector_store %arg19[%swap3A_1448, %swap3A_1449], %bitcast3A_1444 {strides = array<i32>} : memref<320x64xf32, #tpu.memory_space<vmem>>, vector<16xf32>,
      }
      %scan3A_419 = arith.constant 8 : i32
      %mul3A_420 = arith.constant 8 : i32
      %mul3A_421 = arith.muli %add3A_413, %mul3A_420 : i32
      %mul3A_422 = arith.constant 8 : i32
      %mul3A_423 = arith.muli %add3A_413, %mul3A_422 : i32
      %add3A_424 = arith.addi %mul3A_2, %mul3A_423 : i32
      %dma_start3A_425 = arith.constant 0 : i32
      %dma_start3A_426 = tpu.memref_slice %arg19[%mul3A_421, %dma_start3A_425] : memref<320x64xf32, #tpu.memory_space<vmem>> -> memref<8x64xf32, #tpu.memory_space<vmem>>
      %dma_start3A_427 = arith.constant 0 : i32
      %dma_start3A_428 = tpu.memref_slice %arg5[%add3A_424, %dma_start3A_427] : memref<10240x64xf32, #tpu.memory_space<hbm>> -> memref<8x64xf32, #tpu.memory_space<hbm>>
      %dma_start3A_429 = arith.constant 0 : i32
      %dma_start3A_430 = tpu.memref_slice %arg5[%add3A_424, %dma_start3A_429] : memref<10240x64xf32, #tpu.memory_space<hbm>> -> memref<8x64xf32, #tpu.memory_space<hbm>>
      %dma_start3A_431 = arith.constant 0 : i32
      %dma_start3A_432 = tpu.memref_slice %arg19[%mul3A_421, %dma_start3A_431] : memref<320x64xf32, #tpu.memory_space<vmem>> -> memref<8x64xf32, #tpu.memory_space<vmem>>
      tpu.enqueue_dma source(%dma_start3A_432 : memref<8x64xf32, #tpu.memory_space<vmem>>) target(%dma_start3A_430 : memref<8x64xf32, #tpu.memory_space<hbm>>) target_semaphore(%arg20 : memref<!tpu.dma_semaphore, #tpu.memory_space<semaphore_mem>>)
      %add3A_433 = arith.constant 5 : i32
      %add3A_434 = arith.addi %mul3A_382, %add3A_433 : i32
      %add3A_435 = arith.constant 0 : i32
      %add3A_436 = arith.addi %add3A_434, %add3A_435 : i32
      %lt3A = arith.constant 40 : i32
      %lt3A_437 = arith.cmpi slt, %add3A_436, %lt3A : i32
      %convert_element_type3A = arith.extui %lt3A_437 : i1 to i32
      %cond3A = arith.constant 0 : i32
      %cond3A_438 = arith.cmpi ne, %convert_element_type3A, %cond3A : i32
      scf.if %cond3A_438 {
        %add3A_574 = arith.constant 5 : i32
        %add3A_575 = arith.addi %mul3A_382, %add3A_574 : i32
        %add3A_576 = arith.constant 0 : i32
        %add3A_577 = arith.addi %add3A_575, %add3A_576 : i32
        %mul3A_578 = arith.constant 8 : i32
        %mul3A_579 = arith.muli %add3A_577, %mul3A_578 : i32
        %dma_start3A_580 = arith.constant 0 : i32
        %dma_start3A_581 = arith.constant 0 : i32
        %dma_start3A_582 = tpu.memref_slice %arg9[%dma_start3A_580, %dma_start3A_581] : memref<88x128xf32, #tpu.memory_space<vmem>> -> memref<8x128xf32, #tpu.memory_space<vmem>>
        %dma_start3A_583 = tpu.memref_slice %arg6[%mul3A_579] : memref<320xi32, #tpu.memory_space<vmem>> -> memref<8xi32, #tpu.memory_space<vmem>>
        %dma_start3A_584 = arith.constant 0 : i32
        %dma_start3A_585 = arith.constant 0 : i32
        %dma_start3A_586 = tpu.memref_slice %arg4[%dma_start3A_584, %dma_start3A_585] : memref<100000x128xf32, #tpu.memory_space<hbm>> -> memref<100000x128xf32, #tpu.memory_space<hbm>>
        tpu.enqueue_indirect_dma source(%dma_start3A_586 : memref<100000x128xf32, #tpu.memory_space<hbm>>) target(%dma_start3A_582 : memref<8x128xf32, #tpu.memory_space<vmem>>) offsets(%dma_start3A_583 : memref<8xi32, #tpu.memory_space<vmem>>) semaphore(%arg14 : memref<!tpu.dma_semaphore, #tpu.memory_space<semaphore_mem>>)
        %mul3A_587 = arith.constant 8 : i32
        %mul3A_588 = arith.muli %add3A_577, %mul3A_587 : i32
        %mul3A_589 = arith.constant 10 : i32
        %mul3A_590 = arith.muli %mul3A_588, %mul3A_589 : i32
        %dma_start3A_591 = arith.constant 8 : i32
        %dma_start3A_592 = arith.constant 0 : i32
        %dma_start3A_593 = tpu.memref_slice %arg9[%dma_start3A_591, %dma_start3A_592] : memref<88x128xf32, #tpu.memory_space<vmem>> -> memref<80x128xf32, #tpu.memory_space<vmem>>
        %dma_start3A_594 = tpu.memref_slice %arg8[%mul3A_590] : memref<3200xi32, #tpu.memory_space<vmem>> -> memref<80xi32, #tpu.memory_space<vmem>>
        %dma_start3A_595 = arith.constant 0 : i32
        %dma_start3A_596 = arith.constant 0 : i32
        %dma_start3A_597 = tpu.memref_slice %arg4[%dma_start3A_595, %dma_start3A_596] : memref<100000x128xf32, #tpu.memory_space<hbm>> -> memref<100000x128xf32, #tpu.memory_space<hbm>>
        tpu.enqueue_indirect_dma source(%dma_start3A_597 : memref<100000x128xf32, #tpu.memory_space<hbm>>) target(%dma_start3A_593 : memref<80x128xf32, #tpu.memory_space<vmem>>) offsets(%dma_start3A_594 : memref<80xi32, #tpu.memory_space<vmem>>) semaphore(%arg14 : memref<!tpu.dma_semaphore, #tpu.memory_space<semaphore_mem>>)
      } else {
      }
      %dma_wait3A_439 = arith.constant 0 : i32
      %dma_wait3A_440 = arith.constant 0 : i32
      %dma_wait3A_441 = tpu.memref_slice %arg4[%dma_wait3A_439, %dma_wait3A_440] : memref<100000x128xf32, #tpu.memory_space<hbm>> -> memref<88x128xf32, #tpu.memory_space<hbm>>
      %dma_wait3A_442 = arith.constant 0 : i32
      %dma_wait3A_443 = arith.constant 0 : i32
      %dma_wait3A_444 = tpu.memref_slice %arg4[%dma_wait3A_442, %dma_wait3A_443] : memref<100000x128xf32, #tpu.memory_space<hbm>> -> memref<88x128xf32, #tpu.memory_space<hbm>>
      tpu.wait_dma2 semaphore(%arg15 : memref<!tpu.dma_semaphore, #tpu.memory_space<semaphore_mem>>) src(%dma_wait3A_444 : memref<88x128xf32, #tpu.memory_space<hbm>>) dst(%arg10 : memref<88x128xf32, #tpu.memory_space<vmem>>)
      %add3A_445 = arith.constant 1 : i32
      %add3A_446 = arith.addi %mul3A_382, %add3A_445 : i32
      %scan3A_447 = arith.constant 0 : i32
      %scan3A_448 = arith.constant 0 : i32
      %scan3A_449 = arith.constant 8 : i32
      %scan3A_450 = arith.addi %scan3A_448, %scan3A_449 : i32
      %scan3A_451 = arith.constant 1 : i32
      scf.for %scan3A_574 = %scan3A_448 to %scan3A_450 step %scan3A_451  : i32 {
        %get3A = arith.index_cast %scan3A_574 : i32 to index
        %get3A_575 = arith.constant 0 : index
        %get3A_576 = tpu.vector_load %arg10[%get3A, %get3A_575] {strides = array<i32>} : memref<88x128xf32, #tpu.memory_space<vmem>>, vector<16xf32>,
        %mul3A_577 = arith.constant 10 : i32
        %mul3A_578 = arith.muli %scan3A_574, %mul3A_577 : i32
        %add3A_579 = arith.constant 8 : i32
        %add3A_580 = arith.addi %add3A_579, %mul3A_578 : i32
        %add3A_581 = arith.constant 0 : i32
        %add3A_582 = arith.addi %add3A_580, %add3A_581 : i32
        %get3A_583 = arith.index_cast %add3A_582 : i32 to index
        %get3A_584 = arith.constant 0 : index
        %get3A_585 = tpu.vector_load %arg10[%get3A_583, %get3A_584] {strides = array<i32>} : memref<88x128xf32, #tpu.memory_space<vmem>>, vector<16xf32>,
        %add3A_586 = arith.addf %get3A_576, %get3A_585 : vector<16xf32>
        %mul3A_587 = arith.constant 10 : i32
        %mul3A_588 = arith.muli %scan3A_574, %mul3A_587 : i32
        %add3A_589 = arith.constant 8 : i32
        %add3A_590 = arith.addi %add3A_589, %mul3A_588 : i32
        %add3A_591 = arith.constant 1 : i32
        %add3A_592 = arith.addi %add3A_590, %add3A_591 : i32
        %get3A_593 = arith.index_cast %add3A_592 : i32 to index
        %get3A_594 = arith.constant 0 : index
        %get3A_595 = tpu.vector_load %arg10[%get3A_593, %get3A_594] {strides = array<i32>} : memref<88x128xf32, #tpu.memory_space<vmem>>, vector<16xf32>,
        %add3A_596 = arith.addf %add3A_586, %get3A_595 : vector<16xf32>
        %mul3A_597 = arith.constant 10 : i32
        %mul3A_598 = arith.muli %scan3A_574, %mul3A_597 : i32
        %add3A_599 = arith.constant 8 : i32
        %add3A_600 = arith.addi %add3A_599, %mul3A_598 : i32
        %add3A_601 = arith.constant 2 : i32
        %add3A_602 = arith.addi %add3A_600, %add3A_601 : i32
        %get3A_603 = arith.index_cast %add3A_602 : i32 to index
        %get3A_604 = arith.constant 0 : index
        %get3A_605 = tpu.vector_load %arg10[%get3A_603, %get3A_604] {strides = array<i32>} : memref<88x128xf32, #tpu.memory_space<vmem>>, vector<16xf32>,
        %add3A_606 = arith.addf %add3A_596, %get3A_605 : vector<16xf32>
        %mul3A_607 = arith.constant 10 : i32
        %mul3A_608 = arith.muli %scan3A_574, %mul3A_607 : i32
        %add3A_609 = arith.constant 8 : i32
        %add3A_610 = arith.addi %add3A_609, %mul3A_608 : i32
        %add3A_611 = arith.constant 3 : i32
        %add3A_612 = arith.addi %add3A_610, %add3A_611 : i32
        %get3A_613 = arith.index_cast %add3A_612 : i32 to index
        %get3A_614 = arith.constant 0 : index
        %get3A_615 = tpu.vector_load %arg10[%get3A_613, %get3A_614] {strides = array<i32>} : memref<88x128xf32, #tpu.memory_space<vmem>>, vector<16xf32>,
        %add3A_616 = arith.addf %add3A_606, %get3A_615 : vector<16xf32>
        %mul3A_617 = arith.constant 10 : i32
        %mul3A_618 = arith.muli %scan3A_574, %mul3A_617 : i32
        %add3A_619 = arith.constant 8 : i32
        %add3A_620 = arith.addi %add3A_619, %mul3A_618 : i32
        %add3A_621 = arith.constant 4 : i32
        %add3A_622 = arith.addi %add3A_620, %add3A_621 : i32
        %get3A_623 = arith.index_cast %add3A_622 : i32 to index
        %get3A_624 = arith.constant 0 : index
        %get3A_625 = tpu.vector_load %arg10[%get3A_623, %get3A_624] {strides = array<i32>} : memref<88x128xf32, #tpu.memory_space<vmem>>, vector<16xf32>,
        %add3A_626 = arith.addf %add3A_616, %get3A_625 : vector<16xf32>
        %mul3A_627 = arith.constant 10 : i32
        %mul3A_628 = arith.muli %scan3A_574, %mul3A_627 : i32
        %add3A_629 = arith.constant 8 : i32
        %add3A_630 = arith.addi %add3A_629, %mul3A_628 : i32
        %add3A_631 = arith.constant 5 : i32
        %add3A_632 = arith.addi %add3A_630, %add3A_631 : i32
        %get3A_633 = arith.index_cast %add3A_632 : i32 to index
        %get3A_634 = arith.constant 0 : index
        %get3A_635 = tpu.vector_load %arg10[%get3A_633, %get3A_634] {strides = array<i32>} : memref<88x128xf32, #tpu.memory_space<vmem>>, vector<16xf32>,
        %add3A_636 = arith.addf %add3A_626, %get3A_635 : vector<16xf32>
        %mul3A_637 = arith.constant 10 : i32
        %mul3A_638 = arith.muli %scan3A_574, %mul3A_637 : i32
        %add3A_639 = arith.constant 8 : i32
        %add3A_640 = arith.addi %add3A_639, %mul3A_638 : i32
        %add3A_641 = arith.constant 6 : i32
        %add3A_642 = arith.addi %add3A_640, %add3A_641 : i32
        %get3A_643 = arith.index_cast %add3A_642 : i32 to index
        %get3A_644 = arith.constant 0 : index
        %get3A_645 = tpu.vector_load %arg10[%get3A_643, %get3A_644] {strides = array<i32>} : memref<88x128xf32, #tpu.memory_space<vmem>>, vector<16xf32>,
        %add3A_646 = arith.addf %add3A_636, %get3A_645 : vector<16xf32>
        %mul3A_647 = arith.constant 10 : i32
        %mul3A_648 = arith.muli %scan3A_574, %mul3A_647 : i32
        %add3A_649 = arith.constant 8 : i32
        %add3A_650 = arith.addi %add3A_649, %mul3A_648 : i32
        %add3A_651 = arith.constant 7 : i32
        %add3A_652 = arith.addi %add3A_650, %add3A_651 : i32
        %get3A_653 = arith.index_cast %add3A_652 : i32 to index
        %get3A_654 = arith.constant 0 : index
        %get3A_655 = tpu.vector_load %arg10[%get3A_653, %get3A_654] {strides = array<i32>} : memref<88x128xf32, #tpu.memory_space<vmem>>, vector<16xf32>,
        %add3A_656 = arith.addf %add3A_646, %get3A_655 : vector<16xf32>
        %mul3A_657 = arith.constant 10 : i32
        %mul3A_658 = arith.muli %scan3A_574, %mul3A_657 : i32
        %add3A_659 = arith.constant 8 : i32
        %add3A_660 = arith.addi %add3A_659, %mul3A_658 : i32
        %add3A_661 = arith.constant 8 : i32
        %add3A_662 = arith.addi %add3A_660, %add3A_661 : i32
        %get3A_663 = arith.index_cast %add3A_662 : i32 to index
        %get3A_664 = arith.constant 0 : index
        %get3A_665 = tpu.vector_load %arg10[%get3A_663, %get3A_664] {strides = array<i32>} : memref<88x128xf32, #tpu.memory_space<vmem>>, vector<16xf32>,
        %add3A_666 = arith.addf %add3A_656, %get3A_665 : vector<16xf32>
        %mul3A_667 = arith.constant 10 : i32
        %mul3A_668 = arith.muli %scan3A_574, %mul3A_667 : i32
        %add3A_669 = arith.constant 8 : i32
        %add3A_670 = arith.addi %add3A_669, %mul3A_668 : i32
        %add3A_671 = arith.constant 9 : i32
        %add3A_672 = arith.addi %add3A_670, %add3A_671 : i32
        %get3A_673 = arith.index_cast %add3A_672 : i32 to index
        %get3A_674 = arith.constant 0 : index
        %get3A_675 = tpu.vector_load %arg10[%get3A_673, %get3A_674] {strides = array<i32>} : memref<88x128xf32, #tpu.memory_space<vmem>>, vector<16xf32>,
        %add3A_676 = arith.addf %add3A_666, %get3A_675 : vector<16xf32>
        %mul3A_677 = arith.constant 0.0909090936 : f32
        %mul3A_678 = vector.broadcast %mul3A_677 : f32 to vector<16xf32>
        %mul3A_679 = arith.mulf %add3A_676, %mul3A_678 : vector<16xf32>
        %get3A_680 = arith.index_cast %scan3A_574 : i32 to index
        %get3A_681 = arith.constant 16 : index
        %get3A_682 = tpu.vector_load %arg10[%get3A_680, %get3A_681] {strides = array<i32>} : memref<88x128xf32, #tpu.memory_space<vmem>>, vector<16xf32>,
        %mul3A_683 = arith.constant 10 : i32
        %mul3A_684 = arith.muli %scan3A_574, %mul3A_683 : i32
        %add3A_685 = arith.constant 8 : i32
        %add3A_686 = arith.addi %add3A_685, %mul3A_684 : i32
        %add3A_687 = arith.constant 0 : i32
        %add3A_688 = arith.addi %add3A_686, %add3A_687 : i32
        %get3A_689 = arith.index_cast %add3A_688 : i32 to index
        %get3A_690 = arith.constant 16 : index
        %get3A_691 = tpu.vector_load %arg10[%get3A_689, %get3A_690] {strides = array<i32>} : memref<88x128xf32, #tpu.memory_space<vmem>>, vector<16xf32>,
        %add3A_692 = arith.addf %get3A_682, %get3A_691 : vector<16xf32>
        %mul3A_693 = arith.constant 10 : i32
        %mul3A_694 = arith.muli %scan3A_574, %mul3A_693 : i32
        %add3A_695 = arith.constant 8 : i32
        %add3A_696 = arith.addi %add3A_695, %mul3A_694 : i32
        %add3A_697 = arith.constant 1 : i32
        %add3A_698 = arith.addi %add3A_696, %add3A_697 : i32
        %get3A_699 = arith.index_cast %add3A_698 : i32 to index
        %get3A_700 = arith.constant 16 : index
        %get3A_701 = tpu.vector_load %arg10[%get3A_699, %get3A_700] {strides = array<i32>} : memref<88x128xf32, #tpu.memory_space<vmem>>, vector<16xf32>,
        %add3A_702 = arith.addf %add3A_692, %get3A_701 : vector<16xf32>
        %mul3A_703 = arith.constant 10 : i32
        %mul3A_704 = arith.muli %scan3A_574, %mul3A_703 : i32
        %add3A_705 = arith.constant 8 : i32
        %add3A_706 = arith.addi %add3A_705, %mul3A_704 : i32
        %add3A_707 = arith.constant 2 : i32
        %add3A_708 = arith.addi %add3A_706, %add3A_707 : i32
        %get3A_709 = arith.index_cast %add3A_708 : i32 to index
        %get3A_710 = arith.constant 16 : index
        %get3A_711 = tpu.vector_load %arg10[%get3A_709, %get3A_710] {strides = array<i32>} : memref<88x128xf32, #tpu.memory_space<vmem>>, vector<16xf32>,
        %add3A_712 = arith.addf %add3A_702, %get3A_711 : vector<16xf32>
        %mul3A_713 = arith.constant 10 : i32
        %mul3A_714 = arith.muli %scan3A_574, %mul3A_713 : i32
        %add3A_715 = arith.constant 8 : i32
        %add3A_716 = arith.addi %add3A_715, %mul3A_714 : i32
        %add3A_717 = arith.constant 3 : i32
        %add3A_718 = arith.addi %add3A_716, %add3A_717 : i32
        %get3A_719 = arith.index_cast %add3A_718 : i32 to index
        %get3A_720 = arith.constant 16 : index
        %get3A_721 = tpu.vector_load %arg10[%get3A_719, %get3A_720] {strides = array<i32>} : memref<88x128xf32, #tpu.memory_space<vmem>>, vector<16xf32>,
        %add3A_722 = arith.addf %add3A_712, %get3A_721 : vector<16xf32>
        %mul3A_723 = arith.constant 10 : i32
        %mul3A_724 = arith.muli %scan3A_574, %mul3A_723 : i32
        %add3A_725 = arith.constant 8 : i32
        %add3A_726 = arith.addi %add3A_725, %mul3A_724 : i32
        %add3A_727 = arith.constant 4 : i32
        %add3A_728 = arith.addi %add3A_726, %add3A_727 : i32
        %get3A_729 = arith.index_cast %add3A_728 : i32 to index
        %get3A_730 = arith.constant 16 : index
        %get3A_731 = tpu.vector_load %arg10[%get3A_729, %get3A_730] {strides = array<i32>} : memref<88x128xf32, #tpu.memory_space<vmem>>, vector<16xf32>,
        %add3A_732 = arith.addf %add3A_722, %get3A_731 : vector<16xf32>
        %mul3A_733 = arith.constant 10 : i32
        %mul3A_734 = arith.muli %scan3A_574, %mul3A_733 : i32
        %add3A_735 = arith.constant 8 : i32
        %add3A_736 = arith.addi %add3A_735, %mul3A_734 : i32
        %add3A_737 = arith.constant 5 : i32
        %add3A_738 = arith.addi %add3A_736, %add3A_737 : i32
        %get3A_739 = arith.index_cast %add3A_738 : i32 to index
        %get3A_740 = arith.constant 16 : index
        %get3A_741 = tpu.vector_load %arg10[%get3A_739, %get3A_740] {strides = array<i32>} : memref<88x128xf32, #tpu.memory_space<vmem>>, vector<16xf32>,
        %add3A_742 = arith.addf %add3A_732, %get3A_741 : vector<16xf32>
        %mul3A_743 = arith.constant 10 : i32
        %mul3A_744 = arith.muli %scan3A_574, %mul3A_743 : i32
        %add3A_745 = arith.constant 8 : i32
        %add3A_746 = arith.addi %add3A_745, %mul3A_744 : i32
        %add3A_747 = arith.constant 6 : i32
        %add3A_748 = arith.addi %add3A_746, %add3A_747 : i32
        %get3A_749 = arith.index_cast %add3A_748 : i32 to index
        %get3A_750 = arith.constant 16 : index
        %get3A_751 = tpu.vector_load %arg10[%get3A_749, %get3A_750] {strides = array<i32>} : memref<88x128xf32, #tpu.memory_space<vmem>>, vector<16xf32>,
        %add3A_752 = arith.addf %add3A_742, %get3A_751 : vector<16xf32>
        %mul3A_753 = arith.constant 10 : i32
        %mul3A_754 = arith.muli %scan3A_574, %mul3A_753 : i32
        %add3A_755 = arith.constant 8 : i32
        %add3A_756 = arith.addi %add3A_755, %mul3A_754 : i32
        %add3A_757 = arith.constant 7 : i32
        %add3A_758 = arith.addi %add3A_756, %add3A_757 : i32
        %get3A_759 = arith.index_cast %add3A_758 : i32 to index
        %get3A_760 = arith.constant 16 : index
        %get3A_761 = tpu.vector_load %arg10[%get3A_759, %get3A_760] {strides = array<i32>} : memref<88x128xf32, #tpu.memory_space<vmem>>, vector<16xf32>,
        %add3A_762 = arith.addf %add3A_752, %get3A_761 : vector<16xf32>
        %mul3A_763 = arith.constant 10 : i32
        %mul3A_764 = arith.muli %scan3A_574, %mul3A_763 : i32
        %add3A_765 = arith.constant 8 : i32
        %add3A_766 = arith.addi %add3A_765, %mul3A_764 : i32
        %add3A_767 = arith.constant 8 : i32
        %add3A_768 = arith.addi %add3A_766, %add3A_767 : i32
        %get3A_769 = arith.index_cast %add3A_768 : i32 to index
        %get3A_770 = arith.constant 16 : index
        %get3A_771 = tpu.vector_load %arg10[%get3A_769, %get3A_770] {strides = array<i32>} : memref<88x128xf32, #tpu.memory_space<vmem>>, vector<16xf32>,
        %add3A_772 = arith.addf %add3A_762, %get3A_771 : vector<16xf32>
        %mul3A_773 = arith.constant 10 : i32
        %mul3A_774 = arith.muli %scan3A_574, %mul3A_773 : i32
        %add3A_775 = arith.constant 8 : i32
        %add3A_776 = arith.addi %add3A_775, %mul3A_774 : i32
        %add3A_777 = arith.constant 9 : i32
        %add3A_778 = arith.addi %add3A_776, %add3A_777 : i32
        %get3A_779 = arith.index_cast %add3A_778 : i32 to index
        %get3A_780 = arith.constant 16 : index
        %get3A_781 = tpu.vector_load %arg10[%get3A_779, %get3A_780] {strides = array<i32>} : memref<88x128xf32, #tpu.memory_space<vmem>>, vector<16xf32>,
        %add3A_782 = arith.addf %add3A_772, %get3A_781 : vector<16xf32>
        %mul3A_783 = arith.constant 0.0909090936 : f32
        %mul3A_784 = vector.broadcast %mul3A_783 : f32 to vector<16xf32>
        %mul3A_785 = arith.mulf %add3A_782, %mul3A_784 : vector<16xf32>
        %pack3A = tpu.pack_subelements %mul3A_679, %mul3A_785 {pack_format = #tpu.pack_format<interleaved>, positions = array<i32: 0, 1>} : vector<16xf32>, vector<16xf32> -> vector<32xbf16>
        %bitcast3A = vector.bitcast %pack3A : vector<32xbf16> to vector<16xf32>
        %mul3A_786 = arith.constant 8 : i32
        %mul3A_787 = arith.muli %add3A_446, %mul3A_786 : i32
        %add3A_788 = arith.addi %mul3A_787, %scan3A_574 : i32
        %swap3A = arith.index_cast %add3A_788 : i32 to index
        %swap3A_789 = arith.constant 0 : index
        %swap3A_790 = tpu.vector_load %arg19[%swap3A, %swap3A_789] {strides = array<i32>} : memref<320x64xf32, #tpu.memory_space<vmem>>, vector<16xf32>,
        tpu.vector_store %arg19[%swap3A, %swap3A_789], %bitcast3A {strides = array<i32>} : memref<320x64xf32, #tpu.memory_space<vmem>>, vector<16xf32>,
        %get3A_791 = arith.index_cast %scan3A_574 : i32 to index
        %get3A_792 = arith.constant 32 : index
        %get3A_793 = tpu.vector_load %arg10[%get3A_791, %get3A_792] {strides = array<i32>} : memref<88x128xf32, #tpu.memory_space<vmem>>, vector<16xf32>,
        %mul3A_794 = arith.constant 10 : i32
        %mul3A_795 = arith.muli %scan3A_574, %mul3A_794 : i32
        %add3A_796 = arith.constant 8 : i32
        %add3A_797 = arith.addi %add3A_796, %mul3A_795 : i32
        %add3A_798 = arith.constant 0 : i32
        %add3A_799 = arith.addi %add3A_797, %add3A_798 : i32
        %get3A_800 = arith.index_cast %add3A_799 : i32 to index
        %get3A_801 = arith.constant 32 : index
        %get3A_802 = tpu.vector_load %arg10[%get3A_800, %get3A_801] {strides = array<i32>} : memref<88x128xf32, #tpu.memory_space<vmem>>, vector<16xf32>,
        %add3A_803 = arith.addf %get3A_793, %get3A_802 : vector<16xf32>
        %mul3A_804 = arith.constant 10 : i32
        %mul3A_805 = arith.muli %scan3A_574, %mul3A_804 : i32
        %add3A_806 = arith.constant 8 : i32
        %add3A_807 = arith.addi %add3A_806, %mul3A_805 : i32
        %add3A_808 = arith.constant 1 : i32
        %add3A_809 = arith.addi %add3A_807, %add3A_808 : i32
        %get3A_810 = arith.index_cast %add3A_809 : i32 to index
        %get3A_811 = arith.constant 32 : index
        %get3A_812 = tpu.vector_load %arg10[%get3A_810, %get3A_811] {strides = array<i32>} : memref<88x128xf32, #tpu.memory_space<vmem>>, vector<16xf32>,
        %add3A_813 = arith.addf %add3A_803, %get3A_812 : vector<16xf32>
        %mul3A_814 = arith.constant 10 : i32
        %mul3A_815 = arith.muli %scan3A_574, %mul3A_814 : i32
        %add3A_816 = arith.constant 8 : i32
        %add3A_817 = arith.addi %add3A_816, %mul3A_815 : i32
        %add3A_818 = arith.constant 2 : i32
        %add3A_819 = arith.addi %add3A_817, %add3A_818 : i32
        %get3A_820 = arith.index_cast %add3A_819 : i32 to index
        %get3A_821 = arith.constant 32 : index
        %get3A_822 = tpu.vector_load %arg10[%get3A_820, %get3A_821] {strides = array<i32>} : memref<88x128xf32, #tpu.memory_space<vmem>>, vector<16xf32>,
        %add3A_823 = arith.addf %add3A_813, %get3A_822 : vector<16xf32>
        %mul3A_824 = arith.constant 10 : i32
        %mul3A_825 = arith.muli %scan3A_574, %mul3A_824 : i32
        %add3A_826 = arith.constant 8 : i32
        %add3A_827 = arith.addi %add3A_826, %mul3A_825 : i32
        %add3A_828 = arith.constant 3 : i32
        %add3A_829 = arith.addi %add3A_827, %add3A_828 : i32
        %get3A_830 = arith.index_cast %add3A_829 : i32 to index
        %get3A_831 = arith.constant 32 : index
        %get3A_832 = tpu.vector_load %arg10[%get3A_830, %get3A_831] {strides = array<i32>} : memref<88x128xf32, #tpu.memory_space<vmem>>, vector<16xf32>,
        %add3A_833 = arith.addf %add3A_823, %get3A_832 : vector<16xf32>
        %mul3A_834 = arith.constant 10 : i32
        %mul3A_835 = arith.muli %scan3A_574, %mul3A_834 : i32
        %add3A_836 = arith.constant 8 : i32
        %add3A_837 = arith.addi %add3A_836, %mul3A_835 : i32
        %add3A_838 = arith.constant 4 : i32
        %add3A_839 = arith.addi %add3A_837, %add3A_838 : i32
        %get3A_840 = arith.index_cast %add3A_839 : i32 to index
        %get3A_841 = arith.constant 32 : index
        %get3A_842 = tpu.vector_load %arg10[%get3A_840, %get3A_841] {strides = array<i32>} : memref<88x128xf32, #tpu.memory_space<vmem>>, vector<16xf32>,
        %add3A_843 = arith.addf %add3A_833, %get3A_842 : vector<16xf32>
        %mul3A_844 = arith.constant 10 : i32
        %mul3A_845 = arith.muli %scan3A_574, %mul3A_844 : i32
        %add3A_846 = arith.constant 8 : i32
        %add3A_847 = arith.addi %add3A_846, %mul3A_845 : i32
        %add3A_848 = arith.constant 5 : i32
        %add3A_849 = arith.addi %add3A_847, %add3A_848 : i32
        %get3A_850 = arith.index_cast %add3A_849 : i32 to index
        %get3A_851 = arith.constant 32 : index
        %get3A_852 = tpu.vector_load %arg10[%get3A_850, %get3A_851] {strides = array<i32>} : memref<88x128xf32, #tpu.memory_space<vmem>>, vector<16xf32>,
        %add3A_853 = arith.addf %add3A_843, %get3A_852 : vector<16xf32>
        %mul3A_854 = arith.constant 10 : i32
        %mul3A_855 = arith.muli %scan3A_574, %mul3A_854 : i32
        %add3A_856 = arith.constant 8 : i32
        %add3A_857 = arith.addi %add3A_856, %mul3A_855 : i32
        %add3A_858 = arith.constant 6 : i32
        %add3A_859 = arith.addi %add3A_857, %add3A_858 : i32
        %get3A_860 = arith.index_cast %add3A_859 : i32 to index
        %get3A_861 = arith.constant 32 : index
        %get3A_862 = tpu.vector_load %arg10[%get3A_860, %get3A_861] {strides = array<i32>} : memref<88x128xf32, #tpu.memory_space<vmem>>, vector<16xf32>,
        %add3A_863 = arith.addf %add3A_853, %get3A_862 : vector<16xf32>
        %mul3A_864 = arith.constant 10 : i32
        %mul3A_865 = arith.muli %scan3A_574, %mul3A_864 : i32
        %add3A_866 = arith.constant 8 : i32
        %add3A_867 = arith.addi %add3A_866, %mul3A_865 : i32
        %add3A_868 = arith.constant 7 : i32
        %add3A_869 = arith.addi %add3A_867, %add3A_868 : i32
        %get3A_870 = arith.index_cast %add3A_869 : i32 to index
        %get3A_871 = arith.constant 32 : index
        %get3A_872 = tpu.vector_load %arg10[%get3A_870, %get3A_871] {strides = array<i32>} : memref<88x128xf32, #tpu.memory_space<vmem>>, vector<16xf32>,
        %add3A_873 = arith.addf %add3A_863, %get3A_872 : vector<16xf32>
        %mul3A_874 = arith.constant 10 : i32
        %mul3A_875 = arith.muli %scan3A_574, %mul3A_874 : i32
        %add3A_876 = arith.constant 8 : i32
        %add3A_877 = arith.addi %add3A_876, %mul3A_875 : i32
        %add3A_878 = arith.constant 8 : i32
        %add3A_879 = arith.addi %add3A_877, %add3A_878 : i32
        %get3A_880 = arith.index_cast %add3A_879 : i32 to index
        %get3A_881 = arith.constant 32 : index
        %get3A_882 = tpu.vector_load %arg10[%get3A_880, %get3A_881] {strides = array<i32>} : memref<88x128xf32, #tpu.memory_space<vmem>>, vector<16xf32>,
        %add3A_883 = arith.addf %add3A_873, %get3A_882 : vector<16xf32>
        %mul3A_884 = arith.constant 10 : i32
        %mul3A_885 = arith.muli %scan3A_574, %mul3A_884 : i32
        %add3A_886 = arith.constant 8 : i32
        %add3A_887 = arith.addi %add3A_886, %mul3A_885 : i32
        %add3A_888 = arith.constant 9 : i32
        %add3A_889 = arith.addi %add3A_887, %add3A_888 : i32
        %get3A_890 = arith.index_cast %add3A_889 : i32 to index
        %get3A_891 = arith.constant 32 : index
        %get3A_892 = tpu.vector_load %arg10[%get3A_890, %get3A_891] {strides = array<i32>} : memref<88x128xf32, #tpu.memory_space<vmem>>, vector<16xf32>,
        %add3A_893 = arith.addf %add3A_883, %get3A_892 : vector<16xf32>
        %mul3A_894 = arith.constant 0.0909090936 : f32
        %mul3A_895 = vector.broadcast %mul3A_894 : f32 to vector<16xf32>
        %mul3A_896 = arith.mulf %add3A_893, %mul3A_895 : vector<16xf32>
        %get3A_897 = arith.index_cast %scan3A_574 : i32 to index
        %get3A_898 = arith.constant 48 : index
        %get3A_899 = tpu.vector_load %arg10[%get3A_897, %get3A_898] {strides = array<i32>} : memref<88x128xf32, #tpu.memory_space<vmem>>, vector<16xf32>,
        %mul3A_900 = arith.constant 10 : i32
        %mul3A_901 = arith.muli %scan3A_574, %mul3A_900 : i32
        %add3A_902 = arith.constant 8 : i32
        %add3A_903 = arith.addi %add3A_902, %mul3A_901 : i32
        %add3A_904 = arith.constant 0 : i32
        %add3A_905 = arith.addi %add3A_903, %add3A_904 : i32
        %get3A_906 = arith.index_cast %add3A_905 : i32 to index
        %get3A_907 = arith.constant 48 : index
        %get3A_908 = tpu.vector_load %arg10[%get3A_906, %get3A_907] {strides = array<i32>} : memref<88x128xf32, #tpu.memory_space<vmem>>, vector<16xf32>,
        %add3A_909 = arith.addf %get3A_899, %get3A_908 : vector<16xf32>
        %mul3A_910 = arith.constant 10 : i32
        %mul3A_911 = arith.muli %scan3A_574, %mul3A_910 : i32
        %add3A_912 = arith.constant 8 : i32
        %add3A_913 = arith.addi %add3A_912, %mul3A_911 : i32
        %add3A_914 = arith.constant 1 : i32
        %add3A_915 = arith.addi %add3A_913, %add3A_914 : i32
        %get3A_916 = arith.index_cast %add3A_915 : i32 to index
        %get3A_917 = arith.constant 48 : index
        %get3A_918 = tpu.vector_load %arg10[%get3A_916, %get3A_917] {strides = array<i32>} : memref<88x128xf32, #tpu.memory_space<vmem>>, vector<16xf32>,
        %add3A_919 = arith.addf %add3A_909, %get3A_918 : vector<16xf32>
        %mul3A_920 = arith.constant 10 : i32
        %mul3A_921 = arith.muli %scan3A_574, %mul3A_920 : i32
        %add3A_922 = arith.constant 8 : i32
        %add3A_923 = arith.addi %add3A_922, %mul3A_921 : i32
        %add3A_924 = arith.constant 2 : i32
        %add3A_925 = arith.addi %add3A_923, %add3A_924 : i32
        %get3A_926 = arith.index_cast %add3A_925 : i32 to index
        %get3A_927 = arith.constant 48 : index
        %get3A_928 = tpu.vector_load %arg10[%get3A_926, %get3A_927] {strides = array<i32>} : memref<88x128xf32, #tpu.memory_space<vmem>>, vector<16xf32>,
        %add3A_929 = arith.addf %add3A_919, %get3A_928 : vector<16xf32>
        %mul3A_930 = arith.constant 10 : i32
        %mul3A_931 = arith.muli %scan3A_574, %mul3A_930 : i32
        %add3A_932 = arith.constant 8 : i32
        %add3A_933 = arith.addi %add3A_932, %mul3A_931 : i32
        %add3A_934 = arith.constant 3 : i32
        %add3A_935 = arith.addi %add3A_933, %add3A_934 : i32
        %get3A_936 = arith.index_cast %add3A_935 : i32 to index
        %get3A_937 = arith.constant 48 : index
        %get3A_938 = tpu.vector_load %arg10[%get3A_936, %get3A_937] {strides = array<i32>} : memref<88x128xf32, #tpu.memory_space<vmem>>, vector<16xf32>,
        %add3A_939 = arith.addf %add3A_929, %get3A_938 : vector<16xf32>
        %mul3A_940 = arith.constant 10 : i32
        %mul3A_941 = arith.muli %scan3A_574, %mul3A_940 : i32
        %add3A_942 = arith.constant 8 : i32
        %add3A_943 = arith.addi %add3A_942, %mul3A_941 : i32
        %add3A_944 = arith.constant 4 : i32
        %add3A_945 = arith.addi %add3A_943, %add3A_944 : i32
        %get3A_946 = arith.index_cast %add3A_945 : i32 to index
        %get3A_947 = arith.constant 48 : index
        %get3A_948 = tpu.vector_load %arg10[%get3A_946, %get3A_947] {strides = array<i32>} : memref<88x128xf32, #tpu.memory_space<vmem>>, vector<16xf32>,
        %add3A_949 = arith.addf %add3A_939, %get3A_948 : vector<16xf32>
        %mul3A_950 = arith.constant 10 : i32
        %mul3A_951 = arith.muli %scan3A_574, %mul3A_950 : i32
        %add3A_952 = arith.constant 8 : i32
        %add3A_953 = arith.addi %add3A_952, %mul3A_951 : i32
        %add3A_954 = arith.constant 5 : i32
        %add3A_955 = arith.addi %add3A_953, %add3A_954 : i32
        %get3A_956 = arith.index_cast %add3A_955 : i32 to index
        %get3A_957 = arith.constant 48 : index
        %get3A_958 = tpu.vector_load %arg10[%get3A_956, %get3A_957] {strides = array<i32>} : memref<88x128xf32, #tpu.memory_space<vmem>>, vector<16xf32>,
        %add3A_959 = arith.addf %add3A_949, %get3A_958 : vector<16xf32>
        %mul3A_960 = arith.constant 10 : i32
        %mul3A_961 = arith.muli %scan3A_574, %mul3A_960 : i32
        %add3A_962 = arith.constant 8 : i32
        %add3A_963 = arith.addi %add3A_962, %mul3A_961 : i32
        %add3A_964 = arith.constant 6 : i32
        %add3A_965 = arith.addi %add3A_963, %add3A_964 : i32
        %get3A_966 = arith.index_cast %add3A_965 : i32 to index
        %get3A_967 = arith.constant 48 : index
        %get3A_968 = tpu.vector_load %arg10[%get3A_966, %get3A_967] {strides = array<i32>} : memref<88x128xf32, #tpu.memory_space<vmem>>, vector<16xf32>,
        %add3A_969 = arith.addf %add3A_959, %get3A_968 : vector<16xf32>
        %mul3A_970 = arith.constant 10 : i32
        %mul3A_971 = arith.muli %scan3A_574, %mul3A_970 : i32
        %add3A_972 = arith.constant 8 : i32
        %add3A_973 = arith.addi %add3A_972, %mul3A_971 : i32
        %add3A_974 = arith.constant 7 : i32
        %add3A_975 = arith.addi %add3A_973, %add3A_974 : i32
        %get3A_976 = arith.index_cast %add3A_975 : i32 to index
        %get3A_977 = arith.constant 48 : index
        %get3A_978 = tpu.vector_load %arg10[%get3A_976, %get3A_977] {strides = array<i32>} : memref<88x128xf32, #tpu.memory_space<vmem>>, vector<16xf32>,
        %add3A_979 = arith.addf %add3A_969, %get3A_978 : vector<16xf32>
        %mul3A_980 = arith.constant 10 : i32
        %mul3A_981 = arith.muli %scan3A_574, %mul3A_980 : i32
        %add3A_982 = arith.constant 8 : i32
        %add3A_983 = arith.addi %add3A_982, %mul3A_981 : i32
        %add3A_984 = arith.constant 8 : i32
        %add3A_985 = arith.addi %add3A_983, %add3A_984 : i32
        %get3A_986 = arith.index_cast %add3A_985 : i32 to index
        %get3A_987 = arith.constant 48 : index
        %get3A_988 = tpu.vector_load %arg10[%get3A_986, %get3A_987] {strides = array<i32>} : memref<88x128xf32, #tpu.memory_space<vmem>>, vector<16xf32>,
        %add3A_989 = arith.addf %add3A_979, %get3A_988 : vector<16xf32>
        %mul3A_990 = arith.constant 10 : i32
        %mul3A_991 = arith.muli %scan3A_574, %mul3A_990 : i32
        %add3A_992 = arith.constant 8 : i32
        %add3A_993 = arith.addi %add3A_992, %mul3A_991 : i32
        %add3A_994 = arith.constant 9 : i32
        %add3A_995 = arith.addi %add3A_993, %add3A_994 : i32
        %get3A_996 = arith.index_cast %add3A_995 : i32 to index
        %get3A_997 = arith.constant 48 : index
        %get3A_998 = tpu.vector_load %arg10[%get3A_996, %get3A_997] {strides = array<i32>} : memref<88x128xf32, #tpu.memory_space<vmem>>, vector<16xf32>,
        %add3A_999 = arith.addf %add3A_989, %get3A_998 : vector<16xf32>
        %mul3A_1000 = arith.constant 0.0909090936 : f32
        %mul3A_1001 = vector.broadcast %mul3A_1000 : f32 to vector<16xf32>
        %mul3A_1002 = arith.mulf %add3A_999, %mul3A_1001 : vector<16xf32>
        %pack3A_1003 = tpu.pack_subelements %mul3A_896, %mul3A_1002 {pack_format = #tpu.pack_format<interleaved>, positions = array<i32: 0, 1>} : vector<16xf32>, vector<16xf32> -> vector<32xbf16>
        %bitcast3A_1004 = vector.bitcast %pack3A_1003 : vector<32xbf16> to vector<16xf32>
        %mul3A_1005 = arith.constant 8 : i32
        %mul3A_1006 = arith.muli %add3A_446, %mul3A_1005 : i32
        %add3A_1007 = arith.addi %mul3A_1006, %scan3A_574 : i32
        %swap3A_1008 = arith.index_cast %add3A_1007 : i32 to index
        %swap3A_1009 = arith.constant 16 : index
        %swap3A_1010 = tpu.vector_load %arg19[%swap3A_1008, %swap3A_1009] {strides = array<i32>} : memref<320x64xf32, #tpu.memory_space<vmem>>, vector<16xf32>,
        tpu.vector_store %arg19[%swap3A_1008, %swap3A_1009], %bitcast3A_1004 {strides = array<i32>} : memref<320x64xf32, #tpu.memory_space<vmem>>, vector<16xf32>,
        %get3A_1011 = arith.index_cast %scan3A_574 : i32 to index
        %get3A_1012 = arith.constant 64 : index
        %get3A_1013 = tpu.vector_load %arg10[%get3A_1011, %get3A_1012] {strides = array<i32>} : memref<88x128xf32, #tpu.memory_space<vmem>>, vector<16xf32>,
        %mul3A_1014 = arith.constant 10 : i32
        %mul3A_1015 = arith.muli %scan3A_574, %mul3A_1014 : i32
        %add3A_1016 = arith.constant 8 : i32
        %add3A_1017 = arith.addi %add3A_1016, %mul3A_1015 : i32
        %add3A_1018 = arith.constant 0 : i32
        %add3A_1019 = arith.addi %add3A_1017, %add3A_1018 : i32
        %get3A_1020 = arith.index_cast %add3A_1019 : i32 to index
        %get3A_1021 = arith.constant 64 : index
        %get3A_1022 = tpu.vector_load %arg10[%get3A_1020, %get3A_1021] {strides = array<i32>} : memref<88x128xf32, #tpu.memory_space<vmem>>, vector<16xf32>,
        %add3A_1023 = arith.addf %get3A_1013, %get3A_1022 : vector<16xf32>
        %mul3A_1024 = arith.constant 10 : i32
        %mul3A_1025 = arith.muli %scan3A_574, %mul3A_1024 : i32
        %add3A_1026 = arith.constant 8 : i32
        %add3A_1027 = arith.addi %add3A_1026, %mul3A_1025 : i32
        %add3A_1028 = arith.constant 1 : i32
        %add3A_1029 = arith.addi %add3A_1027, %add3A_1028 : i32
        %get3A_1030 = arith.index_cast %add3A_1029 : i32 to index
        %get3A_1031 = arith.constant 64 : index
        %get3A_1032 = tpu.vector_load %arg10[%get3A_1030, %get3A_1031] {strides = array<i32>} : memref<88x128xf32, #tpu.memory_space<vmem>>, vector<16xf32>,
        %add3A_1033 = arith.addf %add3A_1023, %get3A_1032 : vector<16xf32>
        %mul3A_1034 = arith.constant 10 : i32
        %mul3A_1035 = arith.muli %scan3A_574, %mul3A_1034 : i32
        %add3A_1036 = arith.constant 8 : i32
        %add3A_1037 = arith.addi %add3A_1036, %mul3A_1035 : i32
        %add3A_1038 = arith.constant 2 : i32
        %add3A_1039 = arith.addi %add3A_1037, %add3A_1038 : i32
        %get3A_1040 = arith.index_cast %add3A_1039 : i32 to index
        %get3A_1041 = arith.constant 64 : index
        %get3A_1042 = tpu.vector_load %arg10[%get3A_1040, %get3A_1041] {strides = array<i32>} : memref<88x128xf32, #tpu.memory_space<vmem>>, vector<16xf32>,
        %add3A_1043 = arith.addf %add3A_1033, %get3A_1042 : vector<16xf32>
        %mul3A_1044 = arith.constant 10 : i32
        %mul3A_1045 = arith.muli %scan3A_574, %mul3A_1044 : i32
        %add3A_1046 = arith.constant 8 : i32
        %add3A_1047 = arith.addi %add3A_1046, %mul3A_1045 : i32
        %add3A_1048 = arith.constant 3 : i32
        %add3A_1049 = arith.addi %add3A_1047, %add3A_1048 : i32
        %get3A_1050 = arith.index_cast %add3A_1049 : i32 to index
        %get3A_1051 = arith.constant 64 : index
        %get3A_1052 = tpu.vector_load %arg10[%get3A_1050, %get3A_1051] {strides = array<i32>} : memref<88x128xf32, #tpu.memory_space<vmem>>, vector<16xf32>,
        %add3A_1053 = arith.addf %add3A_1043, %get3A_1052 : vector<16xf32>
        %mul3A_1054 = arith.constant 10 : i32
        %mul3A_1055 = arith.muli %scan3A_574, %mul3A_1054 : i32
        %add3A_1056 = arith.constant 8 : i32
        %add3A_1057 = arith.addi %add3A_1056, %mul3A_1055 : i32
        %add3A_1058 = arith.constant 4 : i32
        %add3A_1059 = arith.addi %add3A_1057, %add3A_1058 : i32
        %get3A_1060 = arith.index_cast %add3A_1059 : i32 to index
        %get3A_1061 = arith.constant 64 : index
        %get3A_1062 = tpu.vector_load %arg10[%get3A_1060, %get3A_1061] {strides = array<i32>} : memref<88x128xf32, #tpu.memory_space<vmem>>, vector<16xf32>,
        %add3A_1063 = arith.addf %add3A_1053, %get3A_1062 : vector<16xf32>
        %mul3A_1064 = arith.constant 10 : i32
        %mul3A_1065 = arith.muli %scan3A_574, %mul3A_1064 : i32
        %add3A_1066 = arith.constant 8 : i32
        %add3A_1067 = arith.addi %add3A_1066, %mul3A_1065 : i32
        %add3A_1068 = arith.constant 5 : i32
        %add3A_1069 = arith.addi %add3A_1067, %add3A_1068 : i32
        %get3A_1070 = arith.index_cast %add3A_1069 : i32 to index
        %get3A_1071 = arith.constant 64 : index
        %get3A_1072 = tpu.vector_load %arg10[%get3A_1070, %get3A_1071] {strides = array<i32>} : memref<88x128xf32, #tpu.memory_space<vmem>>, vector<16xf32>,
        %add3A_1073 = arith.addf %add3A_1063, %get3A_1072 : vector<16xf32>
        %mul3A_1074 = arith.constant 10 : i32
        %mul3A_1075 = arith.muli %scan3A_574, %mul3A_1074 : i32
        %add3A_1076 = arith.constant 8 : i32
        %add3A_1077 = arith.addi %add3A_1076, %mul3A_1075 : i32
        %add3A_1078 = arith.constant 6 : i32
        %add3A_1079 = arith.addi %add3A_1077, %add3A_1078 : i32
        %get3A_1080 = arith.index_cast %add3A_1079 : i32 to index
        %get3A_1081 = arith.constant 64 : index
        %get3A_1082 = tpu.vector_load %arg10[%get3A_1080, %get3A_1081] {strides = array<i32>} : memref<88x128xf32, #tpu.memory_space<vmem>>, vector<16xf32>,
        %add3A_1083 = arith.addf %add3A_1073, %get3A_1082 : vector<16xf32>
        %mul3A_1084 = arith.constant 10 : i32
        %mul3A_1085 = arith.muli %scan3A_574, %mul3A_1084 : i32
        %add3A_1086 = arith.constant 8 : i32
        %add3A_1087 = arith.addi %add3A_1086, %mul3A_1085 : i32
        %add3A_1088 = arith.constant 7 : i32
        %add3A_1089 = arith.addi %add3A_1087, %add3A_1088 : i32
        %get3A_1090 = arith.index_cast %add3A_1089 : i32 to index
        %get3A_1091 = arith.constant 64 : index
        %get3A_1092 = tpu.vector_load %arg10[%get3A_1090, %get3A_1091] {strides = array<i32>} : memref<88x128xf32, #tpu.memory_space<vmem>>, vector<16xf32>,
        %add3A_1093 = arith.addf %add3A_1083, %get3A_1092 : vector<16xf32>
        %mul3A_1094 = arith.constant 10 : i32
        %mul3A_1095 = arith.muli %scan3A_574, %mul3A_1094 : i32
        %add3A_1096 = arith.constant 8 : i32
        %add3A_1097 = arith.addi %add3A_1096, %mul3A_1095 : i32
        %add3A_1098 = arith.constant 8 : i32
        %add3A_1099 = arith.addi %add3A_1097, %add3A_1098 : i32
        %get3A_1100 = arith.index_cast %add3A_1099 : i32 to index
        %get3A_1101 = arith.constant 64 : index
        %get3A_1102 = tpu.vector_load %arg10[%get3A_1100, %get3A_1101] {strides = array<i32>} : memref<88x128xf32, #tpu.memory_space<vmem>>, vector<16xf32>,
        %add3A_1103 = arith.addf %add3A_1093, %get3A_1102 : vector<16xf32>
        %mul3A_1104 = arith.constant 10 : i32
        %mul3A_1105 = arith.muli %scan3A_574, %mul3A_1104 : i32
        %add3A_1106 = arith.constant 8 : i32
        %add3A_1107 = arith.addi %add3A_1106, %mul3A_1105 : i32
        %add3A_1108 = arith.constant 9 : i32
        %add3A_1109 = arith.addi %add3A_1107, %add3A_1108 : i32
        %get3A_1110 = arith.index_cast %add3A_1109 : i32 to index
        %get3A_1111 = arith.constant 64 : index
        %get3A_1112 = tpu.vector_load %arg10[%get3A_1110, %get3A_1111] {strides = array<i32>} : memref<88x128xf32, #tpu.memory_space<vmem>>, vector<16xf32>,
        %add3A_1113 = arith.addf %add3A_1103, %get3A_1112 : vector<16xf32>
        %mul3A_1114 = arith.constant 0.0909090936 : f32
        %mul3A_1115 = vector.broadcast %mul3A_1114 : f32 to vector<16xf32>
        %mul3A_1116 = arith.mulf %add3A_1113, %mul3A_1115 : vector<16xf32>
        %get3A_1117 = arith.index_cast %scan3A_574 : i32 to index
        %get3A_1118 = arith.constant 80 : index
        %get3A_1119 = tpu.vector_load %arg10[%get3A_1117, %get3A_1118] {strides = array<i32>} : memref<88x128xf32, #tpu.memory_space<vmem>>, vector<16xf32>,
        %mul3A_1120 = arith.constant 10 : i32
        %mul3A_1121 = arith.muli %scan3A_574, %mul3A_1120 : i32
        %add3A_1122 = arith.constant 8 : i32
        %add3A_1123 = arith.addi %add3A_1122, %mul3A_1121 : i32
        %add3A_1124 = arith.constant 0 : i32
        %add3A_1125 = arith.addi %add3A_1123, %add3A_1124 : i32
        %get3A_1126 = arith.index_cast %add3A_1125 : i32 to index
        %get3A_1127 = arith.constant 80 : index
        %get3A_1128 = tpu.vector_load %arg10[%get3A_1126, %get3A_1127] {strides = array<i32>} : memref<88x128xf32, #tpu.memory_space<vmem>>, vector<16xf32>,
        %add3A_1129 = arith.addf %get3A_1119, %get3A_1128 : vector<16xf32>
        %mul3A_1130 = arith.constant 10 : i32
        %mul3A_1131 = arith.muli %scan3A_574, %mul3A_1130 : i32
        %add3A_1132 = arith.constant 8 : i32
        %add3A_1133 = arith.addi %add3A_1132, %mul3A_1131 : i32
        %add3A_1134 = arith.constant 1 : i32
        %add3A_1135 = arith.addi %add3A_1133, %add3A_1134 : i32
        %get3A_1136 = arith.index_cast %add3A_1135 : i32 to index
        %get3A_1137 = arith.constant 80 : index
        %get3A_1138 = tpu.vector_load %arg10[%get3A_1136, %get3A_1137] {strides = array<i32>} : memref<88x128xf32, #tpu.memory_space<vmem>>, vector<16xf32>,
        %add3A_1139 = arith.addf %add3A_1129, %get3A_1138 : vector<16xf32>
        %mul3A_1140 = arith.constant 10 : i32
        %mul3A_1141 = arith.muli %scan3A_574, %mul3A_1140 : i32
        %add3A_1142 = arith.constant 8 : i32
        %add3A_1143 = arith.addi %add3A_1142, %mul3A_1141 : i32
        %add3A_1144 = arith.constant 2 : i32
        %add3A_1145 = arith.addi %add3A_1143, %add3A_1144 : i32
        %get3A_1146 = arith.index_cast %add3A_1145 : i32 to index
        %get3A_1147 = arith.constant 80 : index
        %get3A_1148 = tpu.vector_load %arg10[%get3A_1146, %get3A_1147] {strides = array<i32>} : memref<88x128xf32, #tpu.memory_space<vmem>>, vector<16xf32>,
        %add3A_1149 = arith.addf %add3A_1139, %get3A_1148 : vector<16xf32>
        %mul3A_1150 = arith.constant 10 : i32
        %mul3A_1151 = arith.muli %scan3A_574, %mul3A_1150 : i32
        %add3A_1152 = arith.constant 8 : i32
        %add3A_1153 = arith.addi %add3A_1152, %mul3A_1151 : i32
        %add3A_1154 = arith.constant 3 : i32
        %add3A_1155 = arith.addi %add3A_1153, %add3A_1154 : i32
        %get3A_1156 = arith.index_cast %add3A_1155 : i32 to index
        %get3A_1157 = arith.constant 80 : index
        %get3A_1158 = tpu.vector_load %arg10[%get3A_1156, %get3A_1157] {strides = array<i32>} : memref<88x128xf32, #tpu.memory_space<vmem>>, vector<16xf32>,
        %add3A_1159 = arith.addf %add3A_1149, %get3A_1158 : vector<16xf32>
        %mul3A_1160 = arith.constant 10 : i32
        %mul3A_1161 = arith.muli %scan3A_574, %mul3A_1160 : i32
        %add3A_1162 = arith.constant 8 : i32
        %add3A_1163 = arith.addi %add3A_1162, %mul3A_1161 : i32
        %add3A_1164 = arith.constant 4 : i32
        %add3A_1165 = arith.addi %add3A_1163, %add3A_1164 : i32
        %get3A_1166 = arith.index_cast %add3A_1165 : i32 to index
        %get3A_1167 = arith.constant 80 : index
        %get3A_1168 = tpu.vector_load %arg10[%get3A_1166, %get3A_1167] {strides = array<i32>} : memref<88x128xf32, #tpu.memory_space<vmem>>, vector<16xf32>,
        %add3A_1169 = arith.addf %add3A_1159, %get3A_1168 : vector<16xf32>
        %mul3A_1170 = arith.constant 10 : i32
        %mul3A_1171 = arith.muli %scan3A_574, %mul3A_1170 : i32
        %add3A_1172 = arith.constant 8 : i32
        %add3A_1173 = arith.addi %add3A_1172, %mul3A_1171 : i32
        %add3A_1174 = arith.constant 5 : i32
        %add3A_1175 = arith.addi %add3A_1173, %add3A_1174 : i32
        %get3A_1176 = arith.index_cast %add3A_1175 : i32 to index
        %get3A_1177 = arith.constant 80 : index
        %get3A_1178 = tpu.vector_load %arg10[%get3A_1176, %get3A_1177] {strides = array<i32>} : memref<88x128xf32, #tpu.memory_space<vmem>>, vector<16xf32>,
        %add3A_1179 = arith.addf %add3A_1169, %get3A_1178 : vector<16xf32>
        %mul3A_1180 = arith.constant 10 : i32
        %mul3A_1181 = arith.muli %scan3A_574, %mul3A_1180 : i32
        %add3A_1182 = arith.constant 8 : i32
        %add3A_1183 = arith.addi %add3A_1182, %mul3A_1181 : i32
        %add3A_1184 = arith.constant 6 : i32
        %add3A_1185 = arith.addi %add3A_1183, %add3A_1184 : i32
        %get3A_1186 = arith.index_cast %add3A_1185 : i32 to index
        %get3A_1187 = arith.constant 80 : index
        %get3A_1188 = tpu.vector_load %arg10[%get3A_1186, %get3A_1187] {strides = array<i32>} : memref<88x128xf32, #tpu.memory_space<vmem>>, vector<16xf32>,
        %add3A_1189 = arith.addf %add3A_1179, %get3A_1188 : vector<16xf32>
        %mul3A_1190 = arith.constant 10 : i32
        %mul3A_1191 = arith.muli %scan3A_574, %mul3A_1190 : i32
        %add3A_1192 = arith.constant 8 : i32
        %add3A_1193 = arith.addi %add3A_1192, %mul3A_1191 : i32
        %add3A_1194 = arith.constant 7 : i32
        %add3A_1195 = arith.addi %add3A_1193, %add3A_1194 : i32
        %get3A_1196 = arith.index_cast %add3A_1195 : i32 to index
        %get3A_1197 = arith.constant 80 : index
        %get3A_1198 = tpu.vector_load %arg10[%get3A_1196, %get3A_1197] {strides = array<i32>} : memref<88x128xf32, #tpu.memory_space<vmem>>, vector<16xf32>,
        %add3A_1199 = arith.addf %add3A_1189, %get3A_1198 : vector<16xf32>
        %mul3A_1200 = arith.constant 10 : i32
        %mul3A_1201 = arith.muli %scan3A_574, %mul3A_1200 : i32
        %add3A_1202 = arith.constant 8 : i32
        %add3A_1203 = arith.addi %add3A_1202, %mul3A_1201 : i32
        %add3A_1204 = arith.constant 8 : i32
        %add3A_1205 = arith.addi %add3A_1203, %add3A_1204 : i32
        %get3A_1206 = arith.index_cast %add3A_1205 : i32 to index
        %get3A_1207 = arith.constant 80 : index
        %get3A_1208 = tpu.vector_load %arg10[%get3A_1206, %get3A_1207] {strides = array<i32>} : memref<88x128xf32, #tpu.memory_space<vmem>>, vector<16xf32>,
        %add3A_1209 = arith.addf %add3A_1199, %get3A_1208 : vector<16xf32>
        %mul3A_1210 = arith.constant 10 : i32
        %mul3A_1211 = arith.muli %scan3A_574, %mul3A_1210 : i32
        %add3A_1212 = arith.constant 8 : i32
        %add3A_1213 = arith.addi %add3A_1212, %mul3A_1211 : i32
        %add3A_1214 = arith.constant 9 : i32
        %add3A_1215 = arith.addi %add3A_1213, %add3A_1214 : i32
        %get3A_1216 = arith.index_cast %add3A_1215 : i32 to index
        %get3A_1217 = arith.constant 80 : index
        %get3A_1218 = tpu.vector_load %arg10[%get3A_1216, %get3A_1217] {strides = array<i32>} : memref<88x128xf32, #tpu.memory_space<vmem>>, vector<16xf32>,
        %add3A_1219 = arith.addf %add3A_1209, %get3A_1218 : vector<16xf32>
        %mul3A_1220 = arith.constant 0.0909090936 : f32
        %mul3A_1221 = vector.broadcast %mul3A_1220 : f32 to vector<16xf32>
        %mul3A_1222 = arith.mulf %add3A_1219, %mul3A_1221 : vector<16xf32>
        %pack3A_1223 = tpu.pack_subelements %mul3A_1116, %mul3A_1222 {pack_format = #tpu.pack_format<interleaved>, positions = array<i32: 0, 1>} : vector<16xf32>, vector<16xf32> -> vector<32xbf16>
        %bitcast3A_1224 = vector.bitcast %pack3A_1223 : vector<32xbf16> to vector<16xf32>
        %mul3A_1225 = arith.constant 8 : i32
        %mul3A_1226 = arith.muli %add3A_446, %mul3A_1225 : i32
        %add3A_1227 = arith.addi %mul3A_1226, %scan3A_574 : i32
        %swap3A_1228 = arith.index_cast %add3A_1227 : i32 to index
        %swap3A_1229 = arith.constant 32 : index
        %swap3A_1230 = tpu.vector_load %arg19[%swap3A_1228, %swap3A_1229] {strides = array<i32>} : memref<320x64xf32, #tpu.memory_space<vmem>>, vector<16xf32>,
        tpu.vector_store %arg19[%swap3A_1228, %swap3A_1229], %bitcast3A_1224 {strides = array<i32>} : memref<320x64xf32, #tpu.memory_space<vmem>>, vector<16xf32>,
        %get3A_1231 = arith.index_cast %scan3A_574 : i32 to index
        %get3A_1232 = arith.constant 96 : index
        %get3A_1233 = tpu.vector_load %arg10[%get3A_1231, %get3A_1232] {strides = array<i32>} : memref<88x128xf32, #tpu.memory_space<vmem>>, vector<16xf32>,
        %mul3A_1234 = arith.constant 10 : i32
        %mul3A_1235 = arith.muli %scan3A_574, %mul3A_1234 : i32
        %add3A_1236 = arith.constant 8 : i32
        %add3A_1237 = arith.addi %add3A_1236, %mul3A_1235 : i32
        %add3A_1238 = arith.constant 0 : i32
        %add3A_1239 = arith.addi %add3A_1237, %add3A_1238 : i32
        %get3A_1240 = arith.index_cast %add3A_1239 : i32 to index
        %get3A_1241 = arith.constant 96 : index
        %get3A_1242 = tpu.vector_load %arg10[%get3A_1240, %get3A_1241] {strides = array<i32>} : memref<88x128xf32, #tpu.memory_space<vmem>>, vector<16xf32>,
        %add3A_1243 = arith.addf %get3A_1233, %get3A_1242 : vector<16xf32>
        %mul3A_1244 = arith.constant 10 : i32
        %mul3A_1245 = arith.muli %scan3A_574, %mul3A_1244 : i32
        %add3A_1246 = arith.constant 8 : i32
        %add3A_1247 = arith.addi %add3A_1246, %mul3A_1245 : i32
        %add3A_1248 = arith.constant 1 : i32
        %add3A_1249 = arith.addi %add3A_1247, %add3A_1248 : i32
        %get3A_1250 = arith.index_cast %add3A_1249 : i32 to index
        %get3A_1251 = arith.constant 96 : index
        %get3A_1252 = tpu.vector_load %arg10[%get3A_1250, %get3A_1251] {strides = array<i32>} : memref<88x128xf32, #tpu.memory_space<vmem>>, vector<16xf32>,
        %add3A_1253 = arith.addf %add3A_1243, %get3A_1252 : vector<16xf32>
        %mul3A_1254 = arith.constant 10 : i32
        %mul3A_1255 = arith.muli %scan3A_574, %mul3A_1254 : i32
        %add3A_1256 = arith.constant 8 : i32
        %add3A_1257 = arith.addi %add3A_1256, %mul3A_1255 : i32
        %add3A_1258 = arith.constant 2 : i32
        %add3A_1259 = arith.addi %add3A_1257, %add3A_1258 : i32
        %get3A_1260 = arith.index_cast %add3A_1259 : i32 to index
        %get3A_1261 = arith.constant 96 : index
        %get3A_1262 = tpu.vector_load %arg10[%get3A_1260, %get3A_1261] {strides = array<i32>} : memref<88x128xf32, #tpu.memory_space<vmem>>, vector<16xf32>,
        %add3A_1263 = arith.addf %add3A_1253, %get3A_1262 : vector<16xf32>
        %mul3A_1264 = arith.constant 10 : i32
        %mul3A_1265 = arith.muli %scan3A_574, %mul3A_1264 : i32
        %add3A_1266 = arith.constant 8 : i32
        %add3A_1267 = arith.addi %add3A_1266, %mul3A_1265 : i32
        %add3A_1268 = arith.constant 3 : i32
        %add3A_1269 = arith.addi %add3A_1267, %add3A_1268 : i32
        %get3A_1270 = arith.index_cast %add3A_1269 : i32 to index
        %get3A_1271 = arith.constant 96 : index
        %get3A_1272 = tpu.vector_load %arg10[%get3A_1270, %get3A_1271] {strides = array<i32>} : memref<88x128xf32, #tpu.memory_space<vmem>>, vector<16xf32>,
        %add3A_1273 = arith.addf %add3A_1263, %get3A_1272 : vector<16xf32>
        %mul3A_1274 = arith.constant 10 : i32
        %mul3A_1275 = arith.muli %scan3A_574, %mul3A_1274 : i32
        %add3A_1276 = arith.constant 8 : i32
        %add3A_1277 = arith.addi %add3A_1276, %mul3A_1275 : i32
        %add3A_1278 = arith.constant 4 : i32
        %add3A_1279 = arith.addi %add3A_1277, %add3A_1278 : i32
        %get3A_1280 = arith.index_cast %add3A_1279 : i32 to index
        %get3A_1281 = arith.constant 96 : index
        %get3A_1282 = tpu.vector_load %arg10[%get3A_1280, %get3A_1281] {strides = array<i32>} : memref<88x128xf32, #tpu.memory_space<vmem>>, vector<16xf32>,
        %add3A_1283 = arith.addf %add3A_1273, %get3A_1282 : vector<16xf32>
        %mul3A_1284 = arith.constant 10 : i32
        %mul3A_1285 = arith.muli %scan3A_574, %mul3A_1284 : i32
        %add3A_1286 = arith.constant 8 : i32
        %add3A_1287 = arith.addi %add3A_1286, %mul3A_1285 : i32
        %add3A_1288 = arith.constant 5 : i32
        %add3A_1289 = arith.addi %add3A_1287, %add3A_1288 : i32
        %get3A_1290 = arith.index_cast %add3A_1289 : i32 to index
        %get3A_1291 = arith.constant 96 : index
        %get3A_1292 = tpu.vector_load %arg10[%get3A_1290, %get3A_1291] {strides = array<i32>} : memref<88x128xf32, #tpu.memory_space<vmem>>, vector<16xf32>,
        %add3A_1293 = arith.addf %add3A_1283, %get3A_1292 : vector<16xf32>
        %mul3A_1294 = arith.constant 10 : i32
        %mul3A_1295 = arith.muli %scan3A_574, %mul3A_1294 : i32
        %add3A_1296 = arith.constant 8 : i32
        %add3A_1297 = arith.addi %add3A_1296, %mul3A_1295 : i32
        %add3A_1298 = arith.constant 6 : i32
        %add3A_1299 = arith.addi %add3A_1297, %add3A_1298 : i32
        %get3A_1300 = arith.index_cast %add3A_1299 : i32 to index
        %get3A_1301 = arith.constant 96 : index
        %get3A_1302 = tpu.vector_load %arg10[%get3A_1300, %get3A_1301] {strides = array<i32>} : memref<88x128xf32, #tpu.memory_space<vmem>>, vector<16xf32>,
        %add3A_1303 = arith.addf %add3A_1293, %get3A_1302 : vector<16xf32>
        %mul3A_1304 = arith.constant 10 : i32
        %mul3A_1305 = arith.muli %scan3A_574, %mul3A_1304 : i32
        %add3A_1306 = arith.constant 8 : i32
        %add3A_1307 = arith.addi %add3A_1306, %mul3A_1305 : i32
        %add3A_1308 = arith.constant 7 : i32
        %add3A_1309 = arith.addi %add3A_1307, %add3A_1308 : i32
        %get3A_1310 = arith.index_cast %add3A_1309 : i32 to index
        %get3A_1311 = arith.constant 96 : index
        %get3A_1312 = tpu.vector_load %arg10[%get3A_1310, %get3A_1311] {strides = array<i32>} : memref<88x128xf32, #tpu.memory_space<vmem>>, vector<16xf32>,
        %add3A_1313 = arith.addf %add3A_1303, %get3A_1312 : vector<16xf32>
        %mul3A_1314 = arith.constant 10 : i32
        %mul3A_1315 = arith.muli %scan3A_574, %mul3A_1314 : i32
        %add3A_1316 = arith.constant 8 : i32
        %add3A_1317 = arith.addi %add3A_1316, %mul3A_1315 : i32
        %add3A_1318 = arith.constant 8 : i32
        %add3A_1319 = arith.addi %add3A_1317, %add3A_1318 : i32
        %get3A_1320 = arith.index_cast %add3A_1319 : i32 to index
        %get3A_1321 = arith.constant 96 : index
        %get3A_1322 = tpu.vector_load %arg10[%get3A_1320, %get3A_1321] {strides = array<i32>} : memref<88x128xf32, #tpu.memory_space<vmem>>, vector<16xf32>,
        %add3A_1323 = arith.addf %add3A_1313, %get3A_1322 : vector<16xf32>
        %mul3A_1324 = arith.constant 10 : i32
        %mul3A_1325 = arith.muli %scan3A_574, %mul3A_1324 : i32
        %add3A_1326 = arith.constant 8 : i32
        %add3A_1327 = arith.addi %add3A_1326, %mul3A_1325 : i32
        %add3A_1328 = arith.constant 9 : i32
        %add3A_1329 = arith.addi %add3A_1327, %add3A_1328 : i32
        %get3A_1330 = arith.index_cast %add3A_1329 : i32 to index
        %get3A_1331 = arith.constant 96 : index
        %get3A_1332 = tpu.vector_load %arg10[%get3A_1330, %get3A_1331] {strides = array<i32>} : memref<88x128xf32, #tpu.memory_space<vmem>>, vector<16xf32>,
        %add3A_1333 = arith.addf %add3A_1323, %get3A_1332 : vector<16xf32>
        %mul3A_1334 = arith.constant 0.0909090936 : f32
        %mul3A_1335 = vector.broadcast %mul3A_1334 : f32 to vector<16xf32>
        %mul3A_1336 = arith.mulf %add3A_1333, %mul3A_1335 : vector<16xf32>
        %get3A_1337 = arith.index_cast %scan3A_574 : i32 to index
        %get3A_1338 = arith.constant 112 : index
        %get3A_1339 = tpu.vector_load %arg10[%get3A_1337, %get3A_1338] {strides = array<i32>} : memref<88x128xf32, #tpu.memory_space<vmem>>, vector<16xf32>,
        %mul3A_1340 = arith.constant 10 : i32
        %mul3A_1341 = arith.muli %scan3A_574, %mul3A_1340 : i32
        %add3A_1342 = arith.constant 8 : i32
        %add3A_1343 = arith.addi %add3A_1342, %mul3A_1341 : i32
        %add3A_1344 = arith.constant 0 : i32
        %add3A_1345 = arith.addi %add3A_1343, %add3A_1344 : i32
        %get3A_1346 = arith.index_cast %add3A_1345 : i32 to index
        %get3A_1347 = arith.constant 112 : index
        %get3A_1348 = tpu.vector_load %arg10[%get3A_1346, %get3A_1347] {strides = array<i32>} : memref<88x128xf32, #tpu.memory_space<vmem>>, vector<16xf32>,
        %add3A_1349 = arith.addf %get3A_1339, %get3A_1348 : vector<16xf32>
        %mul3A_1350 = arith.constant 10 : i32
        %mul3A_1351 = arith.muli %scan3A_574, %mul3A_1350 : i32
        %add3A_1352 = arith.constant 8 : i32
        %add3A_1353 = arith.addi %add3A_1352, %mul3A_1351 : i32
        %add3A_1354 = arith.constant 1 : i32
        %add3A_1355 = arith.addi %add3A_1353, %add3A_1354 : i32
        %get3A_1356 = arith.index_cast %add3A_1355 : i32 to index
        %get3A_1357 = arith.constant 112 : index
        %get3A_1358 = tpu.vector_load %arg10[%get3A_1356, %get3A_1357] {strides = array<i32>} : memref<88x128xf32, #tpu.memory_space<vmem>>, vector<16xf32>,
        %add3A_1359 = arith.addf %add3A_1349, %get3A_1358 : vector<16xf32>
        %mul3A_1360 = arith.constant 10 : i32
        %mul3A_1361 = arith.muli %scan3A_574, %mul3A_1360 : i32
        %add3A_1362 = arith.constant 8 : i32
        %add3A_1363 = arith.addi %add3A_1362, %mul3A_1361 : i32
        %add3A_1364 = arith.constant 2 : i32
        %add3A_1365 = arith.addi %add3A_1363, %add3A_1364 : i32
        %get3A_1366 = arith.index_cast %add3A_1365 : i32 to index
        %get3A_1367 = arith.constant 112 : index
        %get3A_1368 = tpu.vector_load %arg10[%get3A_1366, %get3A_1367] {strides = array<i32>} : memref<88x128xf32, #tpu.memory_space<vmem>>, vector<16xf32>,
        %add3A_1369 = arith.addf %add3A_1359, %get3A_1368 : vector<16xf32>
        %mul3A_1370 = arith.constant 10 : i32
        %mul3A_1371 = arith.muli %scan3A_574, %mul3A_1370 : i32
        %add3A_1372 = arith.constant 8 : i32
        %add3A_1373 = arith.addi %add3A_1372, %mul3A_1371 : i32
        %add3A_1374 = arith.constant 3 : i32
        %add3A_1375 = arith.addi %add3A_1373, %add3A_1374 : i32
        %get3A_1376 = arith.index_cast %add3A_1375 : i32 to index
        %get3A_1377 = arith.constant 112 : index
        %get3A_1378 = tpu.vector_load %arg10[%get3A_1376, %get3A_1377] {strides = array<i32>} : memref<88x128xf32, #tpu.memory_space<vmem>>, vector<16xf32>,
        %add3A_1379 = arith.addf %add3A_1369, %get3A_1378 : vector<16xf32>
        %mul3A_1380 = arith.constant 10 : i32
        %mul3A_1381 = arith.muli %scan3A_574, %mul3A_1380 : i32
        %add3A_1382 = arith.constant 8 : i32
        %add3A_1383 = arith.addi %add3A_1382, %mul3A_1381 : i32
        %add3A_1384 = arith.constant 4 : i32
        %add3A_1385 = arith.addi %add3A_1383, %add3A_1384 : i32
        %get3A_1386 = arith.index_cast %add3A_1385 : i32 to index
        %get3A_1387 = arith.constant 112 : index
        %get3A_1388 = tpu.vector_load %arg10[%get3A_1386, %get3A_1387] {strides = array<i32>} : memref<88x128xf32, #tpu.memory_space<vmem>>, vector<16xf32>,
        %add3A_1389 = arith.addf %add3A_1379, %get3A_1388 : vector<16xf32>
        %mul3A_1390 = arith.constant 10 : i32
        %mul3A_1391 = arith.muli %scan3A_574, %mul3A_1390 : i32
        %add3A_1392 = arith.constant 8 : i32
        %add3A_1393 = arith.addi %add3A_1392, %mul3A_1391 : i32
        %add3A_1394 = arith.constant 5 : i32
        %add3A_1395 = arith.addi %add3A_1393, %add3A_1394 : i32
        %get3A_1396 = arith.index_cast %add3A_1395 : i32 to index
        %get3A_1397 = arith.constant 112 : index
        %get3A_1398 = tpu.vector_load %arg10[%get3A_1396, %get3A_1397] {strides = array<i32>} : memref<88x128xf32, #tpu.memory_space<vmem>>, vector<16xf32>,
        %add3A_1399 = arith.addf %add3A_1389, %get3A_1398 : vector<16xf32>
        %mul3A_1400 = arith.constant 10 : i32
        %mul3A_1401 = arith.muli %scan3A_574, %mul3A_1400 : i32
        %add3A_1402 = arith.constant 8 : i32
        %add3A_1403 = arith.addi %add3A_1402, %mul3A_1401 : i32
        %add3A_1404 = arith.constant 6 : i32
        %add3A_1405 = arith.addi %add3A_1403, %add3A_1404 : i32
        %get3A_1406 = arith.index_cast %add3A_1405 : i32 to index
        %get3A_1407 = arith.constant 112 : index
        %get3A_1408 = tpu.vector_load %arg10[%get3A_1406, %get3A_1407] {strides = array<i32>} : memref<88x128xf32, #tpu.memory_space<vmem>>, vector<16xf32>,
        %add3A_1409 = arith.addf %add3A_1399, %get3A_1408 : vector<16xf32>
        %mul3A_1410 = arith.constant 10 : i32
        %mul3A_1411 = arith.muli %scan3A_574, %mul3A_1410 : i32
        %add3A_1412 = arith.constant 8 : i32
        %add3A_1413 = arith.addi %add3A_1412, %mul3A_1411 : i32
        %add3A_1414 = arith.constant 7 : i32
        %add3A_1415 = arith.addi %add3A_1413, %add3A_1414 : i32
        %get3A_1416 = arith.index_cast %add3A_1415 : i32 to index
        %get3A_1417 = arith.constant 112 : index
        %get3A_1418 = tpu.vector_load %arg10[%get3A_1416, %get3A_1417] {strides = array<i32>} : memref<88x128xf32, #tpu.memory_space<vmem>>, vector<16xf32>,
        %add3A_1419 = arith.addf %add3A_1409, %get3A_1418 : vector<16xf32>
        %mul3A_1420 = arith.constant 10 : i32
        %mul3A_1421 = arith.muli %scan3A_574, %mul3A_1420 : i32
        %add3A_1422 = arith.constant 8 : i32
        %add3A_1423 = arith.addi %add3A_1422, %mul3A_1421 : i32
        %add3A_1424 = arith.constant 8 : i32
        %add3A_1425 = arith.addi %add3A_1423, %add3A_1424 : i32
        %get3A_1426 = arith.index_cast %add3A_1425 : i32 to index
        %get3A_1427 = arith.constant 112 : index
        %get3A_1428 = tpu.vector_load %arg10[%get3A_1426, %get3A_1427] {strides = array<i32>} : memref<88x128xf32, #tpu.memory_space<vmem>>, vector<16xf32>,
        %add3A_1429 = arith.addf %add3A_1419, %get3A_1428 : vector<16xf32>
        %mul3A_1430 = arith.constant 10 : i32
        %mul3A_1431 = arith.muli %scan3A_574, %mul3A_1430 : i32
        %add3A_1432 = arith.constant 8 : i32
        %add3A_1433 = arith.addi %add3A_1432, %mul3A_1431 : i32
        %add3A_1434 = arith.constant 9 : i32
        %add3A_1435 = arith.addi %add3A_1433, %add3A_1434 : i32
        %get3A_1436 = arith.index_cast %add3A_1435 : i32 to index
        %get3A_1437 = arith.constant 112 : index
        %get3A_1438 = tpu.vector_load %arg10[%get3A_1436, %get3A_1437] {strides = array<i32>} : memref<88x128xf32, #tpu.memory_space<vmem>>, vector<16xf32>,
        %add3A_1439 = arith.addf %add3A_1429, %get3A_1438 : vector<16xf32>
        %mul3A_1440 = arith.constant 0.0909090936 : f32
        %mul3A_1441 = vector.broadcast %mul3A_1440 : f32 to vector<16xf32>
        %mul3A_1442 = arith.mulf %add3A_1439, %mul3A_1441 : vector<16xf32>
        %pack3A_1443 = tpu.pack_subelements %mul3A_1336, %mul3A_1442 {pack_format = #tpu.pack_format<interleaved>, positions = array<i32: 0, 1>} : vector<16xf32>, vector<16xf32> -> vector<32xbf16>
        %bitcast3A_1444 = vector.bitcast %pack3A_1443 : vector<32xbf16> to vector<16xf32>
        %mul3A_1445 = arith.constant 8 : i32
        %mul3A_1446 = arith.muli %add3A_446, %mul3A_1445 : i32
        %add3A_1447 = arith.addi %mul3A_1446, %scan3A_574 : i32
        %swap3A_1448 = arith.index_cast %add3A_1447 : i32 to index
        %swap3A_1449 = arith.constant 48 : index
        %swap3A_1450 = tpu.vector_load %arg19[%swap3A_1448, %swap3A_1449] {strides = array<i32>} : memref<320x64xf32, #tpu.memory_space<vmem>>, vector<16xf32>,
        tpu.vector_store %arg19[%swap3A_1448, %swap3A_1449], %bitcast3A_1444 {strides = array<i32>} : memref<320x64xf32, #tpu.memory_space<vmem>>, vector<16xf32>,
      }
      %scan3A_452 = arith.constant 8 : i32
      %mul3A_453 = arith.constant 8 : i32
      %mul3A_454 = arith.muli %add3A_446, %mul3A_453 : i32
      %mul3A_455 = arith.constant 8 : i32
      %mul3A_456 = arith.muli %add3A_446, %mul3A_455 : i32
      %add3A_457 = arith.addi %mul3A_2, %mul3A_456 : i32
      %dma_start3A_458 = arith.constant 0 : i32
      %dma_start3A_459 = tpu.memref_slice %arg19[%mul3A_454, %dma_start3A_458] : memref<320x64xf32, #tpu.memory_space<vmem>> -> memref<8x64xf32, #tpu.memory_space<vmem>>
      %dma_start3A_460 = arith.constant 0 : i32
      %dma_start3A_461 = tpu.memref_slice %arg5[%add3A_457, %dma_start3A_460] : memref<10240x64xf32, #tpu.memory_space<hbm>> -> memref<8x64xf32, #tpu.memory_space<hbm>>
      %dma_start3A_462 = arith.constant 0 : i32
      %dma_start3A_463 = tpu.memref_slice %arg5[%add3A_457, %dma_start3A_462] : memref<10240x64xf32, #tpu.memory_space<hbm>> -> memref<8x64xf32, #tpu.memory_space<hbm>>
      %dma_start3A_464 = arith.constant 0 : i32
      %dma_start3A_465 = tpu.memref_slice %arg19[%mul3A_454, %dma_start3A_464] : memref<320x64xf32, #tpu.memory_space<vmem>> -> memref<8x64xf32, #tpu.memory_space<vmem>>
      tpu.enqueue_dma source(%dma_start3A_465 : memref<8x64xf32, #tpu.memory_space<vmem>>) target(%dma_start3A_463 : memref<8x64xf32, #tpu.memory_space<hbm>>) target_semaphore(%arg20 : memref<!tpu.dma_semaphore, #tpu.memory_space<semaphore_mem>>)
      %add3A_466 = arith.constant 5 : i32
      %add3A_467 = arith.addi %mul3A_382, %add3A_466 : i32
      %add3A_468 = arith.constant 1 : i32
      %add3A_469 = arith.addi %add3A_467, %add3A_468 : i32
      %lt3A_470 = arith.constant 40 : i32
      %lt3A_471 = arith.cmpi slt, %add3A_469, %lt3A_470 : i32
      %convert_element_type3A_472 = arith.extui %lt3A_471 : i1 to i32
      %cond3A_473 = arith.constant 0 : i32
      %cond3A_474 = arith.cmpi ne, %convert_element_type3A_472, %cond3A_473 : i32
      scf.if %cond3A_474 {
        %add3A_574 = arith.constant 5 : i32
        %add3A_575 = arith.addi %mul3A_382, %add3A_574 : i32
        %add3A_576 = arith.constant 1 : i32
        %add3A_577 = arith.addi %add3A_575, %add3A_576 : i32
        %mul3A_578 = arith.constant 8 : i32
        %mul3A_579 = arith.muli %add3A_577, %mul3A_578 : i32
        %dma_start3A_580 = arith.constant 0 : i32
        %dma_start3A_581 = arith.constant 0 : i32
        %dma_start3A_582 = tpu.memref_slice %arg10[%dma_start3A_580, %dma_start3A_581] : memref<88x128xf32, #tpu.memory_space<vmem>> -> memref<8x128xf32, #tpu.memory_space<vmem>>
        %dma_start3A_583 = tpu.memref_slice %arg6[%mul3A_579] : memref<320xi32, #tpu.memory_space<vmem>> -> memref<8xi32, #tpu.memory_space<vmem>>
        %dma_start3A_584 = arith.constant 0 : i32
        %dma_start3A_585 = arith.constant 0 : i32
        %dma_start3A_586 = tpu.memref_slice %arg4[%dma_start3A_584, %dma_start3A_585] : memref<100000x128xf32, #tpu.memory_space<hbm>> -> memref<100000x128xf32, #tpu.memory_space<hbm>>
        tpu.enqueue_indirect_dma source(%dma_start3A_586 : memref<100000x128xf32, #tpu.memory_space<hbm>>) target(%dma_start3A_582 : memref<8x128xf32, #tpu.memory_space<vmem>>) offsets(%dma_start3A_583 : memref<8xi32, #tpu.memory_space<vmem>>) semaphore(%arg15 : memref<!tpu.dma_semaphore, #tpu.memory_space<semaphore_mem>>)
        %mul3A_587 = arith.constant 8 : i32
        %mul3A_588 = arith.muli %add3A_577, %mul3A_587 : i32
        %mul3A_589 = arith.constant 10 : i32
        %mul3A_590 = arith.muli %mul3A_588, %mul3A_589 : i32
        %dma_start3A_591 = arith.constant 8 : i32
        %dma_start3A_592 = arith.constant 0 : i32
        %dma_start3A_593 = tpu.memref_slice %arg10[%dma_start3A_591, %dma_start3A_592] : memref<88x128xf32, #tpu.memory_space<vmem>> -> memref<80x128xf32, #tpu.memory_space<vmem>>
        %dma_start3A_594 = tpu.memref_slice %arg8[%mul3A_590] : memref<3200xi32, #tpu.memory_space<vmem>> -> memref<80xi32, #tpu.memory_space<vmem>>
        %dma_start3A_595 = arith.constant 0 : i32
        %dma_start3A_596 = arith.constant 0 : i32
        %dma_start3A_597 = tpu.memref_slice %arg4[%dma_start3A_595, %dma_start3A_596] : memref<100000x128xf32, #tpu.memory_space<hbm>> -> memref<100000x128xf32, #tpu.memory_space<hbm>>
        tpu.enqueue_indirect_dma source(%dma_start3A_597 : memref<100000x128xf32, #tpu.memory_space<hbm>>) target(%dma_start3A_593 : memref<80x128xf32, #tpu.memory_space<vmem>>) offsets(%dma_start3A_594 : memref<80xi32, #tpu.memory_space<vmem>>) semaphore(%arg15 : memref<!tpu.dma_semaphore, #tpu.memory_space<semaphore_mem>>)
      } else {
      }
      %dma_wait3A_475 = arith.constant 0 : i32
      %dma_wait3A_476 = arith.constant 0 : i32
      %dma_wait3A_477 = tpu.memref_slice %arg4[%dma_wait3A_475, %dma_wait3A_476] : memref<100000x128xf32, #tpu.memory_space<hbm>> -> memref<88x128xf32, #tpu.memory_space<hbm>>
      %dma_wait3A_478 = arith.constant 0 : i32
      %dma_wait3A_479 = arith.constant 0 : i32
      %dma_wait3A_480 = tpu.memref_slice %arg4[%dma_wait3A_478, %dma_wait3A_479] : memref<100000x128xf32, #tpu.memory_space<hbm>> -> memref<88x128xf32, #tpu.memory_space<hbm>>
      tpu.wait_dma2 semaphore(%arg16 : memref<!tpu.dma_semaphore, #tpu.memory_space<semaphore_mem>>) src(%dma_wait3A_480 : memref<88x128xf32, #tpu.memory_space<hbm>>) dst(%arg11 : memref<88x128xf32, #tpu.memory_space<vmem>>)
      %add3A_481 = arith.constant 2 : i32
      %add3A_482 = arith.addi %mul3A_382, %add3A_481 : i32
      %scan3A_483 = arith.constant 0 : i32
      %scan3A_484 = arith.constant 0 : i32
      %scan3A_485 = arith.constant 8 : i32
      %scan3A_486 = arith.addi %scan3A_484, %scan3A_485 : i32
      %scan3A_487 = arith.constant 1 : i32
      scf.for %scan3A_574 = %scan3A_484 to %scan3A_486 step %scan3A_487  : i32 {
        %get3A = arith.index_cast %scan3A_574 : i32 to index
        %get3A_575 = arith.constant 0 : index
        %get3A_576 = tpu.vector_load %arg11[%get3A, %get3A_575] {strides = array<i32>} : memref<88x128xf32, #tpu.memory_space<vmem>>, vector<16xf32>,
        %mul3A_577 = arith.constant 10 : i32
        %mul3A_578 = arith.muli %scan3A_574, %mul3A_577 : i32
        %add3A_579 = arith.constant 8 : i32
        %add3A_580 = arith.addi %add3A_579, %mul3A_578 : i32
        %add3A_581 = arith.constant 0 : i32
        %add3A_582 = arith.addi %add3A_580, %add3A_581 : i32
        %get3A_583 = arith.index_cast %add3A_582 : i32 to index
        %get3A_584 = arith.constant 0 : index
        %get3A_585 = tpu.vector_load %arg11[%get3A_583, %get3A_584] {strides = array<i32>} : memref<88x128xf32, #tpu.memory_space<vmem>>, vector<16xf32>,
        %add3A_586 = arith.addf %get3A_576, %get3A_585 : vector<16xf32>
        %mul3A_587 = arith.constant 10 : i32
        %mul3A_588 = arith.muli %scan3A_574, %mul3A_587 : i32
        %add3A_589 = arith.constant 8 : i32
        %add3A_590 = arith.addi %add3A_589, %mul3A_588 : i32
        %add3A_591 = arith.constant 1 : i32
        %add3A_592 = arith.addi %add3A_590, %add3A_591 : i32
        %get3A_593 = arith.index_cast %add3A_592 : i32 to index
        %get3A_594 = arith.constant 0 : index
        %get3A_595 = tpu.vector_load %arg11[%get3A_593, %get3A_594] {strides = array<i32>} : memref<88x128xf32, #tpu.memory_space<vmem>>, vector<16xf32>,
        %add3A_596 = arith.addf %add3A_586, %get3A_595 : vector<16xf32>
        %mul3A_597 = arith.constant 10 : i32
        %mul3A_598 = arith.muli %scan3A_574, %mul3A_597 : i32
        %add3A_599 = arith.constant 8 : i32
        %add3A_600 = arith.addi %add3A_599, %mul3A_598 : i32
        %add3A_601 = arith.constant 2 : i32
        %add3A_602 = arith.addi %add3A_600, %add3A_601 : i32
        %get3A_603 = arith.index_cast %add3A_602 : i32 to index
        %get3A_604 = arith.constant 0 : index
        %get3A_605 = tpu.vector_load %arg11[%get3A_603, %get3A_604] {strides = array<i32>} : memref<88x128xf32, #tpu.memory_space<vmem>>, vector<16xf32>,
        %add3A_606 = arith.addf %add3A_596, %get3A_605 : vector<16xf32>
        %mul3A_607 = arith.constant 10 : i32
        %mul3A_608 = arith.muli %scan3A_574, %mul3A_607 : i32
        %add3A_609 = arith.constant 8 : i32
        %add3A_610 = arith.addi %add3A_609, %mul3A_608 : i32
        %add3A_611 = arith.constant 3 : i32
        %add3A_612 = arith.addi %add3A_610, %add3A_611 : i32
        %get3A_613 = arith.index_cast %add3A_612 : i32 to index
        %get3A_614 = arith.constant 0 : index
        %get3A_615 = tpu.vector_load %arg11[%get3A_613, %get3A_614] {strides = array<i32>} : memref<88x128xf32, #tpu.memory_space<vmem>>, vector<16xf32>,
        %add3A_616 = arith.addf %add3A_606, %get3A_615 : vector<16xf32>
        %mul3A_617 = arith.constant 10 : i32
        %mul3A_618 = arith.muli %scan3A_574, %mul3A_617 : i32
        %add3A_619 = arith.constant 8 : i32
        %add3A_620 = arith.addi %add3A_619, %mul3A_618 : i32
        %add3A_621 = arith.constant 4 : i32
        %add3A_622 = arith.addi %add3A_620, %add3A_621 : i32
        %get3A_623 = arith.index_cast %add3A_622 : i32 to index
        %get3A_624 = arith.constant 0 : index
        %get3A_625 = tpu.vector_load %arg11[%get3A_623, %get3A_624] {strides = array<i32>} : memref<88x128xf32, #tpu.memory_space<vmem>>, vector<16xf32>,
        %add3A_626 = arith.addf %add3A_616, %get3A_625 : vector<16xf32>
        %mul3A_627 = arith.constant 10 : i32
        %mul3A_628 = arith.muli %scan3A_574, %mul3A_627 : i32
        %add3A_629 = arith.constant 8 : i32
        %add3A_630 = arith.addi %add3A_629, %mul3A_628 : i32
        %add3A_631 = arith.constant 5 : i32
        %add3A_632 = arith.addi %add3A_630, %add3A_631 : i32
        %get3A_633 = arith.index_cast %add3A_632 : i32 to index
        %get3A_634 = arith.constant 0 : index
        %get3A_635 = tpu.vector_load %arg11[%get3A_633, %get3A_634] {strides = array<i32>} : memref<88x128xf32, #tpu.memory_space<vmem>>, vector<16xf32>,
        %add3A_636 = arith.addf %add3A_626, %get3A_635 : vector<16xf32>
        %mul3A_637 = arith.constant 10 : i32
        %mul3A_638 = arith.muli %scan3A_574, %mul3A_637 : i32
        %add3A_639 = arith.constant 8 : i32
        %add3A_640 = arith.addi %add3A_639, %mul3A_638 : i32
        %add3A_641 = arith.constant 6 : i32
        %add3A_642 = arith.addi %add3A_640, %add3A_641 : i32
        %get3A_643 = arith.index_cast %add3A_642 : i32 to index
        %get3A_644 = arith.constant 0 : index
        %get3A_645 = tpu.vector_load %arg11[%get3A_643, %get3A_644] {strides = array<i32>} : memref<88x128xf32, #tpu.memory_space<vmem>>, vector<16xf32>,
        %add3A_646 = arith.addf %add3A_636, %get3A_645 : vector<16xf32>
        %mul3A_647 = arith.constant 10 : i32
        %mul3A_648 = arith.muli %scan3A_574, %mul3A_647 : i32
        %add3A_649 = arith.constant 8 : i32
        %add3A_650 = arith.addi %add3A_649, %mul3A_648 : i32
        %add3A_651 = arith.constant 7 : i32
        %add3A_652 = arith.addi %add3A_650, %add3A_651 : i32
        %get3A_653 = arith.index_cast %add3A_652 : i32 to index
        %get3A_654 = arith.constant 0 : index
        %get3A_655 = tpu.vector_load %arg11[%get3A_653, %get3A_654] {strides = array<i32>} : memref<88x128xf32, #tpu.memory_space<vmem>>, vector<16xf32>,
        %add3A_656 = arith.addf %add3A_646, %get3A_655 : vector<16xf32>
        %mul3A_657 = arith.constant 10 : i32
        %mul3A_658 = arith.muli %scan3A_574, %mul3A_657 : i32
        %add3A_659 = arith.constant 8 : i32
        %add3A_660 = arith.addi %add3A_659, %mul3A_658 : i32
        %add3A_661 = arith.constant 8 : i32
        %add3A_662 = arith.addi %add3A_660, %add3A_661 : i32
        %get3A_663 = arith.index_cast %add3A_662 : i32 to index
        %get3A_664 = arith.constant 0 : index
        %get3A_665 = tpu.vector_load %arg11[%get3A_663, %get3A_664] {strides = array<i32>} : memref<88x128xf32, #tpu.memory_space<vmem>>, vector<16xf32>,
        %add3A_666 = arith.addf %add3A_656, %get3A_665 : vector<16xf32>
        %mul3A_667 = arith.constant 10 : i32
        %mul3A_668 = arith.muli %scan3A_574, %mul3A_667 : i32
        %add3A_669 = arith.constant 8 : i32
        %add3A_670 = arith.addi %add3A_669, %mul3A_668 : i32
        %add3A_671 = arith.constant 9 : i32
        %add3A_672 = arith.addi %add3A_670, %add3A_671 : i32
        %get3A_673 = arith.index_cast %add3A_672 : i32 to index
        %get3A_674 = arith.constant 0 : index
        %get3A_675 = tpu.vector_load %arg11[%get3A_673, %get3A_674] {strides = array<i32>} : memref<88x128xf32, #tpu.memory_space<vmem>>, vector<16xf32>,
        %add3A_676 = arith.addf %add3A_666, %get3A_675 : vector<16xf32>
        %mul3A_677 = arith.constant 0.0909090936 : f32
        %mul3A_678 = vector.broadcast %mul3A_677 : f32 to vector<16xf32>
        %mul3A_679 = arith.mulf %add3A_676, %mul3A_678 : vector<16xf32>
        %get3A_680 = arith.index_cast %scan3A_574 : i32 to index
        %get3A_681 = arith.constant 16 : index
        %get3A_682 = tpu.vector_load %arg11[%get3A_680, %get3A_681] {strides = array<i32>} : memref<88x128xf32, #tpu.memory_space<vmem>>, vector<16xf32>,
        %mul3A_683 = arith.constant 10 : i32
        %mul3A_684 = arith.muli %scan3A_574, %mul3A_683 : i32
        %add3A_685 = arith.constant 8 : i32
        %add3A_686 = arith.addi %add3A_685, %mul3A_684 : i32
        %add3A_687 = arith.constant 0 : i32
        %add3A_688 = arith.addi %add3A_686, %add3A_687 : i32
        %get3A_689 = arith.index_cast %add3A_688 : i32 to index
        %get3A_690 = arith.constant 16 : index
        %get3A_691 = tpu.vector_load %arg11[%get3A_689, %get3A_690] {strides = array<i32>} : memref<88x128xf32, #tpu.memory_space<vmem>>, vector<16xf32>,
        %add3A_692 = arith.addf %get3A_682, %get3A_691 : vector<16xf32>
        %mul3A_693 = arith.constant 10 : i32
        %mul3A_694 = arith.muli %scan3A_574, %mul3A_693 : i32
        %add3A_695 = arith.constant 8 : i32
        %add3A_696 = arith.addi %add3A_695, %mul3A_694 : i32
        %add3A_697 = arith.constant 1 : i32
        %add3A_698 = arith.addi %add3A_696, %add3A_697 : i32
        %get3A_699 = arith.index_cast %add3A_698 : i32 to index
        %get3A_700 = arith.constant 16 : index
        %get3A_701 = tpu.vector_load %arg11[%get3A_699, %get3A_700] {strides = array<i32>} : memref<88x128xf32, #tpu.memory_space<vmem>>, vector<16xf32>,
        %add3A_702 = arith.addf %add3A_692, %get3A_701 : vector<16xf32>
        %mul3A_703 = arith.constant 10 : i32
        %mul3A_704 = arith.muli %scan3A_574, %mul3A_703 : i32
        %add3A_705 = arith.constant 8 : i32
        %add3A_706 = arith.addi %add3A_705, %mul3A_704 : i32
        %add3A_707 = arith.constant 2 : i32
        %add3A_708 = arith.addi %add3A_706, %add3A_707 : i32
        %get3A_709 = arith.index_cast %add3A_708 : i32 to index
        %get3A_710 = arith.constant 16 : index
        %get3A_711 = tpu.vector_load %arg11[%get3A_709, %get3A_710] {strides = array<i32>} : memref<88x128xf32, #tpu.memory_space<vmem>>, vector<16xf32>,
        %add3A_712 = arith.addf %add3A_702, %get3A_711 : vector<16xf32>
        %mul3A_713 = arith.constant 10 : i32
        %mul3A_714 = arith.muli %scan3A_574, %mul3A_713 : i32
        %add3A_715 = arith.constant 8 : i32
        %add3A_716 = arith.addi %add3A_715, %mul3A_714 : i32
        %add3A_717 = arith.constant 3 : i32
        %add3A_718 = arith.addi %add3A_716, %add3A_717 : i32
        %get3A_719 = arith.index_cast %add3A_718 : i32 to index
        %get3A_720 = arith.constant 16 : index
        %get3A_721 = tpu.vector_load %arg11[%get3A_719, %get3A_720] {strides = array<i32>} : memref<88x128xf32, #tpu.memory_space<vmem>>, vector<16xf32>,
        %add3A_722 = arith.addf %add3A_712, %get3A_721 : vector<16xf32>
        %mul3A_723 = arith.constant 10 : i32
        %mul3A_724 = arith.muli %scan3A_574, %mul3A_723 : i32
        %add3A_725 = arith.constant 8 : i32
        %add3A_726 = arith.addi %add3A_725, %mul3A_724 : i32
        %add3A_727 = arith.constant 4 : i32
        %add3A_728 = arith.addi %add3A_726, %add3A_727 : i32
        %get3A_729 = arith.index_cast %add3A_728 : i32 to index
        %get3A_730 = arith.constant 16 : index
        %get3A_731 = tpu.vector_load %arg11[%get3A_729, %get3A_730] {strides = array<i32>} : memref<88x128xf32, #tpu.memory_space<vmem>>, vector<16xf32>,
        %add3A_732 = arith.addf %add3A_722, %get3A_731 : vector<16xf32>
        %mul3A_733 = arith.constant 10 : i32
        %mul3A_734 = arith.muli %scan3A_574, %mul3A_733 : i32
        %add3A_735 = arith.constant 8 : i32
        %add3A_736 = arith.addi %add3A_735, %mul3A_734 : i32
        %add3A_737 = arith.constant 5 : i32
        %add3A_738 = arith.addi %add3A_736, %add3A_737 : i32
        %get3A_739 = arith.index_cast %add3A_738 : i32 to index
        %get3A_740 = arith.constant 16 : index
        %get3A_741 = tpu.vector_load %arg11[%get3A_739, %get3A_740] {strides = array<i32>} : memref<88x128xf32, #tpu.memory_space<vmem>>, vector<16xf32>,
        %add3A_742 = arith.addf %add3A_732, %get3A_741 : vector<16xf32>
        %mul3A_743 = arith.constant 10 : i32
        %mul3A_744 = arith.muli %scan3A_574, %mul3A_743 : i32
        %add3A_745 = arith.constant 8 : i32
        %add3A_746 = arith.addi %add3A_745, %mul3A_744 : i32
        %add3A_747 = arith.constant 6 : i32
        %add3A_748 = arith.addi %add3A_746, %add3A_747 : i32
        %get3A_749 = arith.index_cast %add3A_748 : i32 to index
        %get3A_750 = arith.constant 16 : index
        %get3A_751 = tpu.vector_load %arg11[%get3A_749, %get3A_750] {strides = array<i32>} : memref<88x128xf32, #tpu.memory_space<vmem>>, vector<16xf32>,
        %add3A_752 = arith.addf %add3A_742, %get3A_751 : vector<16xf32>
        %mul3A_753 = arith.constant 10 : i32
        %mul3A_754 = arith.muli %scan3A_574, %mul3A_753 : i32
        %add3A_755 = arith.constant 8 : i32
        %add3A_756 = arith.addi %add3A_755, %mul3A_754 : i32
        %add3A_757 = arith.constant 7 : i32
        %add3A_758 = arith.addi %add3A_756, %add3A_757 : i32
        %get3A_759 = arith.index_cast %add3A_758 : i32 to index
        %get3A_760 = arith.constant 16 : index
        %get3A_761 = tpu.vector_load %arg11[%get3A_759, %get3A_760] {strides = array<i32>} : memref<88x128xf32, #tpu.memory_space<vmem>>, vector<16xf32>,
        %add3A_762 = arith.addf %add3A_752, %get3A_761 : vector<16xf32>
        %mul3A_763 = arith.constant 10 : i32
        %mul3A_764 = arith.muli %scan3A_574, %mul3A_763 : i32
        %add3A_765 = arith.constant 8 : i32
        %add3A_766 = arith.addi %add3A_765, %mul3A_764 : i32
        %add3A_767 = arith.constant 8 : i32
        %add3A_768 = arith.addi %add3A_766, %add3A_767 : i32
        %get3A_769 = arith.index_cast %add3A_768 : i32 to index
        %get3A_770 = arith.constant 16 : index
        %get3A_771 = tpu.vector_load %arg11[%get3A_769, %get3A_770] {strides = array<i32>} : memref<88x128xf32, #tpu.memory_space<vmem>>, vector<16xf32>,
        %add3A_772 = arith.addf %add3A_762, %get3A_771 : vector<16xf32>
        %mul3A_773 = arith.constant 10 : i32
        %mul3A_774 = arith.muli %scan3A_574, %mul3A_773 : i32
        %add3A_775 = arith.constant 8 : i32
        %add3A_776 = arith.addi %add3A_775, %mul3A_774 : i32
        %add3A_777 = arith.constant 9 : i32
        %add3A_778 = arith.addi %add3A_776, %add3A_777 : i32
        %get3A_779 = arith.index_cast %add3A_778 : i32 to index
        %get3A_780 = arith.constant 16 : index
        %get3A_781 = tpu.vector_load %arg11[%get3A_779, %get3A_780] {strides = array<i32>} : memref<88x128xf32, #tpu.memory_space<vmem>>, vector<16xf32>,
        %add3A_782 = arith.addf %add3A_772, %get3A_781 : vector<16xf32>
        %mul3A_783 = arith.constant 0.0909090936 : f32
        %mul3A_784 = vector.broadcast %mul3A_783 : f32 to vector<16xf32>
        %mul3A_785 = arith.mulf %add3A_782, %mul3A_784 : vector<16xf32>
        %pack3A = tpu.pack_subelements %mul3A_679, %mul3A_785 {pack_format = #tpu.pack_format<interleaved>, positions = array<i32: 0, 1>} : vector<16xf32>, vector<16xf32> -> vector<32xbf16>
        %bitcast3A = vector.bitcast %pack3A : vector<32xbf16> to vector<16xf32>
        %mul3A_786 = arith.constant 8 : i32
        %mul3A_787 = arith.muli %add3A_482, %mul3A_786 : i32
        %add3A_788 = arith.addi %mul3A_787, %scan3A_574 : i32
        %swap3A = arith.index_cast %add3A_788 : i32 to index
        %swap3A_789 = arith.constant 0 : index
        %swap3A_790 = tpu.vector_load %arg19[%swap3A, %swap3A_789] {strides = array<i32>} : memref<320x64xf32, #tpu.memory_space<vmem>>, vector<16xf32>,
        tpu.vector_store %arg19[%swap3A, %swap3A_789], %bitcast3A {strides = array<i32>} : memref<320x64xf32, #tpu.memory_space<vmem>>, vector<16xf32>,
        %get3A_791 = arith.index_cast %scan3A_574 : i32 to index
        %get3A_792 = arith.constant 32 : index
        %get3A_793 = tpu.vector_load %arg11[%get3A_791, %get3A_792] {strides = array<i32>} : memref<88x128xf32, #tpu.memory_space<vmem>>, vector<16xf32>,
        %mul3A_794 = arith.constant 10 : i32
        %mul3A_795 = arith.muli %scan3A_574, %mul3A_794 : i32
        %add3A_796 = arith.constant 8 : i32
        %add3A_797 = arith.addi %add3A_796, %mul3A_795 : i32
        %add3A_798 = arith.constant 0 : i32
        %add3A_799 = arith.addi %add3A_797, %add3A_798 : i32
        %get3A_800 = arith.index_cast %add3A_799 : i32 to index
        %get3A_801 = arith.constant 32 : index
        %get3A_802 = tpu.vector_load %arg11[%get3A_800, %get3A_801] {strides = array<i32>} : memref<88x128xf32, #tpu.memory_space<vmem>>, vector<16xf32>,
        %add3A_803 = arith.addf %get3A_793, %get3A_802 : vector<16xf32>
        %mul3A_804 = arith.constant 10 : i32
        %mul3A_805 = arith.muli %scan3A_574, %mul3A_804 : i32
        %add3A_806 = arith.constant 8 : i32
        %add3A_807 = arith.addi %add3A_806, %mul3A_805 : i32
        %add3A_808 = arith.constant 1 : i32
        %add3A_809 = arith.addi %add3A_807, %add3A_808 : i32
        %get3A_810 = arith.index_cast %add3A_809 : i32 to index
        %get3A_811 = arith.constant 32 : index
        %get3A_812 = tpu.vector_load %arg11[%get3A_810, %get3A_811] {strides = array<i32>} : memref<88x128xf32, #tpu.memory_space<vmem>>, vector<16xf32>,
        %add3A_813 = arith.addf %add3A_803, %get3A_812 : vector<16xf32>
        %mul3A_814 = arith.constant 10 : i32
        %mul3A_815 = arith.muli %scan3A_574, %mul3A_814 : i32
        %add3A_816 = arith.constant 8 : i32
        %add3A_817 = arith.addi %add3A_816, %mul3A_815 : i32
        %add3A_818 = arith.constant 2 : i32
        %add3A_819 = arith.addi %add3A_817, %add3A_818 : i32
        %get3A_820 = arith.index_cast %add3A_819 : i32 to index
        %get3A_821 = arith.constant 32 : index
        %get3A_822 = tpu.vector_load %arg11[%get3A_820, %get3A_821] {strides = array<i32>} : memref<88x128xf32, #tpu.memory_space<vmem>>, vector<16xf32>,
        %add3A_823 = arith.addf %add3A_813, %get3A_822 : vector<16xf32>
        %mul3A_824 = arith.constant 10 : i32
        %mul3A_825 = arith.muli %scan3A_574, %mul3A_824 : i32
        %add3A_826 = arith.constant 8 : i32
        %add3A_827 = arith.addi %add3A_826, %mul3A_825 : i32
        %add3A_828 = arith.constant 3 : i32
        %add3A_829 = arith.addi %add3A_827, %add3A_828 : i32
        %get3A_830 = arith.index_cast %add3A_829 : i32 to index
        %get3A_831 = arith.constant 32 : index
        %get3A_832 = tpu.vector_load %arg11[%get3A_830, %get3A_831] {strides = array<i32>} : memref<88x128xf32, #tpu.memory_space<vmem>>, vector<16xf32>,
        %add3A_833 = arith.addf %add3A_823, %get3A_832 : vector<16xf32>
        %mul3A_834 = arith.constant 10 : i32
        %mul3A_835 = arith.muli %scan3A_574, %mul3A_834 : i32
        %add3A_836 = arith.constant 8 : i32
        %add3A_837 = arith.addi %add3A_836, %mul3A_835 : i32
        %add3A_838 = arith.constant 4 : i32
        %add3A_839 = arith.addi %add3A_837, %add3A_838 : i32
        %get3A_840 = arith.index_cast %add3A_839 : i32 to index
        %get3A_841 = arith.constant 32 : index
        %get3A_842 = tpu.vector_load %arg11[%get3A_840, %get3A_841] {strides = array<i32>} : memref<88x128xf32, #tpu.memory_space<vmem>>, vector<16xf32>,
        %add3A_843 = arith.addf %add3A_833, %get3A_842 : vector<16xf32>
        %mul3A_844 = arith.constant 10 : i32
        %mul3A_845 = arith.muli %scan3A_574, %mul3A_844 : i32
        %add3A_846 = arith.constant 8 : i32
        %add3A_847 = arith.addi %add3A_846, %mul3A_845 : i32
        %add3A_848 = arith.constant 5 : i32
        %add3A_849 = arith.addi %add3A_847, %add3A_848 : i32
        %get3A_850 = arith.index_cast %add3A_849 : i32 to index
        %get3A_851 = arith.constant 32 : index
        %get3A_852 = tpu.vector_load %arg11[%get3A_850, %get3A_851] {strides = array<i32>} : memref<88x128xf32, #tpu.memory_space<vmem>>, vector<16xf32>,
        %add3A_853 = arith.addf %add3A_843, %get3A_852 : vector<16xf32>
        %mul3A_854 = arith.constant 10 : i32
        %mul3A_855 = arith.muli %scan3A_574, %mul3A_854 : i32
        %add3A_856 = arith.constant 8 : i32
        %add3A_857 = arith.addi %add3A_856, %mul3A_855 : i32
        %add3A_858 = arith.constant 6 : i32
        %add3A_859 = arith.addi %add3A_857, %add3A_858 : i32
        %get3A_860 = arith.index_cast %add3A_859 : i32 to index
        %get3A_861 = arith.constant 32 : index
        %get3A_862 = tpu.vector_load %arg11[%get3A_860, %get3A_861] {strides = array<i32>} : memref<88x128xf32, #tpu.memory_space<vmem>>, vector<16xf32>,
        %add3A_863 = arith.addf %add3A_853, %get3A_862 : vector<16xf32>
        %mul3A_864 = arith.constant 10 : i32
        %mul3A_865 = arith.muli %scan3A_574, %mul3A_864 : i32
        %add3A_866 = arith.constant 8 : i32
        %add3A_867 = arith.addi %add3A_866, %mul3A_865 : i32
        %add3A_868 = arith.constant 7 : i32
        %add3A_869 = arith.addi %add3A_867, %add3A_868 : i32
        %get3A_870 = arith.index_cast %add3A_869 : i32 to index
        %get3A_871 = arith.constant 32 : index
        %get3A_872 = tpu.vector_load %arg11[%get3A_870, %get3A_871] {strides = array<i32>} : memref<88x128xf32, #tpu.memory_space<vmem>>, vector<16xf32>,
        %add3A_873 = arith.addf %add3A_863, %get3A_872 : vector<16xf32>
        %mul3A_874 = arith.constant 10 : i32
        %mul3A_875 = arith.muli %scan3A_574, %mul3A_874 : i32
        %add3A_876 = arith.constant 8 : i32
        %add3A_877 = arith.addi %add3A_876, %mul3A_875 : i32
        %add3A_878 = arith.constant 8 : i32
        %add3A_879 = arith.addi %add3A_877, %add3A_878 : i32
        %get3A_880 = arith.index_cast %add3A_879 : i32 to index
        %get3A_881 = arith.constant 32 : index
        %get3A_882 = tpu.vector_load %arg11[%get3A_880, %get3A_881] {strides = array<i32>} : memref<88x128xf32, #tpu.memory_space<vmem>>, vector<16xf32>,
        %add3A_883 = arith.addf %add3A_873, %get3A_882 : vector<16xf32>
        %mul3A_884 = arith.constant 10 : i32
        %mul3A_885 = arith.muli %scan3A_574, %mul3A_884 : i32
        %add3A_886 = arith.constant 8 : i32
        %add3A_887 = arith.addi %add3A_886, %mul3A_885 : i32
        %add3A_888 = arith.constant 9 : i32
        %add3A_889 = arith.addi %add3A_887, %add3A_888 : i32
        %get3A_890 = arith.index_cast %add3A_889 : i32 to index
        %get3A_891 = arith.constant 32 : index
        %get3A_892 = tpu.vector_load %arg11[%get3A_890, %get3A_891] {strides = array<i32>} : memref<88x128xf32, #tpu.memory_space<vmem>>, vector<16xf32>,
        %add3A_893 = arith.addf %add3A_883, %get3A_892 : vector<16xf32>
        %mul3A_894 = arith.constant 0.0909090936 : f32
        %mul3A_895 = vector.broadcast %mul3A_894 : f32 to vector<16xf32>
        %mul3A_896 = arith.mulf %add3A_893, %mul3A_895 : vector<16xf32>
        %get3A_897 = arith.index_cast %scan3A_574 : i32 to index
        %get3A_898 = arith.constant 48 : index
        %get3A_899 = tpu.vector_load %arg11[%get3A_897, %get3A_898] {strides = array<i32>} : memref<88x128xf32, #tpu.memory_space<vmem>>, vector<16xf32>,
        %mul3A_900 = arith.constant 10 : i32
        %mul3A_901 = arith.muli %scan3A_574, %mul3A_900 : i32
        %add3A_902 = arith.constant 8 : i32
        %add3A_903 = arith.addi %add3A_902, %mul3A_901 : i32
        %add3A_904 = arith.constant 0 : i32
        %add3A_905 = arith.addi %add3A_903, %add3A_904 : i32
        %get3A_906 = arith.index_cast %add3A_905 : i32 to index
        %get3A_907 = arith.constant 48 : index
        %get3A_908 = tpu.vector_load %arg11[%get3A_906, %get3A_907] {strides = array<i32>} : memref<88x128xf32, #tpu.memory_space<vmem>>, vector<16xf32>,
        %add3A_909 = arith.addf %get3A_899, %get3A_908 : vector<16xf32>
        %mul3A_910 = arith.constant 10 : i32
        %mul3A_911 = arith.muli %scan3A_574, %mul3A_910 : i32
        %add3A_912 = arith.constant 8 : i32
        %add3A_913 = arith.addi %add3A_912, %mul3A_911 : i32
        %add3A_914 = arith.constant 1 : i32
        %add3A_915 = arith.addi %add3A_913, %add3A_914 : i32
        %get3A_916 = arith.index_cast %add3A_915 : i32 to index
        %get3A_917 = arith.constant 48 : index
        %get3A_918 = tpu.vector_load %arg11[%get3A_916, %get3A_917] {strides = array<i32>} : memref<88x128xf32, #tpu.memory_space<vmem>>, vector<16xf32>,
        %add3A_919 = arith.addf %add3A_909, %get3A_918 : vector<16xf32>
        %mul3A_920 = arith.constant 10 : i32
        %mul3A_921 = arith.muli %scan3A_574, %mul3A_920 : i32
        %add3A_922 = arith.constant 8 : i32
        %add3A_923 = arith.addi %add3A_922, %mul3A_921 : i32
        %add3A_924 = arith.constant 2 : i32
        %add3A_925 = arith.addi %add3A_923, %add3A_924 : i32
        %get3A_926 = arith.index_cast %add3A_925 : i32 to index
        %get3A_927 = arith.constant 48 : index
        %get3A_928 = tpu.vector_load %arg11[%get3A_926, %get3A_927] {strides = array<i32>} : memref<88x128xf32, #tpu.memory_space<vmem>>, vector<16xf32>,
        %add3A_929 = arith.addf %add3A_919, %get3A_928 : vector<16xf32>
        %mul3A_930 = arith.constant 10 : i32
        %mul3A_931 = arith.muli %scan3A_574, %mul3A_930 : i32
        %add3A_932 = arith.constant 8 : i32
        %add3A_933 = arith.addi %add3A_932, %mul3A_931 : i32
        %add3A_934 = arith.constant 3 : i32
        %add3A_935 = arith.addi %add3A_933, %add3A_934 : i32
        %get3A_936 = arith.index_cast %add3A_935 : i32 to index
        %get3A_937 = arith.constant 48 : index
        %get3A_938 = tpu.vector_load %arg11[%get3A_936, %get3A_937] {strides = array<i32>} : memref<88x128xf32, #tpu.memory_space<vmem>>, vector<16xf32>,
        %add3A_939 = arith.addf %add3A_929, %get3A_938 : vector<16xf32>
        %mul3A_940 = arith.constant 10 : i32
        %mul3A_941 = arith.muli %scan3A_574, %mul3A_940 : i32
        %add3A_942 = arith.constant 8 : i32
        %add3A_943 = arith.addi %add3A_942, %mul3A_941 : i32
        %add3A_944 = arith.constant 4 : i32
        %add3A_945 = arith.addi %add3A_943, %add3A_944 : i32
        %get3A_946 = arith.index_cast %add3A_945 : i32 to index
        %get3A_947 = arith.constant 48 : index
        %get3A_948 = tpu.vector_load %arg11[%get3A_946, %get3A_947] {strides = array<i32>} : memref<88x128xf32, #tpu.memory_space<vmem>>, vector<16xf32>,
        %add3A_949 = arith.addf %add3A_939, %get3A_948 : vector<16xf32>
        %mul3A_950 = arith.constant 10 : i32
        %mul3A_951 = arith.muli %scan3A_574, %mul3A_950 : i32
        %add3A_952 = arith.constant 8 : i32
        %add3A_953 = arith.addi %add3A_952, %mul3A_951 : i32
        %add3A_954 = arith.constant 5 : i32
        %add3A_955 = arith.addi %add3A_953, %add3A_954 : i32
        %get3A_956 = arith.index_cast %add3A_955 : i32 to index
        %get3A_957 = arith.constant 48 : index
        %get3A_958 = tpu.vector_load %arg11[%get3A_956, %get3A_957] {strides = array<i32>} : memref<88x128xf32, #tpu.memory_space<vmem>>, vector<16xf32>,
        %add3A_959 = arith.addf %add3A_949, %get3A_958 : vector<16xf32>
        %mul3A_960 = arith.constant 10 : i32
        %mul3A_961 = arith.muli %scan3A_574, %mul3A_960 : i32
        %add3A_962 = arith.constant 8 : i32
        %add3A_963 = arith.addi %add3A_962, %mul3A_961 : i32
        %add3A_964 = arith.constant 6 : i32
        %add3A_965 = arith.addi %add3A_963, %add3A_964 : i32
        %get3A_966 = arith.index_cast %add3A_965 : i32 to index
        %get3A_967 = arith.constant 48 : index
        %get3A_968 = tpu.vector_load %arg11[%get3A_966, %get3A_967] {strides = array<i32>} : memref<88x128xf32, #tpu.memory_space<vmem>>, vector<16xf32>,
        %add3A_969 = arith.addf %add3A_959, %get3A_968 : vector<16xf32>
        %mul3A_970 = arith.constant 10 : i32
        %mul3A_971 = arith.muli %scan3A_574, %mul3A_970 : i32
        %add3A_972 = arith.constant 8 : i32
        %add3A_973 = arith.addi %add3A_972, %mul3A_971 : i32
        %add3A_974 = arith.constant 7 : i32
        %add3A_975 = arith.addi %add3A_973, %add3A_974 : i32
        %get3A_976 = arith.index_cast %add3A_975 : i32 to index
        %get3A_977 = arith.constant 48 : index
        %get3A_978 = tpu.vector_load %arg11[%get3A_976, %get3A_977] {strides = array<i32>} : memref<88x128xf32, #tpu.memory_space<vmem>>, vector<16xf32>,
        %add3A_979 = arith.addf %add3A_969, %get3A_978 : vector<16xf32>
        %mul3A_980 = arith.constant 10 : i32
        %mul3A_981 = arith.muli %scan3A_574, %mul3A_980 : i32
        %add3A_982 = arith.constant 8 : i32
        %add3A_983 = arith.addi %add3A_982, %mul3A_981 : i32
        %add3A_984 = arith.constant 8 : i32
        %add3A_985 = arith.addi %add3A_983, %add3A_984 : i32
        %get3A_986 = arith.index_cast %add3A_985 : i32 to index
        %get3A_987 = arith.constant 48 : index
        %get3A_988 = tpu.vector_load %arg11[%get3A_986, %get3A_987] {strides = array<i32>} : memref<88x128xf32, #tpu.memory_space<vmem>>, vector<16xf32>,
        %add3A_989 = arith.addf %add3A_979, %get3A_988 : vector<16xf32>
        %mul3A_990 = arith.constant 10 : i32
        %mul3A_991 = arith.muli %scan3A_574, %mul3A_990 : i32
        %add3A_992 = arith.constant 8 : i32
        %add3A_993 = arith.addi %add3A_992, %mul3A_991 : i32
        %add3A_994 = arith.constant 9 : i32
        %add3A_995 = arith.addi %add3A_993, %add3A_994 : i32
        %get3A_996 = arith.index_cast %add3A_995 : i32 to index
        %get3A_997 = arith.constant 48 : index
        %get3A_998 = tpu.vector_load %arg11[%get3A_996, %get3A_997] {strides = array<i32>} : memref<88x128xf32, #tpu.memory_space<vmem>>, vector<16xf32>,
        %add3A_999 = arith.addf %add3A_989, %get3A_998 : vector<16xf32>
        %mul3A_1000 = arith.constant 0.0909090936 : f32
        %mul3A_1001 = vector.broadcast %mul3A_1000 : f32 to vector<16xf32>
        %mul3A_1002 = arith.mulf %add3A_999, %mul3A_1001 : vector<16xf32>
        %pack3A_1003 = tpu.pack_subelements %mul3A_896, %mul3A_1002 {pack_format = #tpu.pack_format<interleaved>, positions = array<i32: 0, 1>} : vector<16xf32>, vector<16xf32> -> vector<32xbf16>
        %bitcast3A_1004 = vector.bitcast %pack3A_1003 : vector<32xbf16> to vector<16xf32>
        %mul3A_1005 = arith.constant 8 : i32
        %mul3A_1006 = arith.muli %add3A_482, %mul3A_1005 : i32
        %add3A_1007 = arith.addi %mul3A_1006, %scan3A_574 : i32
        %swap3A_1008 = arith.index_cast %add3A_1007 : i32 to index
        %swap3A_1009 = arith.constant 16 : index
        %swap3A_1010 = tpu.vector_load %arg19[%swap3A_1008, %swap3A_1009] {strides = array<i32>} : memref<320x64xf32, #tpu.memory_space<vmem>>, vector<16xf32>,
        tpu.vector_store %arg19[%swap3A_1008, %swap3A_1009], %bitcast3A_1004 {strides = array<i32>} : memref<320x64xf32, #tpu.memory_space<vmem>>, vector<16xf32>,
        %get3A_1011 = arith.index_cast %scan3A_574 : i32 to index
        %get3A_1012 = arith.constant 64 : index
        %get3A_1013 = tpu.vector_load %arg11[%get3A_1011, %get3A_1012] {strides = array<i32>} : memref<88x128xf32, #tpu.memory_space<vmem>>, vector<16xf32>,
        %mul3A_1014 = arith.constant 10 : i32
        %mul3A_1015 = arith.muli %scan3A_574, %mul3A_1014 : i32
        %add3A_1016 = arith.constant 8 : i32
        %add3A_1017 = arith.addi %add3A_1016, %mul3A_1015 : i32
        %add3A_1018 = arith.constant 0 : i32
        %add3A_1019 = arith.addi %add3A_1017, %add3A_1018 : i32
        %get3A_1020 = arith.index_cast %add3A_1019 : i32 to index
        %get3A_1021 = arith.constant 64 : index
        %get3A_1022 = tpu.vector_load %arg11[%get3A_1020, %get3A_1021] {strides = array<i32>} : memref<88x128xf32, #tpu.memory_space<vmem>>, vector<16xf32>,
        %add3A_1023 = arith.addf %get3A_1013, %get3A_1022 : vector<16xf32>
        %mul3A_1024 = arith.constant 10 : i32
        %mul3A_1025 = arith.muli %scan3A_574, %mul3A_1024 : i32
        %add3A_1026 = arith.constant 8 : i32
        %add3A_1027 = arith.addi %add3A_1026, %mul3A_1025 : i32
        %add3A_1028 = arith.constant 1 : i32
        %add3A_1029 = arith.addi %add3A_1027, %add3A_1028 : i32
        %get3A_1030 = arith.index_cast %add3A_1029 : i32 to index
        %get3A_1031 = arith.constant 64 : index
        %get3A_1032 = tpu.vector_load %arg11[%get3A_1030, %get3A_1031] {strides = array<i32>} : memref<88x128xf32, #tpu.memory_space<vmem>>, vector<16xf32>,
        %add3A_1033 = arith.addf %add3A_1023, %get3A_1032 : vector<16xf32>
        %mul3A_1034 = arith.constant 10 : i32
        %mul3A_1035 = arith.muli %scan3A_574, %mul3A_1034 : i32
        %add3A_1036 = arith.constant 8 : i32
        %add3A_1037 = arith.addi %add3A_1036, %mul3A_1035 : i32
        %add3A_1038 = arith.constant 2 : i32
        %add3A_1039 = arith.addi %add3A_1037, %add3A_1038 : i32
        %get3A_1040 = arith.index_cast %add3A_1039 : i32 to index
        %get3A_1041 = arith.constant 64 : index
        %get3A_1042 = tpu.vector_load %arg11[%get3A_1040, %get3A_1041] {strides = array<i32>} : memref<88x128xf32, #tpu.memory_space<vmem>>, vector<16xf32>,
        %add3A_1043 = arith.addf %add3A_1033, %get3A_1042 : vector<16xf32>
        %mul3A_1044 = arith.constant 10 : i32
        %mul3A_1045 = arith.muli %scan3A_574, %mul3A_1044 : i32
        %add3A_1046 = arith.constant 8 : i32
        %add3A_1047 = arith.addi %add3A_1046, %mul3A_1045 : i32
        %add3A_1048 = arith.constant 3 : i32
        %add3A_1049 = arith.addi %add3A_1047, %add3A_1048 : i32
        %get3A_1050 = arith.index_cast %add3A_1049 : i32 to index
        %get3A_1051 = arith.constant 64 : index
        %get3A_1052 = tpu.vector_load %arg11[%get3A_1050, %get3A_1051] {strides = array<i32>} : memref<88x128xf32, #tpu.memory_space<vmem>>, vector<16xf32>,
        %add3A_1053 = arith.addf %add3A_1043, %get3A_1052 : vector<16xf32>
        %mul3A_1054 = arith.constant 10 : i32
        %mul3A_1055 = arith.muli %scan3A_574, %mul3A_1054 : i32
        %add3A_1056 = arith.constant 8 : i32
        %add3A_1057 = arith.addi %add3A_1056, %mul3A_1055 : i32
        %add3A_1058 = arith.constant 4 : i32
        %add3A_1059 = arith.addi %add3A_1057, %add3A_1058 : i32
        %get3A_1060 = arith.index_cast %add3A_1059 : i32 to index
        %get3A_1061 = arith.constant 64 : index
        %get3A_1062 = tpu.vector_load %arg11[%get3A_1060, %get3A_1061] {strides = array<i32>} : memref<88x128xf32, #tpu.memory_space<vmem>>, vector<16xf32>,
        %add3A_1063 = arith.addf %add3A_1053, %get3A_1062 : vector<16xf32>
        %mul3A_1064 = arith.constant 10 : i32
        %mul3A_1065 = arith.muli %scan3A_574, %mul3A_1064 : i32
        %add3A_1066 = arith.constant 8 : i32
        %add3A_1067 = arith.addi %add3A_1066, %mul3A_1065 : i32
        %add3A_1068 = arith.constant 5 : i32
        %add3A_1069 = arith.addi %add3A_1067, %add3A_1068 : i32
        %get3A_1070 = arith.index_cast %add3A_1069 : i32 to index
        %get3A_1071 = arith.constant 64 : index
        %get3A_1072 = tpu.vector_load %arg11[%get3A_1070, %get3A_1071] {strides = array<i32>} : memref<88x128xf32, #tpu.memory_space<vmem>>, vector<16xf32>,
        %add3A_1073 = arith.addf %add3A_1063, %get3A_1072 : vector<16xf32>
        %mul3A_1074 = arith.constant 10 : i32
        %mul3A_1075 = arith.muli %scan3A_574, %mul3A_1074 : i32
        %add3A_1076 = arith.constant 8 : i32
        %add3A_1077 = arith.addi %add3A_1076, %mul3A_1075 : i32
        %add3A_1078 = arith.constant 6 : i32
        %add3A_1079 = arith.addi %add3A_1077, %add3A_1078 : i32
        %get3A_1080 = arith.index_cast %add3A_1079 : i32 to index
        %get3A_1081 = arith.constant 64 : index
        %get3A_1082 = tpu.vector_load %arg11[%get3A_1080, %get3A_1081] {strides = array<i32>} : memref<88x128xf32, #tpu.memory_space<vmem>>, vector<16xf32>,
        %add3A_1083 = arith.addf %add3A_1073, %get3A_1082 : vector<16xf32>
        %mul3A_1084 = arith.constant 10 : i32
        %mul3A_1085 = arith.muli %scan3A_574, %mul3A_1084 : i32
        %add3A_1086 = arith.constant 8 : i32
        %add3A_1087 = arith.addi %add3A_1086, %mul3A_1085 : i32
        %add3A_1088 = arith.constant 7 : i32
        %add3A_1089 = arith.addi %add3A_1087, %add3A_1088 : i32
        %get3A_1090 = arith.index_cast %add3A_1089 : i32 to index
        %get3A_1091 = arith.constant 64 : index
        %get3A_1092 = tpu.vector_load %arg11[%get3A_1090, %get3A_1091] {strides = array<i32>} : memref<88x128xf32, #tpu.memory_space<vmem>>, vector<16xf32>,
        %add3A_1093 = arith.addf %add3A_1083, %get3A_1092 : vector<16xf32>
        %mul3A_1094 = arith.constant 10 : i32
        %mul3A_1095 = arith.muli %scan3A_574, %mul3A_1094 : i32
        %add3A_1096 = arith.constant 8 : i32
        %add3A_1097 = arith.addi %add3A_1096, %mul3A_1095 : i32
        %add3A_1098 = arith.constant 8 : i32
        %add3A_1099 = arith.addi %add3A_1097, %add3A_1098 : i32
        %get3A_1100 = arith.index_cast %add3A_1099 : i32 to index
        %get3A_1101 = arith.constant 64 : index
        %get3A_1102 = tpu.vector_load %arg11[%get3A_1100, %get3A_1101] {strides = array<i32>} : memref<88x128xf32, #tpu.memory_space<vmem>>, vector<16xf32>,
        %add3A_1103 = arith.addf %add3A_1093, %get3A_1102 : vector<16xf32>
        %mul3A_1104 = arith.constant 10 : i32
        %mul3A_1105 = arith.muli %scan3A_574, %mul3A_1104 : i32
        %add3A_1106 = arith.constant 8 : i32
        %add3A_1107 = arith.addi %add3A_1106, %mul3A_1105 : i32
        %add3A_1108 = arith.constant 9 : i32
        %add3A_1109 = arith.addi %add3A_1107, %add3A_1108 : i32
        %get3A_1110 = arith.index_cast %add3A_1109 : i32 to index
        %get3A_1111 = arith.constant 64 : index
        %get3A_1112 = tpu.vector_load %arg11[%get3A_1110, %get3A_1111] {strides = array<i32>} : memref<88x128xf32, #tpu.memory_space<vmem>>, vector<16xf32>,
        %add3A_1113 = arith.addf %add3A_1103, %get3A_1112 : vector<16xf32>
        %mul3A_1114 = arith.constant 0.0909090936 : f32
        %mul3A_1115 = vector.broadcast %mul3A_1114 : f32 to vector<16xf32>
        %mul3A_1116 = arith.mulf %add3A_1113, %mul3A_1115 : vector<16xf32>
        %get3A_1117 = arith.index_cast %scan3A_574 : i32 to index
        %get3A_1118 = arith.constant 80 : index
        %get3A_1119 = tpu.vector_load %arg11[%get3A_1117, %get3A_1118] {strides = array<i32>} : memref<88x128xf32, #tpu.memory_space<vmem>>, vector<16xf32>,
        %mul3A_1120 = arith.constant 10 : i32
        %mul3A_1121 = arith.muli %scan3A_574, %mul3A_1120 : i32
        %add3A_1122 = arith.constant 8 : i32
        %add3A_1123 = arith.addi %add3A_1122, %mul3A_1121 : i32
        %add3A_1124 = arith.constant 0 : i32
        %add3A_1125 = arith.addi %add3A_1123, %add3A_1124 : i32
        %get3A_1126 = arith.index_cast %add3A_1125 : i32 to index
        %get3A_1127 = arith.constant 80 : index
        %get3A_1128 = tpu.vector_load %arg11[%get3A_1126, %get3A_1127] {strides = array<i32>} : memref<88x128xf32, #tpu.memory_space<vmem>>, vector<16xf32>,
        %add3A_1129 = arith.addf %get3A_1119, %get3A_1128 : vector<16xf32>
        %mul3A_1130 = arith.constant 10 : i32
        %mul3A_1131 = arith.muli %scan3A_574, %mul3A_1130 : i32
        %add3A_1132 = arith.constant 8 : i32
        %add3A_1133 = arith.addi %add3A_1132, %mul3A_1131 : i32
        %add3A_1134 = arith.constant 1 : i32
        %add3A_1135 = arith.addi %add3A_1133, %add3A_1134 : i32
        %get3A_1136 = arith.index_cast %add3A_1135 : i32 to index
        %get3A_1137 = arith.constant 80 : index
        %get3A_1138 = tpu.vector_load %arg11[%get3A_1136, %get3A_1137] {strides = array<i32>} : memref<88x128xf32, #tpu.memory_space<vmem>>, vector<16xf32>,
        %add3A_1139 = arith.addf %add3A_1129, %get3A_1138 : vector<16xf32>
        %mul3A_1140 = arith.constant 10 : i32
        %mul3A_1141 = arith.muli %scan3A_574, %mul3A_1140 : i32
        %add3A_1142 = arith.constant 8 : i32
        %add3A_1143 = arith.addi %add3A_1142, %mul3A_1141 : i32
        %add3A_1144 = arith.constant 2 : i32
        %add3A_1145 = arith.addi %add3A_1143, %add3A_1144 : i32
        %get3A_1146 = arith.index_cast %add3A_1145 : i32 to index
        %get3A_1147 = arith.constant 80 : index
        %get3A_1148 = tpu.vector_load %arg11[%get3A_1146, %get3A_1147] {strides = array<i32>} : memref<88x128xf32, #tpu.memory_space<vmem>>, vector<16xf32>,
        %add3A_1149 = arith.addf %add3A_1139, %get3A_1148 : vector<16xf32>
        %mul3A_1150 = arith.constant 10 : i32
        %mul3A_1151 = arith.muli %scan3A_574, %mul3A_1150 : i32
        %add3A_1152 = arith.constant 8 : i32
        %add3A_1153 = arith.addi %add3A_1152, %mul3A_1151 : i32
        %add3A_1154 = arith.constant 3 : i32
        %add3A_1155 = arith.addi %add3A_1153, %add3A_1154 : i32
        %get3A_1156 = arith.index_cast %add3A_1155 : i32 to index
        %get3A_1157 = arith.constant 80 : index
        %get3A_1158 = tpu.vector_load %arg11[%get3A_1156, %get3A_1157] {strides = array<i32>} : memref<88x128xf32, #tpu.memory_space<vmem>>, vector<16xf32>,
        %add3A_1159 = arith.addf %add3A_1149, %get3A_1158 : vector<16xf32>
        %mul3A_1160 = arith.constant 10 : i32
        %mul3A_1161 = arith.muli %scan3A_574, %mul3A_1160 : i32
        %add3A_1162 = arith.constant 8 : i32
        %add3A_1163 = arith.addi %add3A_1162, %mul3A_1161 : i32
        %add3A_1164 = arith.constant 4 : i32
        %add3A_1165 = arith.addi %add3A_1163, %add3A_1164 : i32
        %get3A_1166 = arith.index_cast %add3A_1165 : i32 to index
        %get3A_1167 = arith.constant 80 : index
        %get3A_1168 = tpu.vector_load %arg11[%get3A_1166, %get3A_1167] {strides = array<i32>} : memref<88x128xf32, #tpu.memory_space<vmem>>, vector<16xf32>,
        %add3A_1169 = arith.addf %add3A_1159, %get3A_1168 : vector<16xf32>
        %mul3A_1170 = arith.constant 10 : i32
        %mul3A_1171 = arith.muli %scan3A_574, %mul3A_1170 : i32
        %add3A_1172 = arith.constant 8 : i32
        %add3A_1173 = arith.addi %add3A_1172, %mul3A_1171 : i32
        %add3A_1174 = arith.constant 5 : i32
        %add3A_1175 = arith.addi %add3A_1173, %add3A_1174 : i32
        %get3A_1176 = arith.index_cast %add3A_1175 : i32 to index
        %get3A_1177 = arith.constant 80 : index
        %get3A_1178 = tpu.vector_load %arg11[%get3A_1176, %get3A_1177] {strides = array<i32>} : memref<88x128xf32, #tpu.memory_space<vmem>>, vector<16xf32>,
        %add3A_1179 = arith.addf %add3A_1169, %get3A_1178 : vector<16xf32>
        %mul3A_1180 = arith.constant 10 : i32
        %mul3A_1181 = arith.muli %scan3A_574, %mul3A_1180 : i32
        %add3A_1182 = arith.constant 8 : i32
        %add3A_1183 = arith.addi %add3A_1182, %mul3A_1181 : i32
        %add3A_1184 = arith.constant 6 : i32
        %add3A_1185 = arith.addi %add3A_1183, %add3A_1184 : i32
        %get3A_1186 = arith.index_cast %add3A_1185 : i32 to index
        %get3A_1187 = arith.constant 80 : index
        %get3A_1188 = tpu.vector_load %arg11[%get3A_1186, %get3A_1187] {strides = array<i32>} : memref<88x128xf32, #tpu.memory_space<vmem>>, vector<16xf32>,
        %add3A_1189 = arith.addf %add3A_1179, %get3A_1188 : vector<16xf32>
        %mul3A_1190 = arith.constant 10 : i32
        %mul3A_1191 = arith.muli %scan3A_574, %mul3A_1190 : i32
        %add3A_1192 = arith.constant 8 : i32
        %add3A_1193 = arith.addi %add3A_1192, %mul3A_1191 : i32
        %add3A_1194 = arith.constant 7 : i32
        %add3A_1195 = arith.addi %add3A_1193, %add3A_1194 : i32
        %get3A_1196 = arith.index_cast %add3A_1195 : i32 to index
        %get3A_1197 = arith.constant 80 : index
        %get3A_1198 = tpu.vector_load %arg11[%get3A_1196, %get3A_1197] {strides = array<i32>} : memref<88x128xf32, #tpu.memory_space<vmem>>, vector<16xf32>,
        %add3A_1199 = arith.addf %add3A_1189, %get3A_1198 : vector<16xf32>
        %mul3A_1200 = arith.constant 10 : i32
        %mul3A_1201 = arith.muli %scan3A_574, %mul3A_1200 : i32
        %add3A_1202 = arith.constant 8 : i32
        %add3A_1203 = arith.addi %add3A_1202, %mul3A_1201 : i32
        %add3A_1204 = arith.constant 8 : i32
        %add3A_1205 = arith.addi %add3A_1203, %add3A_1204 : i32
        %get3A_1206 = arith.index_cast %add3A_1205 : i32 to index
        %get3A_1207 = arith.constant 80 : index
        %get3A_1208 = tpu.vector_load %arg11[%get3A_1206, %get3A_1207] {strides = array<i32>} : memref<88x128xf32, #tpu.memory_space<vmem>>, vector<16xf32>,
        %add3A_1209 = arith.addf %add3A_1199, %get3A_1208 : vector<16xf32>
        %mul3A_1210 = arith.constant 10 : i32
        %mul3A_1211 = arith.muli %scan3A_574, %mul3A_1210 : i32
        %add3A_1212 = arith.constant 8 : i32
        %add3A_1213 = arith.addi %add3A_1212, %mul3A_1211 : i32
        %add3A_1214 = arith.constant 9 : i32
        %add3A_1215 = arith.addi %add3A_1213, %add3A_1214 : i32
        %get3A_1216 = arith.index_cast %add3A_1215 : i32 to index
        %get3A_1217 = arith.constant 80 : index
        %get3A_1218 = tpu.vector_load %arg11[%get3A_1216, %get3A_1217] {strides = array<i32>} : memref<88x128xf32, #tpu.memory_space<vmem>>, vector<16xf32>,
        %add3A_1219 = arith.addf %add3A_1209, %get3A_1218 : vector<16xf32>
        %mul3A_1220 = arith.constant 0.0909090936 : f32
        %mul3A_1221 = vector.broadcast %mul3A_1220 : f32 to vector<16xf32>
        %mul3A_1222 = arith.mulf %add3A_1219, %mul3A_1221 : vector<16xf32>
        %pack3A_1223 = tpu.pack_subelements %mul3A_1116, %mul3A_1222 {pack_format = #tpu.pack_format<interleaved>, positions = array<i32: 0, 1>} : vector<16xf32>, vector<16xf32> -> vector<32xbf16>
        %bitcast3A_1224 = vector.bitcast %pack3A_1223 : vector<32xbf16> to vector<16xf32>
        %mul3A_1225 = arith.constant 8 : i32
        %mul3A_1226 = arith.muli %add3A_482, %mul3A_1225 : i32
        %add3A_1227 = arith.addi %mul3A_1226, %scan3A_574 : i32
        %swap3A_1228 = arith.index_cast %add3A_1227 : i32 to index
        %swap3A_1229 = arith.constant 32 : index
        %swap3A_1230 = tpu.vector_load %arg19[%swap3A_1228, %swap3A_1229] {strides = array<i32>} : memref<320x64xf32, #tpu.memory_space<vmem>>, vector<16xf32>,
        tpu.vector_store %arg19[%swap3A_1228, %swap3A_1229], %bitcast3A_1224 {strides = array<i32>} : memref<320x64xf32, #tpu.memory_space<vmem>>, vector<16xf32>,
        %get3A_1231 = arith.index_cast %scan3A_574 : i32 to index
        %get3A_1232 = arith.constant 96 : index
        %get3A_1233 = tpu.vector_load %arg11[%get3A_1231, %get3A_1232] {strides = array<i32>} : memref<88x128xf32, #tpu.memory_space<vmem>>, vector<16xf32>,
        %mul3A_1234 = arith.constant 10 : i32
        %mul3A_1235 = arith.muli %scan3A_574, %mul3A_1234 : i32
        %add3A_1236 = arith.constant 8 : i32
        %add3A_1237 = arith.addi %add3A_1236, %mul3A_1235 : i32
        %add3A_1238 = arith.constant 0 : i32
        %add3A_1239 = arith.addi %add3A_1237, %add3A_1238 : i32
        %get3A_1240 = arith.index_cast %add3A_1239 : i32 to index
        %get3A_1241 = arith.constant 96 : index
        %get3A_1242 = tpu.vector_load %arg11[%get3A_1240, %get3A_1241] {strides = array<i32>} : memref<88x128xf32, #tpu.memory_space<vmem>>, vector<16xf32>,
        %add3A_1243 = arith.addf %get3A_1233, %get3A_1242 : vector<16xf32>
        %mul3A_1244 = arith.constant 10 : i32
        %mul3A_1245 = arith.muli %scan3A_574, %mul3A_1244 : i32
        %add3A_1246 = arith.constant 8 : i32
        %add3A_1247 = arith.addi %add3A_1246, %mul3A_1245 : i32
        %add3A_1248 = arith.constant 1 : i32
        %add3A_1249 = arith.addi %add3A_1247, %add3A_1248 : i32
        %get3A_1250 = arith.index_cast %add3A_1249 : i32 to index
        %get3A_1251 = arith.constant 96 : index
        %get3A_1252 = tpu.vector_load %arg11[%get3A_1250, %get3A_1251] {strides = array<i32>} : memref<88x128xf32, #tpu.memory_space<vmem>>, vector<16xf32>,
        %add3A_1253 = arith.addf %add3A_1243, %get3A_1252 : vector<16xf32>
        %mul3A_1254 = arith.constant 10 : i32
        %mul3A_1255 = arith.muli %scan3A_574, %mul3A_1254 : i32
        %add3A_1256 = arith.constant 8 : i32
        %add3A_1257 = arith.addi %add3A_1256, %mul3A_1255 : i32
        %add3A_1258 = arith.constant 2 : i32
        %add3A_1259 = arith.addi %add3A_1257, %add3A_1258 : i32
        %get3A_1260 = arith.index_cast %add3A_1259 : i32 to index
        %get3A_1261 = arith.constant 96 : index
        %get3A_1262 = tpu.vector_load %arg11[%get3A_1260, %get3A_1261] {strides = array<i32>} : memref<88x128xf32, #tpu.memory_space<vmem>>, vector<16xf32>,
        %add3A_1263 = arith.addf %add3A_1253, %get3A_1262 : vector<16xf32>
        %mul3A_1264 = arith.constant 10 : i32
        %mul3A_1265 = arith.muli %scan3A_574, %mul3A_1264 : i32
        %add3A_1266 = arith.constant 8 : i32
        %add3A_1267 = arith.addi %add3A_1266, %mul3A_1265 : i32
        %add3A_1268 = arith.constant 3 : i32
        %add3A_1269 = arith.addi %add3A_1267, %add3A_1268 : i32
        %get3A_1270 = arith.index_cast %add3A_1269 : i32 to index
        %get3A_1271 = arith.constant 96 : index
        %get3A_1272 = tpu.vector_load %arg11[%get3A_1270, %get3A_1271] {strides = array<i32>} : memref<88x128xf32, #tpu.memory_space<vmem>>, vector<16xf32>,
        %add3A_1273 = arith.addf %add3A_1263, %get3A_1272 : vector<16xf32>
        %mul3A_1274 = arith.constant 10 : i32
        %mul3A_1275 = arith.muli %scan3A_574, %mul3A_1274 : i32
        %add3A_1276 = arith.constant 8 : i32
        %add3A_1277 = arith.addi %add3A_1276, %mul3A_1275 : i32
        %add3A_1278 = arith.constant 4 : i32
        %add3A_1279 = arith.addi %add3A_1277, %add3A_1278 : i32
        %get3A_1280 = arith.index_cast %add3A_1279 : i32 to index
        %get3A_1281 = arith.constant 96 : index
        %get3A_1282 = tpu.vector_load %arg11[%get3A_1280, %get3A_1281] {strides = array<i32>} : memref<88x128xf32, #tpu.memory_space<vmem>>, vector<16xf32>,
        %add3A_1283 = arith.addf %add3A_1273, %get3A_1282 : vector<16xf32>
        %mul3A_1284 = arith.constant 10 : i32
        %mul3A_1285 = arith.muli %scan3A_574, %mul3A_1284 : i32
        %add3A_1286 = arith.constant 8 : i32
        %add3A_1287 = arith.addi %add3A_1286, %mul3A_1285 : i32
        %add3A_1288 = arith.constant 5 : i32
        %add3A_1289 = arith.addi %add3A_1287, %add3A_1288 : i32
        %get3A_1290 = arith.index_cast %add3A_1289 : i32 to index
        %get3A_1291 = arith.constant 96 : index
        %get3A_1292 = tpu.vector_load %arg11[%get3A_1290, %get3A_1291] {strides = array<i32>} : memref<88x128xf32, #tpu.memory_space<vmem>>, vector<16xf32>,
        %add3A_1293 = arith.addf %add3A_1283, %get3A_1292 : vector<16xf32>
        %mul3A_1294 = arith.constant 10 : i32
        %mul3A_1295 = arith.muli %scan3A_574, %mul3A_1294 : i32
        %add3A_1296 = arith.constant 8 : i32
        %add3A_1297 = arith.addi %add3A_1296, %mul3A_1295 : i32
        %add3A_1298 = arith.constant 6 : i32
        %add3A_1299 = arith.addi %add3A_1297, %add3A_1298 : i32
        %get3A_1300 = arith.index_cast %add3A_1299 : i32 to index
        %get3A_1301 = arith.constant 96 : index
        %get3A_1302 = tpu.vector_load %arg11[%get3A_1300, %get3A_1301] {strides = array<i32>} : memref<88x128xf32, #tpu.memory_space<vmem>>, vector<16xf32>,
        %add3A_1303 = arith.addf %add3A_1293, %get3A_1302 : vector<16xf32>
        %mul3A_1304 = arith.constant 10 : i32
        %mul3A_1305 = arith.muli %scan3A_574, %mul3A_1304 : i32
        %add3A_1306 = arith.constant 8 : i32
        %add3A_1307 = arith.addi %add3A_1306, %mul3A_1305 : i32
        %add3A_1308 = arith.constant 7 : i32
        %add3A_1309 = arith.addi %add3A_1307, %add3A_1308 : i32
        %get3A_1310 = arith.index_cast %add3A_1309 : i32 to index
        %get3A_1311 = arith.constant 96 : index
        %get3A_1312 = tpu.vector_load %arg11[%get3A_1310, %get3A_1311] {strides = array<i32>} : memref<88x128xf32, #tpu.memory_space<vmem>>, vector<16xf32>,
        %add3A_1313 = arith.addf %add3A_1303, %get3A_1312 : vector<16xf32>
        %mul3A_1314 = arith.constant 10 : i32
        %mul3A_1315 = arith.muli %scan3A_574, %mul3A_1314 : i32
        %add3A_1316 = arith.constant 8 : i32
        %add3A_1317 = arith.addi %add3A_1316, %mul3A_1315 : i32
        %add3A_1318 = arith.constant 8 : i32
        %add3A_1319 = arith.addi %add3A_1317, %add3A_1318 : i32
        %get3A_1320 = arith.index_cast %add3A_1319 : i32 to index
        %get3A_1321 = arith.constant 96 : index
        %get3A_1322 = tpu.vector_load %arg11[%get3A_1320, %get3A_1321] {strides = array<i32>} : memref<88x128xf32, #tpu.memory_space<vmem>>, vector<16xf32>,
        %add3A_1323 = arith.addf %add3A_1313, %get3A_1322 : vector<16xf32>
        %mul3A_1324 = arith.constant 10 : i32
        %mul3A_1325 = arith.muli %scan3A_574, %mul3A_1324 : i32
        %add3A_1326 = arith.constant 8 : i32
        %add3A_1327 = arith.addi %add3A_1326, %mul3A_1325 : i32
        %add3A_1328 = arith.constant 9 : i32
        %add3A_1329 = arith.addi %add3A_1327, %add3A_1328 : i32
        %get3A_1330 = arith.index_cast %add3A_1329 : i32 to index
        %get3A_1331 = arith.constant 96 : index
        %get3A_1332 = tpu.vector_load %arg11[%get3A_1330, %get3A_1331] {strides = array<i32>} : memref<88x128xf32, #tpu.memory_space<vmem>>, vector<16xf32>,
        %add3A_1333 = arith.addf %add3A_1323, %get3A_1332 : vector<16xf32>
        %mul3A_1334 = arith.constant 0.0909090936 : f32
        %mul3A_1335 = vector.broadcast %mul3A_1334 : f32 to vector<16xf32>
        %mul3A_1336 = arith.mulf %add3A_1333, %mul3A_1335 : vector<16xf32>
        %get3A_1337 = arith.index_cast %scan3A_574 : i32 to index
        %get3A_1338 = arith.constant 112 : index
        %get3A_1339 = tpu.vector_load %arg11[%get3A_1337, %get3A_1338] {strides = array<i32>} : memref<88x128xf32, #tpu.memory_space<vmem>>, vector<16xf32>,
        %mul3A_1340 = arith.constant 10 : i32
        %mul3A_1341 = arith.muli %scan3A_574, %mul3A_1340 : i32
        %add3A_1342 = arith.constant 8 : i32
        %add3A_1343 = arith.addi %add3A_1342, %mul3A_1341 : i32
        %add3A_1344 = arith.constant 0 : i32
        %add3A_1345 = arith.addi %add3A_1343, %add3A_1344 : i32
        %get3A_1346 = arith.index_cast %add3A_1345 : i32 to index
        %get3A_1347 = arith.constant 112 : index
        %get3A_1348 = tpu.vector_load %arg11[%get3A_1346, %get3A_1347] {strides = array<i32>} : memref<88x128xf32, #tpu.memory_space<vmem>>, vector<16xf32>,
        %add3A_1349 = arith.addf %get3A_1339, %get3A_1348 : vector<16xf32>
        %mul3A_1350 = arith.constant 10 : i32
        %mul3A_1351 = arith.muli %scan3A_574, %mul3A_1350 : i32
        %add3A_1352 = arith.constant 8 : i32
        %add3A_1353 = arith.addi %add3A_1352, %mul3A_1351 : i32
        %add3A_1354 = arith.constant 1 : i32
        %add3A_1355 = arith.addi %add3A_1353, %add3A_1354 : i32
        %get3A_1356 = arith.index_cast %add3A_1355 : i32 to index
        %get3A_1357 = arith.constant 112 : index
        %get3A_1358 = tpu.vector_load %arg11[%get3A_1356, %get3A_1357] {strides = array<i32>} : memref<88x128xf32, #tpu.memory_space<vmem>>, vector<16xf32>,
        %add3A_1359 = arith.addf %add3A_1349, %get3A_1358 : vector<16xf32>
        %mul3A_1360 = arith.constant 10 : i32
        %mul3A_1361 = arith.muli %scan3A_574, %mul3A_1360 : i32
        %add3A_1362 = arith.constant 8 : i32
        %add3A_1363 = arith.addi %add3A_1362, %mul3A_1361 : i32
        %add3A_1364 = arith.constant 2 : i32
        %add3A_1365 = arith.addi %add3A_1363, %add3A_1364 : i32
        %get3A_1366 = arith.index_cast %add3A_1365 : i32 to index
        %get3A_1367 = arith.constant 112 : index
        %get3A_1368 = tpu.vector_load %arg11[%get3A_1366, %get3A_1367] {strides = array<i32>} : memref<88x128xf32, #tpu.memory_space<vmem>>, vector<16xf32>,
        %add3A_1369 = arith.addf %add3A_1359, %get3A_1368 : vector<16xf32>
        %mul3A_1370 = arith.constant 10 : i32
        %mul3A_1371 = arith.muli %scan3A_574, %mul3A_1370 : i32
        %add3A_1372 = arith.constant 8 : i32
        %add3A_1373 = arith.addi %add3A_1372, %mul3A_1371 : i32
        %add3A_1374 = arith.constant 3 : i32
        %add3A_1375 = arith.addi %add3A_1373, %add3A_1374 : i32
        %get3A_1376 = arith.index_cast %add3A_1375 : i32 to index
        %get3A_1377 = arith.constant 112 : index
        %get3A_1378 = tpu.vector_load %arg11[%get3A_1376, %get3A_1377] {strides = array<i32>} : memref<88x128xf32, #tpu.memory_space<vmem>>, vector<16xf32>,
        %add3A_1379 = arith.addf %add3A_1369, %get3A_1378 : vector<16xf32>
        %mul3A_1380 = arith.constant 10 : i32
        %mul3A_1381 = arith.muli %scan3A_574, %mul3A_1380 : i32
        %add3A_1382 = arith.constant 8 : i32
        %add3A_1383 = arith.addi %add3A_1382, %mul3A_1381 : i32
        %add3A_1384 = arith.constant 4 : i32
        %add3A_1385 = arith.addi %add3A_1383, %add3A_1384 : i32
        %get3A_1386 = arith.index_cast %add3A_1385 : i32 to index
        %get3A_1387 = arith.constant 112 : index
        %get3A_1388 = tpu.vector_load %arg11[%get3A_1386, %get3A_1387] {strides = array<i32>} : memref<88x128xf32, #tpu.memory_space<vmem>>, vector<16xf32>,
        %add3A_1389 = arith.addf %add3A_1379, %get3A_1388 : vector<16xf32>
        %mul3A_1390 = arith.constant 10 : i32
        %mul3A_1391 = arith.muli %scan3A_574, %mul3A_1390 : i32
        %add3A_1392 = arith.constant 8 : i32
        %add3A_1393 = arith.addi %add3A_1392, %mul3A_1391 : i32
        %add3A_1394 = arith.constant 5 : i32
        %add3A_1395 = arith.addi %add3A_1393, %add3A_1394 : i32
        %get3A_1396 = arith.index_cast %add3A_1395 : i32 to index
        %get3A_1397 = arith.constant 112 : index
        %get3A_1398 = tpu.vector_load %arg11[%get3A_1396, %get3A_1397] {strides = array<i32>} : memref<88x128xf32, #tpu.memory_space<vmem>>, vector<16xf32>,
        %add3A_1399 = arith.addf %add3A_1389, %get3A_1398 : vector<16xf32>
        %mul3A_1400 = arith.constant 10 : i32
        %mul3A_1401 = arith.muli %scan3A_574, %mul3A_1400 : i32
        %add3A_1402 = arith.constant 8 : i32
        %add3A_1403 = arith.addi %add3A_1402, %mul3A_1401 : i32
        %add3A_1404 = arith.constant 6 : i32
        %add3A_1405 = arith.addi %add3A_1403, %add3A_1404 : i32
        %get3A_1406 = arith.index_cast %add3A_1405 : i32 to index
        %get3A_1407 = arith.constant 112 : index
        %get3A_1408 = tpu.vector_load %arg11[%get3A_1406, %get3A_1407] {strides = array<i32>} : memref<88x128xf32, #tpu.memory_space<vmem>>, vector<16xf32>,
        %add3A_1409 = arith.addf %add3A_1399, %get3A_1408 : vector<16xf32>
        %mul3A_1410 = arith.constant 10 : i32
        %mul3A_1411 = arith.muli %scan3A_574, %mul3A_1410 : i32
        %add3A_1412 = arith.constant 8 : i32
        %add3A_1413 = arith.addi %add3A_1412, %mul3A_1411 : i32
        %add3A_1414 = arith.constant 7 : i32
        %add3A_1415 = arith.addi %add3A_1413, %add3A_1414 : i32
        %get3A_1416 = arith.index_cast %add3A_1415 : i32 to index
        %get3A_1417 = arith.constant 112 : index
        %get3A_1418 = tpu.vector_load %arg11[%get3A_1416, %get3A_1417] {strides = array<i32>} : memref<88x128xf32, #tpu.memory_space<vmem>>, vector<16xf32>,
        %add3A_1419 = arith.addf %add3A_1409, %get3A_1418 : vector<16xf32>
        %mul3A_1420 = arith.constant 10 : i32
        %mul3A_1421 = arith.muli %scan3A_574, %mul3A_1420 : i32
        %add3A_1422 = arith.constant 8 : i32
        %add3A_1423 = arith.addi %add3A_1422, %mul3A_1421 : i32
        %add3A_1424 = arith.constant 8 : i32
        %add3A_1425 = arith.addi %add3A_1423, %add3A_1424 : i32
        %get3A_1426 = arith.index_cast %add3A_1425 : i32 to index
        %get3A_1427 = arith.constant 112 : index
        %get3A_1428 = tpu.vector_load %arg11[%get3A_1426, %get3A_1427] {strides = array<i32>} : memref<88x128xf32, #tpu.memory_space<vmem>>, vector<16xf32>,
        %add3A_1429 = arith.addf %add3A_1419, %get3A_1428 : vector<16xf32>
        %mul3A_1430 = arith.constant 10 : i32
        %mul3A_1431 = arith.muli %scan3A_574, %mul3A_1430 : i32
        %add3A_1432 = arith.constant 8 : i32
        %add3A_1433 = arith.addi %add3A_1432, %mul3A_1431 : i32
        %add3A_1434 = arith.constant 9 : i32
        %add3A_1435 = arith.addi %add3A_1433, %add3A_1434 : i32
        %get3A_1436 = arith.index_cast %add3A_1435 : i32 to index
        %get3A_1437 = arith.constant 112 : index
        %get3A_1438 = tpu.vector_load %arg11[%get3A_1436, %get3A_1437] {strides = array<i32>} : memref<88x128xf32, #tpu.memory_space<vmem>>, vector<16xf32>,
        %add3A_1439 = arith.addf %add3A_1429, %get3A_1438 : vector<16xf32>
        %mul3A_1440 = arith.constant 0.0909090936 : f32
        %mul3A_1441 = vector.broadcast %mul3A_1440 : f32 to vector<16xf32>
        %mul3A_1442 = arith.mulf %add3A_1439, %mul3A_1441 : vector<16xf32>
        %pack3A_1443 = tpu.pack_subelements %mul3A_1336, %mul3A_1442 {pack_format = #tpu.pack_format<interleaved>, positions = array<i32: 0, 1>} : vector<16xf32>, vector<16xf32> -> vector<32xbf16>
        %bitcast3A_1444 = vector.bitcast %pack3A_1443 : vector<32xbf16> to vector<16xf32>
        %mul3A_1445 = arith.constant 8 : i32
        %mul3A_1446 = arith.muli %add3A_482, %mul3A_1445 : i32
        %add3A_1447 = arith.addi %mul3A_1446, %scan3A_574 : i32
        %swap3A_1448 = arith.index_cast %add3A_1447 : i32 to index
        %swap3A_1449 = arith.constant 48 : index
        %swap3A_1450 = tpu.vector_load %arg19[%swap3A_1448, %swap3A_1449] {strides = array<i32>} : memref<320x64xf32, #tpu.memory_space<vmem>>, vector<16xf32>,
        tpu.vector_store %arg19[%swap3A_1448, %swap3A_1449], %bitcast3A_1444 {strides = array<i32>} : memref<320x64xf32, #tpu.memory_space<vmem>>, vector<16xf32>,
      }
      %scan3A_488 = arith.constant 8 : i32
      %mul3A_489 = arith.constant 8 : i32
      %mul3A_490 = arith.muli %add3A_482, %mul3A_489 : i32
      %mul3A_491 = arith.constant 8 : i32
      %mul3A_492 = arith.muli %add3A_482, %mul3A_491 : i32
      %add3A_493 = arith.addi %mul3A_2, %mul3A_492 : i32
      %dma_start3A_494 = arith.constant 0 : i32
      %dma_start3A_495 = tpu.memref_slice %arg19[%mul3A_490, %dma_start3A_494] : memref<320x64xf32, #tpu.memory_space<vmem>> -> memref<8x64xf32, #tpu.memory_space<vmem>>
      %dma_start3A_496 = arith.constant 0 : i32
      %dma_start3A_497 = tpu.memref_slice %arg5[%add3A_493, %dma_start3A_496] : memref<10240x64xf32, #tpu.memory_space<hbm>> -> memref<8x64xf32, #tpu.memory_space<hbm>>
      %dma_start3A_498 = arith.constant 0 : i32
      %dma_start3A_499 = tpu.memref_slice %arg5[%add3A_493, %dma_start3A_498] : memref<10240x64xf32, #tpu.memory_space<hbm>> -> memref<8x64xf32, #tpu.memory_space<hbm>>
      %dma_start3A_500 = arith.constant 0 : i32
      %dma_start3A_501 = tpu.memref_slice %arg19[%mul3A_490, %dma_start3A_500] : memref<320x64xf32, #tpu.memory_space<vmem>> -> memref<8x64xf32, #tpu.memory_space<vmem>>
      tpu.enqueue_dma source(%dma_start3A_501 : memref<8x64xf32, #tpu.memory_space<vmem>>) target(%dma_start3A_499 : memref<8x64xf32, #tpu.memory_space<hbm>>) target_semaphore(%arg20 : memref<!tpu.dma_semaphore, #tpu.memory_space<semaphore_mem>>)
      %add3A_502 = arith.constant 5 : i32
      %add3A_503 = arith.addi %mul3A_382, %add3A_502 : i32
      %add3A_504 = arith.constant 2 : i32
      %add3A_505 = arith.addi %add3A_503, %add3A_504 : i32
      %lt3A_506 = arith.constant 40 : i32
      %lt3A_507 = arith.cmpi slt, %add3A_505, %lt3A_506 : i32
      %convert_element_type3A_508 = arith.extui %lt3A_507 : i1 to i32
      %cond3A_509 = arith.constant 0 : i32
      %cond3A_510 = arith.cmpi ne, %convert_element_type3A_508, %cond3A_509 : i32
      scf.if %cond3A_510 {
        %add3A_574 = arith.constant 5 : i32
        %add3A_575 = arith.addi %mul3A_382, %add3A_574 : i32
        %add3A_576 = arith.constant 2 : i32
        %add3A_577 = arith.addi %add3A_575, %add3A_576 : i32
        %mul3A_578 = arith.constant 8 : i32
        %mul3A_579 = arith.muli %add3A_577, %mul3A_578 : i32
        %dma_start3A_580 = arith.constant 0 : i32
        %dma_start3A_581 = arith.constant 0 : i32
        %dma_start3A_582 = tpu.memref_slice %arg11[%dma_start3A_580, %dma_start3A_581] : memref<88x128xf32, #tpu.memory_space<vmem>> -> memref<8x128xf32, #tpu.memory_space<vmem>>
        %dma_start3A_583 = tpu.memref_slice %arg6[%mul3A_579] : memref<320xi32, #tpu.memory_space<vmem>> -> memref<8xi32, #tpu.memory_space<vmem>>
        %dma_start3A_584 = arith.constant 0 : i32
        %dma_start3A_585 = arith.constant 0 : i32
        %dma_start3A_586 = tpu.memref_slice %arg4[%dma_start3A_584, %dma_start3A_585] : memref<100000x128xf32, #tpu.memory_space<hbm>> -> memref<100000x128xf32, #tpu.memory_space<hbm>>
        tpu.enqueue_indirect_dma source(%dma_start3A_586 : memref<100000x128xf32, #tpu.memory_space<hbm>>) target(%dma_start3A_582 : memref<8x128xf32, #tpu.memory_space<vmem>>) offsets(%dma_start3A_583 : memref<8xi32, #tpu.memory_space<vmem>>) semaphore(%arg16 : memref<!tpu.dma_semaphore, #tpu.memory_space<semaphore_mem>>)
        %mul3A_587 = arith.constant 8 : i32
        %mul3A_588 = arith.muli %add3A_577, %mul3A_587 : i32
        %mul3A_589 = arith.constant 10 : i32
        %mul3A_590 = arith.muli %mul3A_588, %mul3A_589 : i32
        %dma_start3A_591 = arith.constant 8 : i32
        %dma_start3A_592 = arith.constant 0 : i32
        %dma_start3A_593 = tpu.memref_slice %arg11[%dma_start3A_591, %dma_start3A_592] : memref<88x128xf32, #tpu.memory_space<vmem>> -> memref<80x128xf32, #tpu.memory_space<vmem>>
        %dma_start3A_594 = tpu.memref_slice %arg8[%mul3A_590] : memref<3200xi32, #tpu.memory_space<vmem>> -> memref<80xi32, #tpu.memory_space<vmem>>
        %dma_start3A_595 = arith.constant 0 : i32
        %dma_start3A_596 = arith.constant 0 : i32
        %dma_start3A_597 = tpu.memref_slice %arg4[%dma_start3A_595, %dma_start3A_596] : memref<100000x128xf32, #tpu.memory_space<hbm>> -> memref<100000x128xf32, #tpu.memory_space<hbm>>
        tpu.enqueue_indirect_dma source(%dma_start3A_597 : memref<100000x128xf32, #tpu.memory_space<hbm>>) target(%dma_start3A_593 : memref<80x128xf32, #tpu.memory_space<vmem>>) offsets(%dma_start3A_594 : memref<80xi32, #tpu.memory_space<vmem>>) semaphore(%arg16 : memref<!tpu.dma_semaphore, #tpu.memory_space<semaphore_mem>>)
      } else {
      }
      %dma_wait3A_511 = arith.constant 0 : i32
      %dma_wait3A_512 = arith.constant 0 : i32
      %dma_wait3A_513 = tpu.memref_slice %arg4[%dma_wait3A_511, %dma_wait3A_512] : memref<100000x128xf32, #tpu.memory_space<hbm>> -> memref<88x128xf32, #tpu.memory_space<hbm>>
      %dma_wait3A_514 = arith.constant 0 : i32
      %dma_wait3A_515 = arith.constant 0 : i32
      %dma_wait3A_516 = tpu.memref_slice %arg4[%dma_wait3A_514, %dma_wait3A_515] : memref<100000x128xf32, #tpu.memory_space<hbm>> -> memref<88x128xf32, #tpu.memory_space<hbm>>
      tpu.wait_dma2 semaphore(%arg17 : memref<!tpu.dma_semaphore, #tpu.memory_space<semaphore_mem>>) src(%dma_wait3A_516 : memref<88x128xf32, #tpu.memory_space<hbm>>) dst(%arg12 : memref<88x128xf32, #tpu.memory_space<vmem>>)
      %add3A_517 = arith.constant 3 : i32
      %add3A_518 = arith.addi %mul3A_382, %add3A_517 : i32
      %scan3A_519 = arith.constant 0 : i32
      %scan3A_520 = arith.constant 0 : i32
      %scan3A_521 = arith.constant 8 : i32
      %scan3A_522 = arith.addi %scan3A_520, %scan3A_521 : i32
      %scan3A_523 = arith.constant 1 : i32
      scf.for %scan3A_574 = %scan3A_520 to %scan3A_522 step %scan3A_523  : i32 {
        %get3A = arith.index_cast %scan3A_574 : i32 to index
        %get3A_575 = arith.constant 0 : index
        %get3A_576 = tpu.vector_load %arg12[%get3A, %get3A_575] {strides = array<i32>} : memref<88x128xf32, #tpu.memory_space<vmem>>, vector<16xf32>,
        %mul3A_577 = arith.constant 10 : i32
        %mul3A_578 = arith.muli %scan3A_574, %mul3A_577 : i32
        %add3A_579 = arith.constant 8 : i32
        %add3A_580 = arith.addi %add3A_579, %mul3A_578 : i32
        %add3A_581 = arith.constant 0 : i32
        %add3A_582 = arith.addi %add3A_580, %add3A_581 : i32
        %get3A_583 = arith.index_cast %add3A_582 : i32 to index
        %get3A_584 = arith.constant 0 : index
        %get3A_585 = tpu.vector_load %arg12[%get3A_583, %get3A_584] {strides = array<i32>} : memref<88x128xf32, #tpu.memory_space<vmem>>, vector<16xf32>,
        %add3A_586 = arith.addf %get3A_576, %get3A_585 : vector<16xf32>
        %mul3A_587 = arith.constant 10 : i32
        %mul3A_588 = arith.muli %scan3A_574, %mul3A_587 : i32
        %add3A_589 = arith.constant 8 : i32
        %add3A_590 = arith.addi %add3A_589, %mul3A_588 : i32
        %add3A_591 = arith.constant 1 : i32
        %add3A_592 = arith.addi %add3A_590, %add3A_591 : i32
        %get3A_593 = arith.index_cast %add3A_592 : i32 to index
        %get3A_594 = arith.constant 0 : index
        %get3A_595 = tpu.vector_load %arg12[%get3A_593, %get3A_594] {strides = array<i32>} : memref<88x128xf32, #tpu.memory_space<vmem>>, vector<16xf32>,
        %add3A_596 = arith.addf %add3A_586, %get3A_595 : vector<16xf32>
        %mul3A_597 = arith.constant 10 : i32
        %mul3A_598 = arith.muli %scan3A_574, %mul3A_597 : i32
        %add3A_599 = arith.constant 8 : i32
        %add3A_600 = arith.addi %add3A_599, %mul3A_598 : i32
        %add3A_601 = arith.constant 2 : i32
        %add3A_602 = arith.addi %add3A_600, %add3A_601 : i32
        %get3A_603 = arith.index_cast %add3A_602 : i32 to index
        %get3A_604 = arith.constant 0 : index
        %get3A_605 = tpu.vector_load %arg12[%get3A_603, %get3A_604] {strides = array<i32>} : memref<88x128xf32, #tpu.memory_space<vmem>>, vector<16xf32>,
        %add3A_606 = arith.addf %add3A_596, %get3A_605 : vector<16xf32>
        %mul3A_607 = arith.constant 10 : i32
        %mul3A_608 = arith.muli %scan3A_574, %mul3A_607 : i32
        %add3A_609 = arith.constant 8 : i32
        %add3A_610 = arith.addi %add3A_609, %mul3A_608 : i32
        %add3A_611 = arith.constant 3 : i32
        %add3A_612 = arith.addi %add3A_610, %add3A_611 : i32
        %get3A_613 = arith.index_cast %add3A_612 : i32 to index
        %get3A_614 = arith.constant 0 : index
        %get3A_615 = tpu.vector_load %arg12[%get3A_613, %get3A_614] {strides = array<i32>} : memref<88x128xf32, #tpu.memory_space<vmem>>, vector<16xf32>,
        %add3A_616 = arith.addf %add3A_606, %get3A_615 : vector<16xf32>
        %mul3A_617 = arith.constant 10 : i32
        %mul3A_618 = arith.muli %scan3A_574, %mul3A_617 : i32
        %add3A_619 = arith.constant 8 : i32
        %add3A_620 = arith.addi %add3A_619, %mul3A_618 : i32
        %add3A_621 = arith.constant 4 : i32
        %add3A_622 = arith.addi %add3A_620, %add3A_621 : i32
        %get3A_623 = arith.index_cast %add3A_622 : i32 to index
        %get3A_624 = arith.constant 0 : index
        %get3A_625 = tpu.vector_load %arg12[%get3A_623, %get3A_624] {strides = array<i32>} : memref<88x128xf32, #tpu.memory_space<vmem>>, vector<16xf32>,
        %add3A_626 = arith.addf %add3A_616, %get3A_625 : vector<16xf32>
        %mul3A_627 = arith.constant 10 : i32
        %mul3A_628 = arith.muli %scan3A_574, %mul3A_627 : i32
        %add3A_629 = arith.constant 8 : i32
        %add3A_630 = arith.addi %add3A_629, %mul3A_628 : i32
        %add3A_631 = arith.constant 5 : i32
        %add3A_632 = arith.addi %add3A_630, %add3A_631 : i32
        %get3A_633 = arith.index_cast %add3A_632 : i32 to index
        %get3A_634 = arith.constant 0 : index
        %get3A_635 = tpu.vector_load %arg12[%get3A_633, %get3A_634] {strides = array<i32>} : memref<88x128xf32, #tpu.memory_space<vmem>>, vector<16xf32>,
        %add3A_636 = arith.addf %add3A_626, %get3A_635 : vector<16xf32>
        %mul3A_637 = arith.constant 10 : i32
        %mul3A_638 = arith.muli %scan3A_574, %mul3A_637 : i32
        %add3A_639 = arith.constant 8 : i32
        %add3A_640 = arith.addi %add3A_639, %mul3A_638 : i32
        %add3A_641 = arith.constant 6 : i32
        %add3A_642 = arith.addi %add3A_640, %add3A_641 : i32
        %get3A_643 = arith.index_cast %add3A_642 : i32 to index
        %get3A_644 = arith.constant 0 : index
        %get3A_645 = tpu.vector_load %arg12[%get3A_643, %get3A_644] {strides = array<i32>} : memref<88x128xf32, #tpu.memory_space<vmem>>, vector<16xf32>,
        %add3A_646 = arith.addf %add3A_636, %get3A_645 : vector<16xf32>
        %mul3A_647 = arith.constant 10 : i32
        %mul3A_648 = arith.muli %scan3A_574, %mul3A_647 : i32
        %add3A_649 = arith.constant 8 : i32
        %add3A_650 = arith.addi %add3A_649, %mul3A_648 : i32
        %add3A_651 = arith.constant 7 : i32
        %add3A_652 = arith.addi %add3A_650, %add3A_651 : i32
        %get3A_653 = arith.index_cast %add3A_652 : i32 to index
        %get3A_654 = arith.constant 0 : index
        %get3A_655 = tpu.vector_load %arg12[%get3A_653, %get3A_654] {strides = array<i32>} : memref<88x128xf32, #tpu.memory_space<vmem>>, vector<16xf32>,
        %add3A_656 = arith.addf %add3A_646, %get3A_655 : vector<16xf32>
        %mul3A_657 = arith.constant 10 : i32
        %mul3A_658 = arith.muli %scan3A_574, %mul3A_657 : i32
        %add3A_659 = arith.constant 8 : i32
        %add3A_660 = arith.addi %add3A_659, %mul3A_658 : i32
        %add3A_661 = arith.constant 8 : i32
        %add3A_662 = arith.addi %add3A_660, %add3A_661 : i32
        %get3A_663 = arith.index_cast %add3A_662 : i32 to index
        %get3A_664 = arith.constant 0 : index
        %get3A_665 = tpu.vector_load %arg12[%get3A_663, %get3A_664] {strides = array<i32>} : memref<88x128xf32, #tpu.memory_space<vmem>>, vector<16xf32>,
        %add3A_666 = arith.addf %add3A_656, %get3A_665 : vector<16xf32>
        %mul3A_667 = arith.constant 10 : i32
        %mul3A_668 = arith.muli %scan3A_574, %mul3A_667 : i32
        %add3A_669 = arith.constant 8 : i32
        %add3A_670 = arith.addi %add3A_669, %mul3A_668 : i32
        %add3A_671 = arith.constant 9 : i32
        %add3A_672 = arith.addi %add3A_670, %add3A_671 : i32
        %get3A_673 = arith.index_cast %add3A_672 : i32 to index
        %get3A_674 = arith.constant 0 : index
        %get3A_675 = tpu.vector_load %arg12[%get3A_673, %get3A_674] {strides = array<i32>} : memref<88x128xf32, #tpu.memory_space<vmem>>, vector<16xf32>,
        %add3A_676 = arith.addf %add3A_666, %get3A_675 : vector<16xf32>
        %mul3A_677 = arith.constant 0.0909090936 : f32
        %mul3A_678 = vector.broadcast %mul3A_677 : f32 to vector<16xf32>
        %mul3A_679 = arith.mulf %add3A_676, %mul3A_678 : vector<16xf32>
        %get3A_680 = arith.index_cast %scan3A_574 : i32 to index
        %get3A_681 = arith.constant 16 : index
        %get3A_682 = tpu.vector_load %arg12[%get3A_680, %get3A_681] {strides = array<i32>} : memref<88x128xf32, #tpu.memory_space<vmem>>, vector<16xf32>,
        %mul3A_683 = arith.constant 10 : i32
        %mul3A_684 = arith.muli %scan3A_574, %mul3A_683 : i32
        %add3A_685 = arith.constant 8 : i32
        %add3A_686 = arith.addi %add3A_685, %mul3A_684 : i32
        %add3A_687 = arith.constant 0 : i32
        %add3A_688 = arith.addi %add3A_686, %add3A_687 : i32
        %get3A_689 = arith.index_cast %add3A_688 : i32 to index
        %get3A_690 = arith.constant 16 : index
        %get3A_691 = tpu.vector_load %arg12[%get3A_689, %get3A_690] {strides = array<i32>} : memref<88x128xf32, #tpu.memory_space<vmem>>, vector<16xf32>,
        %add3A_692 = arith.addf %get3A_682, %get3A_691 : vector<16xf32>
        %mul3A_693 = arith.constant 10 : i32
        %mul3A_694 = arith.muli %scan3A_574, %mul3A_693 : i32
        %add3A_695 = arith.constant 8 : i32
        %add3A_696 = arith.addi %add3A_695, %mul3A_694 : i32
        %add3A_697 = arith.constant 1 : i32
        %add3A_698 = arith.addi %add3A_696, %add3A_697 : i32
        %get3A_699 = arith.index_cast %add3A_698 : i32 to index
        %get3A_700 = arith.constant 16 : index
        %get3A_701 = tpu.vector_load %arg12[%get3A_699, %get3A_700] {strides = array<i32>} : memref<88x128xf32, #tpu.memory_space<vmem>>, vector<16xf32>,
        %add3A_702 = arith.addf %add3A_692, %get3A_701 : vector<16xf32>
        %mul3A_703 = arith.constant 10 : i32
        %mul3A_704 = arith.muli %scan3A_574, %mul3A_703 : i32
        %add3A_705 = arith.constant 8 : i32
        %add3A_706 = arith.addi %add3A_705, %mul3A_704 : i32
        %add3A_707 = arith.constant 2 : i32
        %add3A_708 = arith.addi %add3A_706, %add3A_707 : i32
        %get3A_709 = arith.index_cast %add3A_708 : i32 to index
        %get3A_710 = arith.constant 16 : index
        %get3A_711 = tpu.vector_load %arg12[%get3A_709, %get3A_710] {strides = array<i32>} : memref<88x128xf32, #tpu.memory_space<vmem>>, vector<16xf32>,
        %add3A_712 = arith.addf %add3A_702, %get3A_711 : vector<16xf32>
        %mul3A_713 = arith.constant 10 : i32
        %mul3A_714 = arith.muli %scan3A_574, %mul3A_713 : i32
        %add3A_715 = arith.constant 8 : i32
        %add3A_716 = arith.addi %add3A_715, %mul3A_714 : i32
        %add3A_717 = arith.constant 3 : i32
        %add3A_718 = arith.addi %add3A_716, %add3A_717 : i32
        %get3A_719 = arith.index_cast %add3A_718 : i32 to index
        %get3A_720 = arith.constant 16 : index
        %get3A_721 = tpu.vector_load %arg12[%get3A_719, %get3A_720] {strides = array<i32>} : memref<88x128xf32, #tpu.memory_space<vmem>>, vector<16xf32>,
        %add3A_722 = arith.addf %add3A_712, %get3A_721 : vector<16xf32>
        %mul3A_723 = arith.constant 10 : i32
        %mul3A_724 = arith.muli %scan3A_574, %mul3A_723 : i32
        %add3A_725 = arith.constant 8 : i32
        %add3A_726 = arith.addi %add3A_725, %mul3A_724 : i32
        %add3A_727 = arith.constant 4 : i32
        %add3A_728 = arith.addi %add3A_726, %add3A_727 : i32
        %get3A_729 = arith.index_cast %add3A_728 : i32 to index
        %get3A_730 = arith.constant 16 : index
        %get3A_731 = tpu.vector_load %arg12[%get3A_729, %get3A_730] {strides = array<i32>} : memref<88x128xf32, #tpu.memory_space<vmem>>, vector<16xf32>,
        %add3A_732 = arith.addf %add3A_722, %get3A_731 : vector<16xf32>
        %mul3A_733 = arith.constant 10 : i32
        %mul3A_734 = arith.muli %scan3A_574, %mul3A_733 : i32
        %add3A_735 = arith.constant 8 : i32
        %add3A_736 = arith.addi %add3A_735, %mul3A_734 : i32
        %add3A_737 = arith.constant 5 : i32
        %add3A_738 = arith.addi %add3A_736, %add3A_737 : i32
        %get3A_739 = arith.index_cast %add3A_738 : i32 to index
        %get3A_740 = arith.constant 16 : index
        %get3A_741 = tpu.vector_load %arg12[%get3A_739, %get3A_740] {strides = array<i32>} : memref<88x128xf32, #tpu.memory_space<vmem>>, vector<16xf32>,
        %add3A_742 = arith.addf %add3A_732, %get3A_741 : vector<16xf32>
        %mul3A_743 = arith.constant 10 : i32
        %mul3A_744 = arith.muli %scan3A_574, %mul3A_743 : i32
        %add3A_745 = arith.constant 8 : i32
        %add3A_746 = arith.addi %add3A_745, %mul3A_744 : i32
        %add3A_747 = arith.constant 6 : i32
        %add3A_748 = arith.addi %add3A_746, %add3A_747 : i32
        %get3A_749 = arith.index_cast %add3A_748 : i32 to index
        %get3A_750 = arith.constant 16 : index
        %get3A_751 = tpu.vector_load %arg12[%get3A_749, %get3A_750] {strides = array<i32>} : memref<88x128xf32, #tpu.memory_space<vmem>>, vector<16xf32>,
        %add3A_752 = arith.addf %add3A_742, %get3A_751 : vector<16xf32>
        %mul3A_753 = arith.constant 10 : i32
        %mul3A_754 = arith.muli %scan3A_574, %mul3A_753 : i32
        %add3A_755 = arith.constant 8 : i32
        %add3A_756 = arith.addi %add3A_755, %mul3A_754 : i32
        %add3A_757 = arith.constant 7 : i32
        %add3A_758 = arith.addi %add3A_756, %add3A_757 : i32
        %get3A_759 = arith.index_cast %add3A_758 : i32 to index
        %get3A_760 = arith.constant 16 : index
        %get3A_761 = tpu.vector_load %arg12[%get3A_759, %get3A_760] {strides = array<i32>} : memref<88x128xf32, #tpu.memory_space<vmem>>, vector<16xf32>,
        %add3A_762 = arith.addf %add3A_752, %get3A_761 : vector<16xf32>
        %mul3A_763 = arith.constant 10 : i32
        %mul3A_764 = arith.muli %scan3A_574, %mul3A_763 : i32
        %add3A_765 = arith.constant 8 : i32
        %add3A_766 = arith.addi %add3A_765, %mul3A_764 : i32
        %add3A_767 = arith.constant 8 : i32
        %add3A_768 = arith.addi %add3A_766, %add3A_767 : i32
        %get3A_769 = arith.index_cast %add3A_768 : i32 to index
        %get3A_770 = arith.constant 16 : index
        %get3A_771 = tpu.vector_load %arg12[%get3A_769, %get3A_770] {strides = array<i32>} : memref<88x128xf32, #tpu.memory_space<vmem>>, vector<16xf32>,
        %add3A_772 = arith.addf %add3A_762, %get3A_771 : vector<16xf32>
        %mul3A_773 = arith.constant 10 : i32
        %mul3A_774 = arith.muli %scan3A_574, %mul3A_773 : i32
        %add3A_775 = arith.constant 8 : i32
        %add3A_776 = arith.addi %add3A_775, %mul3A_774 : i32
        %add3A_777 = arith.constant 9 : i32
        %add3A_778 = arith.addi %add3A_776, %add3A_777 : i32
        %get3A_779 = arith.index_cast %add3A_778 : i32 to index
        %get3A_780 = arith.constant 16 : index
        %get3A_781 = tpu.vector_load %arg12[%get3A_779, %get3A_780] {strides = array<i32>} : memref<88x128xf32, #tpu.memory_space<vmem>>, vector<16xf32>,
        %add3A_782 = arith.addf %add3A_772, %get3A_781 : vector<16xf32>
        %mul3A_783 = arith.constant 0.0909090936 : f32
        %mul3A_784 = vector.broadcast %mul3A_783 : f32 to vector<16xf32>
        %mul3A_785 = arith.mulf %add3A_782, %mul3A_784 : vector<16xf32>
        %pack3A = tpu.pack_subelements %mul3A_679, %mul3A_785 {pack_format = #tpu.pack_format<interleaved>, positions = array<i32: 0, 1>} : vector<16xf32>, vector<16xf32> -> vector<32xbf16>
        %bitcast3A = vector.bitcast %pack3A : vector<32xbf16> to vector<16xf32>
        %mul3A_786 = arith.constant 8 : i32
        %mul3A_787 = arith.muli %add3A_518, %mul3A_786 : i32
        %add3A_788 = arith.addi %mul3A_787, %scan3A_574 : i32
        %swap3A = arith.index_cast %add3A_788 : i32 to index
        %swap3A_789 = arith.constant 0 : index
        %swap3A_790 = tpu.vector_load %arg19[%swap3A, %swap3A_789] {strides = array<i32>} : memref<320x64xf32, #tpu.memory_space<vmem>>, vector<16xf32>,
        tpu.vector_store %arg19[%swap3A, %swap3A_789], %bitcast3A {strides = array<i32>} : memref<320x64xf32, #tpu.memory_space<vmem>>, vector<16xf32>,
        %get3A_791 = arith.index_cast %scan3A_574 : i32 to index
        %get3A_792 = arith.constant 32 : index
        %get3A_793 = tpu.vector_load %arg12[%get3A_791, %get3A_792] {strides = array<i32>} : memref<88x128xf32, #tpu.memory_space<vmem>>, vector<16xf32>,
        %mul3A_794 = arith.constant 10 : i32
        %mul3A_795 = arith.muli %scan3A_574, %mul3A_794 : i32
        %add3A_796 = arith.constant 8 : i32
        %add3A_797 = arith.addi %add3A_796, %mul3A_795 : i32
        %add3A_798 = arith.constant 0 : i32
        %add3A_799 = arith.addi %add3A_797, %add3A_798 : i32
        %get3A_800 = arith.index_cast %add3A_799 : i32 to index
        %get3A_801 = arith.constant 32 : index
        %get3A_802 = tpu.vector_load %arg12[%get3A_800, %get3A_801] {strides = array<i32>} : memref<88x128xf32, #tpu.memory_space<vmem>>, vector<16xf32>,
        %add3A_803 = arith.addf %get3A_793, %get3A_802 : vector<16xf32>
        %mul3A_804 = arith.constant 10 : i32
        %mul3A_805 = arith.muli %scan3A_574, %mul3A_804 : i32
        %add3A_806 = arith.constant 8 : i32
        %add3A_807 = arith.addi %add3A_806, %mul3A_805 : i32
        %add3A_808 = arith.constant 1 : i32
        %add3A_809 = arith.addi %add3A_807, %add3A_808 : i32
        %get3A_810 = arith.index_cast %add3A_809 : i32 to index
        %get3A_811 = arith.constant 32 : index
        %get3A_812 = tpu.vector_load %arg12[%get3A_810, %get3A_811] {strides = array<i32>} : memref<88x128xf32, #tpu.memory_space<vmem>>, vector<16xf32>,
        %add3A_813 = arith.addf %add3A_803, %get3A_812 : vector<16xf32>
        %mul3A_814 = arith.constant 10 : i32
        %mul3A_815 = arith.muli %scan3A_574, %mul3A_814 : i32
        %add3A_816 = arith.constant 8 : i32
        %add3A_817 = arith.addi %add3A_816, %mul3A_815 : i32
        %add3A_818 = arith.constant 2 : i32
        %add3A_819 = arith.addi %add3A_817, %add3A_818 : i32
        %get3A_820 = arith.index_cast %add3A_819 : i32 to index
        %get3A_821 = arith.constant 32 : index
        %get3A_822 = tpu.vector_load %arg12[%get3A_820, %get3A_821] {strides = array<i32>} : memref<88x128xf32, #tpu.memory_space<vmem>>, vector<16xf32>,
        %add3A_823 = arith.addf %add3A_813, %get3A_822 : vector<16xf32>
        %mul3A_824 = arith.constant 10 : i32
        %mul3A_825 = arith.muli %scan3A_574, %mul3A_824 : i32
        %add3A_826 = arith.constant 8 : i32
        %add3A_827 = arith.addi %add3A_826, %mul3A_825 : i32
        %add3A_828 = arith.constant 3 : i32
        %add3A_829 = arith.addi %add3A_827, %add3A_828 : i32
        %get3A_830 = arith.index_cast %add3A_829 : i32 to index
        %get3A_831 = arith.constant 32 : index
        %get3A_832 = tpu.vector_load %arg12[%get3A_830, %get3A_831] {strides = array<i32>} : memref<88x128xf32, #tpu.memory_space<vmem>>, vector<16xf32>,
        %add3A_833 = arith.addf %add3A_823, %get3A_832 : vector<16xf32>
        %mul3A_834 = arith.constant 10 : i32
        %mul3A_835 = arith.muli %scan3A_574, %mul3A_834 : i32
        %add3A_836 = arith.constant 8 : i32
        %add3A_837 = arith.addi %add3A_836, %mul3A_835 : i32
        %add3A_838 = arith.constant 4 : i32
        %add3A_839 = arith.addi %add3A_837, %add3A_838 : i32
        %get3A_840 = arith.index_cast %add3A_839 : i32 to index
        %get3A_841 = arith.constant 32 : index
        %get3A_842 = tpu.vector_load %arg12[%get3A_840, %get3A_841] {strides = array<i32>} : memref<88x128xf32, #tpu.memory_space<vmem>>, vector<16xf32>,
        %add3A_843 = arith.addf %add3A_833, %get3A_842 : vector<16xf32>
        %mul3A_844 = arith.constant 10 : i32
        %mul3A_845 = arith.muli %scan3A_574, %mul3A_844 : i32
        %add3A_846 = arith.constant 8 : i32
        %add3A_847 = arith.addi %add3A_846, %mul3A_845 : i32
        %add3A_848 = arith.constant 5 : i32
        %add3A_849 = arith.addi %add3A_847, %add3A_848 : i32
        %get3A_850 = arith.index_cast %add3A_849 : i32 to index
        %get3A_851 = arith.constant 32 : index
        %get3A_852 = tpu.vector_load %arg12[%get3A_850, %get3A_851] {strides = array<i32>} : memref<88x128xf32, #tpu.memory_space<vmem>>, vector<16xf32>,
        %add3A_853 = arith.addf %add3A_843, %get3A_852 : vector<16xf32>
        %mul3A_854 = arith.constant 10 : i32
        %mul3A_855 = arith.muli %scan3A_574, %mul3A_854 : i32
        %add3A_856 = arith.constant 8 : i32
        %add3A_857 = arith.addi %add3A_856, %mul3A_855 : i32
        %add3A_858 = arith.constant 6 : i32
        %add3A_859 = arith.addi %add3A_857, %add3A_858 : i32
        %get3A_860 = arith.index_cast %add3A_859 : i32 to index
        %get3A_861 = arith.constant 32 : index
        %get3A_862 = tpu.vector_load %arg12[%get3A_860, %get3A_861] {strides = array<i32>} : memref<88x128xf32, #tpu.memory_space<vmem>>, vector<16xf32>,
        %add3A_863 = arith.addf %add3A_853, %get3A_862 : vector<16xf32>
        %mul3A_864 = arith.constant 10 : i32
        %mul3A_865 = arith.muli %scan3A_574, %mul3A_864 : i32
        %add3A_866 = arith.constant 8 : i32
        %add3A_867 = arith.addi %add3A_866, %mul3A_865 : i32
        %add3A_868 = arith.constant 7 : i32
        %add3A_869 = arith.addi %add3A_867, %add3A_868 : i32
        %get3A_870 = arith.index_cast %add3A_869 : i32 to index
        %get3A_871 = arith.constant 32 : index
        %get3A_872 = tpu.vector_load %arg12[%get3A_870, %get3A_871] {strides = array<i32>} : memref<88x128xf32, #tpu.memory_space<vmem>>, vector<16xf32>,
        %add3A_873 = arith.addf %add3A_863, %get3A_872 : vector<16xf32>
        %mul3A_874 = arith.constant 10 : i32
        %mul3A_875 = arith.muli %scan3A_574, %mul3A_874 : i32
        %add3A_876 = arith.constant 8 : i32
        %add3A_877 = arith.addi %add3A_876, %mul3A_875 : i32
        %add3A_878 = arith.constant 8 : i32
        %add3A_879 = arith.addi %add3A_877, %add3A_878 : i32
        %get3A_880 = arith.index_cast %add3A_879 : i32 to index
        %get3A_881 = arith.constant 32 : index
        %get3A_882 = tpu.vector_load %arg12[%get3A_880, %get3A_881] {strides = array<i32>} : memref<88x128xf32, #tpu.memory_space<vmem>>, vector<16xf32>,
        %add3A_883 = arith.addf %add3A_873, %get3A_882 : vector<16xf32>
        %mul3A_884 = arith.constant 10 : i32
        %mul3A_885 = arith.muli %scan3A_574, %mul3A_884 : i32
        %add3A_886 = arith.constant 8 : i32
        %add3A_887 = arith.addi %add3A_886, %mul3A_885 : i32
        %add3A_888 = arith.constant 9 : i32
        %add3A_889 = arith.addi %add3A_887, %add3A_888 : i32
        %get3A_890 = arith.index_cast %add3A_889 : i32 to index
        %get3A_891 = arith.constant 32 : index
        %get3A_892 = tpu.vector_load %arg12[%get3A_890, %get3A_891] {strides = array<i32>} : memref<88x128xf32, #tpu.memory_space<vmem>>, vector<16xf32>,
        %add3A_893 = arith.addf %add3A_883, %get3A_892 : vector<16xf32>
        %mul3A_894 = arith.constant 0.0909090936 : f32
        %mul3A_895 = vector.broadcast %mul3A_894 : f32 to vector<16xf32>
        %mul3A_896 = arith.mulf %add3A_893, %mul3A_895 : vector<16xf32>
        %get3A_897 = arith.index_cast %scan3A_574 : i32 to index
        %get3A_898 = arith.constant 48 : index
        %get3A_899 = tpu.vector_load %arg12[%get3A_897, %get3A_898] {strides = array<i32>} : memref<88x128xf32, #tpu.memory_space<vmem>>, vector<16xf32>,
        %mul3A_900 = arith.constant 10 : i32
        %mul3A_901 = arith.muli %scan3A_574, %mul3A_900 : i32
        %add3A_902 = arith.constant 8 : i32
        %add3A_903 = arith.addi %add3A_902, %mul3A_901 : i32
        %add3A_904 = arith.constant 0 : i32
        %add3A_905 = arith.addi %add3A_903, %add3A_904 : i32
        %get3A_906 = arith.index_cast %add3A_905 : i32 to index
        %get3A_907 = arith.constant 48 : index
        %get3A_908 = tpu.vector_load %arg12[%get3A_906, %get3A_907] {strides = array<i32>} : memref<88x128xf32, #tpu.memory_space<vmem>>, vector<16xf32>,
        %add3A_909 = arith.addf %get3A_899, %get3A_908 : vector<16xf32>
        %mul3A_910 = arith.constant 10 : i32
        %mul3A_911 = arith.muli %scan3A_574, %mul3A_910 : i32
        %add3A_912 = arith.constant 8 : i32
        %add3A_913 = arith.addi %add3A_912, %mul3A_911 : i32
        %add3A_914 = arith.constant 1 : i32
        %add3A_915 = arith.addi %add3A_913, %add3A_914 : i32
        %get3A_916 = arith.index_cast %add3A_915 : i32 to index
        %get3A_917 = arith.constant 48 : index
        %get3A_918 = tpu.vector_load %arg12[%get3A_916, %get3A_917] {strides = array<i32>} : memref<88x128xf32, #tpu.memory_space<vmem>>, vector<16xf32>,
        %add3A_919 = arith.addf %add3A_909, %get3A_918 : vector<16xf32>
        %mul3A_920 = arith.constant 10 : i32
        %mul3A_921 = arith.muli %scan3A_574, %mul3A_920 : i32
        %add3A_922 = arith.constant 8 : i32
        %add3A_923 = arith.addi %add3A_922, %mul3A_921 : i32
        %add3A_924 = arith.constant 2 : i32
        %add3A_925 = arith.addi %add3A_923, %add3A_924 : i32
        %get3A_926 = arith.index_cast %add3A_925 : i32 to index
        %get3A_927 = arith.constant 48 : index
        %get3A_928 = tpu.vector_load %arg12[%get3A_926, %get3A_927] {strides = array<i32>} : memref<88x128xf32, #tpu.memory_space<vmem>>, vector<16xf32>,
        %add3A_929 = arith.addf %add3A_919, %get3A_928 : vector<16xf32>
        %mul3A_930 = arith.constant 10 : i32
        %mul3A_931 = arith.muli %scan3A_574, %mul3A_930 : i32
        %add3A_932 = arith.constant 8 : i32
        %add3A_933 = arith.addi %add3A_932, %mul3A_931 : i32
        %add3A_934 = arith.constant 3 : i32
        %add3A_935 = arith.addi %add3A_933, %add3A_934 : i32
        %get3A_936 = arith.index_cast %add3A_935 : i32 to index
        %get3A_937 = arith.constant 48 : index
        %get3A_938 = tpu.vector_load %arg12[%get3A_936, %get3A_937] {strides = array<i32>} : memref<88x128xf32, #tpu.memory_space<vmem>>, vector<16xf32>,
        %add3A_939 = arith.addf %add3A_929, %get3A_938 : vector<16xf32>
        %mul3A_940 = arith.constant 10 : i32
        %mul3A_941 = arith.muli %scan3A_574, %mul3A_940 : i32
        %add3A_942 = arith.constant 8 : i32
        %add3A_943 = arith.addi %add3A_942, %mul3A_941 : i32
        %add3A_944 = arith.constant 4 : i32
        %add3A_945 = arith.addi %add3A_943, %add3A_944 : i32
        %get3A_946 = arith.index_cast %add3A_945 : i32 to index
        %get3A_947 = arith.constant 48 : index
        %get3A_948 = tpu.vector_load %arg12[%get3A_946, %get3A_947] {strides = array<i32>} : memref<88x128xf32, #tpu.memory_space<vmem>>, vector<16xf32>,
        %add3A_949 = arith.addf %add3A_939, %get3A_948 : vector<16xf32>
        %mul3A_950 = arith.constant 10 : i32
        %mul3A_951 = arith.muli %scan3A_574, %mul3A_950 : i32
        %add3A_952 = arith.constant 8 : i32
        %add3A_953 = arith.addi %add3A_952, %mul3A_951 : i32
        %add3A_954 = arith.constant 5 : i32
        %add3A_955 = arith.addi %add3A_953, %add3A_954 : i32
        %get3A_956 = arith.index_cast %add3A_955 : i32 to index
        %get3A_957 = arith.constant 48 : index
        %get3A_958 = tpu.vector_load %arg12[%get3A_956, %get3A_957] {strides = array<i32>} : memref<88x128xf32, #tpu.memory_space<vmem>>, vector<16xf32>,
        %add3A_959 = arith.addf %add3A_949, %get3A_958 : vector<16xf32>
        %mul3A_960 = arith.constant 10 : i32
        %mul3A_961 = arith.muli %scan3A_574, %mul3A_960 : i32
        %add3A_962 = arith.constant 8 : i32
        %add3A_963 = arith.addi %add3A_962, %mul3A_961 : i32
        %add3A_964 = arith.constant 6 : i32
        %add3A_965 = arith.addi %add3A_963, %add3A_964 : i32
        %get3A_966 = arith.index_cast %add3A_965 : i32 to index
        %get3A_967 = arith.constant 48 : index
        %get3A_968 = tpu.vector_load %arg12[%get3A_966, %get3A_967] {strides = array<i32>} : memref<88x128xf32, #tpu.memory_space<vmem>>, vector<16xf32>,
        %add3A_969 = arith.addf %add3A_959, %get3A_968 : vector<16xf32>
        %mul3A_970 = arith.constant 10 : i32
        %mul3A_971 = arith.muli %scan3A_574, %mul3A_970 : i32
        %add3A_972 = arith.constant 8 : i32
        %add3A_973 = arith.addi %add3A_972, %mul3A_971 : i32
        %add3A_974 = arith.constant 7 : i32
        %add3A_975 = arith.addi %add3A_973, %add3A_974 : i32
        %get3A_976 = arith.index_cast %add3A_975 : i32 to index
        %get3A_977 = arith.constant 48 : index
        %get3A_978 = tpu.vector_load %arg12[%get3A_976, %get3A_977] {strides = array<i32>} : memref<88x128xf32, #tpu.memory_space<vmem>>, vector<16xf32>,
        %add3A_979 = arith.addf %add3A_969, %get3A_978 : vector<16xf32>
        %mul3A_980 = arith.constant 10 : i32
        %mul3A_981 = arith.muli %scan3A_574, %mul3A_980 : i32
        %add3A_982 = arith.constant 8 : i32
        %add3A_983 = arith.addi %add3A_982, %mul3A_981 : i32
        %add3A_984 = arith.constant 8 : i32
        %add3A_985 = arith.addi %add3A_983, %add3A_984 : i32
        %get3A_986 = arith.index_cast %add3A_985 : i32 to index
        %get3A_987 = arith.constant 48 : index
        %get3A_988 = tpu.vector_load %arg12[%get3A_986, %get3A_987] {strides = array<i32>} : memref<88x128xf32, #tpu.memory_space<vmem>>, vector<16xf32>,
        %add3A_989 = arith.addf %add3A_979, %get3A_988 : vector<16xf32>
        %mul3A_990 = arith.constant 10 : i32
        %mul3A_991 = arith.muli %scan3A_574, %mul3A_990 : i32
        %add3A_992 = arith.constant 8 : i32
        %add3A_993 = arith.addi %add3A_992, %mul3A_991 : i32
        %add3A_994 = arith.constant 9 : i32
        %add3A_995 = arith.addi %add3A_993, %add3A_994 : i32
        %get3A_996 = arith.index_cast %add3A_995 : i32 to index
        %get3A_997 = arith.constant 48 : index
        %get3A_998 = tpu.vector_load %arg12[%get3A_996, %get3A_997] {strides = array<i32>} : memref<88x128xf32, #tpu.memory_space<vmem>>, vector<16xf32>,
        %add3A_999 = arith.addf %add3A_989, %get3A_998 : vector<16xf32>
        %mul3A_1000 = arith.constant 0.0909090936 : f32
        %mul3A_1001 = vector.broadcast %mul3A_1000 : f32 to vector<16xf32>
        %mul3A_1002 = arith.mulf %add3A_999, %mul3A_1001 : vector<16xf32>
        %pack3A_1003 = tpu.pack_subelements %mul3A_896, %mul3A_1002 {pack_format = #tpu.pack_format<interleaved>, positions = array<i32: 0, 1>} : vector<16xf32>, vector<16xf32> -> vector<32xbf16>
        %bitcast3A_1004 = vector.bitcast %pack3A_1003 : vector<32xbf16> to vector<16xf32>
        %mul3A_1005 = arith.constant 8 : i32
        %mul3A_1006 = arith.muli %add3A_518, %mul3A_1005 : i32
        %add3A_1007 = arith.addi %mul3A_1006, %scan3A_574 : i32
        %swap3A_1008 = arith.index_cast %add3A_1007 : i32 to index
        %swap3A_1009 = arith.constant 16 : index
        %swap3A_1010 = tpu.vector_load %arg19[%swap3A_1008, %swap3A_1009] {strides = array<i32>} : memref<320x64xf32, #tpu.memory_space<vmem>>, vector<16xf32>,
        tpu.vector_store %arg19[%swap3A_1008, %swap3A_1009], %bitcast3A_1004 {strides = array<i32>} : memref<320x64xf32, #tpu.memory_space<vmem>>, vector<16xf32>,
        %get3A_1011 = arith.index_cast %scan3A_574 : i32 to index
        %get3A_1012 = arith.constant 64 : index
        %get3A_1013 = tpu.vector_load %arg12[%get3A_1011, %get3A_1012] {strides = array<i32>} : memref<88x128xf32, #tpu.memory_space<vmem>>, vector<16xf32>,
        %mul3A_1014 = arith.constant 10 : i32
        %mul3A_1015 = arith.muli %scan3A_574, %mul3A_1014 : i32
        %add3A_1016 = arith.constant 8 : i32
        %add3A_1017 = arith.addi %add3A_1016, %mul3A_1015 : i32
        %add3A_1018 = arith.constant 0 : i32
        %add3A_1019 = arith.addi %add3A_1017, %add3A_1018 : i32
        %get3A_1020 = arith.index_cast %add3A_1019 : i32 to index
        %get3A_1021 = arith.constant 64 : index
        %get3A_1022 = tpu.vector_load %arg12[%get3A_1020, %get3A_1021] {strides = array<i32>} : memref<88x128xf32, #tpu.memory_space<vmem>>, vector<16xf32>,
        %add3A_1023 = arith.addf %get3A_1013, %get3A_1022 : vector<16xf32>
        %mul3A_1024 = arith.constant 10 : i32
        %mul3A_1025 = arith.muli %scan3A_574, %mul3A_1024 : i32
        %add3A_1026 = arith.constant 8 : i32
        %add3A_1027 = arith.addi %add3A_1026, %mul3A_1025 : i32
        %add3A_1028 = arith.constant 1 : i32
        %add3A_1029 = arith.addi %add3A_1027, %add3A_1028 : i32
        %get3A_1030 = arith.index_cast %add3A_1029 : i32 to index
        %get3A_1031 = arith.constant 64 : index
        %get3A_1032 = tpu.vector_load %arg12[%get3A_1030, %get3A_1031] {strides = array<i32>} : memref<88x128xf32, #tpu.memory_space<vmem>>, vector<16xf32>,
        %add3A_1033 = arith.addf %add3A_1023, %get3A_1032 : vector<16xf32>
        %mul3A_1034 = arith.constant 10 : i32
        %mul3A_1035 = arith.muli %scan3A_574, %mul3A_1034 : i32
        %add3A_1036 = arith.constant 8 : i32
        %add3A_1037 = arith.addi %add3A_1036, %mul3A_1035 : i32
        %add3A_1038 = arith.constant 2 : i32
        %add3A_1039 = arith.addi %add3A_1037, %add3A_1038 : i32
        %get3A_1040 = arith.index_cast %add3A_1039 : i32 to index
        %get3A_1041 = arith.constant 64 : index
        %get3A_1042 = tpu.vector_load %arg12[%get3A_1040, %get3A_1041] {strides = array<i32>} : memref<88x128xf32, #tpu.memory_space<vmem>>, vector<16xf32>,
        %add3A_1043 = arith.addf %add3A_1033, %get3A_1042 : vector<16xf32>
        %mul3A_1044 = arith.constant 10 : i32
        %mul3A_1045 = arith.muli %scan3A_574, %mul3A_1044 : i32
        %add3A_1046 = arith.constant 8 : i32
        %add3A_1047 = arith.addi %add3A_1046, %mul3A_1045 : i32
        %add3A_1048 = arith.constant 3 : i32
        %add3A_1049 = arith.addi %add3A_1047, %add3A_1048 : i32
        %get3A_1050 = arith.index_cast %add3A_1049 : i32 to index
        %get3A_1051 = arith.constant 64 : index
        %get3A_1052 = tpu.vector_load %arg12[%get3A_1050, %get3A_1051] {strides = array<i32>} : memref<88x128xf32, #tpu.memory_space<vmem>>, vector<16xf32>,
        %add3A_1053 = arith.addf %add3A_1043, %get3A_1052 : vector<16xf32>
        %mul3A_1054 = arith.constant 10 : i32
        %mul3A_1055 = arith.muli %scan3A_574, %mul3A_1054 : i32
        %add3A_1056 = arith.constant 8 : i32
        %add3A_1057 = arith.addi %add3A_1056, %mul3A_1055 : i32
        %add3A_1058 = arith.constant 4 : i32
        %add3A_1059 = arith.addi %add3A_1057, %add3A_1058 : i32
        %get3A_1060 = arith.index_cast %add3A_1059 : i32 to index
        %get3A_1061 = arith.constant 64 : index
        %get3A_1062 = tpu.vector_load %arg12[%get3A_1060, %get3A_1061] {strides = array<i32>} : memref<88x128xf32, #tpu.memory_space<vmem>>, vector<16xf32>,
        %add3A_1063 = arith.addf %add3A_1053, %get3A_1062 : vector<16xf32>
        %mul3A_1064 = arith.constant 10 : i32
        %mul3A_1065 = arith.muli %scan3A_574, %mul3A_1064 : i32
        %add3A_1066 = arith.constant 8 : i32
        %add3A_1067 = arith.addi %add3A_1066, %mul3A_1065 : i32
        %add3A_1068 = arith.constant 5 : i32
        %add3A_1069 = arith.addi %add3A_1067, %add3A_1068 : i32
        %get3A_1070 = arith.index_cast %add3A_1069 : i32 to index
        %get3A_1071 = arith.constant 64 : index
        %get3A_1072 = tpu.vector_load %arg12[%get3A_1070, %get3A_1071] {strides = array<i32>} : memref<88x128xf32, #tpu.memory_space<vmem>>, vector<16xf32>,
        %add3A_1073 = arith.addf %add3A_1063, %get3A_1072 : vector<16xf32>
        %mul3A_1074 = arith.constant 10 : i32
        %mul3A_1075 = arith.muli %scan3A_574, %mul3A_1074 : i32
        %add3A_1076 = arith.constant 8 : i32
        %add3A_1077 = arith.addi %add3A_1076, %mul3A_1075 : i32
        %add3A_1078 = arith.constant 6 : i32
        %add3A_1079 = arith.addi %add3A_1077, %add3A_1078 : i32
        %get3A_1080 = arith.index_cast %add3A_1079 : i32 to index
        %get3A_1081 = arith.constant 64 : index
        %get3A_1082 = tpu.vector_load %arg12[%get3A_1080, %get3A_1081] {strides = array<i32>} : memref<88x128xf32, #tpu.memory_space<vmem>>, vector<16xf32>,
        %add3A_1083 = arith.addf %add3A_1073, %get3A_1082 : vector<16xf32>
        %mul3A_1084 = arith.constant 10 : i32
        %mul3A_1085 = arith.muli %scan3A_574, %mul3A_1084 : i32
        %add3A_1086 = arith.constant 8 : i32
        %add3A_1087 = arith.addi %add3A_1086, %mul3A_1085 : i32
        %add3A_1088 = arith.constant 7 : i32
        %add3A_1089 = arith.addi %add3A_1087, %add3A_1088 : i32
        %get3A_1090 = arith.index_cast %add3A_1089 : i32 to index
        %get3A_1091 = arith.constant 64 : index
        %get3A_1092 = tpu.vector_load %arg12[%get3A_1090, %get3A_1091] {strides = array<i32>} : memref<88x128xf32, #tpu.memory_space<vmem>>, vector<16xf32>,
        %add3A_1093 = arith.addf %add3A_1083, %get3A_1092 : vector<16xf32>
        %mul3A_1094 = arith.constant 10 : i32
        %mul3A_1095 = arith.muli %scan3A_574, %mul3A_1094 : i32
        %add3A_1096 = arith.constant 8 : i32
        %add3A_1097 = arith.addi %add3A_1096, %mul3A_1095 : i32
        %add3A_1098 = arith.constant 8 : i32
        %add3A_1099 = arith.addi %add3A_1097, %add3A_1098 : i32
        %get3A_1100 = arith.index_cast %add3A_1099 : i32 to index
        %get3A_1101 = arith.constant 64 : index
        %get3A_1102 = tpu.vector_load %arg12[%get3A_1100, %get3A_1101] {strides = array<i32>} : memref<88x128xf32, #tpu.memory_space<vmem>>, vector<16xf32>,
        %add3A_1103 = arith.addf %add3A_1093, %get3A_1102 : vector<16xf32>
        %mul3A_1104 = arith.constant 10 : i32
        %mul3A_1105 = arith.muli %scan3A_574, %mul3A_1104 : i32
        %add3A_1106 = arith.constant 8 : i32
        %add3A_1107 = arith.addi %add3A_1106, %mul3A_1105 : i32
        %add3A_1108 = arith.constant 9 : i32
        %add3A_1109 = arith.addi %add3A_1107, %add3A_1108 : i32
        %get3A_1110 = arith.index_cast %add3A_1109 : i32 to index
        %get3A_1111 = arith.constant 64 : index
        %get3A_1112 = tpu.vector_load %arg12[%get3A_1110, %get3A_1111] {strides = array<i32>} : memref<88x128xf32, #tpu.memory_space<vmem>>, vector<16xf32>,
        %add3A_1113 = arith.addf %add3A_1103, %get3A_1112 : vector<16xf32>
        %mul3A_1114 = arith.constant 0.0909090936 : f32
        %mul3A_1115 = vector.broadcast %mul3A_1114 : f32 to vector<16xf32>
        %mul3A_1116 = arith.mulf %add3A_1113, %mul3A_1115 : vector<16xf32>
        %get3A_1117 = arith.index_cast %scan3A_574 : i32 to index
        %get3A_1118 = arith.constant 80 : index
        %get3A_1119 = tpu.vector_load %arg12[%get3A_1117, %get3A_1118] {strides = array<i32>} : memref<88x128xf32, #tpu.memory_space<vmem>>, vector<16xf32>,
        %mul3A_1120 = arith.constant 10 : i32
        %mul3A_1121 = arith.muli %scan3A_574, %mul3A_1120 : i32
        %add3A_1122 = arith.constant 8 : i32
        %add3A_1123 = arith.addi %add3A_1122, %mul3A_1121 : i32
        %add3A_1124 = arith.constant 0 : i32
        %add3A_1125 = arith.addi %add3A_1123, %add3A_1124 : i32
        %get3A_1126 = arith.index_cast %add3A_1125 : i32 to index
        %get3A_1127 = arith.constant 80 : index
        %get3A_1128 = tpu.vector_load %arg12[%get3A_1126, %get3A_1127] {strides = array<i32>} : memref<88x128xf32, #tpu.memory_space<vmem>>, vector<16xf32>,
        %add3A_1129 = arith.addf %get3A_1119, %get3A_1128 : vector<16xf32>
        %mul3A_1130 = arith.constant 10 : i32
        %mul3A_1131 = arith.muli %scan3A_574, %mul3A_1130 : i32
        %add3A_1132 = arith.constant 8 : i32
        %add3A_1133 = arith.addi %add3A_1132, %mul3A_1131 : i32
        %add3A_1134 = arith.constant 1 : i32
        %add3A_1135 = arith.addi %add3A_1133, %add3A_1134 : i32
        %get3A_1136 = arith.index_cast %add3A_1135 : i32 to index
        %get3A_1137 = arith.constant 80 : index
        %get3A_1138 = tpu.vector_load %arg12[%get3A_1136, %get3A_1137] {strides = array<i32>} : memref<88x128xf32, #tpu.memory_space<vmem>>, vector<16xf32>,
        %add3A_1139 = arith.addf %add3A_1129, %get3A_1138 : vector<16xf32>
        %mul3A_1140 = arith.constant 10 : i32
        %mul3A_1141 = arith.muli %scan3A_574, %mul3A_1140 : i32
        %add3A_1142 = arith.constant 8 : i32
        %add3A_1143 = arith.addi %add3A_1142, %mul3A_1141 : i32
        %add3A_1144 = arith.constant 2 : i32
        %add3A_1145 = arith.addi %add3A_1143, %add3A_1144 : i32
        %get3A_1146 = arith.index_cast %add3A_1145 : i32 to index
        %get3A_1147 = arith.constant 80 : index
        %get3A_1148 = tpu.vector_load %arg12[%get3A_1146, %get3A_1147] {strides = array<i32>} : memref<88x128xf32, #tpu.memory_space<vmem>>, vector<16xf32>,
        %add3A_1149 = arith.addf %add3A_1139, %get3A_1148 : vector<16xf32>
        %mul3A_1150 = arith.constant 10 : i32
        %mul3A_1151 = arith.muli %scan3A_574, %mul3A_1150 : i32
        %add3A_1152 = arith.constant 8 : i32
        %add3A_1153 = arith.addi %add3A_1152, %mul3A_1151 : i32
        %add3A_1154 = arith.constant 3 : i32
        %add3A_1155 = arith.addi %add3A_1153, %add3A_1154 : i32
        %get3A_1156 = arith.index_cast %add3A_1155 : i32 to index
        %get3A_1157 = arith.constant 80 : index
        %get3A_1158 = tpu.vector_load %arg12[%get3A_1156, %get3A_1157] {strides = array<i32>} : memref<88x128xf32, #tpu.memory_space<vmem>>, vector<16xf32>,
        %add3A_1159 = arith.addf %add3A_1149, %get3A_1158 : vector<16xf32>
        %mul3A_1160 = arith.constant 10 : i32
        %mul3A_1161 = arith.muli %scan3A_574, %mul3A_1160 : i32
        %add3A_1162 = arith.constant 8 : i32
        %add3A_1163 = arith.addi %add3A_1162, %mul3A_1161 : i32
        %add3A_1164 = arith.constant 4 : i32
        %add3A_1165 = arith.addi %add3A_1163, %add3A_1164 : i32
        %get3A_1166 = arith.index_cast %add3A_1165 : i32 to index
        %get3A_1167 = arith.constant 80 : index
        %get3A_1168 = tpu.vector_load %arg12[%get3A_1166, %get3A_1167] {strides = array<i32>} : memref<88x128xf32, #tpu.memory_space<vmem>>, vector<16xf32>,
        %add3A_1169 = arith.addf %add3A_1159, %get3A_1168 : vector<16xf32>
        %mul3A_1170 = arith.constant 10 : i32
        %mul3A_1171 = arith.muli %scan3A_574, %mul3A_1170 : i32
        %add3A_1172 = arith.constant 8 : i32
        %add3A_1173 = arith.addi %add3A_1172, %mul3A_1171 : i32
        %add3A_1174 = arith.constant 5 : i32
        %add3A_1175 = arith.addi %add3A_1173, %add3A_1174 : i32
        %get3A_1176 = arith.index_cast %add3A_1175 : i32 to index
        %get3A_1177 = arith.constant 80 : index
        %get3A_1178 = tpu.vector_load %arg12[%get3A_1176, %get3A_1177] {strides = array<i32>} : memref<88x128xf32, #tpu.memory_space<vmem>>, vector<16xf32>,
        %add3A_1179 = arith.addf %add3A_1169, %get3A_1178 : vector<16xf32>
        %mul3A_1180 = arith.constant 10 : i32
        %mul3A_1181 = arith.muli %scan3A_574, %mul3A_1180 : i32
        %add3A_1182 = arith.constant 8 : i32
        %add3A_1183 = arith.addi %add3A_1182, %mul3A_1181 : i32
        %add3A_1184 = arith.constant 6 : i32
        %add3A_1185 = arith.addi %add3A_1183, %add3A_1184 : i32
        %get3A_1186 = arith.index_cast %add3A_1185 : i32 to index
        %get3A_1187 = arith.constant 80 : index
        %get3A_1188 = tpu.vector_load %arg12[%get3A_1186, %get3A_1187] {strides = array<i32>} : memref<88x128xf32, #tpu.memory_space<vmem>>, vector<16xf32>,
        %add3A_1189 = arith.addf %add3A_1179, %get3A_1188 : vector<16xf32>
        %mul3A_1190 = arith.constant 10 : i32
        %mul3A_1191 = arith.muli %scan3A_574, %mul3A_1190 : i32
        %add3A_1192 = arith.constant 8 : i32
        %add3A_1193 = arith.addi %add3A_1192, %mul3A_1191 : i32
        %add3A_1194 = arith.constant 7 : i32
        %add3A_1195 = arith.addi %add3A_1193, %add3A_1194 : i32
        %get3A_1196 = arith.index_cast %add3A_1195 : i32 to index
        %get3A_1197 = arith.constant 80 : index
        %get3A_1198 = tpu.vector_load %arg12[%get3A_1196, %get3A_1197] {strides = array<i32>} : memref<88x128xf32, #tpu.memory_space<vmem>>, vector<16xf32>,
        %add3A_1199 = arith.addf %add3A_1189, %get3A_1198 : vector<16xf32>
        %mul3A_1200 = arith.constant 10 : i32
        %mul3A_1201 = arith.muli %scan3A_574, %mul3A_1200 : i32
        %add3A_1202 = arith.constant 8 : i32
        %add3A_1203 = arith.addi %add3A_1202, %mul3A_1201 : i32
        %add3A_1204 = arith.constant 8 : i32
        %add3A_1205 = arith.addi %add3A_1203, %add3A_1204 : i32
        %get3A_1206 = arith.index_cast %add3A_1205 : i32 to index
        %get3A_1207 = arith.constant 80 : index
        %get3A_1208 = tpu.vector_load %arg12[%get3A_1206, %get3A_1207] {strides = array<i32>} : memref<88x128xf32, #tpu.memory_space<vmem>>, vector<16xf32>,
        %add3A_1209 = arith.addf %add3A_1199, %get3A_1208 : vector<16xf32>
        %mul3A_1210 = arith.constant 10 : i32
        %mul3A_1211 = arith.muli %scan3A_574, %mul3A_1210 : i32
        %add3A_1212 = arith.constant 8 : i32
        %add3A_1213 = arith.addi %add3A_1212, %mul3A_1211 : i32
        %add3A_1214 = arith.constant 9 : i32
        %add3A_1215 = arith.addi %add3A_1213, %add3A_1214 : i32
        %get3A_1216 = arith.index_cast %add3A_1215 : i32 to index
        %get3A_1217 = arith.constant 80 : index
        %get3A_1218 = tpu.vector_load %arg12[%get3A_1216, %get3A_1217] {strides = array<i32>} : memref<88x128xf32, #tpu.memory_space<vmem>>, vector<16xf32>,
        %add3A_1219 = arith.addf %add3A_1209, %get3A_1218 : vector<16xf32>
        %mul3A_1220 = arith.constant 0.0909090936 : f32
        %mul3A_1221 = vector.broadcast %mul3A_1220 : f32 to vector<16xf32>
        %mul3A_1222 = arith.mulf %add3A_1219, %mul3A_1221 : vector<16xf32>
        %pack3A_1223 = tpu.pack_subelements %mul3A_1116, %mul3A_1222 {pack_format = #tpu.pack_format<interleaved>, positions = array<i32: 0, 1>} : vector<16xf32>, vector<16xf32> -> vector<32xbf16>
        %bitcast3A_1224 = vector.bitcast %pack3A_1223 : vector<32xbf16> to vector<16xf32>
        %mul3A_1225 = arith.constant 8 : i32
        %mul3A_1226 = arith.muli %add3A_518, %mul3A_1225 : i32
        %add3A_1227 = arith.addi %mul3A_1226, %scan3A_574 : i32
        %swap3A_1228 = arith.index_cast %add3A_1227 : i32 to index
        %swap3A_1229 = arith.constant 32 : index
        %swap3A_1230 = tpu.vector_load %arg19[%swap3A_1228, %swap3A_1229] {strides = array<i32>} : memref<320x64xf32, #tpu.memory_space<vmem>>, vector<16xf32>,
        tpu.vector_store %arg19[%swap3A_1228, %swap3A_1229], %bitcast3A_1224 {strides = array<i32>} : memref<320x64xf32, #tpu.memory_space<vmem>>, vector<16xf32>,
        %get3A_1231 = arith.index_cast %scan3A_574 : i32 to index
        %get3A_1232 = arith.constant 96 : index
        %get3A_1233 = tpu.vector_load %arg12[%get3A_1231, %get3A_1232] {strides = array<i32>} : memref<88x128xf32, #tpu.memory_space<vmem>>, vector<16xf32>,
        %mul3A_1234 = arith.constant 10 : i32
        %mul3A_1235 = arith.muli %scan3A_574, %mul3A_1234 : i32
        %add3A_1236 = arith.constant 8 : i32
        %add3A_1237 = arith.addi %add3A_1236, %mul3A_1235 : i32
        %add3A_1238 = arith.constant 0 : i32
        %add3A_1239 = arith.addi %add3A_1237, %add3A_1238 : i32
        %get3A_1240 = arith.index_cast %add3A_1239 : i32 to index
        %get3A_1241 = arith.constant 96 : index
        %get3A_1242 = tpu.vector_load %arg12[%get3A_1240, %get3A_1241] {strides = array<i32>} : memref<88x128xf32, #tpu.memory_space<vmem>>, vector<16xf32>,
        %add3A_1243 = arith.addf %get3A_1233, %get3A_1242 : vector<16xf32>
        %mul3A_1244 = arith.constant 10 : i32
        %mul3A_1245 = arith.muli %scan3A_574, %mul3A_1244 : i32
        %add3A_1246 = arith.constant 8 : i32
        %add3A_1247 = arith.addi %add3A_1246, %mul3A_1245 : i32
        %add3A_1248 = arith.constant 1 : i32
        %add3A_1249 = arith.addi %add3A_1247, %add3A_1248 : i32
        %get3A_1250 = arith.index_cast %add3A_1249 : i32 to index
        %get3A_1251 = arith.constant 96 : index
        %get3A_1252 = tpu.vector_load %arg12[%get3A_1250, %get3A_1251] {strides = array<i32>} : memref<88x128xf32, #tpu.memory_space<vmem>>, vector<16xf32>,
        %add3A_1253 = arith.addf %add3A_1243, %get3A_1252 : vector<16xf32>
        %mul3A_1254 = arith.constant 10 : i32
        %mul3A_1255 = arith.muli %scan3A_574, %mul3A_1254 : i32
        %add3A_1256 = arith.constant 8 : i32
        %add3A_1257 = arith.addi %add3A_1256, %mul3A_1255 : i32
        %add3A_1258 = arith.constant 2 : i32
        %add3A_1259 = arith.addi %add3A_1257, %add3A_1258 : i32
        %get3A_1260 = arith.index_cast %add3A_1259 : i32 to index
        %get3A_1261 = arith.constant 96 : index
        %get3A_1262 = tpu.vector_load %arg12[%get3A_1260, %get3A_1261] {strides = array<i32>} : memref<88x128xf32, #tpu.memory_space<vmem>>, vector<16xf32>,
        %add3A_1263 = arith.addf %add3A_1253, %get3A_1262 : vector<16xf32>
        %mul3A_1264 = arith.constant 10 : i32
        %mul3A_1265 = arith.muli %scan3A_574, %mul3A_1264 : i32
        %add3A_1266 = arith.constant 8 : i32
        %add3A_1267 = arith.addi %add3A_1266, %mul3A_1265 : i32
        %add3A_1268 = arith.constant 3 : i32
        %add3A_1269 = arith.addi %add3A_1267, %add3A_1268 : i32
        %get3A_1270 = arith.index_cast %add3A_1269 : i32 to index
        %get3A_1271 = arith.constant 96 : index
        %get3A_1272 = tpu.vector_load %arg12[%get3A_1270, %get3A_1271] {strides = array<i32>} : memref<88x128xf32, #tpu.memory_space<vmem>>, vector<16xf32>,
        %add3A_1273 = arith.addf %add3A_1263, %get3A_1272 : vector<16xf32>
        %mul3A_1274 = arith.constant 10 : i32
        %mul3A_1275 = arith.muli %scan3A_574, %mul3A_1274 : i32
        %add3A_1276 = arith.constant 8 : i32
        %add3A_1277 = arith.addi %add3A_1276, %mul3A_1275 : i32
        %add3A_1278 = arith.constant 4 : i32
        %add3A_1279 = arith.addi %add3A_1277, %add3A_1278 : i32
        %get3A_1280 = arith.index_cast %add3A_1279 : i32 to index
        %get3A_1281 = arith.constant 96 : index
        %get3A_1282 = tpu.vector_load %arg12[%get3A_1280, %get3A_1281] {strides = array<i32>} : memref<88x128xf32, #tpu.memory_space<vmem>>, vector<16xf32>,
        %add3A_1283 = arith.addf %add3A_1273, %get3A_1282 : vector<16xf32>
        %mul3A_1284 = arith.constant 10 : i32
        %mul3A_1285 = arith.muli %scan3A_574, %mul3A_1284 : i32
        %add3A_1286 = arith.constant 8 : i32
        %add3A_1287 = arith.addi %add3A_1286, %mul3A_1285 : i32
        %add3A_1288 = arith.constant 5 : i32
        %add3A_1289 = arith.addi %add3A_1287, %add3A_1288 : i32
        %get3A_1290 = arith.index_cast %add3A_1289 : i32 to index
        %get3A_1291 = arith.constant 96 : index
        %get3A_1292 = tpu.vector_load %arg12[%get3A_1290, %get3A_1291] {strides = array<i32>} : memref<88x128xf32, #tpu.memory_space<vmem>>, vector<16xf32>,
        %add3A_1293 = arith.addf %add3A_1283, %get3A_1292 : vector<16xf32>
        %mul3A_1294 = arith.constant 10 : i32
        %mul3A_1295 = arith.muli %scan3A_574, %mul3A_1294 : i32
        %add3A_1296 = arith.constant 8 : i32
        %add3A_1297 = arith.addi %add3A_1296, %mul3A_1295 : i32
        %add3A_1298 = arith.constant 6 : i32
        %add3A_1299 = arith.addi %add3A_1297, %add3A_1298 : i32
        %get3A_1300 = arith.index_cast %add3A_1299 : i32 to index
        %get3A_1301 = arith.constant 96 : index
        %get3A_1302 = tpu.vector_load %arg12[%get3A_1300, %get3A_1301] {strides = array<i32>} : memref<88x128xf32, #tpu.memory_space<vmem>>, vector<16xf32>,
        %add3A_1303 = arith.addf %add3A_1293, %get3A_1302 : vector<16xf32>
        %mul3A_1304 = arith.constant 10 : i32
        %mul3A_1305 = arith.muli %scan3A_574, %mul3A_1304 : i32
        %add3A_1306 = arith.constant 8 : i32
        %add3A_1307 = arith.addi %add3A_1306, %mul3A_1305 : i32
        %add3A_1308 = arith.constant 7 : i32
        %add3A_1309 = arith.addi %add3A_1307, %add3A_1308 : i32
        %get3A_1310 = arith.index_cast %add3A_1309 : i32 to index
        %get3A_1311 = arith.constant 96 : index
        %get3A_1312 = tpu.vector_load %arg12[%get3A_1310, %get3A_1311] {strides = array<i32>} : memref<88x128xf32, #tpu.memory_space<vmem>>, vector<16xf32>,
        %add3A_1313 = arith.addf %add3A_1303, %get3A_1312 : vector<16xf32>
        %mul3A_1314 = arith.constant 10 : i32
        %mul3A_1315 = arith.muli %scan3A_574, %mul3A_1314 : i32
        %add3A_1316 = arith.constant 8 : i32
        %add3A_1317 = arith.addi %add3A_1316, %mul3A_1315 : i32
        %add3A_1318 = arith.constant 8 : i32
        %add3A_1319 = arith.addi %add3A_1317, %add3A_1318 : i32
        %get3A_1320 = arith.index_cast %add3A_1319 : i32 to index
        %get3A_1321 = arith.constant 96 : index
        %get3A_1322 = tpu.vector_load %arg12[%get3A_1320, %get3A_1321] {strides = array<i32>} : memref<88x128xf32, #tpu.memory_space<vmem>>, vector<16xf32>,
        %add3A_1323 = arith.addf %add3A_1313, %get3A_1322 : vector<16xf32>
        %mul3A_1324 = arith.constant 10 : i32
        %mul3A_1325 = arith.muli %scan3A_574, %mul3A_1324 : i32
        %add3A_1326 = arith.constant 8 : i32
        %add3A_1327 = arith.addi %add3A_1326, %mul3A_1325 : i32
        %add3A_1328 = arith.constant 9 : i32
        %add3A_1329 = arith.addi %add3A_1327, %add3A_1328 : i32
        %get3A_1330 = arith.index_cast %add3A_1329 : i32 to index
        %get3A_1331 = arith.constant 96 : index
        %get3A_1332 = tpu.vector_load %arg12[%get3A_1330, %get3A_1331] {strides = array<i32>} : memref<88x128xf32, #tpu.memory_space<vmem>>, vector<16xf32>,
        %add3A_1333 = arith.addf %add3A_1323, %get3A_1332 : vector<16xf32>
        %mul3A_1334 = arith.constant 0.0909090936 : f32
        %mul3A_1335 = vector.broadcast %mul3A_1334 : f32 to vector<16xf32>
        %mul3A_1336 = arith.mulf %add3A_1333, %mul3A_1335 : vector<16xf32>
        %get3A_1337 = arith.index_cast %scan3A_574 : i32 to index
        %get3A_1338 = arith.constant 112 : index
        %get3A_1339 = tpu.vector_load %arg12[%get3A_1337, %get3A_1338] {strides = array<i32>} : memref<88x128xf32, #tpu.memory_space<vmem>>, vector<16xf32>,
        %mul3A_1340 = arith.constant 10 : i32
        %mul3A_1341 = arith.muli %scan3A_574, %mul3A_1340 : i32
        %add3A_1342 = arith.constant 8 : i32
        %add3A_1343 = arith.addi %add3A_1342, %mul3A_1341 : i32
        %add3A_1344 = arith.constant 0 : i32
        %add3A_1345 = arith.addi %add3A_1343, %add3A_1344 : i32
        %get3A_1346 = arith.index_cast %add3A_1345 : i32 to index
        %get3A_1347 = arith.constant 112 : index
        %get3A_1348 = tpu.vector_load %arg12[%get3A_1346, %get3A_1347] {strides = array<i32>} : memref<88x128xf32, #tpu.memory_space<vmem>>, vector<16xf32>,
        %add3A_1349 = arith.addf %get3A_1339, %get3A_1348 : vector<16xf32>
        %mul3A_1350 = arith.constant 10 : i32
        %mul3A_1351 = arith.muli %scan3A_574, %mul3A_1350 : i32
        %add3A_1352 = arith.constant 8 : i32
        %add3A_1353 = arith.addi %add3A_1352, %mul3A_1351 : i32
        %add3A_1354 = arith.constant 1 : i32
        %add3A_1355 = arith.addi %add3A_1353, %add3A_1354 : i32
        %get3A_1356 = arith.index_cast %add3A_1355 : i32 to index
        %get3A_1357 = arith.constant 112 : index
        %get3A_1358 = tpu.vector_load %arg12[%get3A_1356, %get3A_1357] {strides = array<i32>} : memref<88x128xf32, #tpu.memory_space<vmem>>, vector<16xf32>,
        %add3A_1359 = arith.addf %add3A_1349, %get3A_1358 : vector<16xf32>
        %mul3A_1360 = arith.constant 10 : i32
        %mul3A_1361 = arith.muli %scan3A_574, %mul3A_1360 : i32
        %add3A_1362 = arith.constant 8 : i32
        %add3A_1363 = arith.addi %add3A_1362, %mul3A_1361 : i32
        %add3A_1364 = arith.constant 2 : i32
        %add3A_1365 = arith.addi %add3A_1363, %add3A_1364 : i32
        %get3A_1366 = arith.index_cast %add3A_1365 : i32 to index
        %get3A_1367 = arith.constant 112 : index
        %get3A_1368 = tpu.vector_load %arg12[%get3A_1366, %get3A_1367] {strides = array<i32>} : memref<88x128xf32, #tpu.memory_space<vmem>>, vector<16xf32>,
        %add3A_1369 = arith.addf %add3A_1359, %get3A_1368 : vector<16xf32>
        %mul3A_1370 = arith.constant 10 : i32
        %mul3A_1371 = arith.muli %scan3A_574, %mul3A_1370 : i32
        %add3A_1372 = arith.constant 8 : i32
        %add3A_1373 = arith.addi %add3A_1372, %mul3A_1371 : i32
        %add3A_1374 = arith.constant 3 : i32
        %add3A_1375 = arith.addi %add3A_1373, %add3A_1374 : i32
        %get3A_1376 = arith.index_cast %add3A_1375 : i32 to index
        %get3A_1377 = arith.constant 112 : index
        %get3A_1378 = tpu.vector_load %arg12[%get3A_1376, %get3A_1377] {strides = array<i32>} : memref<88x128xf32, #tpu.memory_space<vmem>>, vector<16xf32>,
        %add3A_1379 = arith.addf %add3A_1369, %get3A_1378 : vector<16xf32>
        %mul3A_1380 = arith.constant 10 : i32
        %mul3A_1381 = arith.muli %scan3A_574, %mul3A_1380 : i32
        %add3A_1382 = arith.constant 8 : i32
        %add3A_1383 = arith.addi %add3A_1382, %mul3A_1381 : i32
        %add3A_1384 = arith.constant 4 : i32
        %add3A_1385 = arith.addi %add3A_1383, %add3A_1384 : i32
        %get3A_1386 = arith.index_cast %add3A_1385 : i32 to index
        %get3A_1387 = arith.constant 112 : index
        %get3A_1388 = tpu.vector_load %arg12[%get3A_1386, %get3A_1387] {strides = array<i32>} : memref<88x128xf32, #tpu.memory_space<vmem>>, vector<16xf32>,
        %add3A_1389 = arith.addf %add3A_1379, %get3A_1388 : vector<16xf32>
        %mul3A_1390 = arith.constant 10 : i32
        %mul3A_1391 = arith.muli %scan3A_574, %mul3A_1390 : i32
        %add3A_1392 = arith.constant 8 : i32
        %add3A_1393 = arith.addi %add3A_1392, %mul3A_1391 : i32
        %add3A_1394 = arith.constant 5 : i32
        %add3A_1395 = arith.addi %add3A_1393, %add3A_1394 : i32
        %get3A_1396 = arith.index_cast %add3A_1395 : i32 to index
        %get3A_1397 = arith.constant 112 : index
        %get3A_1398 = tpu.vector_load %arg12[%get3A_1396, %get3A_1397] {strides = array<i32>} : memref<88x128xf32, #tpu.memory_space<vmem>>, vector<16xf32>,
        %add3A_1399 = arith.addf %add3A_1389, %get3A_1398 : vector<16xf32>
        %mul3A_1400 = arith.constant 10 : i32
        %mul3A_1401 = arith.muli %scan3A_574, %mul3A_1400 : i32
        %add3A_1402 = arith.constant 8 : i32
        %add3A_1403 = arith.addi %add3A_1402, %mul3A_1401 : i32
        %add3A_1404 = arith.constant 6 : i32
        %add3A_1405 = arith.addi %add3A_1403, %add3A_1404 : i32
        %get3A_1406 = arith.index_cast %add3A_1405 : i32 to index
        %get3A_1407 = arith.constant 112 : index
        %get3A_1408 = tpu.vector_load %arg12[%get3A_1406, %get3A_1407] {strides = array<i32>} : memref<88x128xf32, #tpu.memory_space<vmem>>, vector<16xf32>,
        %add3A_1409 = arith.addf %add3A_1399, %get3A_1408 : vector<16xf32>
        %mul3A_1410 = arith.constant 10 : i32
        %mul3A_1411 = arith.muli %scan3A_574, %mul3A_1410 : i32
        %add3A_1412 = arith.constant 8 : i32
        %add3A_1413 = arith.addi %add3A_1412, %mul3A_1411 : i32
        %add3A_1414 = arith.constant 7 : i32
        %add3A_1415 = arith.addi %add3A_1413, %add3A_1414 : i32
        %get3A_1416 = arith.index_cast %add3A_1415 : i32 to index
        %get3A_1417 = arith.constant 112 : index
        %get3A_1418 = tpu.vector_load %arg12[%get3A_1416, %get3A_1417] {strides = array<i32>} : memref<88x128xf32, #tpu.memory_space<vmem>>, vector<16xf32>,
        %add3A_1419 = arith.addf %add3A_1409, %get3A_1418 : vector<16xf32>
        %mul3A_1420 = arith.constant 10 : i32
        %mul3A_1421 = arith.muli %scan3A_574, %mul3A_1420 : i32
        %add3A_1422 = arith.constant 8 : i32
        %add3A_1423 = arith.addi %add3A_1422, %mul3A_1421 : i32
        %add3A_1424 = arith.constant 8 : i32
        %add3A_1425 = arith.addi %add3A_1423, %add3A_1424 : i32
        %get3A_1426 = arith.index_cast %add3A_1425 : i32 to index
        %get3A_1427 = arith.constant 112 : index
        %get3A_1428 = tpu.vector_load %arg12[%get3A_1426, %get3A_1427] {strides = array<i32>} : memref<88x128xf32, #tpu.memory_space<vmem>>, vector<16xf32>,
        %add3A_1429 = arith.addf %add3A_1419, %get3A_1428 : vector<16xf32>
        %mul3A_1430 = arith.constant 10 : i32
        %mul3A_1431 = arith.muli %scan3A_574, %mul3A_1430 : i32
        %add3A_1432 = arith.constant 8 : i32
        %add3A_1433 = arith.addi %add3A_1432, %mul3A_1431 : i32
        %add3A_1434 = arith.constant 9 : i32
        %add3A_1435 = arith.addi %add3A_1433, %add3A_1434 : i32
        %get3A_1436 = arith.index_cast %add3A_1435 : i32 to index
        %get3A_1437 = arith.constant 112 : index
        %get3A_1438 = tpu.vector_load %arg12[%get3A_1436, %get3A_1437] {strides = array<i32>} : memref<88x128xf32, #tpu.memory_space<vmem>>, vector<16xf32>,
        %add3A_1439 = arith.addf %add3A_1429, %get3A_1438 : vector<16xf32>
        %mul3A_1440 = arith.constant 0.0909090936 : f32
        %mul3A_1441 = vector.broadcast %mul3A_1440 : f32 to vector<16xf32>
        %mul3A_1442 = arith.mulf %add3A_1439, %mul3A_1441 : vector<16xf32>
        %pack3A_1443 = tpu.pack_subelements %mul3A_1336, %mul3A_1442 {pack_format = #tpu.pack_format<interleaved>, positions = array<i32: 0, 1>} : vector<16xf32>, vector<16xf32> -> vector<32xbf16>
        %bitcast3A_1444 = vector.bitcast %pack3A_1443 : vector<32xbf16> to vector<16xf32>
        %mul3A_1445 = arith.constant 8 : i32
        %mul3A_1446 = arith.muli %add3A_518, %mul3A_1445 : i32
        %add3A_1447 = arith.addi %mul3A_1446, %scan3A_574 : i32
        %swap3A_1448 = arith.index_cast %add3A_1447 : i32 to index
        %swap3A_1449 = arith.constant 48 : index
        %swap3A_1450 = tpu.vector_load %arg19[%swap3A_1448, %swap3A_1449] {strides = array<i32>} : memref<320x64xf32, #tpu.memory_space<vmem>>, vector<16xf32>,
        tpu.vector_store %arg19[%swap3A_1448, %swap3A_1449], %bitcast3A_1444 {strides = array<i32>} : memref<320x64xf32, #tpu.memory_space<vmem>>, vector<16xf32>,
      }
      %scan3A_524 = arith.constant 8 : i32
      %mul3A_525 = arith.constant 8 : i32
      %mul3A_526 = arith.muli %add3A_518, %mul3A_525 : i32
      %mul3A_527 = arith.constant 8 : i32
      %mul3A_528 = arith.muli %add3A_518, %mul3A_527 : i32
      %add3A_529 = arith.addi %mul3A_2, %mul3A_528 : i32
      %dma_start3A_530 = arith.constant 0 : i32
      %dma_start3A_531 = tpu.memref_slice %arg19[%mul3A_526, %dma_start3A_530] : memref<320x64xf32, #tpu.memory_space<vmem>> -> memref<8x64xf32, #tpu.memory_space<vmem>>
      %dma_start3A_532 = arith.constant 0 : i32
      %dma_start3A_533 = tpu.memref_slice %arg5[%add3A_529, %dma_start3A_532] : memref<10240x64xf32, #tpu.memory_space<hbm>> -> memref<8x64xf32, #tpu.memory_space<hbm>>
      %dma_start3A_534 = arith.constant 0 : i32
      %dma_start3A_535 = tpu.memref_slice %arg5[%add3A_529, %dma_start3A_534] : memref<10240x64xf32, #tpu.memory_space<hbm>> -> memref<8x64xf32, #tpu.memory_space<hbm>>
      %dma_start3A_536 = arith.constant 0 : i32
      %dma_start3A_537 = tpu.memref_slice %arg19[%mul3A_526, %dma_start3A_536] : memref<320x64xf32, #tpu.memory_space<vmem>> -> memref<8x64xf32, #tpu.memory_space<vmem>>
      tpu.enqueue_dma source(%dma_start3A_537 : memref<8x64xf32, #tpu.memory_space<vmem>>) target(%dma_start3A_535 : memref<8x64xf32, #tpu.memory_space<hbm>>) target_semaphore(%arg20 : memref<!tpu.dma_semaphore, #tpu.memory_space<semaphore_mem>>)
      %add3A_538 = arith.constant 5 : i32
      %add3A_539 = arith.addi %mul3A_382, %add3A_538 : i32
      %add3A_540 = arith.constant 3 : i32
      %add3A_541 = arith.addi %add3A_539, %add3A_540 : i32
      %lt3A_542 = arith.constant 40 : i32
      %lt3A_543 = arith.cmpi slt, %add3A_541, %lt3A_542 : i32
      %convert_element_type3A_544 = arith.extui %lt3A_543 : i1 to i32
      %cond3A_545 = arith.constant 0 : i32
      %cond3A_546 = arith.cmpi ne, %convert_element_type3A_544, %cond3A_545 : i32
      scf.if %cond3A_546 {
        %add3A_574 = arith.constant 5 : i32
        %add3A_575 = arith.addi %mul3A_382, %add3A_574 : i32
        %add3A_576 = arith.constant 3 : i32
        %add3A_577 = arith.addi %add3A_575, %add3A_576 : i32
        %mul3A_578 = arith.constant 8 : i32
        %mul3A_579 = arith.muli %add3A_577, %mul3A_578 : i32
        %dma_start3A_580 = arith.constant 0 : i32
        %dma_start3A_581 = arith.constant 0 : i32
        %dma_start3A_582 = tpu.memref_slice %arg12[%dma_start3A_580, %dma_start3A_581] : memref<88x128xf32, #tpu.memory_space<vmem>> -> memref<8x128xf32, #tpu.memory_space<vmem>>
        %dma_start3A_583 = tpu.memref_slice %arg6[%mul3A_579] : memref<320xi32, #tpu.memory_space<vmem>> -> memref<8xi32, #tpu.memory_space<vmem>>
        %dma_start3A_584 = arith.constant 0 : i32
        %dma_start3A_585 = arith.constant 0 : i32
        %dma_start3A_586 = tpu.memref_slice %arg4[%dma_start3A_584, %dma_start3A_585] : memref<100000x128xf32, #tpu.memory_space<hbm>> -> memref<100000x128xf32, #tpu.memory_space<hbm>>
        tpu.enqueue_indirect_dma source(%dma_start3A_586 : memref<100000x128xf32, #tpu.memory_space<hbm>>) target(%dma_start3A_582 : memref<8x128xf32, #tpu.memory_space<vmem>>) offsets(%dma_start3A_583 : memref<8xi32, #tpu.memory_space<vmem>>) semaphore(%arg17 : memref<!tpu.dma_semaphore, #tpu.memory_space<semaphore_mem>>)
        %mul3A_587 = arith.constant 8 : i32
        %mul3A_588 = arith.muli %add3A_577, %mul3A_587 : i32
        %mul3A_589 = arith.constant 10 : i32
        %mul3A_590 = arith.muli %mul3A_588, %mul3A_589 : i32
        %dma_start3A_591 = arith.constant 8 : i32
        %dma_start3A_592 = arith.constant 0 : i32
        %dma_start3A_593 = tpu.memref_slice %arg12[%dma_start3A_591, %dma_start3A_592] : memref<88x128xf32, #tpu.memory_space<vmem>> -> memref<80x128xf32, #tpu.memory_space<vmem>>
        %dma_start3A_594 = tpu.memref_slice %arg8[%mul3A_590] : memref<3200xi32, #tpu.memory_space<vmem>> -> memref<80xi32, #tpu.memory_space<vmem>>
        %dma_start3A_595 = arith.constant 0 : i32
        %dma_start3A_596 = arith.constant 0 : i32
        %dma_start3A_597 = tpu.memref_slice %arg4[%dma_start3A_595, %dma_start3A_596] : memref<100000x128xf32, #tpu.memory_space<hbm>> -> memref<100000x128xf32, #tpu.memory_space<hbm>>
        tpu.enqueue_indirect_dma source(%dma_start3A_597 : memref<100000x128xf32, #tpu.memory_space<hbm>>) target(%dma_start3A_593 : memref<80x128xf32, #tpu.memory_space<vmem>>) offsets(%dma_start3A_594 : memref<80xi32, #tpu.memory_space<vmem>>) semaphore(%arg17 : memref<!tpu.dma_semaphore, #tpu.memory_space<semaphore_mem>>)
      } else {
      }
      %dma_wait3A_547 = arith.constant 0 : i32
      %dma_wait3A_548 = arith.constant 0 : i32
      %dma_wait3A_549 = tpu.memref_slice %arg4[%dma_wait3A_547, %dma_wait3A_548] : memref<100000x128xf32, #tpu.memory_space<hbm>> -> memref<88x128xf32, #tpu.memory_space<hbm>>
      %dma_wait3A_550 = arith.constant 0 : i32
      %dma_wait3A_551 = arith.constant 0 : i32
      %dma_wait3A_552 = tpu.memref_slice %arg4[%dma_wait3A_550, %dma_wait3A_551] : memref<100000x128xf32, #tpu.memory_space<hbm>> -> memref<88x128xf32, #tpu.memory_space<hbm>>
      tpu.wait_dma2 semaphore(%arg18 : memref<!tpu.dma_semaphore, #tpu.memory_space<semaphore_mem>>) src(%dma_wait3A_552 : memref<88x128xf32, #tpu.memory_space<hbm>>) dst(%arg13 : memref<88x128xf32, #tpu.memory_space<vmem>>)
      %add3A_553 = arith.constant 4 : i32
      %add3A_554 = arith.addi %mul3A_382, %add3A_553 : i32
      %scan3A_555 = arith.constant 0 : i32
      %scan3A_556 = arith.constant 0 : i32
      %scan3A_557 = arith.constant 8 : i32
      %scan3A_558 = arith.addi %scan3A_556, %scan3A_557 : i32
      %scan3A_559 = arith.constant 1 : i32
      scf.for %scan3A_574 = %scan3A_556 to %scan3A_558 step %scan3A_559  : i32 {
        %get3A = arith.index_cast %scan3A_574 : i32 to index
        %get3A_575 = arith.constant 0 : index
        %get3A_576 = tpu.vector_load %arg13[%get3A, %get3A_575] {strides = array<i32>} : memref<88x128xf32, #tpu.memory_space<vmem>>, vector<16xf32>,
        %mul3A_577 = arith.constant 10 : i32
        %mul3A_578 = arith.muli %scan3A_574, %mul3A_577 : i32
        %add3A_579 = arith.constant 8 : i32
        %add3A_580 = arith.addi %add3A_579, %mul3A_578 : i32
        %add3A_581 = arith.constant 0 : i32
        %add3A_582 = arith.addi %add3A_580, %add3A_581 : i32
        %get3A_583 = arith.index_cast %add3A_582 : i32 to index
        %get3A_584 = arith.constant 0 : index
        %get3A_585 = tpu.vector_load %arg13[%get3A_583, %get3A_584] {strides = array<i32>} : memref<88x128xf32, #tpu.memory_space<vmem>>, vector<16xf32>,
        %add3A_586 = arith.addf %get3A_576, %get3A_585 : vector<16xf32>
        %mul3A_587 = arith.constant 10 : i32
        %mul3A_588 = arith.muli %scan3A_574, %mul3A_587 : i32
        %add3A_589 = arith.constant 8 : i32
        %add3A_590 = arith.addi %add3A_589, %mul3A_588 : i32
        %add3A_591 = arith.constant 1 : i32
        %add3A_592 = arith.addi %add3A_590, %add3A_591 : i32
        %get3A_593 = arith.index_cast %add3A_592 : i32 to index
        %get3A_594 = arith.constant 0 : index
        %get3A_595 = tpu.vector_load %arg13[%get3A_593, %get3A_594] {strides = array<i32>} : memref<88x128xf32, #tpu.memory_space<vmem>>, vector<16xf32>,
        %add3A_596 = arith.addf %add3A_586, %get3A_595 : vector<16xf32>
        %mul3A_597 = arith.constant 10 : i32
        %mul3A_598 = arith.muli %scan3A_574, %mul3A_597 : i32
        %add3A_599 = arith.constant 8 : i32
        %add3A_600 = arith.addi %add3A_599, %mul3A_598 : i32
        %add3A_601 = arith.constant 2 : i32
        %add3A_602 = arith.addi %add3A_600, %add3A_601 : i32
        %get3A_603 = arith.index_cast %add3A_602 : i32 to index
        %get3A_604 = arith.constant 0 : index
        %get3A_605 = tpu.vector_load %arg13[%get3A_603, %get3A_604] {strides = array<i32>} : memref<88x128xf32, #tpu.memory_space<vmem>>, vector<16xf32>,
        %add3A_606 = arith.addf %add3A_596, %get3A_605 : vector<16xf32>
        %mul3A_607 = arith.constant 10 : i32
        %mul3A_608 = arith.muli %scan3A_574, %mul3A_607 : i32
        %add3A_609 = arith.constant 8 : i32
        %add3A_610 = arith.addi %add3A_609, %mul3A_608 : i32
        %add3A_611 = arith.constant 3 : i32
        %add3A_612 = arith.addi %add3A_610, %add3A_611 : i32
        %get3A_613 = arith.index_cast %add3A_612 : i32 to index
        %get3A_614 = arith.constant 0 : index
        %get3A_615 = tpu.vector_load %arg13[%get3A_613, %get3A_614] {strides = array<i32>} : memref<88x128xf32, #tpu.memory_space<vmem>>, vector<16xf32>,
        %add3A_616 = arith.addf %add3A_606, %get3A_615 : vector<16xf32>
        %mul3A_617 = arith.constant 10 : i32
        %mul3A_618 = arith.muli %scan3A_574, %mul3A_617 : i32
        %add3A_619 = arith.constant 8 : i32
        %add3A_620 = arith.addi %add3A_619, %mul3A_618 : i32
        %add3A_621 = arith.constant 4 : i32
        %add3A_622 = arith.addi %add3A_620, %add3A_621 : i32
        %get3A_623 = arith.index_cast %add3A_622 : i32 to index
        %get3A_624 = arith.constant 0 : index
        %get3A_625 = tpu.vector_load %arg13[%get3A_623, %get3A_624] {strides = array<i32>} : memref<88x128xf32, #tpu.memory_space<vmem>>, vector<16xf32>,
        %add3A_626 = arith.addf %add3A_616, %get3A_625 : vector<16xf32>
        %mul3A_627 = arith.constant 10 : i32
        %mul3A_628 = arith.muli %scan3A_574, %mul3A_627 : i32
        %add3A_629 = arith.constant 8 : i32
        %add3A_630 = arith.addi %add3A_629, %mul3A_628 : i32
        %add3A_631 = arith.constant 5 : i32
        %add3A_632 = arith.addi %add3A_630, %add3A_631 : i32
        %get3A_633 = arith.index_cast %add3A_632 : i32 to index
        %get3A_634 = arith.constant 0 : index
        %get3A_635 = tpu.vector_load %arg13[%get3A_633, %get3A_634] {strides = array<i32>} : memref<88x128xf32, #tpu.memory_space<vmem>>, vector<16xf32>,
        %add3A_636 = arith.addf %add3A_626, %get3A_635 : vector<16xf32>
        %mul3A_637 = arith.constant 10 : i32
        %mul3A_638 = arith.muli %scan3A_574, %mul3A_637 : i32
        %add3A_639 = arith.constant 8 : i32
        %add3A_640 = arith.addi %add3A_639, %mul3A_638 : i32
        %add3A_641 = arith.constant 6 : i32
        %add3A_642 = arith.addi %add3A_640, %add3A_641 : i32
        %get3A_643 = arith.index_cast %add3A_642 : i32 to index
        %get3A_644 = arith.constant 0 : index
        %get3A_645 = tpu.vector_load %arg13[%get3A_643, %get3A_644] {strides = array<i32>} : memref<88x128xf32, #tpu.memory_space<vmem>>, vector<16xf32>,
        %add3A_646 = arith.addf %add3A_636, %get3A_645 : vector<16xf32>
        %mul3A_647 = arith.constant 10 : i32
        %mul3A_648 = arith.muli %scan3A_574, %mul3A_647 : i32
        %add3A_649 = arith.constant 8 : i32
        %add3A_650 = arith.addi %add3A_649, %mul3A_648 : i32
        %add3A_651 = arith.constant 7 : i32
        %add3A_652 = arith.addi %add3A_650, %add3A_651 : i32
        %get3A_653 = arith.index_cast %add3A_652 : i32 to index
        %get3A_654 = arith.constant 0 : index
        %get3A_655 = tpu.vector_load %arg13[%get3A_653, %get3A_654] {strides = array<i32>} : memref<88x128xf32, #tpu.memory_space<vmem>>, vector<16xf32>,
        %add3A_656 = arith.addf %add3A_646, %get3A_655 : vector<16xf32>
        %mul3A_657 = arith.constant 10 : i32
        %mul3A_658 = arith.muli %scan3A_574, %mul3A_657 : i32
        %add3A_659 = arith.constant 8 : i32
        %add3A_660 = arith.addi %add3A_659, %mul3A_658 : i32
        %add3A_661 = arith.constant 8 : i32
        %add3A_662 = arith.addi %add3A_660, %add3A_661 : i32
        %get3A_663 = arith.index_cast %add3A_662 : i32 to index
        %get3A_664 = arith.constant 0 : index
        %get3A_665 = tpu.vector_load %arg13[%get3A_663, %get3A_664] {strides = array<i32>} : memref<88x128xf32, #tpu.memory_space<vmem>>, vector<16xf32>,
        %add3A_666 = arith.addf %add3A_656, %get3A_665 : vector<16xf32>
        %mul3A_667 = arith.constant 10 : i32
        %mul3A_668 = arith.muli %scan3A_574, %mul3A_667 : i32
        %add3A_669 = arith.constant 8 : i32
        %add3A_670 = arith.addi %add3A_669, %mul3A_668 : i32
        %add3A_671 = arith.constant 9 : i32
        %add3A_672 = arith.addi %add3A_670, %add3A_671 : i32
        %get3A_673 = arith.index_cast %add3A_672 : i32 to index
        %get3A_674 = arith.constant 0 : index
        %get3A_675 = tpu.vector_load %arg13[%get3A_673, %get3A_674] {strides = array<i32>} : memref<88x128xf32, #tpu.memory_space<vmem>>, vector<16xf32>,
        %add3A_676 = arith.addf %add3A_666, %get3A_675 : vector<16xf32>
        %mul3A_677 = arith.constant 0.0909090936 : f32
        %mul3A_678 = vector.broadcast %mul3A_677 : f32 to vector<16xf32>
        %mul3A_679 = arith.mulf %add3A_676, %mul3A_678 : vector<16xf32>
        %get3A_680 = arith.index_cast %scan3A_574 : i32 to index
        %get3A_681 = arith.constant 16 : index
        %get3A_682 = tpu.vector_load %arg13[%get3A_680, %get3A_681] {strides = array<i32>} : memref<88x128xf32, #tpu.memory_space<vmem>>, vector<16xf32>,
        %mul3A_683 = arith.constant 10 : i32
        %mul3A_684 = arith.muli %scan3A_574, %mul3A_683 : i32
        %add3A_685 = arith.constant 8 : i32
        %add3A_686 = arith.addi %add3A_685, %mul3A_684 : i32
        %add3A_687 = arith.constant 0 : i32
        %add3A_688 = arith.addi %add3A_686, %add3A_687 : i32
        %get3A_689 = arith.index_cast %add3A_688 : i32 to index
        %get3A_690 = arith.constant 16 : index
        %get3A_691 = tpu.vector_load %arg13[%get3A_689, %get3A_690] {strides = array<i32>} : memref<88x128xf32, #tpu.memory_space<vmem>>, vector<16xf32>,
        %add3A_692 = arith.addf %get3A_682, %get3A_691 : vector<16xf32>
        %mul3A_693 = arith.constant 10 : i32
        %mul3A_694 = arith.muli %scan3A_574, %mul3A_693 : i32
        %add3A_695 = arith.constant 8 : i32
        %add3A_696 = arith.addi %add3A_695, %mul3A_694 : i32
        %add3A_697 = arith.constant 1 : i32
        %add3A_698 = arith.addi %add3A_696, %add3A_697 : i32
        %get3A_699 = arith.index_cast %add3A_698 : i32 to index
        %get3A_700 = arith.constant 16 : index
        %get3A_701 = tpu.vector_load %arg13[%get3A_699, %get3A_700] {strides = array<i32>} : memref<88x128xf32, #tpu.memory_space<vmem>>, vector<16xf32>,
        %add3A_702 = arith.addf %add3A_692, %get3A_701 : vector<16xf32>
        %mul3A_703 = arith.constant 10 : i32
        %mul3A_704 = arith.muli %scan3A_574, %mul3A_703 : i32
        %add3A_705 = arith.constant 8 : i32
        %add3A_706 = arith.addi %add3A_705, %mul3A_704 : i32
        %add3A_707 = arith.constant 2 : i32
        %add3A_708 = arith.addi %add3A_706, %add3A_707 : i32
        %get3A_709 = arith.index_cast %add3A_708 : i32 to index
        %get3A_710 = arith.constant 16 : index
        %get3A_711 = tpu.vector_load %arg13[%get3A_709, %get3A_710] {strides = array<i32>} : memref<88x128xf32, #tpu.memory_space<vmem>>, vector<16xf32>,
        %add3A_712 = arith.addf %add3A_702, %get3A_711 : vector<16xf32>
        %mul3A_713 = arith.constant 10 : i32
        %mul3A_714 = arith.muli %scan3A_574, %mul3A_713 : i32
        %add3A_715 = arith.constant 8 : i32
        %add3A_716 = arith.addi %add3A_715, %mul3A_714 : i32
        %add3A_717 = arith.constant 3 : i32
        %add3A_718 = arith.addi %add3A_716, %add3A_717 : i32
        %get3A_719 = arith.index_cast %add3A_718 : i32 to index
        %get3A_720 = arith.constant 16 : index
        %get3A_721 = tpu.vector_load %arg13[%get3A_719, %get3A_720] {strides = array<i32>} : memref<88x128xf32, #tpu.memory_space<vmem>>, vector<16xf32>,
        %add3A_722 = arith.addf %add3A_712, %get3A_721 : vector<16xf32>
        %mul3A_723 = arith.constant 10 : i32
        %mul3A_724 = arith.muli %scan3A_574, %mul3A_723 : i32
        %add3A_725 = arith.constant 8 : i32
        %add3A_726 = arith.addi %add3A_725, %mul3A_724 : i32
        %add3A_727 = arith.constant 4 : i32
        %add3A_728 = arith.addi %add3A_726, %add3A_727 : i32
        %get3A_729 = arith.index_cast %add3A_728 : i32 to index
        %get3A_730 = arith.constant 16 : index
        %get3A_731 = tpu.vector_load %arg13[%get3A_729, %get3A_730] {strides = array<i32>} : memref<88x128xf32, #tpu.memory_space<vmem>>, vector<16xf32>,
        %add3A_732 = arith.addf %add3A_722, %get3A_731 : vector<16xf32>
        %mul3A_733 = arith.constant 10 : i32
        %mul3A_734 = arith.muli %scan3A_574, %mul3A_733 : i32
        %add3A_735 = arith.constant 8 : i32
        %add3A_736 = arith.addi %add3A_735, %mul3A_734 : i32
        %add3A_737 = arith.constant 5 : i32
        %add3A_738 = arith.addi %add3A_736, %add3A_737 : i32
        %get3A_739 = arith.index_cast %add3A_738 : i32 to index
        %get3A_740 = arith.constant 16 : index
        %get3A_741 = tpu.vector_load %arg13[%get3A_739, %get3A_740] {strides = array<i32>} : memref<88x128xf32, #tpu.memory_space<vmem>>, vector<16xf32>,
        %add3A_742 = arith.addf %add3A_732, %get3A_741 : vector<16xf32>
        %mul3A_743 = arith.constant 10 : i32
        %mul3A_744 = arith.muli %scan3A_574, %mul3A_743 : i32
        %add3A_745 = arith.constant 8 : i32
        %add3A_746 = arith.addi %add3A_745, %mul3A_744 : i32
        %add3A_747 = arith.constant 6 : i32
        %add3A_748 = arith.addi %add3A_746, %add3A_747 : i32
        %get3A_749 = arith.index_cast %add3A_748 : i32 to index
        %get3A_750 = arith.constant 16 : index
        %get3A_751 = tpu.vector_load %arg13[%get3A_749, %get3A_750] {strides = array<i32>} : memref<88x128xf32, #tpu.memory_space<vmem>>, vector<16xf32>,
        %add3A_752 = arith.addf %add3A_742, %get3A_751 : vector<16xf32>
        %mul3A_753 = arith.constant 10 : i32
        %mul3A_754 = arith.muli %scan3A_574, %mul3A_753 : i32
        %add3A_755 = arith.constant 8 : i32
        %add3A_756 = arith.addi %add3A_755, %mul3A_754 : i32
        %add3A_757 = arith.constant 7 : i32
        %add3A_758 = arith.addi %add3A_756, %add3A_757 : i32
        %get3A_759 = arith.index_cast %add3A_758 : i32 to index
        %get3A_760 = arith.constant 16 : index
        %get3A_761 = tpu.vector_load %arg13[%get3A_759, %get3A_760] {strides = array<i32>} : memref<88x128xf32, #tpu.memory_space<vmem>>, vector<16xf32>,
        %add3A_762 = arith.addf %add3A_752, %get3A_761 : vector<16xf32>
        %mul3A_763 = arith.constant 10 : i32
        %mul3A_764 = arith.muli %scan3A_574, %mul3A_763 : i32
        %add3A_765 = arith.constant 8 : i32
        %add3A_766 = arith.addi %add3A_765, %mul3A_764 : i32
        %add3A_767 = arith.constant 8 : i32
        %add3A_768 = arith.addi %add3A_766, %add3A_767 : i32
        %get3A_769 = arith.index_cast %add3A_768 : i32 to index
        %get3A_770 = arith.constant 16 : index
        %get3A_771 = tpu.vector_load %arg13[%get3A_769, %get3A_770] {strides = array<i32>} : memref<88x128xf32, #tpu.memory_space<vmem>>, vector<16xf32>,
        %add3A_772 = arith.addf %add3A_762, %get3A_771 : vector<16xf32>
        %mul3A_773 = arith.constant 10 : i32
        %mul3A_774 = arith.muli %scan3A_574, %mul3A_773 : i32
        %add3A_775 = arith.constant 8 : i32
        %add3A_776 = arith.addi %add3A_775, %mul3A_774 : i32
        %add3A_777 = arith.constant 9 : i32
        %add3A_778 = arith.addi %add3A_776, %add3A_777 : i32
        %get3A_779 = arith.index_cast %add3A_778 : i32 to index
        %get3A_780 = arith.constant 16 : index
        %get3A_781 = tpu.vector_load %arg13[%get3A_779, %get3A_780] {strides = array<i32>} : memref<88x128xf32, #tpu.memory_space<vmem>>, vector<16xf32>,
        %add3A_782 = arith.addf %add3A_772, %get3A_781 : vector<16xf32>
        %mul3A_783 = arith.constant 0.0909090936 : f32
        %mul3A_784 = vector.broadcast %mul3A_783 : f32 to vector<16xf32>
        %mul3A_785 = arith.mulf %add3A_782, %mul3A_784 : vector<16xf32>
        %pack3A = tpu.pack_subelements %mul3A_679, %mul3A_785 {pack_format = #tpu.pack_format<interleaved>, positions = array<i32: 0, 1>} : vector<16xf32>, vector<16xf32> -> vector<32xbf16>
        %bitcast3A = vector.bitcast %pack3A : vector<32xbf16> to vector<16xf32>
        %mul3A_786 = arith.constant 8 : i32
        %mul3A_787 = arith.muli %add3A_554, %mul3A_786 : i32
        %add3A_788 = arith.addi %mul3A_787, %scan3A_574 : i32
        %swap3A = arith.index_cast %add3A_788 : i32 to index
        %swap3A_789 = arith.constant 0 : index
        %swap3A_790 = tpu.vector_load %arg19[%swap3A, %swap3A_789] {strides = array<i32>} : memref<320x64xf32, #tpu.memory_space<vmem>>, vector<16xf32>,
        tpu.vector_store %arg19[%swap3A, %swap3A_789], %bitcast3A {strides = array<i32>} : memref<320x64xf32, #tpu.memory_space<vmem>>, vector<16xf32>,
        %get3A_791 = arith.index_cast %scan3A_574 : i32 to index
        %get3A_792 = arith.constant 32 : index
        %get3A_793 = tpu.vector_load %arg13[%get3A_791, %get3A_792] {strides = array<i32>} : memref<88x128xf32, #tpu.memory_space<vmem>>, vector<16xf32>,
        %mul3A_794 = arith.constant 10 : i32
        %mul3A_795 = arith.muli %scan3A_574, %mul3A_794 : i32
        %add3A_796 = arith.constant 8 : i32
        %add3A_797 = arith.addi %add3A_796, %mul3A_795 : i32
        %add3A_798 = arith.constant 0 : i32
        %add3A_799 = arith.addi %add3A_797, %add3A_798 : i32
        %get3A_800 = arith.index_cast %add3A_799 : i32 to index
        %get3A_801 = arith.constant 32 : index
        %get3A_802 = tpu.vector_load %arg13[%get3A_800, %get3A_801] {strides = array<i32>} : memref<88x128xf32, #tpu.memory_space<vmem>>, vector<16xf32>,
        %add3A_803 = arith.addf %get3A_793, %get3A_802 : vector<16xf32>
        %mul3A_804 = arith.constant 10 : i32
        %mul3A_805 = arith.muli %scan3A_574, %mul3A_804 : i32
        %add3A_806 = arith.constant 8 : i32
        %add3A_807 = arith.addi %add3A_806, %mul3A_805 : i32
        %add3A_808 = arith.constant 1 : i32
        %add3A_809 = arith.addi %add3A_807, %add3A_808 : i32
        %get3A_810 = arith.index_cast %add3A_809 : i32 to index
        %get3A_811 = arith.constant 32 : index
        %get3A_812 = tpu.vector_load %arg13[%get3A_810, %get3A_811] {strides = array<i32>} : memref<88x128xf32, #tpu.memory_space<vmem>>, vector<16xf32>,
        %add3A_813 = arith.addf %add3A_803, %get3A_812 : vector<16xf32>
        %mul3A_814 = arith.constant 10 : i32
        %mul3A_815 = arith.muli %scan3A_574, %mul3A_814 : i32
        %add3A_816 = arith.constant 8 : i32
        %add3A_817 = arith.addi %add3A_816, %mul3A_815 : i32
        %add3A_818 = arith.constant 2 : i32
        %add3A_819 = arith.addi %add3A_817, %add3A_818 : i32
        %get3A_820 = arith.index_cast %add3A_819 : i32 to index
        %get3A_821 = arith.constant 32 : index
        %get3A_822 = tpu.vector_load %arg13[%get3A_820, %get3A_821] {strides = array<i32>} : memref<88x128xf32, #tpu.memory_space<vmem>>, vector<16xf32>,
        %add3A_823 = arith.addf %add3A_813, %get3A_822 : vector<16xf32>
        %mul3A_824 = arith.constant 10 : i32
        %mul3A_825 = arith.muli %scan3A_574, %mul3A_824 : i32
        %add3A_826 = arith.constant 8 : i32
        %add3A_827 = arith.addi %add3A_826, %mul3A_825 : i32
        %add3A_828 = arith.constant 3 : i32
        %add3A_829 = arith.addi %add3A_827, %add3A_828 : i32
        %get3A_830 = arith.index_cast %add3A_829 : i32 to index
        %get3A_831 = arith.constant 32 : index
        %get3A_832 = tpu.vector_load %arg13[%get3A_830, %get3A_831] {strides = array<i32>} : memref<88x128xf32, #tpu.memory_space<vmem>>, vector<16xf32>,
        %add3A_833 = arith.addf %add3A_823, %get3A_832 : vector<16xf32>
        %mul3A_834 = arith.constant 10 : i32
        %mul3A_835 = arith.muli %scan3A_574, %mul3A_834 : i32
        %add3A_836 = arith.constant 8 : i32
        %add3A_837 = arith.addi %add3A_836, %mul3A_835 : i32
        %add3A_838 = arith.constant 4 : i32
        %add3A_839 = arith.addi %add3A_837, %add3A_838 : i32
        %get3A_840 = arith.index_cast %add3A_839 : i32 to index
        %get3A_841 = arith.constant 32 : index
        %get3A_842 = tpu.vector_load %arg13[%get3A_840, %get3A_841] {strides = array<i32>} : memref<88x128xf32, #tpu.memory_space<vmem>>, vector<16xf32>,
        %add3A_843 = arith.addf %add3A_833, %get3A_842 : vector<16xf32>
        %mul3A_844 = arith.constant 10 : i32
        %mul3A_845 = arith.muli %scan3A_574, %mul3A_844 : i32
        %add3A_846 = arith.constant 8 : i32
        %add3A_847 = arith.addi %add3A_846, %mul3A_845 : i32
        %add3A_848 = arith.constant 5 : i32
        %add3A_849 = arith.addi %add3A_847, %add3A_848 : i32
        %get3A_850 = arith.index_cast %add3A_849 : i32 to index
        %get3A_851 = arith.constant 32 : index
        %get3A_852 = tpu.vector_load %arg13[%get3A_850, %get3A_851] {strides = array<i32>} : memref<88x128xf32, #tpu.memory_space<vmem>>, vector<16xf32>,
        %add3A_853 = arith.addf %add3A_843, %get3A_852 : vector<16xf32>
        %mul3A_854 = arith.constant 10 : i32
        %mul3A_855 = arith.muli %scan3A_574, %mul3A_854 : i32
        %add3A_856 = arith.constant 8 : i32
        %add3A_857 = arith.addi %add3A_856, %mul3A_855 : i32
        %add3A_858 = arith.constant 6 : i32
        %add3A_859 = arith.addi %add3A_857, %add3A_858 : i32
        %get3A_860 = arith.index_cast %add3A_859 : i32 to index
        %get3A_861 = arith.constant 32 : index
        %get3A_862 = tpu.vector_load %arg13[%get3A_860, %get3A_861] {strides = array<i32>} : memref<88x128xf32, #tpu.memory_space<vmem>>, vector<16xf32>,
        %add3A_863 = arith.addf %add3A_853, %get3A_862 : vector<16xf32>
        %mul3A_864 = arith.constant 10 : i32
        %mul3A_865 = arith.muli %scan3A_574, %mul3A_864 : i32
        %add3A_866 = arith.constant 8 : i32
        %add3A_867 = arith.addi %add3A_866, %mul3A_865 : i32
        %add3A_868 = arith.constant 7 : i32
        %add3A_869 = arith.addi %add3A_867, %add3A_868 : i32
        %get3A_870 = arith.index_cast %add3A_869 : i32 to index
        %get3A_871 = arith.constant 32 : index
        %get3A_872 = tpu.vector_load %arg13[%get3A_870, %get3A_871] {strides = array<i32>} : memref<88x128xf32, #tpu.memory_space<vmem>>, vector<16xf32>,
        %add3A_873 = arith.addf %add3A_863, %get3A_872 : vector<16xf32>
        %mul3A_874 = arith.constant 10 : i32
        %mul3A_875 = arith.muli %scan3A_574, %mul3A_874 : i32
        %add3A_876 = arith.constant 8 : i32
        %add3A_877 = arith.addi %add3A_876, %mul3A_875 : i32
        %add3A_878 = arith.constant 8 : i32
        %add3A_879 = arith.addi %add3A_877, %add3A_878 : i32
        %get3A_880 = arith.index_cast %add3A_879 : i32 to index
        %get3A_881 = arith.constant 32 : index
        %get3A_882 = tpu.vector_load %arg13[%get3A_880, %get3A_881] {strides = array<i32>} : memref<88x128xf32, #tpu.memory_space<vmem>>, vector<16xf32>,
        %add3A_883 = arith.addf %add3A_873, %get3A_882 : vector<16xf32>
        %mul3A_884 = arith.constant 10 : i32
        %mul3A_885 = arith.muli %scan3A_574, %mul3A_884 : i32
        %add3A_886 = arith.constant 8 : i32
        %add3A_887 = arith.addi %add3A_886, %mul3A_885 : i32
        %add3A_888 = arith.constant 9 : i32
        %add3A_889 = arith.addi %add3A_887, %add3A_888 : i32
        %get3A_890 = arith.index_cast %add3A_889 : i32 to index
        %get3A_891 = arith.constant 32 : index
        %get3A_892 = tpu.vector_load %arg13[%get3A_890, %get3A_891] {strides = array<i32>} : memref<88x128xf32, #tpu.memory_space<vmem>>, vector<16xf32>,
        %add3A_893 = arith.addf %add3A_883, %get3A_892 : vector<16xf32>
        %mul3A_894 = arith.constant 0.0909090936 : f32
        %mul3A_895 = vector.broadcast %mul3A_894 : f32 to vector<16xf32>
        %mul3A_896 = arith.mulf %add3A_893, %mul3A_895 : vector<16xf32>
        %get3A_897 = arith.index_cast %scan3A_574 : i32 to index
        %get3A_898 = arith.constant 48 : index
        %get3A_899 = tpu.vector_load %arg13[%get3A_897, %get3A_898] {strides = array<i32>} : memref<88x128xf32, #tpu.memory_space<vmem>>, vector<16xf32>,
        %mul3A_900 = arith.constant 10 : i32
        %mul3A_901 = arith.muli %scan3A_574, %mul3A_900 : i32
        %add3A_902 = arith.constant 8 : i32
        %add3A_903 = arith.addi %add3A_902, %mul3A_901 : i32
        %add3A_904 = arith.constant 0 : i32
        %add3A_905 = arith.addi %add3A_903, %add3A_904 : i32
        %get3A_906 = arith.index_cast %add3A_905 : i32 to index
        %get3A_907 = arith.constant 48 : index
        %get3A_908 = tpu.vector_load %arg13[%get3A_906, %get3A_907] {strides = array<i32>} : memref<88x128xf32, #tpu.memory_space<vmem>>, vector<16xf32>,
        %add3A_909 = arith.addf %get3A_899, %get3A_908 : vector<16xf32>
        %mul3A_910 = arith.constant 10 : i32
        %mul3A_911 = arith.muli %scan3A_574, %mul3A_910 : i32
        %add3A_912 = arith.constant 8 : i32
        %add3A_913 = arith.addi %add3A_912, %mul3A_911 : i32
        %add3A_914 = arith.constant 1 : i32
        %add3A_915 = arith.addi %add3A_913, %add3A_914 : i32
        %get3A_916 = arith.index_cast %add3A_915 : i32 to index
        %get3A_917 = arith.constant 48 : index
        %get3A_918 = tpu.vector_load %arg13[%get3A_916, %get3A_917] {strides = array<i32>} : memref<88x128xf32, #tpu.memory_space<vmem>>, vector<16xf32>,
        %add3A_919 = arith.addf %add3A_909, %get3A_918 : vector<16xf32>
        %mul3A_920 = arith.constant 10 : i32
        %mul3A_921 = arith.muli %scan3A_574, %mul3A_920 : i32
        %add3A_922 = arith.constant 8 : i32
        %add3A_923 = arith.addi %add3A_922, %mul3A_921 : i32
        %add3A_924 = arith.constant 2 : i32
        %add3A_925 = arith.addi %add3A_923, %add3A_924 : i32
        %get3A_926 = arith.index_cast %add3A_925 : i32 to index
        %get3A_927 = arith.constant 48 : index
        %get3A_928 = tpu.vector_load %arg13[%get3A_926, %get3A_927] {strides = array<i32>} : memref<88x128xf32, #tpu.memory_space<vmem>>, vector<16xf32>,
        %add3A_929 = arith.addf %add3A_919, %get3A_928 : vector<16xf32>
        %mul3A_930 = arith.constant 10 : i32
        %mul3A_931 = arith.muli %scan3A_574, %mul3A_930 : i32
        %add3A_932 = arith.constant 8 : i32
        %add3A_933 = arith.addi %add3A_932, %mul3A_931 : i32
        %add3A_934 = arith.constant 3 : i32
        %add3A_935 = arith.addi %add3A_933, %add3A_934 : i32
        %get3A_936 = arith.index_cast %add3A_935 : i32 to index
        %get3A_937 = arith.constant 48 : index
        %get3A_938 = tpu.vector_load %arg13[%get3A_936, %get3A_937] {strides = array<i32>} : memref<88x128xf32, #tpu.memory_space<vmem>>, vector<16xf32>,
        %add3A_939 = arith.addf %add3A_929, %get3A_938 : vector<16xf32>
        %mul3A_940 = arith.constant 10 : i32
        %mul3A_941 = arith.muli %scan3A_574, %mul3A_940 : i32
        %add3A_942 = arith.constant 8 : i32
        %add3A_943 = arith.addi %add3A_942, %mul3A_941 : i32
        %add3A_944 = arith.constant 4 : i32
        %add3A_945 = arith.addi %add3A_943, %add3A_944 : i32
        %get3A_946 = arith.index_cast %add3A_945 : i32 to index
        %get3A_947 = arith.constant 48 : index
        %get3A_948 = tpu.vector_load %arg13[%get3A_946, %get3A_947] {strides = array<i32>} : memref<88x128xf32, #tpu.memory_space<vmem>>, vector<16xf32>,
        %add3A_949 = arith.addf %add3A_939, %get3A_948 : vector<16xf32>
        %mul3A_950 = arith.constant 10 : i32
        %mul3A_951 = arith.muli %scan3A_574, %mul3A_950 : i32
        %add3A_952 = arith.constant 8 : i32
        %add3A_953 = arith.addi %add3A_952, %mul3A_951 : i32
        %add3A_954 = arith.constant 5 : i32
        %add3A_955 = arith.addi %add3A_953, %add3A_954 : i32
        %get3A_956 = arith.index_cast %add3A_955 : i32 to index
        %get3A_957 = arith.constant 48 : index
        %get3A_958 = tpu.vector_load %arg13[%get3A_956, %get3A_957] {strides = array<i32>} : memref<88x128xf32, #tpu.memory_space<vmem>>, vector<16xf32>,
        %add3A_959 = arith.addf %add3A_949, %get3A_958 : vector<16xf32>
        %mul3A_960 = arith.constant 10 : i32
        %mul3A_961 = arith.muli %scan3A_574, %mul3A_960 : i32
        %add3A_962 = arith.constant 8 : i32
        %add3A_963 = arith.addi %add3A_962, %mul3A_961 : i32
        %add3A_964 = arith.constant 6 : i32
        %add3A_965 = arith.addi %add3A_963, %add3A_964 : i32
        %get3A_966 = arith.index_cast %add3A_965 : i32 to index
        %get3A_967 = arith.constant 48 : index
        %get3A_968 = tpu.vector_load %arg13[%get3A_966, %get3A_967] {strides = array<i32>} : memref<88x128xf32, #tpu.memory_space<vmem>>, vector<16xf32>,
        %add3A_969 = arith.addf %add3A_959, %get3A_968 : vector<16xf32>
        %mul3A_970 = arith.constant 10 : i32
        %mul3A_971 = arith.muli %scan3A_574, %mul3A_970 : i32
        %add3A_972 = arith.constant 8 : i32
        %add3A_973 = arith.addi %add3A_972, %mul3A_971 : i32
        %add3A_974 = arith.constant 7 : i32
        %add3A_975 = arith.addi %add3A_973, %add3A_974 : i32
        %get3A_976 = arith.index_cast %add3A_975 : i32 to index
        %get3A_977 = arith.constant 48 : index
        %get3A_978 = tpu.vector_load %arg13[%get3A_976, %get3A_977] {strides = array<i32>} : memref<88x128xf32, #tpu.memory_space<vmem>>, vector<16xf32>,
        %add3A_979 = arith.addf %add3A_969, %get3A_978 : vector<16xf32>
        %mul3A_980 = arith.constant 10 : i32
        %mul3A_981 = arith.muli %scan3A_574, %mul3A_980 : i32
        %add3A_982 = arith.constant 8 : i32
        %add3A_983 = arith.addi %add3A_982, %mul3A_981 : i32
        %add3A_984 = arith.constant 8 : i32
        %add3A_985 = arith.addi %add3A_983, %add3A_984 : i32
        %get3A_986 = arith.index_cast %add3A_985 : i32 to index
        %get3A_987 = arith.constant 48 : index
        %get3A_988 = tpu.vector_load %arg13[%get3A_986, %get3A_987] {strides = array<i32>} : memref<88x128xf32, #tpu.memory_space<vmem>>, vector<16xf32>,
        %add3A_989 = arith.addf %add3A_979, %get3A_988 : vector<16xf32>
        %mul3A_990 = arith.constant 10 : i32
        %mul3A_991 = arith.muli %scan3A_574, %mul3A_990 : i32
        %add3A_992 = arith.constant 8 : i32
        %add3A_993 = arith.addi %add3A_992, %mul3A_991 : i32
        %add3A_994 = arith.constant 9 : i32
        %add3A_995 = arith.addi %add3A_993, %add3A_994 : i32
        %get3A_996 = arith.index_cast %add3A_995 : i32 to index
        %get3A_997 = arith.constant 48 : index
        %get3A_998 = tpu.vector_load %arg13[%get3A_996, %get3A_997] {strides = array<i32>} : memref<88x128xf32, #tpu.memory_space<vmem>>, vector<16xf32>,
        %add3A_999 = arith.addf %add3A_989, %get3A_998 : vector<16xf32>
        %mul3A_1000 = arith.constant 0.0909090936 : f32
        %mul3A_1001 = vector.broadcast %mul3A_1000 : f32 to vector<16xf32>
        %mul3A_1002 = arith.mulf %add3A_999, %mul3A_1001 : vector<16xf32>
        %pack3A_1003 = tpu.pack_subelements %mul3A_896, %mul3A_1002 {pack_format = #tpu.pack_format<interleaved>, positions = array<i32: 0, 1>} : vector<16xf32>, vector<16xf32> -> vector<32xbf16>
        %bitcast3A_1004 = vector.bitcast %pack3A_1003 : vector<32xbf16> to vector<16xf32>
        %mul3A_1005 = arith.constant 8 : i32
        %mul3A_1006 = arith.muli %add3A_554, %mul3A_1005 : i32
        %add3A_1007 = arith.addi %mul3A_1006, %scan3A_574 : i32
        %swap3A_1008 = arith.index_cast %add3A_1007 : i32 to index
        %swap3A_1009 = arith.constant 16 : index
        %swap3A_1010 = tpu.vector_load %arg19[%swap3A_1008, %swap3A_1009] {strides = array<i32>} : memref<320x64xf32, #tpu.memory_space<vmem>>, vector<16xf32>,
        tpu.vector_store %arg19[%swap3A_1008, %swap3A_1009], %bitcast3A_1004 {strides = array<i32>} : memref<320x64xf32, #tpu.memory_space<vmem>>, vector<16xf32>,
        %get3A_1011 = arith.index_cast %scan3A_574 : i32 to index
        %get3A_1012 = arith.constant 64 : index
        %get3A_1013 = tpu.vector_load %arg13[%get3A_1011, %get3A_1012] {strides = array<i32>} : memref<88x128xf32, #tpu.memory_space<vmem>>, vector<16xf32>,
        %mul3A_1014 = arith.constant 10 : i32
        %mul3A_1015 = arith.muli %scan3A_574, %mul3A_1014 : i32
        %add3A_1016 = arith.constant 8 : i32
        %add3A_1017 = arith.addi %add3A_1016, %mul3A_1015 : i32
        %add3A_1018 = arith.constant 0 : i32
        %add3A_1019 = arith.addi %add3A_1017, %add3A_1018 : i32
        %get3A_1020 = arith.index_cast %add3A_1019 : i32 to index
        %get3A_1021 = arith.constant 64 : index
        %get3A_1022 = tpu.vector_load %arg13[%get3A_1020, %get3A_1021] {strides = array<i32>} : memref<88x128xf32, #tpu.memory_space<vmem>>, vector<16xf32>,
        %add3A_1023 = arith.addf %get3A_1013, %get3A_1022 : vector<16xf32>
        %mul3A_1024 = arith.constant 10 : i32
        %mul3A_1025 = arith.muli %scan3A_574, %mul3A_1024 : i32
        %add3A_1026 = arith.constant 8 : i32
        %add3A_1027 = arith.addi %add3A_1026, %mul3A_1025 : i32
        %add3A_1028 = arith.constant 1 : i32
        %add3A_1029 = arith.addi %add3A_1027, %add3A_1028 : i32
        %get3A_1030 = arith.index_cast %add3A_1029 : i32 to index
        %get3A_1031 = arith.constant 64 : index
        %get3A_1032 = tpu.vector_load %arg13[%get3A_1030, %get3A_1031] {strides = array<i32>} : memref<88x128xf32, #tpu.memory_space<vmem>>, vector<16xf32>,
        %add3A_1033 = arith.addf %add3A_1023, %get3A_1032 : vector<16xf32>
        %mul3A_1034 = arith.constant 10 : i32
        %mul3A_1035 = arith.muli %scan3A_574, %mul3A_1034 : i32
        %add3A_1036 = arith.constant 8 : i32
        %add3A_1037 = arith.addi %add3A_1036, %mul3A_1035 : i32
        %add3A_1038 = arith.constant 2 : i32
        %add3A_1039 = arith.addi %add3A_1037, %add3A_1038 : i32
        %get3A_1040 = arith.index_cast %add3A_1039 : i32 to index
        %get3A_1041 = arith.constant 64 : index
        %get3A_1042 = tpu.vector_load %arg13[%get3A_1040, %get3A_1041] {strides = array<i32>} : memref<88x128xf32, #tpu.memory_space<vmem>>, vector<16xf32>,
        %add3A_1043 = arith.addf %add3A_1033, %get3A_1042 : vector<16xf32>
        %mul3A_1044 = arith.constant 10 : i32
        %mul3A_1045 = arith.muli %scan3A_574, %mul3A_1044 : i32
        %add3A_1046 = arith.constant 8 : i32
        %add3A_1047 = arith.addi %add3A_1046, %mul3A_1045 : i32
        %add3A_1048 = arith.constant 3 : i32
        %add3A_1049 = arith.addi %add3A_1047, %add3A_1048 : i32
        %get3A_1050 = arith.index_cast %add3A_1049 : i32 to index
        %get3A_1051 = arith.constant 64 : index
        %get3A_1052 = tpu.vector_load %arg13[%get3A_1050, %get3A_1051] {strides = array<i32>} : memref<88x128xf32, #tpu.memory_space<vmem>>, vector<16xf32>,
        %add3A_1053 = arith.addf %add3A_1043, %get3A_1052 : vector<16xf32>
        %mul3A_1054 = arith.constant 10 : i32
        %mul3A_1055 = arith.muli %scan3A_574, %mul3A_1054 : i32
        %add3A_1056 = arith.constant 8 : i32
        %add3A_1057 = arith.addi %add3A_1056, %mul3A_1055 : i32
        %add3A_1058 = arith.constant 4 : i32
        %add3A_1059 = arith.addi %add3A_1057, %add3A_1058 : i32
        %get3A_1060 = arith.index_cast %add3A_1059 : i32 to index
        %get3A_1061 = arith.constant 64 : index
        %get3A_1062 = tpu.vector_load %arg13[%get3A_1060, %get3A_1061] {strides = array<i32>} : memref<88x128xf32, #tpu.memory_space<vmem>>, vector<16xf32>,
        %add3A_1063 = arith.addf %add3A_1053, %get3A_1062 : vector<16xf32>
        %mul3A_1064 = arith.constant 10 : i32
        %mul3A_1065 = arith.muli %scan3A_574, %mul3A_1064 : i32
        %add3A_1066 = arith.constant 8 : i32
        %add3A_1067 = arith.addi %add3A_1066, %mul3A_1065 : i32
        %add3A_1068 = arith.constant 5 : i32
        %add3A_1069 = arith.addi %add3A_1067, %add3A_1068 : i32
        %get3A_1070 = arith.index_cast %add3A_1069 : i32 to index
        %get3A_1071 = arith.constant 64 : index
        %get3A_1072 = tpu.vector_load %arg13[%get3A_1070, %get3A_1071] {strides = array<i32>} : memref<88x128xf32, #tpu.memory_space<vmem>>, vector<16xf32>,
        %add3A_1073 = arith.addf %add3A_1063, %get3A_1072 : vector<16xf32>
        %mul3A_1074 = arith.constant 10 : i32
        %mul3A_1075 = arith.muli %scan3A_574, %mul3A_1074 : i32
        %add3A_1076 = arith.constant 8 : i32
        %add3A_1077 = arith.addi %add3A_1076, %mul3A_1075 : i32
        %add3A_1078 = arith.constant 6 : i32
        %add3A_1079 = arith.addi %add3A_1077, %add3A_1078 : i32
        %get3A_1080 = arith.index_cast %add3A_1079 : i32 to index
        %get3A_1081 = arith.constant 64 : index
        %get3A_1082 = tpu.vector_load %arg13[%get3A_1080, %get3A_1081] {strides = array<i32>} : memref<88x128xf32, #tpu.memory_space<vmem>>, vector<16xf32>,
        %add3A_1083 = arith.addf %add3A_1073, %get3A_1082 : vector<16xf32>
        %mul3A_1084 = arith.constant 10 : i32
        %mul3A_1085 = arith.muli %scan3A_574, %mul3A_1084 : i32
        %add3A_1086 = arith.constant 8 : i32
        %add3A_1087 = arith.addi %add3A_1086, %mul3A_1085 : i32
        %add3A_1088 = arith.constant 7 : i32
        %add3A_1089 = arith.addi %add3A_1087, %add3A_1088 : i32
        %get3A_1090 = arith.index_cast %add3A_1089 : i32 to index
        %get3A_1091 = arith.constant 64 : index
        %get3A_1092 = tpu.vector_load %arg13[%get3A_1090, %get3A_1091] {strides = array<i32>} : memref<88x128xf32, #tpu.memory_space<vmem>>, vector<16xf32>,
        %add3A_1093 = arith.addf %add3A_1083, %get3A_1092 : vector<16xf32>
        %mul3A_1094 = arith.constant 10 : i32
        %mul3A_1095 = arith.muli %scan3A_574, %mul3A_1094 : i32
        %add3A_1096 = arith.constant 8 : i32
        %add3A_1097 = arith.addi %add3A_1096, %mul3A_1095 : i32
        %add3A_1098 = arith.constant 8 : i32
        %add3A_1099 = arith.addi %add3A_1097, %add3A_1098 : i32
        %get3A_1100 = arith.index_cast %add3A_1099 : i32 to index
        %get3A_1101 = arith.constant 64 : index
        %get3A_1102 = tpu.vector_load %arg13[%get3A_1100, %get3A_1101] {strides = array<i32>} : memref<88x128xf32, #tpu.memory_space<vmem>>, vector<16xf32>,
        %add3A_1103 = arith.addf %add3A_1093, %get3A_1102 : vector<16xf32>
        %mul3A_1104 = arith.constant 10 : i32
        %mul3A_1105 = arith.muli %scan3A_574, %mul3A_1104 : i32
        %add3A_1106 = arith.constant 8 : i32
        %add3A_1107 = arith.addi %add3A_1106, %mul3A_1105 : i32
        %add3A_1108 = arith.constant 9 : i32
        %add3A_1109 = arith.addi %add3A_1107, %add3A_1108 : i32
        %get3A_1110 = arith.index_cast %add3A_1109 : i32 to index
        %get3A_1111 = arith.constant 64 : index
        %get3A_1112 = tpu.vector_load %arg13[%get3A_1110, %get3A_1111] {strides = array<i32>} : memref<88x128xf32, #tpu.memory_space<vmem>>, vector<16xf32>,
        %add3A_1113 = arith.addf %add3A_1103, %get3A_1112 : vector<16xf32>
        %mul3A_1114 = arith.constant 0.0909090936 : f32
        %mul3A_1115 = vector.broadcast %mul3A_1114 : f32 to vector<16xf32>
        %mul3A_1116 = arith.mulf %add3A_1113, %mul3A_1115 : vector<16xf32>
        %get3A_1117 = arith.index_cast %scan3A_574 : i32 to index
        %get3A_1118 = arith.constant 80 : index
        %get3A_1119 = tpu.vector_load %arg13[%get3A_1117, %get3A_1118] {strides = array<i32>} : memref<88x128xf32, #tpu.memory_space<vmem>>, vector<16xf32>,
        %mul3A_1120 = arith.constant 10 : i32
        %mul3A_1121 = arith.muli %scan3A_574, %mul3A_1120 : i32
        %add3A_1122 = arith.constant 8 : i32
        %add3A_1123 = arith.addi %add3A_1122, %mul3A_1121 : i32
        %add3A_1124 = arith.constant 0 : i32
        %add3A_1125 = arith.addi %add3A_1123, %add3A_1124 : i32
        %get3A_1126 = arith.index_cast %add3A_1125 : i32 to index
        %get3A_1127 = arith.constant 80 : index
        %get3A_1128 = tpu.vector_load %arg13[%get3A_1126, %get3A_1127] {strides = array<i32>} : memref<88x128xf32, #tpu.memory_space<vmem>>, vector<16xf32>,
        %add3A_1129 = arith.addf %get3A_1119, %get3A_1128 : vector<16xf32>
        %mul3A_1130 = arith.constant 10 : i32
        %mul3A_1131 = arith.muli %scan3A_574, %mul3A_1130 : i32
        %add3A_1132 = arith.constant 8 : i32
        %add3A_1133 = arith.addi %add3A_1132, %mul3A_1131 : i32
        %add3A_1134 = arith.constant 1 : i32
        %add3A_1135 = arith.addi %add3A_1133, %add3A_1134 : i32
        %get3A_1136 = arith.index_cast %add3A_1135 : i32 to index
        %get3A_1137 = arith.constant 80 : index
        %get3A_1138 = tpu.vector_load %arg13[%get3A_1136, %get3A_1137] {strides = array<i32>} : memref<88x128xf32, #tpu.memory_space<vmem>>, vector<16xf32>,
        %add3A_1139 = arith.addf %add3A_1129, %get3A_1138 : vector<16xf32>
        %mul3A_1140 = arith.constant 10 : i32
        %mul3A_1141 = arith.muli %scan3A_574, %mul3A_1140 : i32
        %add3A_1142 = arith.constant 8 : i32
        %add3A_1143 = arith.addi %add3A_1142, %mul3A_1141 : i32
        %add3A_1144 = arith.constant 2 : i32
        %add3A_1145 = arith.addi %add3A_1143, %add3A_1144 : i32
        %get3A_1146 = arith.index_cast %add3A_1145 : i32 to index
        %get3A_1147 = arith.constant 80 : index
        %get3A_1148 = tpu.vector_load %arg13[%get3A_1146, %get3A_1147] {strides = array<i32>} : memref<88x128xf32, #tpu.memory_space<vmem>>, vector<16xf32>,
        %add3A_1149 = arith.addf %add3A_1139, %get3A_1148 : vector<16xf32>
        %mul3A_1150 = arith.constant 10 : i32
        %mul3A_1151 = arith.muli %scan3A_574, %mul3A_1150 : i32
        %add3A_1152 = arith.constant 8 : i32
        %add3A_1153 = arith.addi %add3A_1152, %mul3A_1151 : i32
        %add3A_1154 = arith.constant 3 : i32
        %add3A_1155 = arith.addi %add3A_1153, %add3A_1154 : i32
        %get3A_1156 = arith.index_cast %add3A_1155 : i32 to index
        %get3A_1157 = arith.constant 80 : index
        %get3A_1158 = tpu.vector_load %arg13[%get3A_1156, %get3A_1157] {strides = array<i32>} : memref<88x128xf32, #tpu.memory_space<vmem>>, vector<16xf32>,
        %add3A_1159 = arith.addf %add3A_1149, %get3A_1158 : vector<16xf32>
        %mul3A_1160 = arith.constant 10 : i32
        %mul3A_1161 = arith.muli %scan3A_574, %mul3A_1160 : i32
        %add3A_1162 = arith.constant 8 : i32
        %add3A_1163 = arith.addi %add3A_1162, %mul3A_1161 : i32
        %add3A_1164 = arith.constant 4 : i32
        %add3A_1165 = arith.addi %add3A_1163, %add3A_1164 : i32
        %get3A_1166 = arith.index_cast %add3A_1165 : i32 to index
        %get3A_1167 = arith.constant 80 : index
        %get3A_1168 = tpu.vector_load %arg13[%get3A_1166, %get3A_1167] {strides = array<i32>} : memref<88x128xf32, #tpu.memory_space<vmem>>, vector<16xf32>,
        %add3A_1169 = arith.addf %add3A_1159, %get3A_1168 : vector<16xf32>
        %mul3A_1170 = arith.constant 10 : i32
        %mul3A_1171 = arith.muli %scan3A_574, %mul3A_1170 : i32
        %add3A_1172 = arith.constant 8 : i32
        %add3A_1173 = arith.addi %add3A_1172, %mul3A_1171 : i32
        %add3A_1174 = arith.constant 5 : i32
        %add3A_1175 = arith.addi %add3A_1173, %add3A_1174 : i32
        %get3A_1176 = arith.index_cast %add3A_1175 : i32 to index
        %get3A_1177 = arith.constant 80 : index
        %get3A_1178 = tpu.vector_load %arg13[%get3A_1176, %get3A_1177] {strides = array<i32>} : memref<88x128xf32, #tpu.memory_space<vmem>>, vector<16xf32>,
        %add3A_1179 = arith.addf %add3A_1169, %get3A_1178 : vector<16xf32>
        %mul3A_1180 = arith.constant 10 : i32
        %mul3A_1181 = arith.muli %scan3A_574, %mul3A_1180 : i32
        %add3A_1182 = arith.constant 8 : i32
        %add3A_1183 = arith.addi %add3A_1182, %mul3A_1181 : i32
        %add3A_1184 = arith.constant 6 : i32
        %add3A_1185 = arith.addi %add3A_1183, %add3A_1184 : i32
        %get3A_1186 = arith.index_cast %add3A_1185 : i32 to index
        %get3A_1187 = arith.constant 80 : index
        %get3A_1188 = tpu.vector_load %arg13[%get3A_1186, %get3A_1187] {strides = array<i32>} : memref<88x128xf32, #tpu.memory_space<vmem>>, vector<16xf32>,
        %add3A_1189 = arith.addf %add3A_1179, %get3A_1188 : vector<16xf32>
        %mul3A_1190 = arith.constant 10 : i32
        %mul3A_1191 = arith.muli %scan3A_574, %mul3A_1190 : i32
        %add3A_1192 = arith.constant 8 : i32
        %add3A_1193 = arith.addi %add3A_1192, %mul3A_1191 : i32
        %add3A_1194 = arith.constant 7 : i32
        %add3A_1195 = arith.addi %add3A_1193, %add3A_1194 : i32
        %get3A_1196 = arith.index_cast %add3A_1195 : i32 to index
        %get3A_1197 = arith.constant 80 : index
        %get3A_1198 = tpu.vector_load %arg13[%get3A_1196, %get3A_1197] {strides = array<i32>} : memref<88x128xf32, #tpu.memory_space<vmem>>, vector<16xf32>,
        %add3A_1199 = arith.addf %add3A_1189, %get3A_1198 : vector<16xf32>
        %mul3A_1200 = arith.constant 10 : i32
        %mul3A_1201 = arith.muli %scan3A_574, %mul3A_1200 : i32
        %add3A_1202 = arith.constant 8 : i32
        %add3A_1203 = arith.addi %add3A_1202, %mul3A_1201 : i32
        %add3A_1204 = arith.constant 8 : i32
        %add3A_1205 = arith.addi %add3A_1203, %add3A_1204 : i32
        %get3A_1206 = arith.index_cast %add3A_1205 : i32 to index
        %get3A_1207 = arith.constant 80 : index
        %get3A_1208 = tpu.vector_load %arg13[%get3A_1206, %get3A_1207] {strides = array<i32>} : memref<88x128xf32, #tpu.memory_space<vmem>>, vector<16xf32>,
        %add3A_1209 = arith.addf %add3A_1199, %get3A_1208 : vector<16xf32>
        %mul3A_1210 = arith.constant 10 : i32
        %mul3A_1211 = arith.muli %scan3A_574, %mul3A_1210 : i32
        %add3A_1212 = arith.constant 8 : i32
        %add3A_1213 = arith.addi %add3A_1212, %mul3A_1211 : i32
        %add3A_1214 = arith.constant 9 : i32
        %add3A_1215 = arith.addi %add3A_1213, %add3A_1214 : i32
        %get3A_1216 = arith.index_cast %add3A_1215 : i32 to index
        %get3A_1217 = arith.constant 80 : index
        %get3A_1218 = tpu.vector_load %arg13[%get3A_1216, %get3A_1217] {strides = array<i32>} : memref<88x128xf32, #tpu.memory_space<vmem>>, vector<16xf32>,
        %add3A_1219 = arith.addf %add3A_1209, %get3A_1218 : vector<16xf32>
        %mul3A_1220 = arith.constant 0.0909090936 : f32
        %mul3A_1221 = vector.broadcast %mul3A_1220 : f32 to vector<16xf32>
        %mul3A_1222 = arith.mulf %add3A_1219, %mul3A_1221 : vector<16xf32>
        %pack3A_1223 = tpu.pack_subelements %mul3A_1116, %mul3A_1222 {pack_format = #tpu.pack_format<interleaved>, positions = array<i32: 0, 1>} : vector<16xf32>, vector<16xf32> -> vector<32xbf16>
        %bitcast3A_1224 = vector.bitcast %pack3A_1223 : vector<32xbf16> to vector<16xf32>
        %mul3A_1225 = arith.constant 8 : i32
        %mul3A_1226 = arith.muli %add3A_554, %mul3A_1225 : i32
        %add3A_1227 = arith.addi %mul3A_1226, %scan3A_574 : i32
        %swap3A_1228 = arith.index_cast %add3A_1227 : i32 to index
        %swap3A_1229 = arith.constant 32 : index
        %swap3A_1230 = tpu.vector_load %arg19[%swap3A_1228, %swap3A_1229] {strides = array<i32>} : memref<320x64xf32, #tpu.memory_space<vmem>>, vector<16xf32>,
        tpu.vector_store %arg19[%swap3A_1228, %swap3A_1229], %bitcast3A_1224 {strides = array<i32>} : memref<320x64xf32, #tpu.memory_space<vmem>>, vector<16xf32>,
        %get3A_1231 = arith.index_cast %scan3A_574 : i32 to index
        %get3A_1232 = arith.constant 96 : index
        %get3A_1233 = tpu.vector_load %arg13[%get3A_1231, %get3A_1232] {strides = array<i32>} : memref<88x128xf32, #tpu.memory_space<vmem>>, vector<16xf32>,
        %mul3A_1234 = arith.constant 10 : i32
        %mul3A_1235 = arith.muli %scan3A_574, %mul3A_1234 : i32
        %add3A_1236 = arith.constant 8 : i32
        %add3A_1237 = arith.addi %add3A_1236, %mul3A_1235 : i32
        %add3A_1238 = arith.constant 0 : i32
        %add3A_1239 = arith.addi %add3A_1237, %add3A_1238 : i32
        %get3A_1240 = arith.index_cast %add3A_1239 : i32 to index
        %get3A_1241 = arith.constant 96 : index
        %get3A_1242 = tpu.vector_load %arg13[%get3A_1240, %get3A_1241] {strides = array<i32>} : memref<88x128xf32, #tpu.memory_space<vmem>>, vector<16xf32>,
        %add3A_1243 = arith.addf %get3A_1233, %get3A_1242 : vector<16xf32>
        %mul3A_1244 = arith.constant 10 : i32
        %mul3A_1245 = arith.muli %scan3A_574, %mul3A_1244 : i32
        %add3A_1246 = arith.constant 8 : i32
        %add3A_1247 = arith.addi %add3A_1246, %mul3A_1245 : i32
        %add3A_1248 = arith.constant 1 : i32
        %add3A_1249 = arith.addi %add3A_1247, %add3A_1248 : i32
        %get3A_1250 = arith.index_cast %add3A_1249 : i32 to index
        %get3A_1251 = arith.constant 96 : index
        %get3A_1252 = tpu.vector_load %arg13[%get3A_1250, %get3A_1251] {strides = array<i32>} : memref<88x128xf32, #tpu.memory_space<vmem>>, vector<16xf32>,
        %add3A_1253 = arith.addf %add3A_1243, %get3A_1252 : vector<16xf32>
        %mul3A_1254 = arith.constant 10 : i32
        %mul3A_1255 = arith.muli %scan3A_574, %mul3A_1254 : i32
        %add3A_1256 = arith.constant 8 : i32
        %add3A_1257 = arith.addi %add3A_1256, %mul3A_1255 : i32
        %add3A_1258 = arith.constant 2 : i32
        %add3A_1259 = arith.addi %add3A_1257, %add3A_1258 : i32
        %get3A_1260 = arith.index_cast %add3A_1259 : i32 to index
        %get3A_1261 = arith.constant 96 : index
        %get3A_1262 = tpu.vector_load %arg13[%get3A_1260, %get3A_1261] {strides = array<i32>} : memref<88x128xf32, #tpu.memory_space<vmem>>, vector<16xf32>,
        %add3A_1263 = arith.addf %add3A_1253, %get3A_1262 : vector<16xf32>
        %mul3A_1264 = arith.constant 10 : i32
        %mul3A_1265 = arith.muli %scan3A_574, %mul3A_1264 : i32
        %add3A_1266 = arith.constant 8 : i32
        %add3A_1267 = arith.addi %add3A_1266, %mul3A_1265 : i32
        %add3A_1268 = arith.constant 3 : i32
        %add3A_1269 = arith.addi %add3A_1267, %add3A_1268 : i32
        %get3A_1270 = arith.index_cast %add3A_1269 : i32 to index
        %get3A_1271 = arith.constant 96 : index
        %get3A_1272 = tpu.vector_load %arg13[%get3A_1270, %get3A_1271] {strides = array<i32>} : memref<88x128xf32, #tpu.memory_space<vmem>>, vector<16xf32>,
        %add3A_1273 = arith.addf %add3A_1263, %get3A_1272 : vector<16xf32>
        %mul3A_1274 = arith.constant 10 : i32
        %mul3A_1275 = arith.muli %scan3A_574, %mul3A_1274 : i32
        %add3A_1276 = arith.constant 8 : i32
        %add3A_1277 = arith.addi %add3A_1276, %mul3A_1275 : i32
        %add3A_1278 = arith.constant 4 : i32
        %add3A_1279 = arith.addi %add3A_1277, %add3A_1278 : i32
        %get3A_1280 = arith.index_cast %add3A_1279 : i32 to index
        %get3A_1281 = arith.constant 96 : index
        %get3A_1282 = tpu.vector_load %arg13[%get3A_1280, %get3A_1281] {strides = array<i32>} : memref<88x128xf32, #tpu.memory_space<vmem>>, vector<16xf32>,
        %add3A_1283 = arith.addf %add3A_1273, %get3A_1282 : vector<16xf32>
        %mul3A_1284 = arith.constant 10 : i32
        %mul3A_1285 = arith.muli %scan3A_574, %mul3A_1284 : i32
        %add3A_1286 = arith.constant 8 : i32
        %add3A_1287 = arith.addi %add3A_1286, %mul3A_1285 : i32
        %add3A_1288 = arith.constant 5 : i32
        %add3A_1289 = arith.addi %add3A_1287, %add3A_1288 : i32
        %get3A_1290 = arith.index_cast %add3A_1289 : i32 to index
        %get3A_1291 = arith.constant 96 : index
        %get3A_1292 = tpu.vector_load %arg13[%get3A_1290, %get3A_1291] {strides = array<i32>} : memref<88x128xf32, #tpu.memory_space<vmem>>, vector<16xf32>,
        %add3A_1293 = arith.addf %add3A_1283, %get3A_1292 : vector<16xf32>
        %mul3A_1294 = arith.constant 10 : i32
        %mul3A_1295 = arith.muli %scan3A_574, %mul3A_1294 : i32
        %add3A_1296 = arith.constant 8 : i32
        %add3A_1297 = arith.addi %add3A_1296, %mul3A_1295 : i32
        %add3A_1298 = arith.constant 6 : i32
        %add3A_1299 = arith.addi %add3A_1297, %add3A_1298 : i32
        %get3A_1300 = arith.index_cast %add3A_1299 : i32 to index
        %get3A_1301 = arith.constant 96 : index
        %get3A_1302 = tpu.vector_load %arg13[%get3A_1300, %get3A_1301] {strides = array<i32>} : memref<88x128xf32, #tpu.memory_space<vmem>>, vector<16xf32>,
        %add3A_1303 = arith.addf %add3A_1293, %get3A_1302 : vector<16xf32>
        %mul3A_1304 = arith.constant 10 : i32
        %mul3A_1305 = arith.muli %scan3A_574, %mul3A_1304 : i32
        %add3A_1306 = arith.constant 8 : i32
        %add3A_1307 = arith.addi %add3A_1306, %mul3A_1305 : i32
        %add3A_1308 = arith.constant 7 : i32
        %add3A_1309 = arith.addi %add3A_1307, %add3A_1308 : i32
        %get3A_1310 = arith.index_cast %add3A_1309 : i32 to index
        %get3A_1311 = arith.constant 96 : index
        %get3A_1312 = tpu.vector_load %arg13[%get3A_1310, %get3A_1311] {strides = array<i32>} : memref<88x128xf32, #tpu.memory_space<vmem>>, vector<16xf32>,
        %add3A_1313 = arith.addf %add3A_1303, %get3A_1312 : vector<16xf32>
        %mul3A_1314 = arith.constant 10 : i32
        %mul3A_1315 = arith.muli %scan3A_574, %mul3A_1314 : i32
        %add3A_1316 = arith.constant 8 : i32
        %add3A_1317 = arith.addi %add3A_1316, %mul3A_1315 : i32
        %add3A_1318 = arith.constant 8 : i32
        %add3A_1319 = arith.addi %add3A_1317, %add3A_1318 : i32
        %get3A_1320 = arith.index_cast %add3A_1319 : i32 to index
        %get3A_1321 = arith.constant 96 : index
        %get3A_1322 = tpu.vector_load %arg13[%get3A_1320, %get3A_1321] {strides = array<i32>} : memref<88x128xf32, #tpu.memory_space<vmem>>, vector<16xf32>,
        %add3A_1323 = arith.addf %add3A_1313, %get3A_1322 : vector<16xf32>
        %mul3A_1324 = arith.constant 10 : i32
        %mul3A_1325 = arith.muli %scan3A_574, %mul3A_1324 : i32
        %add3A_1326 = arith.constant 8 : i32
        %add3A_1327 = arith.addi %add3A_1326, %mul3A_1325 : i32
        %add3A_1328 = arith.constant 9 : i32
        %add3A_1329 = arith.addi %add3A_1327, %add3A_1328 : i32
        %get3A_1330 = arith.index_cast %add3A_1329 : i32 to index
        %get3A_1331 = arith.constant 96 : index
        %get3A_1332 = tpu.vector_load %arg13[%get3A_1330, %get3A_1331] {strides = array<i32>} : memref<88x128xf32, #tpu.memory_space<vmem>>, vector<16xf32>,
        %add3A_1333 = arith.addf %add3A_1323, %get3A_1332 : vector<16xf32>
        %mul3A_1334 = arith.constant 0.0909090936 : f32
        %mul3A_1335 = vector.broadcast %mul3A_1334 : f32 to vector<16xf32>
        %mul3A_1336 = arith.mulf %add3A_1333, %mul3A_1335 : vector<16xf32>
        %get3A_1337 = arith.index_cast %scan3A_574 : i32 to index
        %get3A_1338 = arith.constant 112 : index
        %get3A_1339 = tpu.vector_load %arg13[%get3A_1337, %get3A_1338] {strides = array<i32>} : memref<88x128xf32, #tpu.memory_space<vmem>>, vector<16xf32>,
        %mul3A_1340 = arith.constant 10 : i32
        %mul3A_1341 = arith.muli %scan3A_574, %mul3A_1340 : i32
        %add3A_1342 = arith.constant 8 : i32
        %add3A_1343 = arith.addi %add3A_1342, %mul3A_1341 : i32
        %add3A_1344 = arith.constant 0 : i32
        %add3A_1345 = arith.addi %add3A_1343, %add3A_1344 : i32
        %get3A_1346 = arith.index_cast %add3A_1345 : i32 to index
        %get3A_1347 = arith.constant 112 : index
        %get3A_1348 = tpu.vector_load %arg13[%get3A_1346, %get3A_1347] {strides = array<i32>} : memref<88x128xf32, #tpu.memory_space<vmem>>, vector<16xf32>,
        %add3A_1349 = arith.addf %get3A_1339, %get3A_1348 : vector<16xf32>
        %mul3A_1350 = arith.constant 10 : i32
        %mul3A_1351 = arith.muli %scan3A_574, %mul3A_1350 : i32
        %add3A_1352 = arith.constant 8 : i32
        %add3A_1353 = arith.addi %add3A_1352, %mul3A_1351 : i32
        %add3A_1354 = arith.constant 1 : i32
        %add3A_1355 = arith.addi %add3A_1353, %add3A_1354 : i32
        %get3A_1356 = arith.index_cast %add3A_1355 : i32 to index
        %get3A_1357 = arith.constant 112 : index
        %get3A_1358 = tpu.vector_load %arg13[%get3A_1356, %get3A_1357] {strides = array<i32>} : memref<88x128xf32, #tpu.memory_space<vmem>>, vector<16xf32>,
        %add3A_1359 = arith.addf %add3A_1349, %get3A_1358 : vector<16xf32>
        %mul3A_1360 = arith.constant 10 : i32
        %mul3A_1361 = arith.muli %scan3A_574, %mul3A_1360 : i32
        %add3A_1362 = arith.constant 8 : i32
        %add3A_1363 = arith.addi %add3A_1362, %mul3A_1361 : i32
        %add3A_1364 = arith.constant 2 : i32
        %add3A_1365 = arith.addi %add3A_1363, %add3A_1364 : i32
        %get3A_1366 = arith.index_cast %add3A_1365 : i32 to index
        %get3A_1367 = arith.constant 112 : index
        %get3A_1368 = tpu.vector_load %arg13[%get3A_1366, %get3A_1367] {strides = array<i32>} : memref<88x128xf32, #tpu.memory_space<vmem>>, vector<16xf32>,
        %add3A_1369 = arith.addf %add3A_1359, %get3A_1368 : vector<16xf32>
        %mul3A_1370 = arith.constant 10 : i32
        %mul3A_1371 = arith.muli %scan3A_574, %mul3A_1370 : i32
        %add3A_1372 = arith.constant 8 : i32
        %add3A_1373 = arith.addi %add3A_1372, %mul3A_1371 : i32
        %add3A_1374 = arith.constant 3 : i32
        %add3A_1375 = arith.addi %add3A_1373, %add3A_1374 : i32
        %get3A_1376 = arith.index_cast %add3A_1375 : i32 to index
        %get3A_1377 = arith.constant 112 : index
        %get3A_1378 = tpu.vector_load %arg13[%get3A_1376, %get3A_1377] {strides = array<i32>} : memref<88x128xf32, #tpu.memory_space<vmem>>, vector<16xf32>,
        %add3A_1379 = arith.addf %add3A_1369, %get3A_1378 : vector<16xf32>
        %mul3A_1380 = arith.constant 10 : i32
        %mul3A_1381 = arith.muli %scan3A_574, %mul3A_1380 : i32
        %add3A_1382 = arith.constant 8 : i32
        %add3A_1383 = arith.addi %add3A_1382, %mul3A_1381 : i32
        %add3A_1384 = arith.constant 4 : i32
        %add3A_1385 = arith.addi %add3A_1383, %add3A_1384 : i32
        %get3A_1386 = arith.index_cast %add3A_1385 : i32 to index
        %get3A_1387 = arith.constant 112 : index
        %get3A_1388 = tpu.vector_load %arg13[%get3A_1386, %get3A_1387] {strides = array<i32>} : memref<88x128xf32, #tpu.memory_space<vmem>>, vector<16xf32>,
        %add3A_1389 = arith.addf %add3A_1379, %get3A_1388 : vector<16xf32>
        %mul3A_1390 = arith.constant 10 : i32
        %mul3A_1391 = arith.muli %scan3A_574, %mul3A_1390 : i32
        %add3A_1392 = arith.constant 8 : i32
        %add3A_1393 = arith.addi %add3A_1392, %mul3A_1391 : i32
        %add3A_1394 = arith.constant 5 : i32
        %add3A_1395 = arith.addi %add3A_1393, %add3A_1394 : i32
        %get3A_1396 = arith.index_cast %add3A_1395 : i32 to index
        %get3A_1397 = arith.constant 112 : index
        %get3A_1398 = tpu.vector_load %arg13[%get3A_1396, %get3A_1397] {strides = array<i32>} : memref<88x128xf32, #tpu.memory_space<vmem>>, vector<16xf32>,
        %add3A_1399 = arith.addf %add3A_1389, %get3A_1398 : vector<16xf32>
        %mul3A_1400 = arith.constant 10 : i32
        %mul3A_1401 = arith.muli %scan3A_574, %mul3A_1400 : i32
        %add3A_1402 = arith.constant 8 : i32
        %add3A_1403 = arith.addi %add3A_1402, %mul3A_1401 : i32
        %add3A_1404 = arith.constant 6 : i32
        %add3A_1405 = arith.addi %add3A_1403, %add3A_1404 : i32
        %get3A_1406 = arith.index_cast %add3A_1405 : i32 to index
        %get3A_1407 = arith.constant 112 : index
        %get3A_1408 = tpu.vector_load %arg13[%get3A_1406, %get3A_1407] {strides = array<i32>} : memref<88x128xf32, #tpu.memory_space<vmem>>, vector<16xf32>,
        %add3A_1409 = arith.addf %add3A_1399, %get3A_1408 : vector<16xf32>
        %mul3A_1410 = arith.constant 10 : i32
        %mul3A_1411 = arith.muli %scan3A_574, %mul3A_1410 : i32
        %add3A_1412 = arith.constant 8 : i32
        %add3A_1413 = arith.addi %add3A_1412, %mul3A_1411 : i32
        %add3A_1414 = arith.constant 7 : i32
        %add3A_1415 = arith.addi %add3A_1413, %add3A_1414 : i32
        %get3A_1416 = arith.index_cast %add3A_1415 : i32 to index
        %get3A_1417 = arith.constant 112 : index
        %get3A_1418 = tpu.vector_load %arg13[%get3A_1416, %get3A_1417] {strides = array<i32>} : memref<88x128xf32, #tpu.memory_space<vmem>>, vector<16xf32>,
        %add3A_1419 = arith.addf %add3A_1409, %get3A_1418 : vector<16xf32>
        %mul3A_1420 = arith.constant 10 : i32
        %mul3A_1421 = arith.muli %scan3A_574, %mul3A_1420 : i32
        %add3A_1422 = arith.constant 8 : i32
        %add3A_1423 = arith.addi %add3A_1422, %mul3A_1421 : i32
        %add3A_1424 = arith.constant 8 : i32
        %add3A_1425 = arith.addi %add3A_1423, %add3A_1424 : i32
        %get3A_1426 = arith.index_cast %add3A_1425 : i32 to index
        %get3A_1427 = arith.constant 112 : index
        %get3A_1428 = tpu.vector_load %arg13[%get3A_1426, %get3A_1427] {strides = array<i32>} : memref<88x128xf32, #tpu.memory_space<vmem>>, vector<16xf32>,
        %add3A_1429 = arith.addf %add3A_1419, %get3A_1428 : vector<16xf32>
        %mul3A_1430 = arith.constant 10 : i32
        %mul3A_1431 = arith.muli %scan3A_574, %mul3A_1430 : i32
        %add3A_1432 = arith.constant 8 : i32
        %add3A_1433 = arith.addi %add3A_1432, %mul3A_1431 : i32
        %add3A_1434 = arith.constant 9 : i32
        %add3A_1435 = arith.addi %add3A_1433, %add3A_1434 : i32
        %get3A_1436 = arith.index_cast %add3A_1435 : i32 to index
        %get3A_1437 = arith.constant 112 : index
        %get3A_1438 = tpu.vector_load %arg13[%get3A_1436, %get3A_1437] {strides = array<i32>} : memref<88x128xf32, #tpu.memory_space<vmem>>, vector<16xf32>,
        %add3A_1439 = arith.addf %add3A_1429, %get3A_1438 : vector<16xf32>
        %mul3A_1440 = arith.constant 0.0909090936 : f32
        %mul3A_1441 = vector.broadcast %mul3A_1440 : f32 to vector<16xf32>
        %mul3A_1442 = arith.mulf %add3A_1439, %mul3A_1441 : vector<16xf32>
        %pack3A_1443 = tpu.pack_subelements %mul3A_1336, %mul3A_1442 {pack_format = #tpu.pack_format<interleaved>, positions = array<i32: 0, 1>} : vector<16xf32>, vector<16xf32> -> vector<32xbf16>
        %bitcast3A_1444 = vector.bitcast %pack3A_1443 : vector<32xbf16> to vector<16xf32>
        %mul3A_1445 = arith.constant 8 : i32
        %mul3A_1446 = arith.muli %add3A_554, %mul3A_1445 : i32
        %add3A_1447 = arith.addi %mul3A_1446, %scan3A_574 : i32
        %swap3A_1448 = arith.index_cast %add3A_1447 : i32 to index
        %swap3A_1449 = arith.constant 48 : index
        %swap3A_1450 = tpu.vector_load %arg19[%swap3A_1448, %swap3A_1449] {strides = array<i32>} : memref<320x64xf32, #tpu.memory_space<vmem>>, vector<16xf32>,
        tpu.vector_store %arg19[%swap3A_1448, %swap3A_1449], %bitcast3A_1444 {strides = array<i32>} : memref<320x64xf32, #tpu.memory_space<vmem>>, vector<16xf32>,
      }
      %scan3A_560 = arith.constant 8 : i32
      %mul3A_561 = arith.constant 8 : i32
      %mul3A_562 = arith.muli %add3A_554, %mul3A_561 : i32
      %mul3A_563 = arith.constant 8 : i32
      %mul3A_564 = arith.muli %add3A_554, %mul3A_563 : i32
      %add3A_565 = arith.addi %mul3A_2, %mul3A_564 : i32
      %dma_start3A_566 = arith.constant 0 : i32
      %dma_start3A_567 = tpu.memref_slice %arg19[%mul3A_562, %dma_start3A_566] : memref<320x64xf32, #tpu.memory_space<vmem>> -> memref<8x64xf32, #tpu.memory_space<vmem>>
      %dma_start3A_568 = arith.constant 0 : i32
      %dma_start3A_569 = tpu.memref_slice %arg5[%add3A_565, %dma_start3A_568] : memref<10240x64xf32, #tpu.memory_space<hbm>> -> memref<8x64xf32, #tpu.memory_space<hbm>>
      %dma_start3A_570 = arith.constant 0 : i32
      %dma_start3A_571 = tpu.memref_slice %arg5[%add3A_565, %dma_start3A_570] : memref<10240x64xf32, #tpu.memory_space<hbm>> -> memref<8x64xf32, #tpu.memory_space<hbm>>
      %dma_start3A_572 = arith.constant 0 : i32
      %dma_start3A_573 = tpu.memref_slice %arg19[%mul3A_562, %dma_start3A_572] : memref<320x64xf32, #tpu.memory_space<vmem>> -> memref<8x64xf32, #tpu.memory_space<vmem>>
      tpu.enqueue_dma source(%dma_start3A_573 : memref<8x64xf32, #tpu.memory_space<vmem>>) target(%dma_start3A_571 : memref<8x64xf32, #tpu.memory_space<hbm>>) target_semaphore(%arg20 : memref<!tpu.dma_semaphore, #tpu.memory_space<semaphore_mem>>)
    }
    %scan3A_375 = arith.constant 8 : i32
    %dma_wait3A_376 = arith.constant 0 : i32
    %dma_wait3A_377 = tpu.memref_slice %arg5[%mul3A_2, %dma_wait3A_376] : memref<10240x64xf32, #tpu.memory_space<hbm>> -> memref<320x64xf32, #tpu.memory_space<hbm>>
    %dma_wait3A_378 = arith.constant 0 : i32
    %dma_wait3A_379 = tpu.memref_slice %arg5[%mul3A_2, %dma_wait3A_378] : memref<10240x64xf32, #tpu.memory_space<hbm>> -> memref<320x64xf32, #tpu.memory_space<hbm>>
    tpu.wait_dma2 semaphore(%arg20 : memref<!tpu.dma_semaphore, #tpu.memory_space<semaphore_mem>>) src(%arg19 : memref<320x64xf32, #tpu.memory_space<vmem>>) dst(%dma_wait3A_379 : memref<320x64xf32, #tpu.memory_space<hbm>>)
    return
  }
}

</mosaic_0001>

<sc_bundles>
// kernel: _sc_aggregate.3.cloned.1.call-start
scs
__scs_entry_jumppad:
0x0: {  	(pc) =	sbr.rel $0x88, $3  }
0x1: {  	(tag) =	ssettag $0x0;
	lr =	simm.s32 $0x1  }
0x2: {  	[smem:$0x3F9E] =	sst lr;
	_ =	strace $0xD0000000  }
0x3: {  	_ = 	snop  }
0x4: {  	_ = 	snop  }
0x5: {  	_ = 	snop  }
0x6: {  	_ = 	snop  }
0x7: {  	_ = 	snop  }
__scs_overlays_trampoline_lowered:
0x8: {  	[smem:$0x3FAD] =	sst s0  }
0x9: {  	[smem:$0x3FAE] =	sst s1  }
0xa: {  	[smem:$0x3FAF] =	sst s2  }
0xb: {  	[smem:$0x3FB0] =	sst s3  }
0xc: {  	[smem:$0x3FB1] =	sst s4  }
0xd: {  	[smem:$0x3FB2] =	sst s5  }
0xe: {  	[smem:$0x3FB3] =	sst s6  }
0xf: {  	[smem:$0x3FB4] =	sst s7  }
0x10: {  	[smem:$0x3FB5] =	sst s8  }
0x11: {  	[smem:$0x3FB6] =	sst s9;
	s0 =	simm.s32 @!p0 $0x0  }
0x12: {  	s1 =	sld [smem:$0x3F9C];
	s0 =	simm.s32 @p0 $0x1  }
0x13: {  	[smem:$0x3FB7] =	sst s0;
	s0 =	simm.s32 @!p1 $0x0  }
0x14: {  	s2 =	sld [smem:$0x3F9B];
	s0 =	simm.s32 @p1 $0x1  }
0x15: {  	[smem:$0x3FB8] =	sst s0;
	s0 =	simm.s32 @!p2 $0x0  }
0x16: {  	s3 =	sld [smem:$0x3FDB];
	s0 =	simm.s32 @p2 $0x1  }
0x17: {  	s4 =	simm.s32 $0x1BF5;
	[smem:$0x3FBA] =	sst s0  }
0x18: {  	s0 =	sld [smem:$0x3F9D];
	_ =	swait.ge [sflag:s4], $0x0  }
0x19: {  	s7 =	sld [smem:$0x3F9E]  }
0x1a: {  	s8 =	sadd.s32 $0xFFFFE003, lr  }
0x1b: {  	s9 =	sadd.s32 $0xFFFFFEF7, lr;
	s5 =	simm.s32 $0xFFFFFFFF;
	p2 =	slt.u32 s8, $0xFFFFF086  }
0x1c: {  	p1 =	slt.u32 s9, $0xF7A;
	s5 =	simm.s32 @!p2 $0x0  }
0x1d: {  	s5 =	simm.s32 @p1 $0x1;
	p0 =	seq.s32 s7, s2  }
0x1e: {  	s7 =	smul.u32 @!p0 $0xF7A, s2;
	p2 =	seq.s32 @!p0 s5, $0x0  }
0x1f: {  	s9 =	smul.u32 $0xF7A, s1;
	s8 =	simm.s32 @!p0 $0x1BF5;
	p2 =	por !p2, p0  }
0x20: {  	[sflag:s8] =	ssyncset.s32 @!p0 $0xFFFFF086;
	s6 =	sadd.s32 @!p0 s3, s7;
	s7 =	simm.s32 @!p0 $0x108  }
0x21: {  	s3 =	sadd.s32 s3, s9;
	s6 =	sadd.s32 @!p0 $0x88, s6;
	s7 =	simm.s32 @p2 $0x1082  }
0x22: {  	[simem:s7], [sflag:s8] =	dma.local @!p0 [hbm:s6], $0xF7A  }
0x23: {  	s9 =	sor.u32 $0xD0000000, s2;
	s6 =	simm.s32 $0x108;
	_ =	swait.ge @!p0 [sflag:s8], $0x0  }
0x24: {  	s3 =	sadd.s32 $0x88, s3;
	s6 =	simm.s32 @!p1 $0x1082;
	[sflag:s4] =	ssyncset.s32 $0xFFFFF086  }
0x25: {  	[simem:s6], [sflag:s4] =	dma.local [hbm:s3], $0xF7A  }
0x26: {  	[smem:$0x3F9E] =	sst s1;
	(tag) =	ssettag s2;
	_ =	strace s9  }
0x27: {  	s1 =	sld [smem:$0x3FAE]  }
0x28: {  	s2 =	sld [smem:$0x3FAF]  }
0x29: {  	s4 =	sld [smem:$0x3FB1]  }
0x2a: {  	p0 =	seq.s32 s5, $0x0;
	s5 =	sld [smem:$0x3FB2]  }
0x2b: {  	s6 =	sld [smem:$0x3FB3]  }
0x2c: {  	s7 =	sld [smem:$0x3FB4]  }
0x2d: {  	s3 =	simm.s32 $0x108;
	s8 =	sld [smem:$0x3FB5]  }
0x2e: {  	s3 =	simm.s32 @!p0 $0x1082;
	s9 =	sld [smem:$0x3FB6]  }
0x2f: {  	lr =	sadd.s32 s0, s3;
	s0 =	sld [smem:$0x3FAD]  }
0x30: {  	s3 =	sld [smem:$0x3FB0]  }
0x31: {  	[smem:$0x3FB9] =	sst s10  }
0x32: {  	s10 =	sld [smem:$0x3FB7];
	_ =	sdelay $0x3  }
0x33: {  	p0 =	seq.s32 s10, $0x1;
	s10 =	sld [smem:$0x3FB9];
	_ =	sdelay $0x3  }
0x34: {  	[smem:$0x3FB9] =	sst s10  }
0x35: {  	s10 =	sld [smem:$0x3FB8];
	_ =	sdelay $0x3  }
0x36: {  	p1 =	seq.s32 s10, $0x1;
	s10 =	sld [smem:$0x3FB9];
	_ =	sdelay $0x3  }
0x37: {  	[smem:$0x3FB9] =	sst s10  }
0x38: {  	s10 =	sld [smem:$0x3FBA]  }
0x39: {  	_ = 	snop;
	(pc) =	sbr.ind lr, $3  }
0x3a: {  	_ = 	snop  }
0x3b: {  	_ = 	snop  }
0x3c: {  	p2 =	seq.s32 s10, $0x1;
	s10 =	sld [smem:$0x3FB9]  }
0x3d: {  	_ =	shalt  }
0x3e: {  	_ =	shalt  }
0x3f: {  	_ =	shalt  }
0x40: {  	_ =	shalt  }
0x41: {  	_ =	shalt  }
0x42: {  	_ =	shalt  }
0x43: {  	_ =	shalt  }
0x44: {  	_ =	shalt  }
0x45: {  	_ =	shalt  }
0x46: {  	_ =	shalt  }
0x47: {  	_ =	shalt  }
0x48: {  	_ =	shalt  }
0x49: {  	_ =	shalt  }
0x4a: {  	_ =	shalt  }
0x4b: {  	_ =	shalt  }
0x4c: {  	_ =	shalt  }
0x4d: {  	_ =	shalt  }
0x4e: {  	_ =	shalt  }
0x4f: {  	_ =	shalt  }
0x50: {  	_ =	shalt  }
0x51: {  	_ =	shalt  }
0x52: {  	_ =	shalt  }
0x53: {  	_ =	shalt  }
0x54: {  	_ =	shalt  }
0x55: {  	_ =	shalt  }
0x56: {  	_ =	shalt  }
0x57: {  	_ =	shalt  }
0x58: {  	_ =	shalt  }
0x59: {  	_ =	shalt  }
0x5a: {  	_ =	shalt  }
0x5b: {  	_ =	shalt  }
0x5c: {  	_ =	shalt  }
0x5d: {  	_ =	shalt  }
0x5e: {  	_ =	shalt  }
0x5f: {  	_ =	shalt  }
0x60: {  	_ =	shalt  }
0x61: {  	_ =	shalt  }
0x62: {  	_ =	shalt  }
0x63: {  	_ =	shalt  }
0x64: {  	_ =	shalt  }
0x65: {  	_ =	shalt  }
0x66: {  	_ =	shalt  }
0x67: {  	_ =	shalt  }
0x68: {  	_ =	shalt  }
0x69: {  	_ =	shalt  }
0x6a: {  	_ =	shalt  }
0x6b: {  	_ =	shalt  }
0x6c: {  	_ =	shalt  }
0x6d: {  	_ =	shalt  }
0x6e: {  	_ =	shalt  }
0x6f: {  	_ =	shalt  }
0x70: {  	_ =	shalt  }
0x71: {  	_ =	shalt  }
0x72: {  	_ =	shalt  }
0x73: {  	_ =	shalt  }
0x74: {  	_ =	shalt  }
0x75: {  	_ =	shalt  }
0x76: {  	_ =	shalt  }
0x77: {  	_ =	shalt  }
0x78: {  	_ =	shalt  }
0x79: {  	_ =	shalt  }
0x7a: {  	_ =	shalt  }
0x7b: {  	_ =	shalt  }
0x7c: {  	_ =	shalt  }
0x7d: {  	_ =	shalt  }
0x7e: {  	_ =	shalt  }
0x7f: {  	_ =	shalt  }
0x80: {  	_ =	shalt  }
0x81: {  	_ =	shalt  }
0x82: {  	_ =	shalt  }
0x83: {  	_ =	shalt  }
0x84: {  	_ =	shalt  }
0x85: {  	_ =	shalt  }
0x86: {  	_ =	shalt  }
0x87: {  	_ =	shalt  }
.Lfunc_end0:
.L_simem_size_0:
called_computation_lowered:
.L_overlay_start_0:
0x88: {  	s2 =	sld [smem:$0x3FD9]  }
0x89: {  	s3 =	sld [smem:$0x3FFE];
	_ =	sdelay $0x1  }
0x8a: {  	s1 =	srdreg.scid  }
0x8b: {  	s0 =	sand.u32 $0x1, s1  }
0x8c: {  	s17 =	sshll.u32 s0, $0xA;
	s2 =	sadd.s32 s3, s2  }
0x8d: {  	s2 =	sadd.s32 s2, s17  }
0x8e: {  	[smem:$0x3FC5] =	sst s2  }
0x8f: {  	_ = 	snop  }
0x90: {  	s2 =	sld [smem:$0x3FC9]  }
0x91: {  	s18 =	sld [smem:$0x3FC8]  }
0x92: {  	s4 =	sld [smem:$0x3FC7];
	(tm) =	ssettm $0x1  }
0x93: {  	s5 =	sld [smem:$0x3FFB];
	_ =	sdelay $0x3  }
0x94: {  	_ =	strace s5  }
0x95: {  	s5 =	sld [smem:$0x3FFC];
	_ =	sdelay $0x3  }
0x96: {  	_ =	strace s5  }
0x97: {  	s5 =	sld [smem:$0x3FFD];
	_ =	sdelay $0x3  }
0x98: {  	_ =	strace s5  }
0x99: {  	_ =	strace $0x8FFFFFFF  }
0x9a: {  	s19 =	sld [smem:$0x3FDB];
	_ =	sdelay $0x1  }
0x9b: {  	s6 =	simm.s32 $_scs_section_size  }
0x9c: {  	s7 =	simm.s32 $_size__tile_overlayer_lowered;
	s8 =	simm.s32 $_tile_overlayer_lowered  }
0x9d: {  	s22 =	simm.s32 $0x1BFF;
	s21 =	sshll.u32 s8, $0x1;
	s5 =	sadd.s32 s6, s19  }
0x9e: {  	s9 =	simm.s32 $0x0;
	s20 =	sshll.u32 s7, $0x1;
	s7 =	sadd.s32 s21, s5  }
0x9f: {  	[timem:s9], [sflag:s22] =	dma.local [hbm:s7], s20  }
0xa0: {  	_ =	swait.ge [sflag:s22], s20  }
0xa1: {  	s6 =	ssub.s32 $0x0, s20;
	[sflag:s22] =	ssyncset.done $0x0  }
0xa2: {  	[sflag:s22] =	ssyncadd.s32 s6;
	_ =	sdelay $0x1  }
0xa3: {  	s23 =	simm.s32 $0x1B8B  }
0xa4: {  	_ =	swait.ge [sflag:s23], $0x1  }
0xa5: {  	[sflag:s23] =	ssyncset.done $0x0  }
0xa6: {  	s25 =	simm.s32 $0x1B8E;
	s24 =	sld [smem:$0x3FFE];
	[sflag:s23] =	ssyncadd.s32 $0xFFFFFFFF  }
0xa7: {  	s26 =	simm.s32 $execute0_lowered;
	[smem:$0x3FD2] =	sst s25  }
0xa8: {  	s7 =	sshll.u32 s26, $0x1;
	_ =	strace $0x80000046;
	[dreg:$0x1] =	wrdreg $0xFFFFFFFF  }
0xa9: {  	s28 =	simm.s32 $_size_execute0_lowered;
	s5 =	sadd.s32 s5, s7;
	[dreg:$0x0] =	wrdreg $0x0  }
0xaa: {  	s7 =	sshll.u32 s28, $0x1;
	[dreg:$0x2] =	wrdreg s5  }
0xab: {  	[dreg:$0x3] =	wrdreg s7  }
0xac: {  	[dreg:$0x4] =	wrdreg $0xC0  }
0xad: {  	_ =	task [dreg:s9], $0x5FFFF  }
0xae: {  	[dreg:$0x1] =	wrdreg $0xFFFFFFFF  }
0xaf: {  	[dreg:$0x0] =	wrdreg $0x60  }
0xb0: {  	[dreg:$0x2] =	wrdreg s2  }
0xb1: {  	[dreg:$0x3] =	wrdreg s18  }
0xb2: {  	[dreg:$0x4] =	wrdreg s4  }
0xb3: {  	[dreg:$0x5] =	wrdreg s24  }
0xb4: {  	[dreg:$0x6] =	wrdreg $0x9  }
0xb5: {  	_ =	task.clear_ibuf [dreg:s9], $0x7FFFF;
	_ =	strace $0x90000046  }
0xb6: {  	s29 =	simm.s32 $0x9;
	_ =	strace $0x80000048  }
0xb7: {  	_ =	swait.ge [sflag:s29], $0x1  }
0xb8: {  	[sflag:s29] =	ssyncadd.s32 $0xFFFFFFFF  }
0xb9: {  	_ =	strace $0x90000048  }
0xba: {  	_ =	sfence  }
0xbb: {  	s30 =	sld [smem:$0x0];
	_ =	sdelay $0x2  }
0xbc: {  	s31 =	sshll.u32 s1, $0xD;
	s1 =	sshrl.u32 s1, $0x2  }
0xbd: {  	s3 =	sand.u32 $0x4000, s31;
	s1 =	sadd.s32 s1, s30  }
0xbe: {  	s0 =	sor.u32 s3, s0;
	s1 =	sshll.u32 s1, $0x11  }
0xbf: {  	s0 =	sor.u32 s1, s0  }
0xc0: {  	s0 =	sadd.s32 $0x8F2B, s0  }
0xc1: {  	[sflag:s0] =	ssyncadd.remote.s32 $0x1  }
0xc2: {  	_ =	sfence.sel $0xFFFF  }
0xc3: {  	[dreg:$0x0] =	wrdreg $0xFFFFFFFF;
	(pc) =	sbr.abs _section_cstart, $3  }
0xc4: {  	[dreg:$0x1] =	wrdreg $0xFFFFFFFF  }
0xc5: {  	_ =	task.clear_ibuf [dreg:s9], $0x2FFFF;
	_ =	strace $0x9FFFFFFF  }
0xc6: {  	(tm) =	ssettm $0x7FFFFFFF  }
0xc7: {  	_ =	shalt  }
tec
execute0_lowered:
.L_overlay_start_1:
0x0: {  	(tag) =	ssettag $0x1  }
0x1: {  	s0 =	rddreg [dreg:$0x0]  }
0x2: {  	s2 =	srdreg.scid;
	s3 =	rddreg [dreg:$0x2]  }
0x3: {  	s1 =	stileid.u32;
	s6 =	rddreg [dreg:$0x3]  }
0x4: {  	s10 =	simm.s32 $0x8;
	s11 =	simm.s32 $0x80;
	s24 =	simm.s32 $0x7  }
0x5: {  	s26 =	simm.s32 $0x50;
	s20 =	simm.s32 $0xCA80;
	s21 =	simm.s32 $0xCE80  }
0x6: {  	s22 =	simm.s32 $0x1;
	s23 =	simm.s32 $0x2;
	s25 =	simm.s32 $0x3  }
0x7: {  	s28 =	simm.s32 $0x4;
	s2 =	sand.u32 $0x1, s2;
	s4 =	sshll.u32 s1, $0x1  }
0x8: {  	s29 =	simm.s32 $0x5;
	s7 =	sor.u32 s2, s4;
	s2 =	ssub.s32 $0x2, s2  }
0x9: {  	s4 =	simm.s32 $0x0;
	s5 =	smul.u32 $0x140, s7;
	s8 =	sshrl.u32 s2, $0x1  }
0xa: {  	s6 =	sadd.s32 $0x400, s6;
	[smem:$0x7FF] =	sst s4;
	s2 =	ssub.s32 s2, s8  }
0xb: {  	_ =	strace $0x80000047;
	s9 =	sshrl.u32 s5, $0x3;
	s31 =	smax.u32 s2, $0x1  }
0xc: {  	s8 =	smul.u32 $0xA000, s7;
	s0 =	sadd.s32 s0, s9;
	[dreg:$0x6] =	wrdreg s31  }
0xd: {  	v0 =	vlaneseq.u32;
	v1 =	vimm.s32 $0x0;
	s2 =	simm.s32 $0x0;
	s9 =	simm.s32 $0x180;
	[dreg:$0x5] =	wrdreg s0  }
.LBB2_1:
0xe: {  	v4 =	vor.u32 s4, v0  }
0xf: {  	v2 =	vmulhi.u32 $0xCCCCCCCD, v4;
	_ =	sdelay $0x1  }
0x10: {  	v2 =	vshrl.u32 v2, $0x3  }
0x11: {  	v3 =	vmul.u32 $0xFFFFFFF6, v2  }
0x12: {  	v5 =	vmov s4;
	v6 =	vsub.s32 $0x0, v4  }
0x13: {  	s0 =	simm.s32 $0x10;
	vm0 =	veq.s32 v5, v0;
	vm1 =	vne.s32 v3, v6  }
0x14: {  	v3 =	vor.u32 s0, v0;
	vm0 =	vmand vm0, vm1  }
0x15: {  	[dreg:$0x7] =	wrdreg s2;
	v6 =	vmulhi.u32 $0xCCCCCCCD, v3;
	v5 =	vsel vm0, $0xFFFFFFFF, v1  }
0x16: {  	s1 =	rddreg [dreg:$0x5];
	v5 =	vadd.s32 v5, v2  }
0x17: {  	[tilespmem:s4], [sflag:$0x8] =	stream.linear.gather [hbm4b:s1+s4], $0x140, $0x38;
	v6 =	vshrl.u32 v6, $0x3;
	[tilespmem:$0x19680] =	vst v63  }
0x18: {  	_ =	swait.ge [sflag:s10], $0x140;
	v2 =	vmul.u32 $0xFFFFFFF6, v6  }
0x19: {  	v7 =	vmov s0;
	[sflag:s10] =	ssyncset.done $0x0;
	v8 =	vsub.s32 $0x0, v3  }
0x1a: {  	s31 =	simm.s32 $0x20;
	vm12 =	veq.s32 v7, v0;
	[sflag:s10] =	ssyncadd.s32 $0xFFFFFEC0;
	vm13 =	vne.s32 v2, v8  }
0x1b: {  	v2 =	vor.u32 s31, v0;
	vm0 =	vmand vm12, vm13;
	v7 =	vld.idx.msk [tilespmem:v5+s4+$0x0], $0xffff;
	v5 =	vmul.u32 $0xFFFFFFF6, v5  }
0x1c: {  	v8 =	vmulhi.u32 $0xCCCCCCCD, v2;
	v9 =	vsel vm0, $0xFFFFFFFF, v1  }
0x1d: {  	v9 =	vadd.s32 v9, v6;
	v5 =	vadd.s32 v4, v5  }
0x1e: {  	v4 =	vshrl.u32 v8, $0x3;
	v5 =	vmul.u32 $0x186A0, v5  }
0x1f: {  	v6 =	vmul.u32 $0xFFFFFFF6, v4  }
0x20: {  	v10 =	vsub.s32 $0x0, v2;
	v8 =	vmov s31;
	v5 =	vadd.s32 v5, v7  }
0x21: {  	vm14 =	veq.s32 v8, v0;
	vm15 =	vne.s32 v6, v10;
	[tilespmem:s9+$0x0] =	vst v5  }
0x22: {  	s0 =	simm.s32 $0x30;
	v7 =	vmul.u32 $0xFFFFFFF6, v9;
	vm0 =	vmand vm14, vm15;
	v6 =	vld.idx.msk [tilespmem:v9+s4+$0x0], $0xffff  }
0x23: {  	s7 =	simm.s32 $0x40;
	s2 =	simm.s32 $0x180;
	v5 =	vor.u32 s0, v0;
	v8 =	vsel vm0, $0xFFFFFFFF, v1  }
.LBB2_2:
0x24: {  	p0 =	sne.s32 s7, $0xC70;
	v9 =	vmulhi.u32 $0xCCCCCCCD, v5;
	v8 =	vadd.s32 v8, v4;
	v4 =	vadd.s32 v3, v7;
	v3 =	vmovc v2;
	v2 =	vmovc v5  }
0x25: {  	v5 =	vmul.u32 $0x186A0, v4  }
0x26: {  	v4 =	vshrl.u32 v9, $0x3  }
.Ltmp0:
0x27: {  	s2 =	sadd.s32 $0x10, s2;
	v7 =	vmul.u32 $0xFFFFFFF6, v4;
	v5 =	vadd.s32 v5, v6;
	(pc) =	sbr.rel @p0 .LBB2_2-.Ltmp0, $4  }
0x28: {  	v9 =	vsub.s32 $0x0, v2;
	v6 =	vmov s0;
	s0 =	smov.u32 s7;
	[tilespmem:s2+$0x0] =	vst v5  }
0x29: {  	vm0 =	veq.s32 v6, v0;
	vm1 =	vne.s32 v7, v9;
	v6 =	vld.idx.msk [tilespmem:v8+s4+$0x0], $0xffff  }
0x2a: {  	v7 =	vmul.u32 $0xFFFFFFF6, v8;
	vm0 =	vmand vm0, vm1  }
0x2b: {  	s7 =	sadd.s32 $0x10, s7;
	v5 =	vor.u32 s0, v0;
	v8 =	vsel vm0, $0xFFFFFFFF, v1  }
0x2c: {  	v9 =	vmulhi.u32 $0xCCCCCCCD, v5  }
0x2d: {  	v4 =	vadd.s32 v8, v4;
	v3 =	vadd.s32 v3, v7  }
0x2e: {  	v3 =	vmul.u32 $0x186A0, v3;
	v59 =	vshrl.u32 v9, $0x3  }
0x2f: {  	v60 =	vmul.u32 $0xFFFFFFF6, v59  }
0x30: {  	s2 =	sadd.s32 $0x10, s2;
	v61 =	vmov s0;
	v62 =	vsub.s32 $0x0, v5;
	v3 =	vadd.s32 v3, v6  }
0x31: {  	vm0 =	veq.s32 v61, v0;
	[tilespmem:s2+$0x0] =	vst v3;
	vm1 =	vne.s32 v60, v62  }
0x32: {  	v3 =	vld.idx.msk [tilespmem:v4+s4+$0x0], $0xffff;
	v4 =	vmul.u32 $0xFFFFFFF6, v4;
	vm0 =	vmand vm0, vm1  }
0x33: {  	v63 =	vsel vm0, $0xFFFFFFFF, v1  }
0x34: {  	v2 =	vadd.s32 v2, v4;
	v6 =	vadd.s32 v63, v59  }
0x35: {  	v2 =	vmul.u32 $0x186A0, v2;
	_ =	sdelay $0x1  }
0x36: {  	s30 =	sadd.s32 $0x10, s2;
	v2 =	vadd.s32 v2, v3  }
0x37: {  	[tilespmem:s30+$0x0] =	vst v2  }
0x38: {  	v3 =	vmul.u32 $0xFFFFFFF6, v6;
	v2 =	vld.idx.msk [tilespmem:v6+s4+$0x0], $0xffff;
	_ =	sdelay $0x1  }
0x39: {  	v3 =	vadd.s32 v5, v3  }
0x3a: {  	v3 =	vmul.u32 $0x186A0, v3;
	_ =	sdelay $0x1  }
0x3b: {  	s0 =	sadd.s32 $0x10, s30;
	v2 =	vadd.s32 v3, v2  }
0x3c: {  	s1 =	simm.s32 $0xE00;
	[tilespmem:s0+$0x0] =	vst v2;
	s0 =	rddreg [dreg:$0x1]  }
0x3d: {  	[tilespmem:s1], [sflag:$0x7] =	stream.indirect.gather [hbm4b:s0+s11], $0x1, s9, s11, $0xb8;
	[tilespmem:$0x19680] =	vst v63  }
0x3e: {  	s31 =	simm.s32 $0x200;
	s7 =	simm.s32 $0xE80  }
0x3f: {  	[tilespmem:s7], [sflag:$0x7] =	stream.indirect.gather [hbm4b:s0+s11], $0x1, s31, s11, $0xb8;
	[tilespmem:$0x19680] =	vst v63  }
0x40: {  	s9 =	simm.s32 $0xF00;
	s7 =	simm.s32 $0x280  }
0x41: {  	[tilespmem:s9], [sflag:$0x7] =	stream.indirect.gather [hbm4b:s0+s11], $0x1, s7, s11, $0xb8;
	[tilespmem:$0x19680] =	vst v63  }
0x42: {  	s12 =	simm.s32 $0x300;
	s13 =	simm.s32 $0xF80  }
0x43: {  	[tilespmem:s13], [sflag:$0x7] =	stream.indirect.gather [hbm4b:s0+s11], $0x1, s12, s11, $0xb8;
	[tilespmem:$0x19680] =	vst v63  }
0x44: {  	s14 =	simm.s32 $0x380;
	s15 =	simm.s32 $0x1000  }
0x45: {  	[tilespmem:s15], [sflag:$0x7] =	stream.indirect.gather [hbm4b:s0+s11], $0x1, s14, s11, $0xb8;
	[tilespmem:$0x19680] =	vst v63  }
0x46: {  	s16 =	simm.s32 $0x400;
	s17 =	simm.s32 $0x1080  }
0x47: {  	[tilespmem:s17], [sflag:$0x7] =	stream.indirect.gather [hbm4b:s0+s11], $0x1, s16, s11, $0xb8;
	[tilespmem:$0x19680] =	vst v63  }
0x48: {  	s18 =	simm.s32 $0x480;
	s19 =	simm.s32 $0x1100  }
0x49: {  	[tilespmem:s19], [sflag:$0x7] =	stream.indirect.gather [hbm4b:s0+s11], $0x1, s18, s11, $0xb8;
	[tilespmem:$0x19680] =	vst v63  }
0x4a: {  	s30 =	simm.s32 $0x500;
	s31 =	simm.s32 $0x1180  }
0x4b: {  	[tilespmem:s31], [sflag:$0x7] =	stream.indirect.gather [hbm4b:s0+s11], $0x1, s30, s11, $0xb8;
	[tilespmem:$0x19680] =	vst v63  }
0x4c: {  	s7 =	simm.s32 $0x580;
	s9 =	simm.s32 $0x1200  }
0x4d: {  	[tilespmem:s9], [sflag:$0x7] =	stream.indirect.gather [hbm4b:s0+s11], $0x1, s7, s11, $0xb8;
	[tilespmem:$0x19680] =	vst v63  }
0x4e: {  	s12 =	simm.s32 $0x600;
	s13 =	simm.s32 $0x1280  }
0x4f: {  	[tilespmem:s13], [sflag:$0x7] =	stream.indirect.gather [hbm4b:s0+s11], $0x1, s12, s11, $0xb8;
	[tilespmem:$0x19680] =	vst v63  }
0x50: {  	s14 =	simm.s32 $0x680;
	s15 =	simm.s32 $0x1300  }
0x51: {  	[tilespmem:s15], [sflag:$0x7] =	stream.indirect.gather [hbm4b:s0+s11], $0x1, s14, s11, $0xb8;
	[tilespmem:$0x19680] =	vst v63  }
0x52: {  	s16 =	simm.s32 $0x700;
	s17 =	simm.s32 $0x1380  }
0x53: {  	[tilespmem:s17], [sflag:$0x7] =	stream.indirect.gather [hbm4b:s0+s11], $0x1, s16, s11, $0xb8;
	[tilespmem:$0x19680] =	vst v63  }
0x54: {  	s18 =	simm.s32 $0x780;
	s19 =	simm.s32 $0x1400  }
0x55: {  	[tilespmem:s19], [sflag:$0x7] =	stream.indirect.gather [hbm4b:s0+s11], $0x1, s18, s11, $0xb8;
	[tilespmem:$0x19680] =	vst v63  }
0x56: {  	s30 =	simm.s32 $0x800;
	s31 =	simm.s32 $0x1480  }
0x57: {  	[tilespmem:s31], [sflag:$0x7] =	stream.indirect.gather [hbm4b:s0+s11], $0x1, s30, s11, $0xb8;
	[tilespmem:$0x19680] =	vst v63  }
0x58: {  	s7 =	simm.s32 $0x880;
	s9 =	simm.s32 $0x1500  }
0x59: {  	[tilespmem:s9], [sflag:$0x7] =	stream.indirect.gather [hbm4b:s0+s11], $0x1, s7, s11, $0xb8;
	[tilespmem:$0x19680] =	vst v63  }
0x5a: {  	s12 =	simm.s32 $0x900;
	s13 =	simm.s32 $0x1580  }
0x5b: {  	[tilespmem:s13], [sflag:$0x7] =	stream.indirect.gather [hbm4b:s0+s11], $0x1, s12, s11, $0xb8;
	[tilespmem:$0x19680] =	vst v63  }
0x5c: {  	s14 =	simm.s32 $0x980;
	s15 =	simm.s32 $0x1600  }
0x5d: {  	[tilespmem:s15], [sflag:$0x7] =	stream.indirect.gather [hbm4b:s0+s11], $0x1, s14, s11, $0xb8;
	[tilespmem:$0x19680] =	vst v63  }
0x5e: {  	s16 =	simm.s32 $0xA00;
	s17 =	simm.s32 $0x1680  }
0x5f: {  	[tilespmem:s17], [sflag:$0x7] =	stream.indirect.gather [hbm4b:s0+s11], $0x1, s16, s11, $0xb8;
	[tilespmem:$0x19680] =	vst v63  }
0x60: {  	s18 =	simm.s32 $0xA80;
	s19 =	simm.s32 $0x1700  }
0x61: {  	[tilespmem:s19], [sflag:$0x7] =	stream.indirect.gather [hbm4b:s0+s11], $0x1, s18, s11, $0xb8;
	[tilespmem:$0x19680] =	vst v63  }
0x62: {  	s30 =	simm.s32 $0xB00;
	s31 =	simm.s32 $0x1780  }
0x63: {  	[tilespmem:s31], [sflag:$0x7] =	stream.indirect.gather [hbm4b:s0+s11], $0x1, s30, s11, $0xb8;
	[tilespmem:$0x19680] =	vst v63  }
0x64: {  	s9 =	simm.s32 $0xB80;
	s12 =	simm.s32 $0x1800  }
0x65: {  	[tilespmem:s12], [sflag:$0x7] =	stream.indirect.gather [hbm4b:s0+s11], $0x1, s9, s11, $0xb8;
	[tilespmem:$0x19680] =	vst v63  }
0x66: {  	s13 =	simm.s32 $0xC00;
	s14 =	simm.s32 $0x1880  }
0x67: {  	[tilespmem:s14], [sflag:$0x7] =	stream.indirect.gather [hbm4b:s0+s11], $0x1, s13, s11, $0xb8;
	[tilespmem:$0x19680] =	vst v63  }
0x68: {  	s15 =	simm.s32 $0xC80;
	s16 =	simm.s32 $0x1900  }
0x69: {  	[tilespmem:s16], [sflag:$0x7] =	stream.indirect.gather [hbm4b:s0+s11], $0x1, s15, s11, $0xb8;
	[tilespmem:$0x19680] =	vst v63  }
0x6a: {  	s17 =	simm.s32 $0xD00;
	s18 =	simm.s32 $0x1980  }
0x6b: {  	[tilespmem:s18], [sflag:$0x7] =	stream.indirect.gather [hbm4b:s0+s11], $0x1, s17, s11, $0xb8;
	[tilespmem:$0x19680] =	vst v63  }
0x6c: {  	s19 =	simm.s32 $0xD80;
	s30 =	simm.s32 $0x1A00  }
0x6d: {  	[tilespmem:s30], [sflag:$0x7] =	stream.indirect.gather [hbm4b:s0+s11], $0x1, s19, s11, $0xb8;
	[tilespmem:$0x19680] =	vst v63  }
0x6e: {  	_ =	swait.ge [sflag:s24], $0x80  }
0x6f: {  	[sflag:s24] =	ssyncset.done $0x0  }
0x70: {  	[sflag:s24] =	ssyncadd.s32 $0xFFFFFF80  }
0x71: {  	_ =	swait.ge [sflag:s24], $0x80  }
0x72: {  	[sflag:s24] =	ssyncset.done $0x0  }
0x73: {  	[sflag:s24] =	ssyncadd.s32 $0xFFFFFF80  }
0x74: {  	_ =	swait.ge [sflag:s24], $0x80  }
0x75: {  	[sflag:s24] =	ssyncset.done $0x0  }
0x76: {  	[sflag:s24] =	ssyncadd.s32 $0xFFFFFF80  }
0x77: {  	_ =	swait.ge [sflag:s24], $0x80  }
0x78: {  	[sflag:s24] =	ssyncset.done $0x0  }
0x79: {  	[sflag:s24] =	ssyncadd.s32 $0xFFFFFF80  }
0x7a: {  	_ =	swait.ge [sflag:s24], $0x80  }
0x7b: {  	[sflag:s24] =	ssyncset.done $0x0  }
0x7c: {  	[sflag:s24] =	ssyncadd.s32 $0xFFFFFF80  }
0x7d: {  	_ =	swait.ge [sflag:s24], $0x80  }
0x7e: {  	[sflag:s24] =	ssyncset.done $0x0  }
0x7f: {  	[sflag:s24] =	ssyncadd.s32 $0xFFFFFF80  }
0x80: {  	_ =	swait.ge [sflag:s24], $0x80  }
0x81: {  	[sflag:s24] =	ssyncset.done $0x0  }
0x82: {  	[sflag:s24] =	ssyncadd.s32 $0xFFFFFF80  }
0x83: {  	_ =	swait.ge [sflag:s24], $0x80  }
0x84: {  	[sflag:s24] =	ssyncset.done $0x0  }
0x85: {  	[sflag:s24] =	ssyncadd.s32 $0xFFFFFF80  }
0x86: {  	_ =	swait.ge [sflag:s24], $0x80  }
0x87: {  	[sflag:s24] =	ssyncset.done $0x0  }
0x88: {  	[sflag:s24] =	ssyncadd.s32 $0xFFFFFF80  }
0x89: {  	_ =	swait.ge [sflag:s24], $0x80  }
0x8a: {  	[sflag:s24] =	ssyncset.done $0x0  }
0x8b: {  	[sflag:s24] =	ssyncadd.s32 $0xFFFFFF80  }
0x8c: {  	_ =	swait.ge [sflag:s24], $0x80  }
0x8d: {  	[sflag:s24] =	ssyncset.done $0x0  }
0x8e: {  	[sflag:s24] =	ssyncadd.s32 $0xFFFFFF80  }
0x8f: {  	_ =	swait.ge [sflag:s24], $0x80  }
0x90: {  	[sflag:s24] =	ssyncset.done $0x0  }
0x91: {  	[sflag:s24] =	ssyncadd.s32 $0xFFFFFF80  }
0x92: {  	_ =	swait.ge [sflag:s24], $0x80  }
0x93: {  	[sflag:s24] =	ssyncset.done $0x0  }
0x94: {  	[sflag:s24] =	ssyncadd.s32 $0xFFFFFF80  }
0x95: {  	_ =	swait.ge [sflag:s24], $0x80  }
0x96: {  	[sflag:s24] =	ssyncset.done $0x0  }
0x97: {  	[sflag:s24] =	ssyncadd.s32 $0xFFFFFF80  }
0x98: {  	_ =	swait.ge [sflag:s24], $0x80  }
0x99: {  	[sflag:s24] =	ssyncset.done $0x0  }
0x9a: {  	[sflag:s24] =	ssyncadd.s32 $0xFFFFFF80  }
0x9b: {  	_ =	swait.ge [sflag:s24], $0x80  }
0x9c: {  	[sflag:s24] =	ssyncset.done $0x0  }
0x9d: {  	[sflag:s24] =	ssyncadd.s32 $0xFFFFFF80  }
0x9e: {  	_ =	swait.ge [sflag:s24], $0x80  }
0x9f: {  	[sflag:s24] =	ssyncset.done $0x0  }
0xa0: {  	[sflag:s24] =	ssyncadd.s32 $0xFFFFFF80  }
0xa1: {  	_ =	swait.ge [sflag:s24], $0x80  }
0xa2: {  	[sflag:s24] =	ssyncset.done $0x0  }
0xa3: {  	[sflag:s24] =	ssyncadd.s32 $0xFFFFFF80  }
0xa4: {  	_ =	swait.ge [sflag:s24], $0x80  }
0xa5: {  	[sflag:s24] =	ssyncset.done $0x0  }
0xa6: {  	[sflag:s24] =	ssyncadd.s32 $0xFFFFFF80  }
0xa7: {  	_ =	swait.ge [sflag:s24], $0x80  }
0xa8: {  	[sflag:s24] =	ssyncset.done $0x0  }
0xa9: {  	[sflag:s24] =	ssyncadd.s32 $0xFFFFFF80  }
0xaa: {  	_ =	swait.ge [sflag:s24], $0x80  }
0xab: {  	[sflag:s24] =	ssyncset.done $0x0  }
0xac: {  	[sflag:s24] =	ssyncadd.s32 $0xFFFFFF80  }
0xad: {  	_ =	swait.ge [sflag:s24], $0x80  }
0xae: {  	[sflag:s24] =	ssyncset.done $0x0  }
0xaf: {  	[sflag:s24] =	ssyncadd.s32 $0xFFFFFF80  }
0xb0: {  	_ =	swait.ge [sflag:s24], $0x80  }
0xb1: {  	[sflag:s24] =	ssyncset.done $0x0  }
0xb2: {  	[sflag:s24] =	ssyncadd.s32 $0xFFFFFF80  }
0xb3: {  	_ =	swait.ge [sflag:s24], $0x80  }
0xb4: {  	[sflag:s24] =	ssyncset.done $0x0  }
0xb5: {  	[sflag:s24] =	ssyncadd.s32 $0xFFFFFF80  }
0xb6: {  	_ =	swait.ge [sflag:s24], $0x80  }
0xb7: {  	[sflag:s24] =	ssyncset.done $0x0  }
0xb8: {  	s2 =	simm.s32 $0x0;
	s31 =	simm.s32 $0x1A80;
	[sflag:s24] =	ssyncadd.s32 $0xFFFFFF80  }
0xb9: {  	[tilespmem:s31], [sflag:$0x1] =	stream.indirect.gather [hbm4b:s3+s10], $0x80, s2, s10, $0xb8;
	[tilespmem:$0x19680] =	vst v63  }
0xba: {  	s7 =	simm.s32 $0x1E80  }
0xbb: {  	[tilespmem:s7], [sflag:$0x1] =	stream.indirect.gather [hbm4b:s3+s26], $0x80, s1, s26, $0xb8;
	[tilespmem:$0x19680] =	vst v63  }
0xbc: {  	s9 =	simm.s32 $0x4680  }
0xbd: {  	[tilespmem:s9], [sflag:$0x2] =	stream.indirect.gather [hbm4b:s3+s10], $0x80, s10, s10, $0xb8;
	[tilespmem:$0x19680] =	vst v63  }
0xbe: {  	s12 =	simm.s32 $0xE50;
	s13 =	simm.s32 $0x4A80;
	s14 =	simm.s32 $0x10  }
0xbf: {  	[tilespmem:s13], [sflag:$0x2] =	stream.indirect.gather [hbm4b:s3+s26], $0x80, s12, s26, $0xb8;
	[tilespmem:$0x19680] =	vst v63  }
0xc0: {  	s15 =	simm.s32 $0x7280;
	s16 =	simm.s32 $0xEA0;
	s17 =	simm.s32 $0x7680  }
0xc1: {  	[tilespmem:s15], [sflag:$0x3] =	stream.indirect.gather [hbm4b:s3+s10], $0x80, s14, s10, $0xb8;
	[tilespmem:$0x19680] =	vst v63  }
0xc2: {  	s18 =	simm.s32 $0x18;
	s19 =	simm.s32 $0x9E80;
	s30 =	simm.s32 $0xEF0  }
0xc3: {  	[tilespmem:s17], [sflag:$0x3] =	stream.indirect.gather [hbm4b:s3+s26], $0x80, s16, s26, $0xb8;
	[tilespmem:$0x19680] =	vst v63  }
0xc4: {  	s0 =	simm.s32 $0xF680;
	s31 =	simm.s32 $0xA280;
	s14 =	simm.s32 $0xFAB0  }
0xc5: {  	[tilespmem:s19], [sflag:$0x4] =	stream.indirect.gather [hbm4b:s3+s10], $0x80, s18, s10, $0xb8;
	[tilespmem:$0x19680] =	vst v63  }
0xc6: {  	s15 =	simm.s32 $0xFEB0;
	s16 =	simm.s32 $0x102B0;
	s17 =	simm.s32 $0x10680  }
0xc7: {  	[tilespmem:s31], [sflag:$0x4] =	stream.indirect.gather [hbm4b:s3+s26], $0x80, s30, s26, $0xb8;
	[tilespmem:$0x19680] =	vst v63  }
.LBB2_4:
0xc8: {  	s12 =	smul.u32 $0x5, s2;
	_ =	sdelay $0x1  }
0xc9: {  	s18 =	sadd.s32 $0x4, s12  }
0xca: {  	s19 =	sshll.u32 s18, $0x3;
	s7 =	smul.u32 $0x140, s18  }
0xcb: {  	[tilespmem:s20], [sflag:$0x5] =	stream.indirect.gather [hbm4b:s3+s10], $0x80, s19, s10, $0xb8;
	[tilespmem:$0x19680] =	vst v63  }
0xcc: {  	s7 =	sshra.s32 s7, $0x2  }
0xcd: {  	s7 =	sadd.s32 $0xE00, s7  }
0xce: {  	[tilespmem:s21], [sflag:$0x5] =	stream.indirect.gather [hbm4b:s3+s26], $0x80, s7, s26, $0xb8;
	[tilespmem:$0x19680] =	vst v63  }
0xcf: {  	_ =	swait.ge [sflag:s22], $0x2C00  }
0xd0: {  	[sflag:s22] =	ssyncset.done $0x0  }
0xd1: {  	s7 =	simm.s32 $0x1F00;
	[sflag:s22] =	ssyncadd.s32 $0xFFFFD400  }
0xd2: {  	v2 =	vld [tilespmem:s7+$0xFFFFFF90]  }
0xd3: {  	s13 =	simm.s32 $0x0;
	v3 =	vld [tilespmem:s7+$0xFFFFFF80]  }
0xd4: {  	v4 =	vld [tilespmem:s13+$0x1A80]  }
0xd5: {  	v5 =	vld [tilespmem:s13+$0x1A90]  }
0xd6: {  	v6 =	vld [tilespmem:s7+$0x0]  }
0xd7: {  	v7 =	vld [tilespmem:s7+$0x10]  }
0xd8: {  	v8 =	vld [tilespmem:s7+$0x80]  }
0xd9: {  	v9 =	vld [tilespmem:s7+$0x90]  }
0xda: {  	v3 =	vadd.f32 v3, v4;
	v4 =	vld [tilespmem:s7+$0x100];
	v2 =	vadd.f32 v2, v5  }
0xdb: {  	v5 =	vld [tilespmem:s7+$0x110]  }
0xdc: {  	v3 =	vadd.f32 v6, v3;
	v6 =	vld [tilespmem:s7+$0x180];
	v2 =	vadd.f32 v7, v2  }
0xdd: {  	v7 =	vld [tilespmem:s7+$0x190]  }
0xde: {  	v3 =	vadd.f32 v8, v3;
	v8 =	vld [tilespmem:s7+$0x200];
	v2 =	vadd.f32 v9, v2  }
0xdf: {  	v9 =	vld [tilespmem:s7+$0x210]  }
0xe0: {  	v3 =	vadd.f32 v4, v3;
	v4 =	vld [tilespmem:s7+$0x280];
	v2 =	vadd.f32 v5, v2  }
0xe1: {  	v5 =	vld [tilespmem:s7+$0x290]  }
0xe2: {  	v3 =	vadd.f32 v6, v3;
	v6 =	vld [tilespmem:s7+$0x300];
	v2 =	vadd.f32 v7, v2  }
0xe3: {  	v7 =	vld [tilespmem:s7+$0x310]  }
0xe4: {  	v3 =	vadd.f32 v8, v3;
	v8 =	vld [tilespmem:s7+$0x380];
	v2 =	vadd.f32 v9, v2  }
0xe5: {  	v9 =	vld [tilespmem:s7+$0x390]  }
0xe6: {  	v3 =	vadd.f32 v4, v3;
	v4 =	vld [tilespmem:s7+$0x400];
	v2 =	vadd.f32 v5, v2  }
0xe7: {  	v5 =	vld [tilespmem:s7+$0x410]  }
0xe8: {  	v3 =	vadd.f32 v6, v3;
	v2 =	vadd.f32 v7, v2;
	_ =	sdelay $0x1  }
0xe9: {  	v3 =	vadd.f32 v8, v3;
	v6 =	vadd.f32 v9, v2;
	_ =	sdelay $0x1  }
0xea: {  	v2 =	vmov s0;
	v3 =	vadd.f32 v4, v3;
	v4 =	vadd.f32 v5, v6;
	_ =	sdelay $0x1  }
0xeb: {  	v3 =	vmul.f32 $9.090909360e-02, v3;
	v4 =	vmul.f32 $9.090909360e-02, v4;
	_ =	sdelay $0x1  }
0xec: {  	v3 =	vpack.i.f32.bf16 v4, v3  }
0xed: {  	[tilespmem:v2+s13+$0x0 ss:$0x1] =	vst.idx.msk $0xffff, v3  }
0xee: {  	v3 =	vld [tilespmem:s7+$0xFFFFFFB0]  }
0xef: {  	v4 =	vld [tilespmem:s13+$0x1AA0]  }
0xf0: {  	v5 =	vld [tilespmem:s13+$0x1AB0]  }
0xf1: {  	v6 =	vld [tilespmem:s7+$0xFFFFFFA0]  }
0xf2: {  	v7 =	vld [tilespmem:s7+$0x30]  }
0xf3: {  	v8 =	vld [tilespmem:s7+$0x20]  }
0xf4: {  	v9 =	vld [tilespmem:s7+$0xB0]  }
0xf5: {  	v10 =	vld [tilespmem:s7+$0xA0]  }
0xf6: {  	v3 =	vadd.f32 v3, v5;
	v4 =	vadd.f32 v6, v4;
	v5 =	vld [tilespmem:s7+$0x130]  }
0xf7: {  	v6 =	vld [tilespmem:s7+$0x120]  }
0xf8: {  	v3 =	vadd.f32 v7, v3;
	v4 =	vadd.f32 v8, v4;
	v7 =	vld [tilespmem:s7+$0x1B0]  }
0xf9: {  	v8 =	vld [tilespmem:s7+$0x1A0]  }
0xfa: {  	v3 =	vadd.f32 v9, v3;
	v4 =	vadd.f32 v10, v4;
	v9 =	vld [tilespmem:s7+$0x230]  }
0xfb: {  	v10 =	vld [tilespmem:s7+$0x220]  }
0xfc: {  	v3 =	vadd.f32 v5, v3;
	v4 =	vadd.f32 v6, v4;
	v5 =	vld [tilespmem:s7+$0x2B0]  }
0xfd: {  	v6 =	vld [tilespmem:s7+$0x2A0]  }
0xfe: {  	v3 =	vadd.f32 v7, v3;
	v4 =	vadd.f32 v8, v4;
	v7 =	vld [tilespmem:s7+$0x330]  }
0xff: {  	v8 =	vld [tilespmem:s7+$0x320]  }
0x100: {  	v3 =	vadd.f32 v9, v3;
	v4 =	vadd.f32 v10, v4;
	v9 =	vld [tilespmem:s7+$0x3B0]  }
0x101: {  	v10 =	vld [tilespmem:s7+$0x3A0]  }
0x102: {  	v3 =	vadd.f32 v5, v3;
	v4 =	vadd.f32 v6, v4;
	v5 =	vld [tilespmem:s7+$0x430]  }
0x103: {  	v6 =	vld [tilespmem:s7+$0x420]  }
0x104: {  	v3 =	vadd.f32 v7, v3;
	v4 =	vadd.f32 v8, v4;
	_ =	sdelay $0x1  }
0x105: {  	v3 =	vadd.f32 v9, v3;
	v4 =	vadd.f32 v10, v4;
	_ =	sdelay $0x1  }
0x106: {  	v4 =	vadd.f32 v6, v4;
	v3 =	vadd.f32 v5, v3;
	_ =	sdelay $0x1  }
0x107: {  	v4 =	vmul.f32 $9.090909360e-02, v4;
	v3 =	vmul.f32 $9.090909360e-02, v3;
	_ =	sdelay $0x1  }
0x108: {  	v3 =	vpack.i.f32.bf16 v3, v4  }
0x109: {  	[tilespmem:v2+s13+$0x10 ss:$0x1] =	vst.idx.msk $0xffff, v3  }
0x10a: {  	v3 =	vld [tilespmem:s7+$0xFFFFFFD0]  }
0x10b: {  	v4 =	vld [tilespmem:s7+$0xFFFFFFC0]  }
0x10c: {  	v5 =	vld [tilespmem:s13+$0x1AC0]  }
0x10d: {  	v6 =	vld [tilespmem:s13+$0x1AD0]  }
0x10e: {  	v7 =	vld [tilespmem:s7+$0x40]  }
0x10f: {  	v8 =	vld [tilespmem:s7+$0x50]  }
0x110: {  	v9 =	vld [tilespmem:s7+$0xC0]  }
0x111: {  	v10 =	vld [tilespmem:s7+$0xD0]  }
0x112: {  	v4 =	vadd.f32 v4, v5;
	v5 =	vld [tilespmem:s7+$0x140];
	v3 =	vadd.f32 v3, v6  }
0x113: {  	v6 =	vld [tilespmem:s7+$0x150]  }
0x114: {  	v4 =	vadd.f32 v7, v4;
	v7 =	vld [tilespmem:s7+$0x1C0];
	v3 =	vadd.f32 v8, v3  }
0x115: {  	v8 =	vld [tilespmem:s7+$0x1D0]  }
0x116: {  	v4 =	vadd.f32 v9, v4;
	v9 =	vld [tilespmem:s7+$0x240];
	v3 =	vadd.f32 v10, v3  }
0x117: {  	v10 =	vld [tilespmem:s7+$0x250]  }
0x118: {  	v4 =	vadd.f32 v5, v4;
	v5 =	vld [tilespmem:s7+$0x2C0];
	v3 =	vadd.f32 v6, v3  }
0x119: {  	v6 =	vld [tilespmem:s7+$0x2D0]  }
0x11a: {  	v4 =	vadd.f32 v7, v4;
	v7 =	vld [tilespmem:s7+$0x340];
	v3 =	vadd.f32 v8, v3  }
0x11b: {  	v8 =	vld [tilespmem:s7+$0x350]  }
0x11c: {  	v4 =	vadd.f32 v9, v4;
	v9 =	vld [tilespmem:s7+$0x3C0];
	v3 =	vadd.f32 v10, v3  }
0x11d: {  	v10 =	vld [tilespmem:s7+$0x3D0]  }
0x11e: {  	v4 =	vadd.f32 v5, v4;
	v5 =	vld [tilespmem:s7+$0x440];
	v3 =	vadd.f32 v6, v3  }
0x11f: {  	v6 =	vld [tilespmem:s7+$0x450]  }
0x120: {  	v4 =	vadd.f32 v7, v4;
	v3 =	vadd.f32 v8, v3;
	_ =	sdelay $0x1  }
0x121: {  	v4 =	vadd.f32 v9, v4;
	v3 =	vadd.f32 v10, v3;
	_ =	sdelay $0x1  }
0x122: {  	v4 =	vadd.f32 v5, v4;
	v3 =	vadd.f32 v6, v3;
	_ =	sdelay $0x1  }
0x123: {  	v4 =	vmul.f32 $9.090909360e-02, v4;
	v3 =	vmul.f32 $9.090909360e-02, v3;
	_ =	sdelay $0x1  }
0x124: {  	v3 =	vpack.i.f32.bf16 v3, v4  }
0x125: {  	[tilespmem:v2+s13+$0x20 ss:$0x1] =	vst.idx.msk $0xffff, v3  }
0x126: {  	v3 =	vld [tilespmem:s7+$0x60]  }
0x127: {  	v4 =	vld [tilespmem:s13+$0x1AE0]  }
0x128: {  	v5 =	vld [tilespmem:s7+$0xFFFFFFF0]  }
0x129: {  	v6 =	vld [tilespmem:s7+$0xFFFFFFE0]  }
0x12a: {  	v7 =	vld [tilespmem:s13+$0x1AF0]  }
0x12b: {  	v8 =	vld [tilespmem:s7+$0x70]  }
0x12c: {  	v9 =	vld [tilespmem:s7+$0xE0]  }
0x12d: {  	v10 =	vld [tilespmem:s7+$0xF0]  }
0x12e: {  	v11 =	vld [tilespmem:s7+$0x170];
	v4 =	vadd.f32 v6, v4  }
0x12f: {  	v6 =	vld [tilespmem:s7+$0x160]  }
0x130: {  	v12 =	vld [tilespmem:s7+$0x2E0];
	v5 =	vadd.f32 v5, v7;
	v3 =	vadd.f32 v3, v4  }
0x131: {  	v4 =	vld [tilespmem:s7+$0x1E0]  }
0x132: {  	v7 =	vld [tilespmem:s7+$0x1F0];
	v5 =	vadd.f32 v8, v5;
	v3 =	vadd.f32 v9, v3  }
0x133: {  	v8 =	vld [tilespmem:s7+$0x260]  }
0x134: {  	v9 =	vld [tilespmem:s7+$0x270];
	v10 =	vadd.f32 v10, v5;
	v3 =	vadd.f32 v6, v3  }
0x135: {  	v5 =	vld [tilespmem:s7+$0x2F0]  }
0x136: {  	v6 =	vadd.f32 v11, v10;
	v10 =	vadd.f32 v4, v3;
	v3 =	vld [tilespmem:s7+$0x360]  }
0x137: {  	v4 =	vld [tilespmem:s7+$0x370]  }
0x138: {  	v11 =	vadd.f32 v7, v6;
	v6 =	vld [tilespmem:s7+$0x3E0];
	v8 =	vadd.f32 v8, v10  }
0x139: {  	v7 =	vld [tilespmem:s7+$0x3F0]  }
0x13a: {  	s9 =	smul.u32 $0x28, s2;
	s30 =	simm.s32 $0x200;
	v10 =	vadd.f32 v9, v11;
	v9 =	vadd.f32 v12, v8;
	v8 =	vld [tilespmem:s7+$0x460]  }
.LBB2_5:
0x13b: {  	p0 =	sne.s32 s30, $0xE00  }
0x13c: {  	v5 =	vadd.f32 v5, v10;
	v10 =	vld [tilespmem:s7+$0x470];
	s7 =	sadd.s32 $0x500, s7;
	s31 =	smov.u32 s30;
	s30 =	sadd.s32 $0x200, s30  }
0x13d: {  	v3 =	vadd.f32 v3, v9  }
0x13e: {  	v4 =	vadd.f32 v4, v5  }
0x13f: {  	v3 =	vadd.f32 v6, v3  }
0x140: {  	v4 =	vadd.f32 v7, v4  }
0x141: {  	v3 =	vadd.f32 v8, v3  }
0x142: {  	v4 =	vadd.f32 v10, v4  }
0x143: {  	v3 =	vmul.f32 $9.090909360e-02, v3  }
0x144: {  	v4 =	vmul.f32 $9.090909360e-02, v4;
	_ =	sdelay $0x1  }
0x145: {  	v3 =	vpack.i.f32.bf16 v4, v3  }
0x146: {  	[tilespmem:v2+s13+$0x30 ss:$0x1] =	vst.idx.msk $0xffff, v3  }
0x147: {  	v3 =	vld [tilespmem:s7+$0xFFFFFF90]  }
0x148: {  	s13 =	sshra.s32 s31, $0x2;
	v4 =	vld [tilespmem:s7+$0xFFFFFF80]  }
0x149: {  	v5 =	vld [tilespmem:s13+$0x1A80]  }
0x14a: {  	v6 =	vld [tilespmem:s13+$0x1A90]  }
0x14b: {  	v7 =	vld [tilespmem:s7+$0x0]  }
0x14c: {  	v8 =	vld [tilespmem:s7+$0x10]  }
0x14d: {  	v9 =	vld [tilespmem:s7+$0x80]  }
0x14e: {  	v4 =	vadd.f32 v4, v5;
	v5 =	vld [tilespmem:s7+$0x90]  }
0x14f: {  	v10 =	vld [tilespmem:s7+$0x100];
	v3 =	vadd.f32 v3, v6  }
0x150: {  	v4 =	vadd.f32 v7, v4;
	v6 =	vld [tilespmem:s7+$0x110]  }
0x151: {  	v7 =	vld [tilespmem:s7+$0x180];
	v3 =	vadd.f32 v8, v3  }
0x152: {  	v4 =	vadd.f32 v9, v4;
	v8 =	vld [tilespmem:s7+$0x190]  }
0x153: {  	v9 =	vld [tilespmem:s7+$0x200];
	v3 =	vadd.f32 v5, v3  }
0x154: {  	v4 =	vadd.f32 v10, v4;
	v5 =	vld [tilespmem:s7+$0x210]  }
0x155: {  	v10 =	vld [tilespmem:s7+$0x280];
	v3 =	vadd.f32 v6, v3  }
0x156: {  	v4 =	vadd.f32 v7, v4;
	v6 =	vld [tilespmem:s7+$0x290]  }
0x157: {  	v7 =	vld [tilespmem:s7+$0x300];
	v3 =	vadd.f32 v8, v3  }
0x158: {  	v4 =	vadd.f32 v9, v4;
	v8 =	vld [tilespmem:s7+$0x310]  }
0x159: {  	v9 =	vld [tilespmem:s7+$0x380];
	v3 =	vadd.f32 v5, v3  }
0x15a: {  	v4 =	vadd.f32 v10, v4;
	v5 =	vld [tilespmem:s7+$0x390]  }
0x15b: {  	v10 =	vld [tilespmem:s7+$0x400];
	v3 =	vadd.f32 v6, v3  }
0x15c: {  	v4 =	vadd.f32 v7, v4;
	v6 =	vld [tilespmem:s7+$0x410]  }
0x15d: {  	v3 =	vadd.f32 v8, v3  }
0x15e: {  	v4 =	vadd.f32 v9, v4  }
0x15f: {  	v3 =	vadd.f32 v5, v3  }
0x160: {  	v4 =	vadd.f32 v10, v4  }
0x161: {  	v3 =	vadd.f32 v6, v3  }
0x162: {  	v4 =	vmul.f32 $9.090909360e-02, v4  }
0x163: {  	v3 =	vmul.f32 $9.090909360e-02, v3;
	_ =	sdelay $0x1  }
0x164: {  	v3 =	vpack.i.f32.bf16 v3, v4  }
0x165: {  	[tilespmem:v2+s13+$0x0 ss:$0x1] =	vst.idx.msk $0xffff, v3  }
0x166: {  	v3 =	vld [tilespmem:s7+$0xFFFFFFB0]  }
0x167: {  	v4 =	vld [tilespmem:s13+$0x1AA0]  }
0x168: {  	v5 =	vld [tilespmem:s13+$0x1AB0]  }
0x169: {  	v6 =	vld [tilespmem:s7+$0xFFFFFFA0]  }
0x16a: {  	v7 =	vld [tilespmem:s7+$0x30]  }
0x16b: {  	v8 =	vld [tilespmem:s7+$0x20]  }
0x16c: {  	v9 =	vld [tilespmem:s7+$0xB0]  }
0x16d: {  	v10 =	vld [tilespmem:s7+$0xA0];
	v3 =	vadd.f32 v3, v5  }
0x16e: {  	v4 =	vadd.f32 v6, v4;
	v5 =	vld [tilespmem:s7+$0x130]  }
0x16f: {  	v6 =	vld [tilespmem:s7+$0x120];
	v3 =	vadd.f32 v7, v3  }
0x170: {  	v4 =	vadd.f32 v8, v4;
	v7 =	vld [tilespmem:s7+$0x1B0]  }
0x171: {  	v8 =	vld [tilespmem:s7+$0x1A0];
	v3 =	vadd.f32 v9, v3  }
0x172: {  	v4 =	vadd.f32 v10, v4;
	v9 =	vld [tilespmem:s7+$0x230]  }
0x173: {  	v10 =	vld [tilespmem:s7+$0x220];
	v3 =	vadd.f32 v5, v3  }
0x174: {  	v4 =	vadd.f32 v6, v4;
	v5 =	vld [tilespmem:s7+$0x2B0]  }
0x175: {  	v6 =	vld [tilespmem:s7+$0x2A0];
	v3 =	vadd.f32 v7, v3  }
0x176: {  	v4 =	vadd.f32 v8, v4;
	v7 =	vld [tilespmem:s7+$0x330]  }
0x177: {  	v8 =	vld [tilespmem:s7+$0x320];
	v3 =	vadd.f32 v9, v3  }
0x178: {  	v4 =	vadd.f32 v10, v4;
	v9 =	vld [tilespmem:s7+$0x3B0]  }
0x179: {  	v10 =	vld [tilespmem:s7+$0x3A0];
	v3 =	vadd.f32 v5, v3  }
0x17a: {  	v4 =	vadd.f32 v6, v4;
	v5 =	vld [tilespmem:s7+$0x430]  }
0x17b: {  	v6 =	vld [tilespmem:s7+$0x420];
	v3 =	vadd.f32 v7, v3  }
0x17c: {  	v4 =	vadd.f32 v8, v4  }
0x17d: {  	v3 =	vadd.f32 v9, v3  }
0x17e: {  	v4 =	vadd.f32 v10, v4;
	_ =	sdelay $0x1  }
0x17f: {  	v3 =	vadd.f32 v5, v3;
	v4 =	vadd.f32 v6, v4;
	_ =	sdelay $0x1  }
0x180: {  	v3 =	vmul.f32 $9.090909360e-02, v3;
	v4 =	vmul.f32 $9.090909360e-02, v4;
	_ =	sdelay $0x1  }
0x181: {  	v3 =	vpack.i.f32.bf16 v3, v4  }
0x182: {  	[tilespmem:v2+s13+$0x10 ss:$0x1] =	vst.idx.msk $0xffff, v3  }
0x183: {  	v3 =	vld [tilespmem:s7+$0xFFFFFFD0]  }
0x184: {  	v4 =	vld [tilespmem:s7+$0xFFFFFFC0]  }
0x185: {  	v5 =	vld [tilespmem:s13+$0x1AC0]  }
0x186: {  	v6 =	vld [tilespmem:s13+$0x1AD0]  }
0x187: {  	v7 =	vld [tilespmem:s7+$0x40]  }
0x188: {  	v8 =	vld [tilespmem:s7+$0x50]  }
0x189: {  	v9 =	vld [tilespmem:s7+$0xC0]  }
0x18a: {  	v4 =	vadd.f32 v4, v5;
	v5 =	vld [tilespmem:s7+$0xD0]  }
0x18b: {  	v10 =	vld [tilespmem:s7+$0x140];
	v3 =	vadd.f32 v3, v6  }
0x18c: {  	v4 =	vadd.f32 v7, v4;
	v6 =	vld [tilespmem:s7+$0x150]  }
0x18d: {  	v7 =	vld [tilespmem:s7+$0x1C0];
	v3 =	vadd.f32 v8, v3  }
0x18e: {  	v4 =	vadd.f32 v9, v4;
	v8 =	vld [tilespmem:s7+$0x1D0]  }
0x18f: {  	v9 =	vld [tilespmem:s7+$0x240];
	v3 =	vadd.f32 v5, v3  }
0x190: {  	v4 =	vadd.f32 v10, v4;
	v5 =	vld [tilespmem:s7+$0x250]  }
0x191: {  	v10 =	vld [tilespmem:s7+$0x2C0];
	v3 =	vadd.f32 v6, v3  }
0x192: {  	v4 =	vadd.f32 v7, v4;
	v6 =	vld [tilespmem:s7+$0x2D0]  }
0x193: {  	v7 =	vld [tilespmem:s7+$0x340];
	v3 =	vadd.f32 v8, v3  }
0x194: {  	v4 =	vadd.f32 v9, v4;
	v8 =	vld [tilespmem:s7+$0x350]  }
0x195: {  	v9 =	vld [tilespmem:s7+$0x3C0];
	v3 =	vadd.f32 v5, v3  }
0x196: {  	v4 =	vadd.f32 v10, v4;
	v5 =	vld [tilespmem:s7+$0x3D0]  }
0x197: {  	v10 =	vld [tilespmem:s7+$0x440];
	v3 =	vadd.f32 v6, v3  }
0x198: {  	v4 =	vadd.f32 v7, v4;
	v6 =	vld [tilespmem:s7+$0x450]  }
0x199: {  	v3 =	vadd.f32 v8, v3  }
0x19a: {  	v4 =	vadd.f32 v9, v4  }
0x19b: {  	v3 =	vadd.f32 v5, v3  }
0x19c: {  	v4 =	vadd.f32 v10, v4  }
0x19d: {  	v3 =	vadd.f32 v6, v3;
	_ =	sdelay $0x1  }
0x19e: {  	v4 =	vmul.f32 $9.090909360e-02, v4;
	v3 =	vmul.f32 $9.090909360e-02, v3;
	_ =	sdelay $0x1  }
0x19f: {  	v3 =	vpack.i.f32.bf16 v3, v4  }
0x1a0: {  	[tilespmem:v2+s13+$0x20 ss:$0x1] =	vst.idx.msk $0xffff, v3  }
0x1a1: {  	v3 =	vld [tilespmem:s7+$0x60]  }
0x1a2: {  	v4 =	vld [tilespmem:s13+$0x1AE0]  }
0x1a3: {  	v5 =	vld [tilespmem:s7+$0xFFFFFFF0]  }
0x1a4: {  	v6 =	vld [tilespmem:s7+$0xFFFFFFE0]  }
0x1a5: {  	v7 =	vld [tilespmem:s13+$0x1AF0]  }
0x1a6: {  	v8 =	vld [tilespmem:s7+$0x70]  }
0x1a7: {  	v9 =	vld [tilespmem:s7+$0xE0]  }
0x1a8: {  	v10 =	vld [tilespmem:s7+$0xF0]  }
0x1a9: {  	v4 =	vadd.f32 v6, v4;
	v6 =	vld [tilespmem:s7+$0x160]  }
0x1aa: {  	v5 =	vadd.f32 v5, v7;
	v7 =	vld [tilespmem:s7+$0x170]  }
0x1ab: {  	v3 =	vadd.f32 v3, v4;
	v4 =	vld [tilespmem:s7+$0x1E0]  }
0x1ac: {  	v5 =	vadd.f32 v8, v5;
	v8 =	vld [tilespmem:s7+$0x1F0]  }
0x1ad: {  	v3 =	vadd.f32 v9, v3;
	v9 =	vld [tilespmem:s7+$0x260]  }
0x1ae: {  	v5 =	vadd.f32 v10, v5;
	v10 =	vld [tilespmem:s7+$0x270]  }
0x1af: {  	v3 =	vadd.f32 v6, v3;
	v11 =	vld [tilespmem:s7+$0x2E0]  }
0x1b0: {  	v6 =	vadd.f32 v7, v5;
	v5 =	vld [tilespmem:s7+$0x2F0]  }
.Ltmp1:
0x1b1: {  	v7 =	vadd.f32 v4, v3;
	v3 =	vld [tilespmem:s7+$0x360];
	(pc) =	sbr.rel @p0 .LBB2_5-.Ltmp1, $4  }
0x1b2: {  	v8 =	vadd.f32 v8, v6;
	v4 =	vld [tilespmem:s7+$0x370]  }
0x1b3: {  	v9 =	vadd.f32 v9, v7;
	v6 =	vld [tilespmem:s7+$0x3E0]  }
0x1b4: {  	v10 =	vadd.f32 v10, v8;
	v7 =	vld [tilespmem:s7+$0x3F0]  }
0x1b5: {  	v9 =	vadd.f32 v11, v9;
	v8 =	vld [tilespmem:s7+$0x460]  }
0x1b6: {  	v5 =	vadd.f32 v5, v10  }
0x1b7: {  	v10 =	vld [tilespmem:s7+$0x470]  }
0x1b8: {  	v3 =	vadd.f32 v3, v9;
	v4 =	vadd.f32 v4, v5;
	_ =	sdelay $0x1  }
0x1b9: {  	v3 =	vadd.f32 v6, v3;
	v4 =	vadd.f32 v7, v4;
	_ =	sdelay $0x1  }
0x1ba: {  	v3 =	vadd.f32 v8, v3;
	v4 =	vadd.f32 v10, v4;
	_ =	sdelay $0x1  }
0x1bb: {  	s1 =	smul.u32 $0x5000, s2;
	v3 =	vmul.f32 $9.090909360e-02, v3;
	v4 =	vmul.f32 $9.090909360e-02, v4  }
0x1bc: {  	s9 =	sadd.s32 s5, s9  }
0x1bd: {  	s9 =	sshll.u32 s9, $0x4;
	s7 =	sshra.s32 s1, $0x2;
	v3 =	vpack.i.f32.bf16 v4, v3  }
0x1be: {  	p0 =	seq.s32 s2, $0x7;
	s9 =	sadd.s32 s6, s9;
	s7 =	sadd.s32 $0xF680, s7;
	[tilespmem:v2+s13+$0x30 ss:$0x1] =	vst.idx.msk $0xffff, v3  }
0x1bf: {  	[hbm4b:s9+s4] =	stream.linear.scatter [tilespmem:s7], [sflag:$0x6], $0x400, $0x38;
	[tilespmem:$0x19680] =	vst v63  }
0x1c0: {  	s7 =	sadd.s32 @!p0 $0x5, s12  }
0x1c1: {  	s30 =	simm.s32 @!p0 $0x1A80;
	s9 =	sshll.u32 @!p0 s7, $0x3  }
0x1c2: {  	s13 =	simm.s32 @!p0 $0x8;
	s7 =	smul.u32 @!p0 $0x140, s7;
	s9 =	sand.u32 @!p0 $0x3FFFFFF8, s9  }
0x1c3: {  	[tilespmem:s30], [sflag:$0x1] =	stream.indirect.gather @!p0 [hbm4b:s3+s13], $0x80, s9, s13, $0xb8;
	[tilespmem:$0x19680] =	vst v63  }
0x1c4: {  	s7 =	sshra.s32 @!p0 s7, $0x2  }
0x1c5: {  	s9 =	simm.s32 @!p0 $0x50;
	s13 =	simm.s32 @!p0 $0x1E80;
	s7 =	sadd.s32 @!p0 $0xE00, s7  }
0x1c6: {  	[tilespmem:s13], [sflag:$0x1] =	stream.indirect.gather @!p0 [hbm4b:s3+s9], $0x80, s7, s9, $0xb8;
	[tilespmem:$0x19680] =	vst v63  }
0x1c7: {  	_ =	swait.ge [sflag:s23], $0x2C00  }
0x1c8: {  	[sflag:s23] =	ssyncset.done $0x0  }
0x1c9: {  	s7 =	simm.s32 $0x4B00;
	[sflag:s23] =	ssyncadd.s32 $0xFFFFD400  }
0x1ca: {  	v2 =	vld [tilespmem:s7+$0xFFFFFF90]  }
0x1cb: {  	s13 =	simm.s32 $0x0;
	v3 =	vld [tilespmem:s7+$0xFFFFFF80]  }
0x1cc: {  	v4 =	vld [tilespmem:s13+$0x4680]  }
0x1cd: {  	v5 =	vld [tilespmem:s13+$0x4690]  }
0x1ce: {  	v6 =	vld [tilespmem:s7+$0x0]  }
0x1cf: {  	v7 =	vld [tilespmem:s7+$0x10]  }
0x1d0: {  	v8 =	vld [tilespmem:s7+$0x80]  }
0x1d1: {  	v9 =	vld [tilespmem:s7+$0x90]  }
0x1d2: {  	v3 =	vadd.f32 v3, v4;
	v4 =	vld [tilespmem:s7+$0x100];
	v2 =	vadd.f32 v2, v5  }
0x1d3: {  	v5 =	vld [tilespmem:s7+$0x110]  }
0x1d4: {  	v3 =	vadd.f32 v6, v3;
	v6 =	vld [tilespmem:s7+$0x180];
	v2 =	vadd.f32 v7, v2  }
0x1d5: {  	v7 =	vld [tilespmem:s7+$0x190]  }
0x1d6: {  	v3 =	vadd.f32 v8, v3;
	v8 =	vld [tilespmem:s7+$0x200];
	v2 =	vadd.f32 v9, v2  }
0x1d7: {  	v9 =	vld [tilespmem:s7+$0x210]  }
0x1d8: {  	v3 =	vadd.f32 v4, v3;
	v4 =	vld [tilespmem:s7+$0x280];
	v2 =	vadd.f32 v5, v2  }
0x1d9: {  	v5 =	vld [tilespmem:s7+$0x290]  }
0x1da: {  	v3 =	vadd.f32 v6, v3;
	v6 =	vld [tilespmem:s7+$0x300];
	v2 =	vadd.f32 v7, v2  }
0x1db: {  	v7 =	vld [tilespmem:s7+$0x310]  }
0x1dc: {  	v3 =	vadd.f32 v8, v3;
	v8 =	vld [tilespmem:s7+$0x380];
	v2 =	vadd.f32 v9, v2  }
0x1dd: {  	v9 =	vld [tilespmem:s7+$0x390]  }
0x1de: {  	v3 =	vadd.f32 v4, v3;
	v4 =	vld [tilespmem:s7+$0x400];
	v2 =	vadd.f32 v5, v2  }
0x1df: {  	v5 =	vld [tilespmem:s7+$0x410]  }
0x1e0: {  	v3 =	vadd.f32 v6, v3;
	v2 =	vadd.f32 v7, v2;
	_ =	sdelay $0x1  }
0x1e1: {  	v3 =	vadd.f32 v8, v3;
	v6 =	vadd.f32 v9, v2;
	_ =	sdelay $0x1  }
0x1e2: {  	v2 =	vmov s14;
	v3 =	vadd.f32 v4, v3;
	v4 =	vadd.f32 v5, v6;
	_ =	sdelay $0x1  }
0x1e3: {  	v3 =	vmul.f32 $9.090909360e-02, v3;
	v4 =	vmul.f32 $9.090909360e-02, v4;
	_ =	sdelay $0x1  }
0x1e4: {  	v3 =	vpack.i.f32.bf16 v4, v3  }
0x1e5: {  	[tilespmem:v2+s13+$0xFFFFFFD0 ss:$0x1] =	vst.idx.msk $0xffff, v3  }
0x1e6: {  	v3 =	vld [tilespmem:s7+$0xFFFFFFB0]  }
0x1e7: {  	v4 =	vld [tilespmem:s13+$0x46A0]  }
0x1e8: {  	v5 =	vld [tilespmem:s13+$0x46B0]  }
0x1e9: {  	v6 =	vld [tilespmem:s7+$0xFFFFFFA0]  }
0x1ea: {  	v7 =	vld [tilespmem:s7+$0x30]  }
0x1eb: {  	v8 =	vld [tilespmem:s7+$0x20]  }
0x1ec: {  	v9 =	vld [tilespmem:s7+$0xB0]  }
0x1ed: {  	v10 =	vld [tilespmem:s7+$0xA0]  }
0x1ee: {  	v3 =	vadd.f32 v3, v5;
	v4 =	vadd.f32 v6, v4;
	v5 =	vld [tilespmem:s7+$0x130]  }
0x1ef: {  	v6 =	vld [tilespmem:s7+$0x120]  }
0x1f0: {  	v3 =	vadd.f32 v7, v3;
	v4 =	vadd.f32 v8, v4;
	v7 =	vld [tilespmem:s7+$0x1B0]  }
0x1f1: {  	v8 =	vld [tilespmem:s7+$0x1A0]  }
0x1f2: {  	v3 =	vadd.f32 v9, v3;
	v4 =	vadd.f32 v10, v4;
	v9 =	vld [tilespmem:s7+$0x230]  }
0x1f3: {  	v10 =	vld [tilespmem:s7+$0x220]  }
0x1f4: {  	v3 =	vadd.f32 v5, v3;
	v4 =	vadd.f32 v6, v4;
	v5 =	vld [tilespmem:s7+$0x2B0]  }
0x1f5: {  	v6 =	vld [tilespmem:s7+$0x2A0]  }
0x1f6: {  	v3 =	vadd.f32 v7, v3;
	v4 =	vadd.f32 v8, v4;
	v7 =	vld [tilespmem:s7+$0x330]  }
0x1f7: {  	v8 =	vld [tilespmem:s7+$0x320]  }
0x1f8: {  	v3 =	vadd.f32 v9, v3;
	v4 =	vadd.f32 v10, v4;
	v9 =	vld [tilespmem:s7+$0x3B0]  }
0x1f9: {  	v10 =	vld [tilespmem:s7+$0x3A0]  }
0x1fa: {  	v3 =	vadd.f32 v5, v3;
	v4 =	vadd.f32 v6, v4;
	v5 =	vld [tilespmem:s7+$0x430]  }
0x1fb: {  	v6 =	vld [tilespmem:s7+$0x420]  }
0x1fc: {  	v3 =	vadd.f32 v7, v3;
	v4 =	vadd.f32 v8, v4;
	_ =	sdelay $0x1  }
0x1fd: {  	v3 =	vadd.f32 v9, v3;
	v4 =	vadd.f32 v10, v4;
	_ =	sdelay $0x1  }
0x1fe: {  	v4 =	vadd.f32 v6, v4;
	v3 =	vadd.f32 v5, v3;
	_ =	sdelay $0x1  }
0x1ff: {  	v4 =	vmul.f32 $9.090909360e-02, v4;
	v3 =	vmul.f32 $9.090909360e-02, v3;
	_ =	sdelay $0x1  }
0x200: {  	v3 =	vpack.i.f32.bf16 v3, v4  }
0x201: {  	[tilespmem:v2+s13+$0xFFFFFFE0 ss:$0x1] =	vst.idx.msk $0xffff, v3  }
0x202: {  	v3 =	vld [tilespmem:s7+$0xFFFFFFD0]  }
0x203: {  	v4 =	vld [tilespmem:s7+$0xFFFFFFC0]  }
0x204: {  	v5 =	vld [tilespmem:s13+$0x46C0]  }
0x205: {  	v6 =	vld [tilespmem:s13+$0x46D0]  }
0x206: {  	v7 =	vld [tilespmem:s7+$0x40]  }
0x207: {  	v8 =	vld [tilespmem:s7+$0x50]  }
0x208: {  	v9 =	vld [tilespmem:s7+$0xC0]  }
0x209: {  	v10 =	vld [tilespmem:s7+$0xD0]  }
0x20a: {  	v4 =	vadd.f32 v4, v5;
	v5 =	vld [tilespmem:s7+$0x140];
	v3 =	vadd.f32 v3, v6  }
0x20b: {  	v6 =	vld [tilespmem:s7+$0x150]  }
0x20c: {  	v4 =	vadd.f32 v7, v4;
	v7 =	vld [tilespmem:s7+$0x1C0];
	v3 =	vadd.f32 v8, v3  }
0x20d: {  	v8 =	vld [tilespmem:s7+$0x1D0]  }
0x20e: {  	v4 =	vadd.f32 v9, v4;
	v9 =	vld [tilespmem:s7+$0x240];
	v3 =	vadd.f32 v10, v3  }
0x20f: {  	v10 =	vld [tilespmem:s7+$0x250]  }
0x210: {  	v4 =	vadd.f32 v5, v4;
	v5 =	vld [tilespmem:s7+$0x2C0];
	v3 =	vadd.f32 v6, v3  }
0x211: {  	v6 =	vld [tilespmem:s7+$0x2D0]  }
0x212: {  	v4 =	vadd.f32 v7, v4;
	v7 =	vld [tilespmem:s7+$0x340];
	v3 =	vadd.f32 v8, v3  }
0x213: {  	v8 =	vld [tilespmem:s7+$0x350]  }
0x214: {  	v4 =	vadd.f32 v9, v4;
	v9 =	vld [tilespmem:s7+$0x3C0];
	v3 =	vadd.f32 v10, v3  }
0x215: {  	v10 =	vld [tilespmem:s7+$0x3D0]  }
0x216: {  	v4 =	vadd.f32 v5, v4;
	v5 =	vld [tilespmem:s7+$0x440];
	v3 =	vadd.f32 v6, v3  }
0x217: {  	v6 =	vld [tilespmem:s7+$0x450]  }
0x218: {  	v4 =	vadd.f32 v7, v4;
	v3 =	vadd.f32 v8, v3;
	_ =	sdelay $0x1  }
0x219: {  	v4 =	vadd.f32 v9, v4;
	v3 =	vadd.f32 v10, v3;
	_ =	sdelay $0x1  }
0x21a: {  	v4 =	vadd.f32 v5, v4;
	v3 =	vadd.f32 v6, v3;
	_ =	sdelay $0x1  }
0x21b: {  	v4 =	vmul.f32 $9.090909360e-02, v4;
	v3 =	vmul.f32 $9.090909360e-02, v3;
	_ =	sdelay $0x1  }
0x21c: {  	v3 =	vpack.i.f32.bf16 v3, v4  }
0x21d: {  	[tilespmem:v2+s13+$0xFFFFFFF0 ss:$0x1] =	vst.idx.msk $0xffff, v3  }
0x21e: {  	v3 =	vld [tilespmem:s7+$0x60]  }
0x21f: {  	v4 =	vld [tilespmem:s13+$0x46E0]  }
0x220: {  	v5 =	vld [tilespmem:s7+$0xFFFFFFF0]  }
0x221: {  	v6 =	vld [tilespmem:s7+$0xFFFFFFE0]  }
0x222: {  	v7 =	vld [tilespmem:s13+$0x46F0]  }
0x223: {  	v8 =	vld [tilespmem:s7+$0x70]  }
0x224: {  	v9 =	vld [tilespmem:s7+$0xE0]  }
0x225: {  	v10 =	vld [tilespmem:s7+$0xF0]  }
0x226: {  	v11 =	vld [tilespmem:s7+$0x170];
	v4 =	vadd.f32 v6, v4  }
0x227: {  	v6 =	vld [tilespmem:s7+$0x160]  }
0x228: {  	v12 =	vld [tilespmem:s7+$0x1F0];
	v5 =	vadd.f32 v5, v7;
	v3 =	vadd.f32 v3, v4  }
0x229: {  	v7 =	vld [tilespmem:s7+$0x1E0]  }
0x22a: {  	v13 =	vld [tilespmem:s7+$0x2E0];
	v4 =	vadd.f32 v8, v5;
	v3 =	vadd.f32 v9, v3  }
0x22b: {  	v8 =	vld [tilespmem:s7+$0x260]  }
0x22c: {  	v9 =	vld [tilespmem:s7+$0x270];
	v5 =	vadd.f32 v10, v4;
	v3 =	vadd.f32 v6, v3  }
0x22d: {  	v4 =	vld [tilespmem:s7+$0x2F0]  }
0x22e: {  	v6 =	vadd.f32 v11, v5;
	v5 =	vld [tilespmem:s7+$0x370];
	v7 =	vadd.f32 v7, v3  }
0x22f: {  	s1 =	sadd.s32 $0x1, s12;
	v3 =	vld [tilespmem:s7+$0x360]  }
0x230: {  	s9 =	sshll.u32 s1, $0xA;
	v10 =	vadd.f32 v12, v6;
	v6 =	vld [tilespmem:s7+$0x3E0];
	v8 =	vadd.f32 v8, v7  }
0x231: {  	s30 =	sand.u32 $0x3FFFFC00, s9;
	v7 =	vld [tilespmem:s7+$0x3F0]  }
0x232: {  	s31 =	simm.s32 $0x200;
	s30 =	sadd.s32 $0xF680, s30;
	v10 =	vadd.f32 v9, v10;
	v9 =	vadd.f32 v13, v8;
	v8 =	vld [tilespmem:s7+$0x460]  }
.LBB2_7:
0x233: {  	p1 =	sne.s32 s31, $0xE00  }
0x234: {  	v4 =	vadd.f32 v4, v10;
	v10 =	vld [tilespmem:s7+$0x470];
	s7 =	sadd.s32 $0x500, s7;
	s1 =	smov.u32 s31;
	s31 =	sadd.s32 $0x200, s31  }
0x235: {  	v3 =	vadd.f32 v3, v9  }
0x236: {  	v4 =	vadd.f32 v5, v4  }
0x237: {  	v3 =	vadd.f32 v6, v3  }
0x238: {  	v4 =	vadd.f32 v7, v4  }
0x239: {  	v3 =	vadd.f32 v8, v3  }
0x23a: {  	v4 =	vadd.f32 v10, v4  }
0x23b: {  	v3 =	vmul.f32 $9.090909360e-02, v3  }
0x23c: {  	v4 =	vmul.f32 $9.090909360e-02, v4;
	_ =	sdelay $0x1  }
0x23d: {  	v3 =	vpack.i.f32.bf16 v4, v3  }
0x23e: {  	[tilespmem:v2+s13+$0x0 ss:$0x1] =	vst.idx.msk $0xffff, v3  }
0x23f: {  	v3 =	vld [tilespmem:s7+$0xFFFFFF90]  }
0x240: {  	s13 =	sshra.s32 s1, $0x2;
	v4 =	vld [tilespmem:s7+$0xFFFFFF80]  }
0x241: {  	v5 =	vld [tilespmem:s13+$0x4680]  }
0x242: {  	v6 =	vld [tilespmem:s13+$0x4690]  }
0x243: {  	v7 =	vld [tilespmem:s7+$0x0]  }
0x244: {  	v8 =	vld [tilespmem:s7+$0x10]  }
0x245: {  	v9 =	vld [tilespmem:s7+$0x80]  }
0x246: {  	v4 =	vadd.f32 v4, v5;
	v5 =	vld [tilespmem:s7+$0x90]  }
0x247: {  	v10 =	vld [tilespmem:s7+$0x100];
	v3 =	vadd.f32 v3, v6  }
0x248: {  	v4 =	vadd.f32 v7, v4;
	v6 =	vld [tilespmem:s7+$0x110]  }
0x249: {  	v7 =	vld [tilespmem:s7+$0x180];
	v3 =	vadd.f32 v8, v3  }
0x24a: {  	v4 =	vadd.f32 v9, v4;
	v8 =	vld [tilespmem:s7+$0x190]  }
0x24b: {  	v9 =	vld [tilespmem:s7+$0x200];
	v3 =	vadd.f32 v5, v3  }
0x24c: {  	v4 =	vadd.f32 v10, v4;
	v5 =	vld [tilespmem:s7+$0x210]  }
0x24d: {  	v10 =	vld [tilespmem:s7+$0x280];
	v3 =	vadd.f32 v6, v3  }
0x24e: {  	v4 =	vadd.f32 v7, v4;
	v6 =	vld [tilespmem:s7+$0x290]  }
0x24f: {  	v7 =	vld [tilespmem:s7+$0x300];
	v3 =	vadd.f32 v8, v3  }
0x250: {  	v4 =	vadd.f32 v9, v4;
	v8 =	vld [tilespmem:s7+$0x310]  }
0x251: {  	v9 =	vld [tilespmem:s7+$0x380];
	v3 =	vadd.f32 v5, v3  }
0x252: {  	v4 =	vadd.f32 v10, v4;
	v5 =	vld [tilespmem:s7+$0x390]  }
0x253: {  	v10 =	vld [tilespmem:s7+$0x400];
	v3 =	vadd.f32 v6, v3  }
0x254: {  	v4 =	vadd.f32 v7, v4;
	v6 =	vld [tilespmem:s7+$0x410]  }
0x255: {  	v3 =	vadd.f32 v8, v3  }
0x256: {  	v4 =	vadd.f32 v9, v4  }
0x257: {  	v3 =	vadd.f32 v5, v3  }
0x258: {  	v4 =	vadd.f32 v10, v4  }
0x259: {  	v3 =	vadd.f32 v6, v3  }
0x25a: {  	v4 =	vmul.f32 $9.090909360e-02, v4  }
0x25b: {  	v3 =	vmul.f32 $9.090909360e-02, v3;
	_ =	sdelay $0x1  }
0x25c: {  	v3 =	vpack.i.f32.bf16 v3, v4  }
0x25d: {  	[tilespmem:v2+s13+$0xFFFFFFD0 ss:$0x1] =	vst.idx.msk $0xffff, v3  }
0x25e: {  	v3 =	vld [tilespmem:s7+$0xFFFFFFB0]  }
0x25f: {  	v4 =	vld [tilespmem:s13+$0x46A0]  }
0x260: {  	v5 =	vld [tilespmem:s13+$0x46B0]  }
0x261: {  	v6 =	vld [tilespmem:s7+$0xFFFFFFA0]  }
0x262: {  	v7 =	vld [tilespmem:s7+$0x30]  }
0x263: {  	v8 =	vld [tilespmem:s7+$0x20]  }
0x264: {  	v9 =	vld [tilespmem:s7+$0xB0]  }
0x265: {  	v10 =	vld [tilespmem:s7+$0xA0];
	v3 =	vadd.f32 v3, v5  }
0x266: {  	v4 =	vadd.f32 v6, v4;
	v5 =	vld [tilespmem:s7+$0x130]  }
0x267: {  	v6 =	vld [tilespmem:s7+$0x120];
	v3 =	vadd.f32 v7, v3  }
0x268: {  	v4 =	vadd.f32 v8, v4;
	v7 =	vld [tilespmem:s7+$0x1B0]  }
0x269: {  	v8 =	vld [tilespmem:s7+$0x1A0];
	v3 =	vadd.f32 v9, v3  }
0x26a: {  	v4 =	vadd.f32 v10, v4;
	v9 =	vld [tilespmem:s7+$0x230]  }
0x26b: {  	v10 =	vld [tilespmem:s7+$0x220];
	v3 =	vadd.f32 v5, v3  }
0x26c: {  	v4 =	vadd.f32 v6, v4;
	v5 =	vld [tilespmem:s7+$0x2B0]  }
0x26d: {  	v6 =	vld [tilespmem:s7+$0x2A0];
	v3 =	vadd.f32 v7, v3  }
0x26e: {  	v4 =	vadd.f32 v8, v4;
	v7 =	vld [tilespmem:s7+$0x330]  }
0x26f: {  	v8 =	vld [tilespmem:s7+$0x320];
	v3 =	vadd.f32 v9, v3  }
0x270: {  	v4 =	vadd.f32 v10, v4;
	v9 =	vld [tilespmem:s7+$0x3B0]  }
0x271: {  	v10 =	vld [tilespmem:s7+$0x3A0];
	v3 =	vadd.f32 v5, v3  }
0x272: {  	v4 =	vadd.f32 v6, v4;
	v5 =	vld [tilespmem:s7+$0x430]  }
0x273: {  	v6 =	vld [tilespmem:s7+$0x420];
	v3 =	vadd.f32 v7, v3  }
0x274: {  	v4 =	vadd.f32 v8, v4  }
0x275: {  	v3 =	vadd.f32 v9, v3  }
0x276: {  	v4 =	vadd.f32 v10, v4;
	_ =	sdelay $0x1  }
0x277: {  	v3 =	vadd.f32 v5, v3;
	v4 =	vadd.f32 v6, v4;
	_ =	sdelay $0x1  }
0x278: {  	v3 =	vmul.f32 $9.090909360e-02, v3;
	v4 =	vmul.f32 $9.090909360e-02, v4;
	_ =	sdelay $0x1  }
0x279: {  	v3 =	vpack.i.f32.bf16 v3, v4  }
0x27a: {  	[tilespmem:v2+s13+$0xFFFFFFE0 ss:$0x1] =	vst.idx.msk $0xffff, v3  }
0x27b: {  	v3 =	vld [tilespmem:s7+$0xFFFFFFD0]  }
0x27c: {  	v4 =	vld [tilespmem:s7+$0xFFFFFFC0]  }
0x27d: {  	v5 =	vld [tilespmem:s13+$0x46C0]  }
0x27e: {  	v6 =	vld [tilespmem:s13+$0x46D0]  }
0x27f: {  	v7 =	vld [tilespmem:s7+$0x40]  }
0x280: {  	v8 =	vld [tilespmem:s7+$0x50]  }
0x281: {  	v9 =	vld [tilespmem:s7+$0xC0]  }
0x282: {  	v4 =	vadd.f32 v4, v5;
	v5 =	vld [tilespmem:s7+$0xD0]  }
0x283: {  	v10 =	vld [tilespmem:s7+$0x140];
	v3 =	vadd.f32 v3, v6  }
0x284: {  	v4 =	vadd.f32 v7, v4;
	v6 =	vld [tilespmem:s7+$0x150]  }
0x285: {  	v7 =	vld [tilespmem:s7+$0x1C0];
	v3 =	vadd.f32 v8, v3  }
0x286: {  	v4 =	vadd.f32 v9, v4;
	v8 =	vld [tilespmem:s7+$0x1D0]  }
0x287: {  	v9 =	vld [tilespmem:s7+$0x240];
	v3 =	vadd.f32 v5, v3  }
0x288: {  	v4 =	vadd.f32 v10, v4;
	v5 =	vld [tilespmem:s7+$0x250]  }
0x289: {  	v10 =	vld [tilespmem:s7+$0x2C0];
	v3 =	vadd.f32 v6, v3  }
0x28a: {  	v4 =	vadd.f32 v7, v4;
	v6 =	vld [tilespmem:s7+$0x2D0]  }
0x28b: {  	v7 =	vld [tilespmem:s7+$0x340];
	v3 =	vadd.f32 v8, v3  }
0x28c: {  	v4 =	vadd.f32 v9, v4;
	v8 =	vld [tilespmem:s7+$0x350]  }
0x28d: {  	v9 =	vld [tilespmem:s7+$0x3C0];
	v3 =	vadd.f32 v5, v3  }
0x28e: {  	v4 =	vadd.f32 v10, v4;
	v5 =	vld [tilespmem:s7+$0x3D0]  }
0x28f: {  	v10 =	vld [tilespmem:s7+$0x440];
	v3 =	vadd.f32 v6, v3  }
0x290: {  	v4 =	vadd.f32 v7, v4;
	v6 =	vld [tilespmem:s7+$0x450]  }
0x291: {  	v3 =	vadd.f32 v8, v3  }
0x292: {  	v4 =	vadd.f32 v9, v4  }
0x293: {  	v3 =	vadd.f32 v5, v3  }
0x294: {  	v4 =	vadd.f32 v10, v4  }
0x295: {  	v3 =	vadd.f32 v6, v3;
	_ =	sdelay $0x1  }
0x296: {  	v4 =	vmul.f32 $9.090909360e-02, v4;
	v3 =	vmul.f32 $9.090909360e-02, v3;
	_ =	sdelay $0x1  }
0x297: {  	v3 =	vpack.i.f32.bf16 v3, v4  }
0x298: {  	[tilespmem:v2+s13+$0xFFFFFFF0 ss:$0x1] =	vst.idx.msk $0xffff, v3  }
0x299: {  	v3 =	vld [tilespmem:s7+$0x60]  }
0x29a: {  	v4 =	vld [tilespmem:s13+$0x46E0]  }
0x29b: {  	v5 =	vld [tilespmem:s7+$0xFFFFFFF0]  }
0x29c: {  	v6 =	vld [tilespmem:s7+$0xFFFFFFE0]  }
0x29d: {  	v7 =	vld [tilespmem:s13+$0x46F0]  }
0x29e: {  	v8 =	vld [tilespmem:s7+$0x70]  }
0x29f: {  	v9 =	vld [tilespmem:s7+$0xE0]  }
0x2a0: {  	v10 =	vld [tilespmem:s7+$0xF0]  }
0x2a1: {  	v4 =	vadd.f32 v6, v4;
	v6 =	vld [tilespmem:s7+$0x160]  }
0x2a2: {  	v5 =	vadd.f32 v5, v7;
	v7 =	vld [tilespmem:s7+$0x170]  }
0x2a3: {  	v3 =	vadd.f32 v3, v4;
	v11 =	vld [tilespmem:s7+$0x1E0]  }
0x2a4: {  	v4 =	vadd.f32 v8, v5;
	v5 =	vld [tilespmem:s7+$0x1F0]  }
0x2a5: {  	v3 =	vadd.f32 v9, v3;
	v8 =	vld [tilespmem:s7+$0x260]  }
0x2a6: {  	v4 =	vadd.f32 v10, v4;
	v9 =	vld [tilespmem:s7+$0x270]  }
0x2a7: {  	v3 =	vadd.f32 v6, v3;
	v12 =	vld [tilespmem:s7+$0x2E0]  }
0x2a8: {  	v6 =	vadd.f32 v7, v4;
	v4 =	vld [tilespmem:s7+$0x2F0]  }
.Ltmp2:
0x2a9: {  	v7 =	vadd.f32 v11, v3;
	v3 =	vld [tilespmem:s7+$0x360];
	(pc) =	sbr.rel @p1 .LBB2_7-.Ltmp2, $4  }
0x2aa: {  	v10 =	vadd.f32 v5, v6;
	v5 =	vld [tilespmem:s7+$0x370]  }
0x2ab: {  	v8 =	vadd.f32 v8, v7;
	v6 =	vld [tilespmem:s7+$0x3E0]  }
0x2ac: {  	v10 =	vadd.f32 v9, v10;
	v7 =	vld [tilespmem:s7+$0x3F0]  }
0x2ad: {  	v9 =	vadd.f32 v12, v8;
	v8 =	vld [tilespmem:s7+$0x460]  }
0x2ae: {  	v4 =	vadd.f32 v4, v10  }
0x2af: {  	v10 =	vld [tilespmem:s7+$0x470]  }
0x2b0: {  	v3 =	vadd.f32 v3, v9;
	v4 =	vadd.f32 v5, v4;
	_ =	sdelay $0x1  }
0x2b1: {  	v3 =	vadd.f32 v6, v3;
	v4 =	vadd.f32 v7, v4;
	_ =	sdelay $0x1  }
0x2b2: {  	v3 =	vadd.f32 v8, v3;
	v4 =	vadd.f32 v10, v4;
	_ =	sdelay $0x1  }
0x2b3: {  	v3 =	vmul.f32 $9.090909360e-02, v3;
	v4 =	vmul.f32 $9.090909360e-02, v4  }
0x2b4: {  	s1 =	sadd.s32 s8, s9  }
0x2b5: {  	s1 =	sshrl.u32 s1, $0x3;
	v3 =	vpack.i.f32.bf16 v4, v3  }
0x2b6: {  	s1 =	sadd.s32 s6, s1;
	[tilespmem:v2+s13+$0x0 ss:$0x1] =	vst.idx.msk $0xffff, v3  }
0x2b7: {  	[hbm4b:s1+s4] =	stream.linear.scatter [tilespmem:s30], [sflag:$0x6], $0x400, $0x38;
	[tilespmem:$0x19680] =	vst v63  }
0x2b8: {  	s1 =	sadd.s32 @!p0 $0x6, s12  }
0x2b9: {  	s9 =	simm.s32 @!p0 $0x8;
	s7 =	sshll.u32 @!p0 s1, $0x3  }
0x2ba: {  	s13 =	simm.s32 @!p0 $0x4680;
	s1 =	smul.u32 @!p0 $0x140, s1;
	s7 =	sand.u32 @!p0 $0x3FFFFFF8, s7  }
0x2bb: {  	[tilespmem:s13], [sflag:$0x2] =	stream.indirect.gather @!p0 [hbm4b:s3+s9], $0x80, s7, s9, $0xb8;
	[tilespmem:$0x19680] =	vst v63  }
0x2bc: {  	s1 =	sshra.s32 @!p0 s1, $0x2  }
0x2bd: {  	s7 =	simm.s32 @!p0 $0x50;
	s9 =	simm.s32 @!p0 $0x4A80;
	s1 =	sadd.s32 @!p0 $0xE00, s1  }
0x2be: {  	[tilespmem:s9], [sflag:$0x2] =	stream.indirect.gather @!p0 [hbm4b:s3+s7], $0x80, s1, s7, $0xb8;
	[tilespmem:$0x19680] =	vst v63  }
0x2bf: {  	_ =	swait.ge [sflag:s25], $0x2C00  }
0x2c0: {  	[sflag:s25] =	ssyncset.done $0x0  }
0x2c1: {  	s7 =	simm.s32 $0x7700;
	[sflag:s25] =	ssyncadd.s32 $0xFFFFD400  }
0x2c2: {  	v2 =	vld [tilespmem:s7+$0xFFFFFF90]  }
0x2c3: {  	s13 =	simm.s32 $0x0;
	v3 =	vld [tilespmem:s7+$0xFFFFFF80]  }
0x2c4: {  	v4 =	vld [tilespmem:s13+$0x7280]  }
0x2c5: {  	v5 =	vld [tilespmem:s13+$0x7290]  }
0x2c6: {  	v6 =	vld [tilespmem:s7+$0x0]  }
0x2c7: {  	v7 =	vld [tilespmem:s7+$0x10]  }
0x2c8: {  	v8 =	vld [tilespmem:s7+$0x80]  }
0x2c9: {  	v9 =	vld [tilespmem:s7+$0x90]  }
0x2ca: {  	v3 =	vadd.f32 v3, v4;
	v4 =	vld [tilespmem:s7+$0x100];
	v2 =	vadd.f32 v2, v5  }
0x2cb: {  	v5 =	vld [tilespmem:s7+$0x110]  }
0x2cc: {  	v3 =	vadd.f32 v6, v3;
	v6 =	vld [tilespmem:s7+$0x180];
	v2 =	vadd.f32 v7, v2  }
0x2cd: {  	v7 =	vld [tilespmem:s7+$0x190]  }
0x2ce: {  	v3 =	vadd.f32 v8, v3;
	v8 =	vld [tilespmem:s7+$0x200];
	v2 =	vadd.f32 v9, v2  }
0x2cf: {  	v9 =	vld [tilespmem:s7+$0x210]  }
0x2d0: {  	v3 =	vadd.f32 v4, v3;
	v4 =	vld [tilespmem:s7+$0x280];
	v2 =	vadd.f32 v5, v2  }
0x2d1: {  	v5 =	vld [tilespmem:s7+$0x290]  }
0x2d2: {  	v3 =	vadd.f32 v6, v3;
	v6 =	vld [tilespmem:s7+$0x300];
	v2 =	vadd.f32 v7, v2  }
0x2d3: {  	v7 =	vld [tilespmem:s7+$0x310]  }
0x2d4: {  	v3 =	vadd.f32 v8, v3;
	v8 =	vld [tilespmem:s7+$0x380];
	v2 =	vadd.f32 v9, v2  }
0x2d5: {  	v9 =	vld [tilespmem:s7+$0x390]  }
0x2d6: {  	v3 =	vadd.f32 v4, v3;
	v4 =	vld [tilespmem:s7+$0x400];
	v2 =	vadd.f32 v5, v2  }
0x2d7: {  	v5 =	vld [tilespmem:s7+$0x410]  }
0x2d8: {  	v3 =	vadd.f32 v6, v3;
	v2 =	vadd.f32 v7, v2;
	_ =	sdelay $0x1  }
0x2d9: {  	v3 =	vadd.f32 v8, v3;
	v6 =	vadd.f32 v9, v2;
	_ =	sdelay $0x1  }
0x2da: {  	v2 =	vmov s15;
	v3 =	vadd.f32 v4, v3;
	v4 =	vadd.f32 v5, v6;
	_ =	sdelay $0x1  }
0x2db: {  	v3 =	vmul.f32 $9.090909360e-02, v3;
	v4 =	vmul.f32 $9.090909360e-02, v4;
	_ =	sdelay $0x1  }
0x2dc: {  	v3 =	vpack.i.f32.bf16 v4, v3  }
0x2dd: {  	[tilespmem:v2+s13+$0xFFFFFFD0 ss:$0x1] =	vst.idx.msk $0xffff, v3  }
0x2de: {  	v3 =	vld [tilespmem:s7+$0xFFFFFFB0]  }
0x2df: {  	v4 =	vld [tilespmem:s13+$0x72A0]  }
0x2e0: {  	v5 =	vld [tilespmem:s13+$0x72B0]  }
0x2e1: {  	v6 =	vld [tilespmem:s7+$0xFFFFFFA0]  }
0x2e2: {  	v7 =	vld [tilespmem:s7+$0x30]  }
0x2e3: {  	v8 =	vld [tilespmem:s7+$0x20]  }
0x2e4: {  	v9 =	vld [tilespmem:s7+$0xB0]  }
0x2e5: {  	v10 =	vld [tilespmem:s7+$0xA0]  }
0x2e6: {  	v3 =	vadd.f32 v3, v5;
	v4 =	vadd.f32 v6, v4;
	v5 =	vld [tilespmem:s7+$0x130]  }
0x2e7: {  	v6 =	vld [tilespmem:s7+$0x120]  }
0x2e8: {  	v3 =	vadd.f32 v7, v3;
	v4 =	vadd.f32 v8, v4;
	v7 =	vld [tilespmem:s7+$0x1B0]  }
0x2e9: {  	v8 =	vld [tilespmem:s7+$0x1A0]  }
0x2ea: {  	v3 =	vadd.f32 v9, v3;
	v4 =	vadd.f32 v10, v4;
	v9 =	vld [tilespmem:s7+$0x230]  }
0x2eb: {  	v10 =	vld [tilespmem:s7+$0x220]  }
0x2ec: {  	v3 =	vadd.f32 v5, v3;
	v4 =	vadd.f32 v6, v4;
	v5 =	vld [tilespmem:s7+$0x2B0]  }
0x2ed: {  	v6 =	vld [tilespmem:s7+$0x2A0]  }
0x2ee: {  	v3 =	vadd.f32 v7, v3;
	v4 =	vadd.f32 v8, v4;
	v7 =	vld [tilespmem:s7+$0x330]  }
0x2ef: {  	v8 =	vld [tilespmem:s7+$0x320]  }
0x2f0: {  	v3 =	vadd.f32 v9, v3;
	v4 =	vadd.f32 v10, v4;
	v9 =	vld [tilespmem:s7+$0x3B0]  }
0x2f1: {  	v10 =	vld [tilespmem:s7+$0x3A0]  }
0x2f2: {  	v3 =	vadd.f32 v5, v3;
	v4 =	vadd.f32 v6, v4;
	v5 =	vld [tilespmem:s7+$0x430]  }
0x2f3: {  	v6 =	vld [tilespmem:s7+$0x420]  }
0x2f4: {  	v3 =	vadd.f32 v7, v3;
	v4 =	vadd.f32 v8, v4;
	_ =	sdelay $0x1  }
0x2f5: {  	v3 =	vadd.f32 v9, v3;
	v4 =	vadd.f32 v10, v4;
	_ =	sdelay $0x1  }
0x2f6: {  	v4 =	vadd.f32 v6, v4;
	v3 =	vadd.f32 v5, v3;
	_ =	sdelay $0x1  }
0x2f7: {  	v4 =	vmul.f32 $9.090909360e-02, v4;
	v3 =	vmul.f32 $9.090909360e-02, v3;
	_ =	sdelay $0x1  }
0x2f8: {  	v3 =	vpack.i.f32.bf16 v3, v4  }
0x2f9: {  	[tilespmem:v2+s13+$0xFFFFFFE0 ss:$0x1] =	vst.idx.msk $0xffff, v3  }
0x2fa: {  	v3 =	vld [tilespmem:s7+$0xFFFFFFD0]  }
0x2fb: {  	v4 =	vld [tilespmem:s7+$0xFFFFFFC0]  }
0x2fc: {  	v5 =	vld [tilespmem:s13+$0x72C0]  }
0x2fd: {  	v6 =	vld [tilespmem:s13+$0x72D0]  }
0x2fe: {  	v7 =	vld [tilespmem:s7+$0x40]  }
0x2ff: {  	v8 =	vld [tilespmem:s7+$0x50]  }
0x300: {  	v9 =	vld [tilespmem:s7+$0xC0]  }
0x301: {  	v10 =	vld [tilespmem:s7+$0xD0]  }
0x302: {  	v4 =	vadd.f32 v4, v5;
	v5 =	vld [tilespmem:s7+$0x140];
	v3 =	vadd.f32 v3, v6  }
0x303: {  	v6 =	vld [tilespmem:s7+$0x150]  }
0x304: {  	v4 =	vadd.f32 v7, v4;
	v7 =	vld [tilespmem:s7+$0x1C0];
	v3 =	vadd.f32 v8, v3  }
0x305: {  	v8 =	vld [tilespmem:s7+$0x1D0]  }
0x306: {  	v4 =	vadd.f32 v9, v4;
	v9 =	vld [tilespmem:s7+$0x240];
	v3 =	vadd.f32 v10, v3  }
0x307: {  	v10 =	vld [tilespmem:s7+$0x250]  }
0x308: {  	v4 =	vadd.f32 v5, v4;
	v5 =	vld [tilespmem:s7+$0x2C0];
	v3 =	vadd.f32 v6, v3  }
0x309: {  	v6 =	vld [tilespmem:s7+$0x2D0]  }
0x30a: {  	v4 =	vadd.f32 v7, v4;
	v7 =	vld [tilespmem:s7+$0x340];
	v3 =	vadd.f32 v8, v3  }
0x30b: {  	v8 =	vld [tilespmem:s7+$0x350]  }
0x30c: {  	v4 =	vadd.f32 v9, v4;
	v9 =	vld [tilespmem:s7+$0x3C0];
	v3 =	vadd.f32 v10, v3  }
0x30d: {  	v10 =	vld [tilespmem:s7+$0x3D0]  }
0x30e: {  	v4 =	vadd.f32 v5, v4;
	v5 =	vld [tilespmem:s7+$0x440];
	v3 =	vadd.f32 v6, v3  }
0x30f: {  	v6 =	vld [tilespmem:s7+$0x450]  }
0x310: {  	v4 =	vadd.f32 v7, v4;
	v3 =	vadd.f32 v8, v3;
	_ =	sdelay $0x1  }
0x311: {  	v4 =	vadd.f32 v9, v4;
	v3 =	vadd.f32 v10, v3;
	_ =	sdelay $0x1  }
0x312: {  	v4 =	vadd.f32 v5, v4;
	v3 =	vadd.f32 v6, v3;
	_ =	sdelay $0x1  }
0x313: {  	v4 =	vmul.f32 $9.090909360e-02, v4;
	v3 =	vmul.f32 $9.090909360e-02, v3;
	_ =	sdelay $0x1  }
0x314: {  	v3 =	vpack.i.f32.bf16 v3, v4  }
0x315: {  	[tilespmem:v2+s13+$0xFFFFFFF0 ss:$0x1] =	vst.idx.msk $0xffff, v3  }
0x316: {  	v3 =	vld [tilespmem:s7+$0x60]  }
0x317: {  	v4 =	vld [tilespmem:s13+$0x72E0]  }
0x318: {  	v5 =	vld [tilespmem:s7+$0xFFFFFFF0]  }
0x319: {  	v6 =	vld [tilespmem:s7+$0xFFFFFFE0]  }
0x31a: {  	v7 =	vld [tilespmem:s13+$0x72F0]  }
0x31b: {  	v8 =	vld [tilespmem:s7+$0x70]  }
0x31c: {  	v9 =	vld [tilespmem:s7+$0xE0]  }
0x31d: {  	v10 =	vld [tilespmem:s7+$0xF0]  }
0x31e: {  	v11 =	vld [tilespmem:s7+$0x170];
	v4 =	vadd.f32 v6, v4  }
0x31f: {  	v6 =	vld [tilespmem:s7+$0x160]  }
0x320: {  	v12 =	vld [tilespmem:s7+$0x1F0];
	v5 =	vadd.f32 v5, v7;
	v3 =	vadd.f32 v3, v4  }
0x321: {  	v7 =	vld [tilespmem:s7+$0x1E0]  }
0x322: {  	v13 =	vld [tilespmem:s7+$0x2E0];
	v4 =	vadd.f32 v8, v5;
	v3 =	vadd.f32 v9, v3  }
0x323: {  	v8 =	vld [tilespmem:s7+$0x260]  }
0x324: {  	v9 =	vld [tilespmem:s7+$0x270];
	v5 =	vadd.f32 v10, v4;
	v3 =	vadd.f32 v6, v3  }
0x325: {  	v4 =	vld [tilespmem:s7+$0x2F0]  }
0x326: {  	v6 =	vadd.f32 v11, v5;
	v5 =	vld [tilespmem:s7+$0x370];
	v7 =	vadd.f32 v7, v3  }
0x327: {  	s9 =	sadd.s32 $0x2, s12;
	v3 =	vld [tilespmem:s7+$0x360]  }
0x328: {  	s9 =	sshll.u32 s9, $0xA;
	v10 =	vadd.f32 v12, v6;
	v6 =	vld [tilespmem:s7+$0x3E0];
	v8 =	vadd.f32 v8, v7  }
0x329: {  	s1 =	sand.u32 $0x3FFFFC00, s9;
	v7 =	vld [tilespmem:s7+$0x3F0]  }
0x32a: {  	s31 =	simm.s32 $0x200;
	s30 =	sadd.s32 $0xF680, s1;
	v10 =	vadd.f32 v9, v10;
	v9 =	vadd.f32 v13, v8;
	v8 =	vld [tilespmem:s7+$0x460]  }
.LBB2_9:
0x32b: {  	p1 =	sne.s32 s31, $0xE00  }
0x32c: {  	v4 =	vadd.f32 v4, v10;
	v10 =	vld [tilespmem:s7+$0x470];
	s7 =	sadd.s32 $0x500, s7;
	s1 =	smov.u32 s31;
	s31 =	sadd.s32 $0x200, s31  }
0x32d: {  	v3 =	vadd.f32 v3, v9  }
0x32e: {  	v4 =	vadd.f32 v5, v4  }
0x32f: {  	v3 =	vadd.f32 v6, v3  }
0x330: {  	v4 =	vadd.f32 v7, v4  }
0x331: {  	v3 =	vadd.f32 v8, v3  }
0x332: {  	v4 =	vadd.f32 v10, v4  }
0x333: {  	v3 =	vmul.f32 $9.090909360e-02, v3  }
0x334: {  	v4 =	vmul.f32 $9.090909360e-02, v4;
	_ =	sdelay $0x1  }
0x335: {  	v3 =	vpack.i.f32.bf16 v4, v3  }
0x336: {  	[tilespmem:v2+s13+$0x0 ss:$0x1] =	vst.idx.msk $0xffff, v3  }
0x337: {  	v3 =	vld [tilespmem:s7+$0xFFFFFF90]  }
0x338: {  	s13 =	sshra.s32 s1, $0x2;
	v4 =	vld [tilespmem:s7+$0xFFFFFF80]  }
0x339: {  	v5 =	vld [tilespmem:s13+$0x7280]  }
0x33a: {  	v6 =	vld [tilespmem:s13+$0x7290]  }
0x33b: {  	v7 =	vld [tilespmem:s7+$0x0]  }
0x33c: {  	v8 =	vld [tilespmem:s7+$0x10]  }
0x33d: {  	v9 =	vld [tilespmem:s7+$0x80]  }
0x33e: {  	v4 =	vadd.f32 v4, v5;
	v5 =	vld [tilespmem:s7+$0x90]  }
0x33f: {  	v10 =	vld [tilespmem:s7+$0x100];
	v3 =	vadd.f32 v3, v6  }
0x340: {  	v4 =	vadd.f32 v7, v4;
	v6 =	vld [tilespmem:s7+$0x110]  }
0x341: {  	v7 =	vld [tilespmem:s7+$0x180];
	v3 =	vadd.f32 v8, v3  }
0x342: {  	v4 =	vadd.f32 v9, v4;
	v8 =	vld [tilespmem:s7+$0x190]  }
0x343: {  	v9 =	vld [tilespmem:s7+$0x200];
	v3 =	vadd.f32 v5, v3  }
0x344: {  	v4 =	vadd.f32 v10, v4;
	v5 =	vld [tilespmem:s7+$0x210]  }
0x345: {  	v10 =	vld [tilespmem:s7+$0x280];
	v3 =	vadd.f32 v6, v3  }
0x346: {  	v4 =	vadd.f32 v7, v4;
	v6 =	vld [tilespmem:s7+$0x290]  }
0x347: {  	v7 =	vld [tilespmem:s7+$0x300];
	v3 =	vadd.f32 v8, v3  }
0x348: {  	v4 =	vadd.f32 v9, v4;
	v8 =	vld [tilespmem:s7+$0x310]  }
0x349: {  	v9 =	vld [tilespmem:s7+$0x380];
	v3 =	vadd.f32 v5, v3  }
0x34a: {  	v4 =	vadd.f32 v10, v4;
	v5 =	vld [tilespmem:s7+$0x390]  }
0x34b: {  	v10 =	vld [tilespmem:s7+$0x400];
	v3 =	vadd.f32 v6, v3  }
0x34c: {  	v4 =	vadd.f32 v7, v4;
	v6 =	vld [tilespmem:s7+$0x410]  }
0x34d: {  	v3 =	vadd.f32 v8, v3  }
0x34e: {  	v4 =	vadd.f32 v9, v4  }
0x34f: {  	v3 =	vadd.f32 v5, v3  }
0x350: {  	v4 =	vadd.f32 v10, v4  }
0x351: {  	v3 =	vadd.f32 v6, v3  }
0x352: {  	v4 =	vmul.f32 $9.090909360e-02, v4  }
0x353: {  	v3 =	vmul.f32 $9.090909360e-02, v3;
	_ =	sdelay $0x1  }
0x354: {  	v3 =	vpack.i.f32.bf16 v3, v4  }
0x355: {  	[tilespmem:v2+s13+$0xFFFFFFD0 ss:$0x1] =	vst.idx.msk $0xffff, v3  }
0x356: {  	v3 =	vld [tilespmem:s7+$0xFFFFFFB0]  }
0x357: {  	v4 =	vld [tilespmem:s13+$0x72A0]  }
0x358: {  	v5 =	vld [tilespmem:s13+$0x72B0]  }
0x359: {  	v6 =	vld [tilespmem:s7+$0xFFFFFFA0]  }
0x35a: {  	v7 =	vld [tilespmem:s7+$0x30]  }
0x35b: {  	v8 =	vld [tilespmem:s7+$0x20]  }
0x35c: {  	v9 =	vld [tilespmem:s7+$0xB0]  }
0x35d: {  	v10 =	vld [tilespmem:s7+$0xA0];
	v3 =	vadd.f32 v3, v5  }
0x35e: {  	v4 =	vadd.f32 v6, v4;
	v5 =	vld [tilespmem:s7+$0x130]  }
0x35f: {  	v6 =	vld [tilespmem:s7+$0x120];
	v3 =	vadd.f32 v7, v3  }
0x360: {  	v4 =	vadd.f32 v8, v4;
	v7 =	vld [tilespmem:s7+$0x1B0]  }
0x361: {  	v8 =	vld [tilespmem:s7+$0x1A0];
	v3 =	vadd.f32 v9, v3  }
0x362: {  	v4 =	vadd.f32 v10, v4;
	v9 =	vld [tilespmem:s7+$0x230]  }
0x363: {  	v10 =	vld [tilespmem:s7+$0x220];
	v3 =	vadd.f32 v5, v3  }
0x364: {  	v4 =	vadd.f32 v6, v4;
	v5 =	vld [tilespmem:s7+$0x2B0]  }
0x365: {  	v6 =	vld [tilespmem:s7+$0x2A0];
	v3 =	vadd.f32 v7, v3  }
0x366: {  	v4 =	vadd.f32 v8, v4;
	v7 =	vld [tilespmem:s7+$0x330]  }
0x367: {  	v8 =	vld [tilespmem:s7+$0x320];
	v3 =	vadd.f32 v9, v3  }
0x368: {  	v4 =	vadd.f32 v10, v4;
	v9 =	vld [tilespmem:s7+$0x3B0]  }
0x369: {  	v10 =	vld [tilespmem:s7+$0x3A0];
	v3 =	vadd.f32 v5, v3  }
0x36a: {  	v4 =	vadd.f32 v6, v4;
	v5 =	vld [tilespmem:s7+$0x430]  }
0x36b: {  	v6 =	vld [tilespmem:s7+$0x420];
	v3 =	vadd.f32 v7, v3  }
0x36c: {  	v4 =	vadd.f32 v8, v4  }
0x36d: {  	v3 =	vadd.f32 v9, v3  }
0x36e: {  	v4 =	vadd.f32 v10, v4;
	_ =	sdelay $0x1  }
0x36f: {  	v3 =	vadd.f32 v5, v3;
	v4 =	vadd.f32 v6, v4;
	_ =	sdelay $0x1  }
0x370: {  	v3 =	vmul.f32 $9.090909360e-02, v3;
	v4 =	vmul.f32 $9.090909360e-02, v4;
	_ =	sdelay $0x1  }
0x371: {  	v3 =	vpack.i.f32.bf16 v3, v4  }
0x372: {  	[tilespmem:v2+s13+$0xFFFFFFE0 ss:$0x1] =	vst.idx.msk $0xffff, v3  }
0x373: {  	v3 =	vld [tilespmem:s7+$0xFFFFFFD0]  }
0x374: {  	v4 =	vld [tilespmem:s7+$0xFFFFFFC0]  }
0x375: {  	v5 =	vld [tilespmem:s13+$0x72C0]  }
0x376: {  	v6 =	vld [tilespmem:s13+$0x72D0]  }
0x377: {  	v7 =	vld [tilespmem:s7+$0x40]  }
0x378: {  	v8 =	vld [tilespmem:s7+$0x50]  }
0x379: {  	v9 =	vld [tilespmem:s7+$0xC0]  }
0x37a: {  	v4 =	vadd.f32 v4, v5;
	v5 =	vld [tilespmem:s7+$0xD0]  }
0x37b: {  	v10 =	vld [tilespmem:s7+$0x140];
	v3 =	vadd.f32 v3, v6  }
0x37c: {  	v4 =	vadd.f32 v7, v4;
	v6 =	vld [tilespmem:s7+$0x150]  }
0x37d: {  	v7 =	vld [tilespmem:s7+$0x1C0];
	v3 =	vadd.f32 v8, v3  }
0x37e: {  	v4 =	vadd.f32 v9, v4;
	v8 =	vld [tilespmem:s7+$0x1D0]  }
0x37f: {  	v9 =	vld [tilespmem:s7+$0x240];
	v3 =	vadd.f32 v5, v3  }
0x380: {  	v4 =	vadd.f32 v10, v4;
	v5 =	vld [tilespmem:s7+$0x250]  }
0x381: {  	v10 =	vld [tilespmem:s7+$0x2C0];
	v3 =	vadd.f32 v6, v3  }
0x382: {  	v4 =	vadd.f32 v7, v4;
	v6 =	vld [tilespmem:s7+$0x2D0]  }
0x383: {  	v7 =	vld [tilespmem:s7+$0x340];
	v3 =	vadd.f32 v8, v3  }
0x384: {  	v4 =	vadd.f32 v9, v4;
	v8 =	vld [tilespmem:s7+$0x350]  }
0x385: {  	v9 =	vld [tilespmem:s7+$0x3C0];
	v3 =	vadd.f32 v5, v3  }
0x386: {  	v4 =	vadd.f32 v10, v4;
	v5 =	vld [tilespmem:s7+$0x3D0]  }
0x387: {  	v10 =	vld [tilespmem:s7+$0x440];
	v3 =	vadd.f32 v6, v3  }
0x388: {  	v4 =	vadd.f32 v7, v4;
	v6 =	vld [tilespmem:s7+$0x450]  }
0x389: {  	v3 =	vadd.f32 v8, v3  }
0x38a: {  	v4 =	vadd.f32 v9, v4  }
0x38b: {  	v3 =	vadd.f32 v5, v3  }
0x38c: {  	v4 =	vadd.f32 v10, v4  }
0x38d: {  	v3 =	vadd.f32 v6, v3;
	_ =	sdelay $0x1  }
0x38e: {  	v4 =	vmul.f32 $9.090909360e-02, v4;
	v3 =	vmul.f32 $9.090909360e-02, v3;
	_ =	sdelay $0x1  }
0x38f: {  	v3 =	vpack.i.f32.bf16 v3, v4  }
0x390: {  	[tilespmem:v2+s13+$0xFFFFFFF0 ss:$0x1] =	vst.idx.msk $0xffff, v3  }
0x391: {  	v3 =	vld [tilespmem:s7+$0x60]  }
0x392: {  	v4 =	vld [tilespmem:s13+$0x72E0]  }
0x393: {  	v5 =	vld [tilespmem:s7+$0xFFFFFFF0]  }
0x394: {  	v6 =	vld [tilespmem:s7+$0xFFFFFFE0]  }
0x395: {  	v7 =	vld [tilespmem:s13+$0x72F0]  }
0x396: {  	v8 =	vld [tilespmem:s7+$0x70]  }
0x397: {  	v9 =	vld [tilespmem:s7+$0xE0]  }
0x398: {  	v10 =	vld [tilespmem:s7+$0xF0]  }
0x399: {  	v4 =	vadd.f32 v6, v4;
	v6 =	vld [tilespmem:s7+$0x160]  }
0x39a: {  	v5 =	vadd.f32 v5, v7;
	v7 =	vld [tilespmem:s7+$0x170]  }
0x39b: {  	v3 =	vadd.f32 v3, v4;
	v11 =	vld [tilespmem:s7+$0x1E0]  }
0x39c: {  	v4 =	vadd.f32 v8, v5;
	v5 =	vld [tilespmem:s7+$0x1F0]  }
0x39d: {  	v3 =	vadd.f32 v9, v3;
	v8 =	vld [tilespmem:s7+$0x260]  }
0x39e: {  	v4 =	vadd.f32 v10, v4;
	v9 =	vld [tilespmem:s7+$0x270]  }
0x39f: {  	v3 =	vadd.f32 v6, v3;
	v12 =	vld [tilespmem:s7+$0x2E0]  }
0x3a0: {  	v6 =	vadd.f32 v7, v4;
	v4 =	vld [tilespmem:s7+$0x2F0]  }
.Ltmp3:
0x3a1: {  	v7 =	vadd.f32 v11, v3;
	v3 =	vld [tilespmem:s7+$0x360];
	(pc) =	sbr.rel @p1 .LBB2_9-.Ltmp3, $4  }
0x3a2: {  	v10 =	vadd.f32 v5, v6;
	v5 =	vld [tilespmem:s7+$0x370]  }
0x3a3: {  	v8 =	vadd.f32 v8, v7;
	v6 =	vld [tilespmem:s7+$0x3E0]  }
0x3a4: {  	v10 =	vadd.f32 v9, v10;
	v7 =	vld [tilespmem:s7+$0x3F0]  }
0x3a5: {  	v9 =	vadd.f32 v12, v8;
	v8 =	vld [tilespmem:s7+$0x460]  }
0x3a6: {  	v4 =	vadd.f32 v4, v10  }
0x3a7: {  	v10 =	vld [tilespmem:s7+$0x470]  }
0x3a8: {  	v3 =	vadd.f32 v3, v9;
	v4 =	vadd.f32 v5, v4;
	_ =	sdelay $0x1  }
0x3a9: {  	v3 =	vadd.f32 v6, v3;
	v4 =	vadd.f32 v7, v4;
	_ =	sdelay $0x1  }
0x3aa: {  	v3 =	vadd.f32 v8, v3;
	v4 =	vadd.f32 v10, v4;
	_ =	sdelay $0x1  }
0x3ab: {  	v3 =	vmul.f32 $9.090909360e-02, v3;
	v4 =	vmul.f32 $9.090909360e-02, v4  }
0x3ac: {  	s1 =	sadd.s32 s8, s9  }
0x3ad: {  	s1 =	sshrl.u32 s1, $0x3;
	v3 =	vpack.i.f32.bf16 v4, v3  }
0x3ae: {  	s1 =	sadd.s32 s6, s1;
	[tilespmem:v2+s13+$0x0 ss:$0x1] =	vst.idx.msk $0xffff, v3  }
0x3af: {  	[hbm4b:s1+s4] =	stream.linear.scatter [tilespmem:s30], [sflag:$0x6], $0x400, $0x38;
	[tilespmem:$0x19680] =	vst v63  }
0x3b0: {  	s1 =	sadd.s32 @!p0 $0x7, s12  }
0x3b1: {  	s9 =	simm.s32 @!p0 $0x8;
	s7 =	sshll.u32 @!p0 s1, $0x3  }
0x3b2: {  	s13 =	simm.s32 @!p0 $0x7280;
	s1 =	smul.u32 @!p0 $0x140, s1;
	s7 =	sand.u32 @!p0 $0x3FFFFFF8, s7  }
0x3b3: {  	[tilespmem:s13], [sflag:$0x3] =	stream.indirect.gather @!p0 [hbm4b:s3+s9], $0x80, s7, s9, $0xb8;
	[tilespmem:$0x19680] =	vst v63  }
0x3b4: {  	s1 =	sshra.s32 @!p0 s1, $0x2  }
0x3b5: {  	s7 =	simm.s32 @!p0 $0x50;
	s9 =	simm.s32 @!p0 $0x7680;
	s1 =	sadd.s32 @!p0 $0xE00, s1  }
0x3b6: {  	[tilespmem:s9], [sflag:$0x3] =	stream.indirect.gather @!p0 [hbm4b:s3+s7], $0x80, s1, s7, $0xb8;
	[tilespmem:$0x19680] =	vst v63  }
0x3b7: {  	_ =	swait.ge [sflag:s28], $0x2C00  }
0x3b8: {  	[sflag:s28] =	ssyncset.done $0x0  }
0x3b9: {  	s7 =	simm.s32 $0xA300;
	[sflag:s28] =	ssyncadd.s32 $0xFFFFD400  }
0x3ba: {  	v2 =	vld [tilespmem:s7+$0xFFFFFF90]  }
0x3bb: {  	s13 =	simm.s32 $0x0;
	v3 =	vld [tilespmem:s7+$0xFFFFFF80]  }
0x3bc: {  	v4 =	vld [tilespmem:s13+$0x9E80]  }
0x3bd: {  	v5 =	vld [tilespmem:s13+$0x9E90]  }
0x3be: {  	v6 =	vld [tilespmem:s7+$0x0]  }
0x3bf: {  	v7 =	vld [tilespmem:s7+$0x10]  }
0x3c0: {  	v8 =	vld [tilespmem:s7+$0x80]  }
0x3c1: {  	v9 =	vld [tilespmem:s7+$0x90]  }
0x3c2: {  	v3 =	vadd.f32 v3, v4;
	v4 =	vld [tilespmem:s7+$0x100];
	v2 =	vadd.f32 v2, v5  }
0x3c3: {  	v5 =	vld [tilespmem:s7+$0x110]  }
0x3c4: {  	v3 =	vadd.f32 v6, v3;
	v6 =	vld [tilespmem:s7+$0x180];
	v2 =	vadd.f32 v7, v2  }
0x3c5: {  	v7 =	vld [tilespmem:s7+$0x190]  }
0x3c6: {  	v3 =	vadd.f32 v8, v3;
	v8 =	vld [tilespmem:s7+$0x200];
	v2 =	vadd.f32 v9, v2  }
0x3c7: {  	v9 =	vld [tilespmem:s7+$0x210]  }
0x3c8: {  	v3 =	vadd.f32 v4, v3;
	v4 =	vld [tilespmem:s7+$0x280];
	v2 =	vadd.f32 v5, v2  }
0x3c9: {  	v5 =	vld [tilespmem:s7+$0x290]  }
0x3ca: {  	v3 =	vadd.f32 v6, v3;
	v6 =	vld [tilespmem:s7+$0x300];
	v2 =	vadd.f32 v7, v2  }
0x3cb: {  	v7 =	vld [tilespmem:s7+$0x310]  }
0x3cc: {  	v3 =	vadd.f32 v8, v3;
	v8 =	vld [tilespmem:s7+$0x380];
	v2 =	vadd.f32 v9, v2  }
0x3cd: {  	v9 =	vld [tilespmem:s7+$0x390]  }
0x3ce: {  	v3 =	vadd.f32 v4, v3;
	v4 =	vld [tilespmem:s7+$0x400];
	v2 =	vadd.f32 v5, v2  }
0x3cf: {  	v5 =	vld [tilespmem:s7+$0x410]  }
0x3d0: {  	v3 =	vadd.f32 v6, v3;
	v2 =	vadd.f32 v7, v2;
	_ =	sdelay $0x1  }
0x3d1: {  	v3 =	vadd.f32 v8, v3;
	v6 =	vadd.f32 v9, v2;
	_ =	sdelay $0x1  }
0x3d2: {  	v2 =	vmov s16;
	v3 =	vadd.f32 v4, v3;
	v4 =	vadd.f32 v5, v6;
	_ =	sdelay $0x1  }
0x3d3: {  	v3 =	vmul.f32 $9.090909360e-02, v3;
	v4 =	vmul.f32 $9.090909360e-02, v4;
	_ =	sdelay $0x1  }
0x3d4: {  	v3 =	vpack.i.f32.bf16 v4, v3  }
0x3d5: {  	[tilespmem:v2+s13+$0xFFFFFFD0 ss:$0x1] =	vst.idx.msk $0xffff, v3  }
0x3d6: {  	v3 =	vld [tilespmem:s7+$0xFFFFFFB0]  }
0x3d7: {  	v4 =	vld [tilespmem:s13+$0x9EA0]  }
0x3d8: {  	v5 =	vld [tilespmem:s13+$0x9EB0]  }
0x3d9: {  	v6 =	vld [tilespmem:s7+$0xFFFFFFA0]  }
0x3da: {  	v7 =	vld [tilespmem:s7+$0x30]  }
0x3db: {  	v8 =	vld [tilespmem:s7+$0x20]  }
0x3dc: {  	v9 =	vld [tilespmem:s7+$0xB0]  }
0x3dd: {  	v10 =	vld [tilespmem:s7+$0xA0]  }
0x3de: {  	v3 =	vadd.f32 v3, v5;
	v4 =	vadd.f32 v6, v4;
	v5 =	vld [tilespmem:s7+$0x130]  }
0x3df: {  	v6 =	vld [tilespmem:s7+$0x120]  }
0x3e0: {  	v3 =	vadd.f32 v7, v3;
	v4 =	vadd.f32 v8, v4;
	v7 =	vld [tilespmem:s7+$0x1B0]  }
0x3e1: {  	v8 =	vld [tilespmem:s7+$0x1A0]  }
0x3e2: {  	v3 =	vadd.f32 v9, v3;
	v4 =	vadd.f32 v10, v4;
	v9 =	vld [tilespmem:s7+$0x230]  }
0x3e3: {  	v10 =	vld [tilespmem:s7+$0x220]  }
0x3e4: {  	v3 =	vadd.f32 v5, v3;
	v4 =	vadd.f32 v6, v4;
	v5 =	vld [tilespmem:s7+$0x2B0]  }
0x3e5: {  	v6 =	vld [tilespmem:s7+$0x2A0]  }
0x3e6: {  	v3 =	vadd.f32 v7, v3;
	v4 =	vadd.f32 v8, v4;
	v7 =	vld [tilespmem:s7+$0x330]  }
0x3e7: {  	v8 =	vld [tilespmem:s7+$0x320]  }
0x3e8: {  	v3 =	vadd.f32 v9, v3;
	v4 =	vadd.f32 v10, v4;
	v9 =	vld [tilespmem:s7+$0x3B0]  }
0x3e9: {  	v10 =	vld [tilespmem:s7+$0x3A0]  }
0x3ea: {  	v3 =	vadd.f32 v5, v3;
	v4 =	vadd.f32 v6, v4;
	v5 =	vld [tilespmem:s7+$0x430]  }
0x3eb: {  	v6 =	vld [tilespmem:s7+$0x420]  }
0x3ec: {  	v3 =	vadd.f32 v7, v3;
	v4 =	vadd.f32 v8, v4;
	_ =	sdelay $0x1  }
0x3ed: {  	v3 =	vadd.f32 v9, v3;
	v4 =	vadd.f32 v10, v4;
	_ =	sdelay $0x1  }
0x3ee: {  	v4 =	vadd.f32 v6, v4;
	v3 =	vadd.f32 v5, v3;
	_ =	sdelay $0x1  }
0x3ef: {  	v4 =	vmul.f32 $9.090909360e-02, v4;
	v3 =	vmul.f32 $9.090909360e-02, v3;
	_ =	sdelay $0x1  }
0x3f0: {  	v3 =	vpack.i.f32.bf16 v3, v4  }
0x3f1: {  	[tilespmem:v2+s13+$0xFFFFFFE0 ss:$0x1] =	vst.idx.msk $0xffff, v3  }
0x3f2: {  	v3 =	vld [tilespmem:s7+$0xFFFFFFD0]  }
0x3f3: {  	v4 =	vld [tilespmem:s7+$0xFFFFFFC0]  }
0x3f4: {  	v5 =	vld [tilespmem:s13+$0x9EC0]  }
0x3f5: {  	v6 =	vld [tilespmem:s13+$0x9ED0]  }
0x3f6: {  	v7 =	vld [tilespmem:s7+$0x40]  }
0x3f7: {  	v8 =	vld [tilespmem:s7+$0x50]  }
0x3f8: {  	v9 =	vld [tilespmem:s7+$0xC0]  }
0x3f9: {  	v10 =	vld [tilespmem:s7+$0xD0]  }
0x3fa: {  	v4 =	vadd.f32 v4, v5;
	v5 =	vld [tilespmem:s7+$0x140];
	v3 =	vadd.f32 v3, v6  }
0x3fb: {  	v6 =	vld [tilespmem:s7+$0x150]  }
0x3fc: {  	v4 =	vadd.f32 v7, v4;
	v7 =	vld [tilespmem:s7+$0x1C0];
	v3 =	vadd.f32 v8, v3  }
0x3fd: {  	v8 =	vld [tilespmem:s7+$0x1D0]  }
0x3fe: {  	v4 =	vadd.f32 v9, v4;
	v9 =	vld [tilespmem:s7+$0x240];
	v3 =	vadd.f32 v10, v3  }
0x3ff: {  	v10 =	vld [tilespmem:s7+$0x250]  }
0x400: {  	v4 =	vadd.f32 v5, v4;
	v5 =	vld [tilespmem:s7+$0x2C0];
	v3 =	vadd.f32 v6, v3  }
0x401: {  	v6 =	vld [tilespmem:s7+$0x2D0]  }
0x402: {  	v4 =	vadd.f32 v7, v4;
	v7 =	vld [tilespmem:s7+$0x340];
	v3 =	vadd.f32 v8, v3  }
0x403: {  	v8 =	vld [tilespmem:s7+$0x350]  }
0x404: {  	v4 =	vadd.f32 v9, v4;
	v9 =	vld [tilespmem:s7+$0x3C0];
	v3 =	vadd.f32 v10, v3  }
0x405: {  	v10 =	vld [tilespmem:s7+$0x3D0]  }
0x406: {  	v4 =	vadd.f32 v5, v4;
	v5 =	vld [tilespmem:s7+$0x440];
	v3 =	vadd.f32 v6, v3  }
0x407: {  	v6 =	vld [tilespmem:s7+$0x450]  }
0x408: {  	v4 =	vadd.f32 v7, v4;
	v3 =	vadd.f32 v8, v3;
	_ =	sdelay $0x1  }
0x409: {  	v4 =	vadd.f32 v9, v4;
	v3 =	vadd.f32 v10, v3;
	_ =	sdelay $0x1  }
0x40a: {  	v4 =	vadd.f32 v5, v4;
	v3 =	vadd.f32 v6, v3;
	_ =	sdelay $0x1  }
0x40b: {  	v4 =	vmul.f32 $9.090909360e-02, v4;
	v3 =	vmul.f32 $9.090909360e-02, v3;
	_ =	sdelay $0x1  }
0x40c: {  	v3 =	vpack.i.f32.bf16 v3, v4  }
0x40d: {  	[tilespmem:v2+s13+$0xFFFFFFF0 ss:$0x1] =	vst.idx.msk $0xffff, v3  }
0x40e: {  	v3 =	vld [tilespmem:s7+$0x60]  }
0x40f: {  	v4 =	vld [tilespmem:s13+$0x9EE0]  }
0x410: {  	v5 =	vld [tilespmem:s7+$0xFFFFFFF0]  }
0x411: {  	v6 =	vld [tilespmem:s7+$0xFFFFFFE0]  }
0x412: {  	v7 =	vld [tilespmem:s13+$0x9EF0]  }
0x413: {  	v8 =	vld [tilespmem:s7+$0x70]  }
0x414: {  	v9 =	vld [tilespmem:s7+$0xE0]  }
0x415: {  	v10 =	vld [tilespmem:s7+$0xF0]  }
0x416: {  	v11 =	vld [tilespmem:s7+$0x170];
	v4 =	vadd.f32 v6, v4  }
0x417: {  	v6 =	vld [tilespmem:s7+$0x160]  }
0x418: {  	v12 =	vld [tilespmem:s7+$0x1F0];
	v5 =	vadd.f32 v5, v7;
	v3 =	vadd.f32 v3, v4  }
0x419: {  	v7 =	vld [tilespmem:s7+$0x1E0]  }
0x41a: {  	v13 =	vld [tilespmem:s7+$0x2E0];
	v4 =	vadd.f32 v8, v5;
	v3 =	vadd.f32 v9, v3  }
0x41b: {  	v8 =	vld [tilespmem:s7+$0x260]  }
0x41c: {  	v9 =	vld [tilespmem:s7+$0x270];
	v5 =	vadd.f32 v10, v4;
	v3 =	vadd.f32 v6, v3  }
0x41d: {  	v4 =	vld [tilespmem:s7+$0x2F0]  }
0x41e: {  	v6 =	vadd.f32 v11, v5;
	v5 =	vld [tilespmem:s7+$0x370];
	v7 =	vadd.f32 v7, v3  }
0x41f: {  	s9 =	sadd.s32 $0x3, s12;
	v3 =	vld [tilespmem:s7+$0x360]  }
0x420: {  	s9 =	sshll.u32 s9, $0xA;
	v10 =	vadd.f32 v12, v6;
	v6 =	vld [tilespmem:s7+$0x3E0];
	v8 =	vadd.f32 v8, v7  }
0x421: {  	s1 =	sand.u32 $0x3FFFFC00, s9;
	v7 =	vld [tilespmem:s7+$0x3F0]  }
0x422: {  	s31 =	simm.s32 $0x200;
	s30 =	sadd.s32 $0xF680, s1;
	v10 =	vadd.f32 v9, v10;
	v9 =	vadd.f32 v13, v8;
	v8 =	vld [tilespmem:s7+$0x460]  }
.LBB2_11:
0x423: {  	p1 =	sne.s32 s31, $0xE00  }
0x424: {  	v4 =	vadd.f32 v4, v10;
	v10 =	vld [tilespmem:s7+$0x470];
	s7 =	sadd.s32 $0x500, s7;
	s1 =	smov.u32 s31;
	s31 =	sadd.s32 $0x200, s31  }
0x425: {  	v3 =	vadd.f32 v3, v9  }
0x426: {  	v4 =	vadd.f32 v5, v4  }
0x427: {  	v3 =	vadd.f32 v6, v3  }
0x428: {  	v4 =	vadd.f32 v7, v4  }
0x429: {  	v3 =	vadd.f32 v8, v3  }
0x42a: {  	v4 =	vadd.f32 v10, v4  }
0x42b: {  	v3 =	vmul.f32 $9.090909360e-02, v3  }
0x42c: {  	v4 =	vmul.f32 $9.090909360e-02, v4;
	_ =	sdelay $0x1  }
0x42d: {  	v3 =	vpack.i.f32.bf16 v4, v3  }
0x42e: {  	[tilespmem:v2+s13+$0x0 ss:$0x1] =	vst.idx.msk $0xffff, v3  }
0x42f: {  	v3 =	vld [tilespmem:s7+$0xFFFFFF90]  }
0x430: {  	s13 =	sshra.s32 s1, $0x2;
	v4 =	vld [tilespmem:s7+$0xFFFFFF80]  }
0x431: {  	v5 =	vld [tilespmem:s13+$0x9E80]  }
0x432: {  	v6 =	vld [tilespmem:s13+$0x9E90]  }
0x433: {  	v7 =	vld [tilespmem:s7+$0x0]  }
0x434: {  	v8 =	vld [tilespmem:s7+$0x10]  }
0x435: {  	v9 =	vld [tilespmem:s7+$0x80]  }
0x436: {  	v4 =	vadd.f32 v4, v5;
	v5 =	vld [tilespmem:s7+$0x90]  }
0x437: {  	v10 =	vld [tilespmem:s7+$0x100];
	v3 =	vadd.f32 v3, v6  }
0x438: {  	v4 =	vadd.f32 v7, v4;
	v6 =	vld [tilespmem:s7+$0x110]  }
0x439: {  	v7 =	vld [tilespmem:s7+$0x180];
	v3 =	vadd.f32 v8, v3  }
0x43a: {  	v4 =	vadd.f32 v9, v4;
	v8 =	vld [tilespmem:s7+$0x190]  }
0x43b: {  	v9 =	vld [tilespmem:s7+$0x200];
	v3 =	vadd.f32 v5, v3  }
0x43c: {  	v4 =	vadd.f32 v10, v4;
	v5 =	vld [tilespmem:s7+$0x210]  }
0x43d: {  	v10 =	vld [tilespmem:s7+$0x280];
	v3 =	vadd.f32 v6, v3  }
0x43e: {  	v4 =	vadd.f32 v7, v4;
	v6 =	vld [tilespmem:s7+$0x290]  }
0x43f: {  	v7 =	vld [tilespmem:s7+$0x300];
	v3 =	vadd.f32 v8, v3  }
0x440: {  	v4 =	vadd.f32 v9, v4;
	v8 =	vld [tilespmem:s7+$0x310]  }
0x441: {  	v9 =	vld [tilespmem:s7+$0x380];
	v3 =	vadd.f32 v5, v3  }
0x442: {  	v4 =	vadd.f32 v10, v4;
	v5 =	vld [tilespmem:s7+$0x390]  }
0x443: {  	v10 =	vld [tilespmem:s7+$0x400];
	v3 =	vadd.f32 v6, v3  }
0x444: {  	v4 =	vadd.f32 v7, v4;
	v6 =	vld [tilespmem:s7+$0x410]  }
0x445: {  	v3 =	vadd.f32 v8, v3  }
0x446: {  	v4 =	vadd.f32 v9, v4  }
0x447: {  	v3 =	vadd.f32 v5, v3  }
0x448: {  	v4 =	vadd.f32 v10, v4  }
0x449: {  	v3 =	vadd.f32 v6, v3  }
0x44a: {  	v4 =	vmul.f32 $9.090909360e-02, v4  }
0x44b: {  	v3 =	vmul.f32 $9.090909360e-02, v3;
	_ =	sdelay $0x1  }
0x44c: {  	v3 =	vpack.i.f32.bf16 v3, v4  }
0x44d: {  	[tilespmem:v2+s13+$0xFFFFFFD0 ss:$0x1] =	vst.idx.msk $0xffff, v3  }
0x44e: {  	v3 =	vld [tilespmem:s7+$0xFFFFFFB0]  }
0x44f: {  	v4 =	vld [tilespmem:s13+$0x9EA0]  }
0x450: {  	v5 =	vld [tilespmem:s13+$0x9EB0]  }
0x451: {  	v6 =	vld [tilespmem:s7+$0xFFFFFFA0]  }
0x452: {  	v7 =	vld [tilespmem:s7+$0x30]  }
0x453: {  	v8 =	vld [tilespmem:s7+$0x20]  }
0x454: {  	v9 =	vld [tilespmem:s7+$0xB0]  }
0x455: {  	v10 =	vld [tilespmem:s7+$0xA0];
	v3 =	vadd.f32 v3, v5  }
0x456: {  	v4 =	vadd.f32 v6, v4;
	v5 =	vld [tilespmem:s7+$0x130]  }
0x457: {  	v6 =	vld [tilespmem:s7+$0x120];
	v3 =	vadd.f32 v7, v3  }
0x458: {  	v4 =	vadd.f32 v8, v4;
	v7 =	vld [tilespmem:s7+$0x1B0]  }
0x459: {  	v8 =	vld [tilespmem:s7+$0x1A0];
	v3 =	vadd.f32 v9, v3  }
0x45a: {  	v4 =	vadd.f32 v10, v4;
	v9 =	vld [tilespmem:s7+$0x230]  }
0x45b: {  	v10 =	vld [tilespmem:s7+$0x220];
	v3 =	vadd.f32 v5, v3  }
0x45c: {  	v4 =	vadd.f32 v6, v4;
	v5 =	vld [tilespmem:s7+$0x2B0]  }
0x45d: {  	v6 =	vld [tilespmem:s7+$0x2A0];
	v3 =	vadd.f32 v7, v3  }
0x45e: {  	v4 =	vadd.f32 v8, v4;
	v7 =	vld [tilespmem:s7+$0x330]  }
0x45f: {  	v8 =	vld [tilespmem:s7+$0x320];
	v3 =	vadd.f32 v9, v3  }
0x460: {  	v4 =	vadd.f32 v10, v4;
	v9 =	vld [tilespmem:s7+$0x3B0]  }
0x461: {  	v10 =	vld [tilespmem:s7+$0x3A0];
	v3 =	vadd.f32 v5, v3  }
0x462: {  	v4 =	vadd.f32 v6, v4;
	v5 =	vld [tilespmem:s7+$0x430]  }
0x463: {  	v6 =	vld [tilespmem:s7+$0x420];
	v3 =	vadd.f32 v7, v3  }
0x464: {  	v4 =	vadd.f32 v8, v4  }
0x465: {  	v3 =	vadd.f32 v9, v3  }
0x466: {  	v4 =	vadd.f32 v10, v4;
	_ =	sdelay $0x1  }
0x467: {  	v3 =	vadd.f32 v5, v3;
	v4 =	vadd.f32 v6, v4;
	_ =	sdelay $0x1  }
0x468: {  	v3 =	vmul.f32 $9.090909360e-02, v3;
	v4 =	vmul.f32 $9.090909360e-02, v4;
	_ =	sdelay $0x1  }
0x469: {  	v3 =	vpack.i.f32.bf16 v3, v4  }
0x46a: {  	[tilespmem:v2+s13+$0xFFFFFFE0 ss:$0x1] =	vst.idx.msk $0xffff, v3  }
0x46b: {  	v3 =	vld [tilespmem:s7+$0xFFFFFFD0]  }
0x46c: {  	v4 =	vld [tilespmem:s7+$0xFFFFFFC0]  }
0x46d: {  	v5 =	vld [tilespmem:s13+$0x9EC0]  }
0x46e: {  	v6 =	vld [tilespmem:s13+$0x9ED0]  }
0x46f: {  	v7 =	vld [tilespmem:s7+$0x40]  }
0x470: {  	v8 =	vld [tilespmem:s7+$0x50]  }
0x471: {  	v9 =	vld [tilespmem:s7+$0xC0]  }
0x472: {  	v4 =	vadd.f32 v4, v5;
	v5 =	vld [tilespmem:s7+$0xD0]  }
0x473: {  	v10 =	vld [tilespmem:s7+$0x140];
	v3 =	vadd.f32 v3, v6  }
0x474: {  	v4 =	vadd.f32 v7, v4;
	v6 =	vld [tilespmem:s7+$0x150]  }
0x475: {  	v7 =	vld [tilespmem:s7+$0x1C0];
	v3 =	vadd.f32 v8, v3  }
0x476: {  	v4 =	vadd.f32 v9, v4;
	v8 =	vld [tilespmem:s7+$0x1D0]  }
0x477: {  	v9 =	vld [tilespmem:s7+$0x240];
	v3 =	vadd.f32 v5, v3  }
0x478: {  	v4 =	vadd.f32 v10, v4;
	v5 =	vld [tilespmem:s7+$0x250]  }
0x479: {  	v10 =	vld [tilespmem:s7+$0x2C0];
	v3 =	vadd.f32 v6, v3  }
0x47a: {  	v4 =	vadd.f32 v7, v4;
	v6 =	vld [tilespmem:s7+$0x2D0]  }
0x47b: {  	v7 =	vld [tilespmem:s7+$0x340];
	v3 =	vadd.f32 v8, v3  }
0x47c: {  	v4 =	vadd.f32 v9, v4;
	v8 =	vld [tilespmem:s7+$0x350]  }
0x47d: {  	v9 =	vld [tilespmem:s7+$0x3C0];
	v3 =	vadd.f32 v5, v3  }
0x47e: {  	v4 =	vadd.f32 v10, v4;
	v5 =	vld [tilespmem:s7+$0x3D0]  }
0x47f: {  	v10 =	vld [tilespmem:s7+$0x440];
	v3 =	vadd.f32 v6, v3  }
0x480: {  	v4 =	vadd.f32 v7, v4;
	v6 =	vld [tilespmem:s7+$0x450]  }
0x481: {  	v3 =	vadd.f32 v8, v3  }
0x482: {  	v4 =	vadd.f32 v9, v4  }
0x483: {  	v3 =	vadd.f32 v5, v3  }
0x484: {  	v4 =	vadd.f32 v10, v4  }
0x485: {  	v3 =	vadd.f32 v6, v3;
	_ =	sdelay $0x1  }
0x486: {  	v4 =	vmul.f32 $9.090909360e-02, v4;
	v3 =	vmul.f32 $9.090909360e-02, v3;
	_ =	sdelay $0x1  }
0x487: {  	v3 =	vpack.i.f32.bf16 v3, v4  }
0x488: {  	[tilespmem:v2+s13+$0xFFFFFFF0 ss:$0x1] =	vst.idx.msk $0xffff, v3  }
0x489: {  	v3 =	vld [tilespmem:s7+$0x60]  }
0x48a: {  	v4 =	vld [tilespmem:s13+$0x9EE0]  }
0x48b: {  	v5 =	vld [tilespmem:s7+$0xFFFFFFF0]  }
0x48c: {  	v6 =	vld [tilespmem:s7+$0xFFFFFFE0]  }
0x48d: {  	v7 =	vld [tilespmem:s13+$0x9EF0]  }
0x48e: {  	v8 =	vld [tilespmem:s7+$0x70]  }
0x48f: {  	v9 =	vld [tilespmem:s7+$0xE0]  }
0x490: {  	v10 =	vld [tilespmem:s7+$0xF0]  }
0x491: {  	v4 =	vadd.f32 v6, v4;
	v6 =	vld [tilespmem:s7+$0x160]  }
0x492: {  	v5 =	vadd.f32 v5, v7;
	v7 =	vld [tilespmem:s7+$0x170]  }
0x493: {  	v3 =	vadd.f32 v3, v4;
	v11 =	vld [tilespmem:s7+$0x1E0]  }
0x494: {  	v4 =	vadd.f32 v8, v5;
	v5 =	vld [tilespmem:s7+$0x1F0]  }
0x495: {  	v3 =	vadd.f32 v9, v3;
	v8 =	vld [tilespmem:s7+$0x260]  }
0x496: {  	v4 =	vadd.f32 v10, v4;
	v9 =	vld [tilespmem:s7+$0x270]  }
0x497: {  	v3 =	vadd.f32 v6, v3;
	v12 =	vld [tilespmem:s7+$0x2E0]  }
0x498: {  	v6 =	vadd.f32 v7, v4;
	v4 =	vld [tilespmem:s7+$0x2F0]  }
.Ltmp4:
0x499: {  	v7 =	vadd.f32 v11, v3;
	v3 =	vld [tilespmem:s7+$0x360];
	(pc) =	sbr.rel @p1 .LBB2_11-.Ltmp4, $4  }
0x49a: {  	v10 =	vadd.f32 v5, v6;
	v5 =	vld [tilespmem:s7+$0x370]  }
0x49b: {  	v8 =	vadd.f32 v8, v7;
	v6 =	vld [tilespmem:s7+$0x3E0]  }
0x49c: {  	v10 =	vadd.f32 v9, v10;
	v7 =	vld [tilespmem:s7+$0x3F0]  }
0x49d: {  	v9 =	vadd.f32 v12, v8;
	v8 =	vld [tilespmem:s7+$0x460]  }
0x49e: {  	v4 =	vadd.f32 v4, v10  }
0x49f: {  	v10 =	vld [tilespmem:s7+$0x470]  }
0x4a0: {  	v3 =	vadd.f32 v3, v9;
	v4 =	vadd.f32 v5, v4;
	_ =	sdelay $0x1  }
0x4a1: {  	v3 =	vadd.f32 v6, v3;
	v4 =	vadd.f32 v7, v4;
	_ =	sdelay $0x1  }
0x4a2: {  	v3 =	vadd.f32 v8, v3;
	v4 =	vadd.f32 v10, v4;
	_ =	sdelay $0x1  }
0x4a3: {  	v3 =	vmul.f32 $9.090909360e-02, v3;
	v4 =	vmul.f32 $9.090909360e-02, v4  }
0x4a4: {  	s1 =	sadd.s32 s8, s9  }
0x4a5: {  	s1 =	sshrl.u32 s1, $0x3;
	v3 =	vpack.i.f32.bf16 v4, v3  }
0x4a6: {  	s1 =	sadd.s32 s6, s1;
	[tilespmem:v2+s13+$0x0 ss:$0x1] =	vst.idx.msk $0xffff, v3  }
0x4a7: {  	[hbm4b:s1+s4] =	stream.linear.scatter [tilespmem:s30], [sflag:$0x6], $0x400, $0x38;
	[tilespmem:$0x19680] =	vst v63  }
0x4a8: {  	s1 =	sadd.s32 @!p0 $0x8, s12  }
0x4a9: {  	s9 =	simm.s32 @!p0 $0x8;
	s7 =	sshll.u32 @!p0 s1, $0x3  }
0x4aa: {  	s12 =	simm.s32 @!p0 $0x9E80;
	s1 =	smul.u32 @!p0 $0x140, s1;
	s7 =	sand.u32 @!p0 $0x3FFFFFF8, s7  }
0x4ab: {  	[tilespmem:s12], [sflag:$0x4] =	stream.indirect.gather @!p0 [hbm4b:s3+s9], $0x80, s7, s9, $0xb8;
	[tilespmem:$0x19680] =	vst v63  }
0x4ac: {  	s1 =	sshra.s32 @!p0 s1, $0x2  }
0x4ad: {  	s7 =	simm.s32 @!p0 $0x50;
	s9 =	simm.s32 @!p0 $0xA280;
	s1 =	sadd.s32 @!p0 $0xE00, s1  }
0x4ae: {  	[tilespmem:s9], [sflag:$0x4] =	stream.indirect.gather @!p0 [hbm4b:s3+s7], $0x80, s1, s7, $0xb8;
	[tilespmem:$0x19680] =	vst v63  }
0x4af: {  	_ =	swait.ge [sflag:s29], $0x2C00  }
0x4b0: {  	[sflag:s29] =	ssyncset.done $0x0  }
0x4b1: {  	s7 =	simm.s32 $0xCF00;
	[sflag:s29] =	ssyncadd.s32 $0xFFFFD400  }
0x4b2: {  	v2 =	vld [tilespmem:s7+$0xFFFFFF90]  }
0x4b3: {  	s12 =	simm.s32 $0x0;
	v3 =	vld [tilespmem:s7+$0xFFFFFF80]  }
0x4b4: {  	v4 =	vld [tilespmem:s12+$0xCA80]  }
0x4b5: {  	v5 =	vld [tilespmem:s12+$0xCA90]  }
0x4b6: {  	v6 =	vld [tilespmem:s7+$0x0]  }
0x4b7: {  	v7 =	vld [tilespmem:s7+$0x10]  }
0x4b8: {  	v8 =	vld [tilespmem:s7+$0x80]  }
0x4b9: {  	v9 =	vld [tilespmem:s7+$0x90]  }
0x4ba: {  	v3 =	vadd.f32 v3, v4;
	v4 =	vld [tilespmem:s7+$0x100];
	v2 =	vadd.f32 v2, v5  }
0x4bb: {  	v5 =	vld [tilespmem:s7+$0x110]  }
0x4bc: {  	v3 =	vadd.f32 v6, v3;
	v6 =	vld [tilespmem:s7+$0x180];
	v2 =	vadd.f32 v7, v2  }
0x4bd: {  	v7 =	vld [tilespmem:s7+$0x190]  }
0x4be: {  	v3 =	vadd.f32 v8, v3;
	v8 =	vld [tilespmem:s7+$0x200];
	v2 =	vadd.f32 v9, v2  }
0x4bf: {  	v9 =	vld [tilespmem:s7+$0x210]  }
0x4c0: {  	v3 =	vadd.f32 v4, v3;
	v4 =	vld [tilespmem:s7+$0x280];
	v2 =	vadd.f32 v5, v2  }
0x4c1: {  	v5 =	vld [tilespmem:s7+$0x290]  }
0x4c2: {  	v3 =	vadd.f32 v6, v3;
	v6 =	vld [tilespmem:s7+$0x300];
	v2 =	vadd.f32 v7, v2  }
0x4c3: {  	v7 =	vld [tilespmem:s7+$0x310]  }
0x4c4: {  	v3 =	vadd.f32 v8, v3;
	v8 =	vld [tilespmem:s7+$0x380];
	v2 =	vadd.f32 v9, v2  }
0x4c5: {  	v9 =	vld [tilespmem:s7+$0x390]  }
0x4c6: {  	v3 =	vadd.f32 v4, v3;
	v4 =	vld [tilespmem:s7+$0x400];
	v2 =	vadd.f32 v5, v2  }
0x4c7: {  	v5 =	vld [tilespmem:s7+$0x410]  }
0x4c8: {  	v3 =	vadd.f32 v6, v3;
	v2 =	vadd.f32 v7, v2;
	_ =	sdelay $0x1  }
0x4c9: {  	v3 =	vadd.f32 v8, v3;
	v6 =	vadd.f32 v9, v2;
	_ =	sdelay $0x1  }
0x4ca: {  	v2 =	vmov s17;
	v3 =	vadd.f32 v4, v3;
	v4 =	vadd.f32 v5, v6;
	_ =	sdelay $0x1  }
0x4cb: {  	v3 =	vmul.f32 $9.090909360e-02, v3;
	v4 =	vmul.f32 $9.090909360e-02, v4;
	_ =	sdelay $0x1  }
0x4cc: {  	v3 =	vpack.i.f32.bf16 v4, v3  }
0x4cd: {  	[tilespmem:v2+s12+$0x0 ss:$0x1] =	vst.idx.msk $0xffff, v3  }
0x4ce: {  	v3 =	vld [tilespmem:s7+$0xFFFFFFB0]  }
0x4cf: {  	v4 =	vld [tilespmem:s12+$0xCAA0]  }
0x4d0: {  	v5 =	vld [tilespmem:s12+$0xCAB0]  }
0x4d1: {  	v6 =	vld [tilespmem:s7+$0xFFFFFFA0]  }
0x4d2: {  	v7 =	vld [tilespmem:s7+$0x30]  }
0x4d3: {  	v8 =	vld [tilespmem:s7+$0x20]  }
0x4d4: {  	v9 =	vld [tilespmem:s7+$0xB0]  }
0x4d5: {  	v10 =	vld [tilespmem:s7+$0xA0]  }
0x4d6: {  	v3 =	vadd.f32 v3, v5;
	v4 =	vadd.f32 v6, v4;
	v5 =	vld [tilespmem:s7+$0x130]  }
0x4d7: {  	v6 =	vld [tilespmem:s7+$0x120]  }
0x4d8: {  	v3 =	vadd.f32 v7, v3;
	v4 =	vadd.f32 v8, v4;
	v7 =	vld [tilespmem:s7+$0x1B0]  }
0x4d9: {  	v8 =	vld [tilespmem:s7+$0x1A0]  }
0x4da: {  	v3 =	vadd.f32 v9, v3;
	v4 =	vadd.f32 v10, v4;
	v9 =	vld [tilespmem:s7+$0x230]  }
0x4db: {  	v10 =	vld [tilespmem:s7+$0x220]  }
0x4dc: {  	v3 =	vadd.f32 v5, v3;
	v4 =	vadd.f32 v6, v4;
	v5 =	vld [tilespmem:s7+$0x2B0]  }
0x4dd: {  	v6 =	vld [tilespmem:s7+$0x2A0]  }
0x4de: {  	v3 =	vadd.f32 v7, v3;
	v4 =	vadd.f32 v8, v4;
	v7 =	vld [tilespmem:s7+$0x330]  }
0x4df: {  	v8 =	vld [tilespmem:s7+$0x320]  }
0x4e0: {  	v3 =	vadd.f32 v9, v3;
	v4 =	vadd.f32 v10, v4;
	v9 =	vld [tilespmem:s7+$0x3B0]  }
0x4e1: {  	v10 =	vld [tilespmem:s7+$0x3A0]  }
0x4e2: {  	v3 =	vadd.f32 v5, v3;
	v4 =	vadd.f32 v6, v4;
	v5 =	vld [tilespmem:s7+$0x430]  }
0x4e3: {  	v6 =	vld [tilespmem:s7+$0x420]  }
0x4e4: {  	v3 =	vadd.f32 v7, v3;
	v4 =	vadd.f32 v8, v4;
	_ =	sdelay $0x1  }
0x4e5: {  	v3 =	vadd.f32 v9, v3;
	v4 =	vadd.f32 v10, v4;
	_ =	sdelay $0x1  }
0x4e6: {  	v4 =	vadd.f32 v6, v4;
	v3 =	vadd.f32 v5, v3;
	_ =	sdelay $0x1  }
0x4e7: {  	v4 =	vmul.f32 $9.090909360e-02, v4;
	v3 =	vmul.f32 $9.090909360e-02, v3;
	_ =	sdelay $0x1  }
0x4e8: {  	v3 =	vpack.i.f32.bf16 v3, v4  }
0x4e9: {  	[tilespmem:v2+s12+$0x10 ss:$0x1] =	vst.idx.msk $0xffff, v3  }
0x4ea: {  	v3 =	vld [tilespmem:s7+$0xFFFFFFD0]  }
0x4eb: {  	v4 =	vld [tilespmem:s7+$0xFFFFFFC0]  }
0x4ec: {  	v5 =	vld [tilespmem:s12+$0xCAC0]  }
0x4ed: {  	v6 =	vld [tilespmem:s12+$0xCAD0]  }
0x4ee: {  	v7 =	vld [tilespmem:s7+$0x40]  }
0x4ef: {  	v8 =	vld [tilespmem:s7+$0x50]  }
0x4f0: {  	v9 =	vld [tilespmem:s7+$0xC0]  }
0x4f1: {  	v10 =	vld [tilespmem:s7+$0xD0]  }
0x4f2: {  	v4 =	vadd.f32 v4, v5;
	v5 =	vld [tilespmem:s7+$0x140];
	v3 =	vadd.f32 v3, v6  }
0x4f3: {  	v6 =	vld [tilespmem:s7+$0x150]  }
0x4f4: {  	v4 =	vadd.f32 v7, v4;
	v7 =	vld [tilespmem:s7+$0x1C0];
	v3 =	vadd.f32 v8, v3  }
0x4f5: {  	v8 =	vld [tilespmem:s7+$0x1D0]  }
0x4f6: {  	v4 =	vadd.f32 v9, v4;
	v9 =	vld [tilespmem:s7+$0x240];
	v3 =	vadd.f32 v10, v3  }
0x4f7: {  	v10 =	vld [tilespmem:s7+$0x250]  }
0x4f8: {  	v4 =	vadd.f32 v5, v4;
	v5 =	vld [tilespmem:s7+$0x2C0];
	v3 =	vadd.f32 v6, v3  }
0x4f9: {  	v6 =	vld [tilespmem:s7+$0x2D0]  }
0x4fa: {  	v4 =	vadd.f32 v7, v4;
	v7 =	vld [tilespmem:s7+$0x340];
	v3 =	vadd.f32 v8, v3  }
0x4fb: {  	v8 =	vld [tilespmem:s7+$0x350]  }
0x4fc: {  	v4 =	vadd.f32 v9, v4;
	v9 =	vld [tilespmem:s7+$0x3C0];
	v3 =	vadd.f32 v10, v3  }
0x4fd: {  	v10 =	vld [tilespmem:s7+$0x3D0]  }
0x4fe: {  	v4 =	vadd.f32 v5, v4;
	v5 =	vld [tilespmem:s7+$0x440];
	v3 =	vadd.f32 v6, v3  }
0x4ff: {  	v6 =	vld [tilespmem:s7+$0x450]  }
0x500: {  	v4 =	vadd.f32 v7, v4;
	v3 =	vadd.f32 v8, v3;
	_ =	sdelay $0x1  }
0x501: {  	v4 =	vadd.f32 v9, v4;
	v3 =	vadd.f32 v10, v3;
	_ =	sdelay $0x1  }
0x502: {  	v4 =	vadd.f32 v5, v4;
	v3 =	vadd.f32 v6, v3;
	_ =	sdelay $0x1  }
0x503: {  	v4 =	vmul.f32 $9.090909360e-02, v4;
	v3 =	vmul.f32 $9.090909360e-02, v3;
	_ =	sdelay $0x1  }
0x504: {  	v3 =	vpack.i.f32.bf16 v3, v4  }
0x505: {  	[tilespmem:v2+s12+$0x20 ss:$0x1] =	vst.idx.msk $0xffff, v3  }
0x506: {  	v3 =	vld [tilespmem:s7+$0x60]  }
0x507: {  	v4 =	vld [tilespmem:s12+$0xCAE0]  }
0x508: {  	v5 =	vld [tilespmem:s7+$0xFFFFFFF0]  }
0x509: {  	v6 =	vld [tilespmem:s7+$0xFFFFFFE0]  }
0x50a: {  	v7 =	vld [tilespmem:s12+$0xCAF0]  }
0x50b: {  	v8 =	vld [tilespmem:s7+$0x70]  }
0x50c: {  	v9 =	vld [tilespmem:s7+$0xE0]  }
0x50d: {  	v10 =	vld [tilespmem:s7+$0xF0]  }
0x50e: {  	v11 =	vld [tilespmem:s7+$0x170];
	v4 =	vadd.f32 v6, v4  }
0x50f: {  	v6 =	vld [tilespmem:s7+$0x160]  }
0x510: {  	v12 =	vld [tilespmem:s7+$0x2E0];
	v5 =	vadd.f32 v5, v7;
	v3 =	vadd.f32 v3, v4  }
0x511: {  	v4 =	vld [tilespmem:s7+$0x1E0]  }
0x512: {  	v7 =	vld [tilespmem:s7+$0x1F0];
	v5 =	vadd.f32 v8, v5;
	v3 =	vadd.f32 v9, v3  }
0x513: {  	v8 =	vld [tilespmem:s7+$0x260]  }
0x514: {  	v9 =	vld [tilespmem:s7+$0x270];
	v10 =	vadd.f32 v10, v5;
	v3 =	vadd.f32 v6, v3  }
0x515: {  	v5 =	vld [tilespmem:s7+$0x2F0]  }
0x516: {  	v6 =	vadd.f32 v11, v10;
	v10 =	vadd.f32 v4, v3;
	v3 =	vld [tilespmem:s7+$0x360]  }
0x517: {  	v4 =	vld [tilespmem:s7+$0x370]  }
0x518: {  	v11 =	vadd.f32 v7, v6;
	v6 =	vld [tilespmem:s7+$0x3E0];
	v8 =	vadd.f32 v8, v10  }
0x519: {  	v7 =	vld [tilespmem:s7+$0x3F0]  }
0x51a: {  	s9 =	simm.s32 $0x200;
	v10 =	vadd.f32 v9, v11;
	v9 =	vadd.f32 v12, v8;
	v8 =	vld [tilespmem:s7+$0x460]  }
.LBB2_13:
0x51b: {  	p0 =	sne.s32 s9, $0xE00  }
0x51c: {  	v5 =	vadd.f32 v5, v10;
	v10 =	vld [tilespmem:s7+$0x470];
	s7 =	sadd.s32 $0x500, s7;
	s1 =	smov.u32 s9;
	s9 =	sadd.s32 $0x200, s9  }
0x51d: {  	v3 =	vadd.f32 v3, v9  }
0x51e: {  	v4 =	vadd.f32 v4, v5  }
0x51f: {  	v3 =	vadd.f32 v6, v3  }
0x520: {  	v4 =	vadd.f32 v7, v4  }
0x521: {  	v3 =	vadd.f32 v8, v3  }
0x522: {  	v4 =	vadd.f32 v10, v4  }
0x523: {  	v3 =	vmul.f32 $9.090909360e-02, v3  }
0x524: {  	v4 =	vmul.f32 $9.090909360e-02, v4;
	_ =	sdelay $0x1  }
0x525: {  	v3 =	vpack.i.f32.bf16 v4, v3  }
0x526: {  	[tilespmem:v2+s12+$0x30 ss:$0x1] =	vst.idx.msk $0xffff, v3  }
0x527: {  	v3 =	vld [tilespmem:s7+$0xFFFFFF90]  }
0x528: {  	s12 =	sshra.s32 s1, $0x2;
	v4 =	vld [tilespmem:s7+$0xFFFFFF80]  }
0x529: {  	v5 =	vld [tilespmem:s12+$0xCA80]  }
0x52a: {  	v6 =	vld [tilespmem:s12+$0xCA90]  }
0x52b: {  	v7 =	vld [tilespmem:s7+$0x0]  }
0x52c: {  	v8 =	vld [tilespmem:s7+$0x10]  }
0x52d: {  	v9 =	vld [tilespmem:s7+$0x80]  }
0x52e: {  	v4 =	vadd.f32 v4, v5;
	v5 =	vld [tilespmem:s7+$0x90]  }
0x52f: {  	v10 =	vld [tilespmem:s7+$0x100];
	v3 =	vadd.f32 v3, v6  }
0x530: {  	v4 =	vadd.f32 v7, v4;
	v6 =	vld [tilespmem:s7+$0x110]  }
0x531: {  	v7 =	vld [tilespmem:s7+$0x180];
	v3 =	vadd.f32 v8, v3  }
0x532: {  	v4 =	vadd.f32 v9, v4;
	v8 =	vld [tilespmem:s7+$0x190]  }
0x533: {  	v9 =	vld [tilespmem:s7+$0x200];
	v3 =	vadd.f32 v5, v3  }
0x534: {  	v4 =	vadd.f32 v10, v4;
	v5 =	vld [tilespmem:s7+$0x210]  }
0x535: {  	v10 =	vld [tilespmem:s7+$0x280];
	v3 =	vadd.f32 v6, v3  }
0x536: {  	v4 =	vadd.f32 v7, v4;
	v6 =	vld [tilespmem:s7+$0x290]  }
0x537: {  	v7 =	vld [tilespmem:s7+$0x300];
	v3 =	vadd.f32 v8, v3  }
0x538: {  	v4 =	vadd.f32 v9, v4;
	v8 =	vld [tilespmem:s7+$0x310]  }
0x539: {  	v9 =	vld [tilespmem:s7+$0x380];
	v3 =	vadd.f32 v5, v3  }
0x53a: {  	v4 =	vadd.f32 v10, v4;
	v5 =	vld [tilespmem:s7+$0x390]  }
0x53b: {  	v10 =	vld [tilespmem:s7+$0x400];
	v3 =	vadd.f32 v6, v3  }
0x53c: {  	v4 =	vadd.f32 v7, v4;
	v6 =	vld [tilespmem:s7+$0x410]  }
0x53d: {  	v3 =	vadd.f32 v8, v3  }
0x53e: {  	v4 =	vadd.f32 v9, v4  }
0x53f: {  	v3 =	vadd.f32 v5, v3  }
0x540: {  	v4 =	vadd.f32 v10, v4  }
0x541: {  	v3 =	vadd.f32 v6, v3  }
0x542: {  	v4 =	vmul.f32 $9.090909360e-02, v4  }
0x543: {  	v3 =	vmul.f32 $9.090909360e-02, v3;
	_ =	sdelay $0x1  }
0x544: {  	v3 =	vpack.i.f32.bf16 v3, v4  }
0x545: {  	[tilespmem:v2+s12+$0x0 ss:$0x1] =	vst.idx.msk $0xffff, v3  }
0x546: {  	v3 =	vld [tilespmem:s7+$0xFFFFFFB0]  }
0x547: {  	v4 =	vld [tilespmem:s12+$0xCAA0]  }
0x548: {  	v5 =	vld [tilespmem:s12+$0xCAB0]  }
0x549: {  	v6 =	vld [tilespmem:s7+$0xFFFFFFA0]  }
0x54a: {  	v7 =	vld [tilespmem:s7+$0x30]  }
0x54b: {  	v8 =	vld [tilespmem:s7+$0x20]  }
0x54c: {  	v9 =	vld [tilespmem:s7+$0xB0]  }
0x54d: {  	v10 =	vld [tilespmem:s7+$0xA0];
	v3 =	vadd.f32 v3, v5  }
0x54e: {  	v4 =	vadd.f32 v6, v4;
	v5 =	vld [tilespmem:s7+$0x130]  }
0x54f: {  	v6 =	vld [tilespmem:s7+$0x120];
	v3 =	vadd.f32 v7, v3  }
0x550: {  	v4 =	vadd.f32 v8, v4;
	v7 =	vld [tilespmem:s7+$0x1B0]  }
0x551: {  	v8 =	vld [tilespmem:s7+$0x1A0];
	v3 =	vadd.f32 v9, v3  }
0x552: {  	v4 =	vadd.f32 v10, v4;
	v9 =	vld [tilespmem:s7+$0x230]  }
0x553: {  	v10 =	vld [tilespmem:s7+$0x220];
	v3 =	vadd.f32 v5, v3  }
0x554: {  	v4 =	vadd.f32 v6, v4;
	v5 =	vld [tilespmem:s7+$0x2B0]  }
0x555: {  	v6 =	vld [tilespmem:s7+$0x2A0];
	v3 =	vadd.f32 v7, v3  }
0x556: {  	v4 =	vadd.f32 v8, v4;
	v7 =	vld [tilespmem:s7+$0x330]  }
0x557: {  	v8 =	vld [tilespmem:s7+$0x320];
	v3 =	vadd.f32 v9, v3  }
0x558: {  	v4 =	vadd.f32 v10, v4;
	v9 =	vld [tilespmem:s7+$0x3B0]  }
0x559: {  	v10 =	vld [tilespmem:s7+$0x3A0];
	v3 =	vadd.f32 v5, v3  }
0x55a: {  	v4 =	vadd.f32 v6, v4;
	v5 =	vld [tilespmem:s7+$0x430]  }
0x55b: {  	v6 =	vld [tilespmem:s7+$0x420];
	v3 =	vadd.f32 v7, v3  }
0x55c: {  	v4 =	vadd.f32 v8, v4  }
0x55d: {  	v3 =	vadd.f32 v9, v3  }
0x55e: {  	v4 =	vadd.f32 v10, v4;
	_ =	sdelay $0x1  }
0x55f: {  	v3 =	vadd.f32 v5, v3;
	v4 =	vadd.f32 v6, v4;
	_ =	sdelay $0x1  }
0x560: {  	v3 =	vmul.f32 $9.090909360e-02, v3;
	v4 =	vmul.f32 $9.090909360e-02, v4;
	_ =	sdelay $0x1  }
0x561: {  	v3 =	vpack.i.f32.bf16 v3, v4  }
0x562: {  	[tilespmem:v2+s12+$0x10 ss:$0x1] =	vst.idx.msk $0xffff, v3  }
0x563: {  	v3 =	vld [tilespmem:s7+$0xFFFFFFD0]  }
0x564: {  	v4 =	vld [tilespmem:s7+$0xFFFFFFC0]  }
0x565: {  	v5 =	vld [tilespmem:s12+$0xCAC0]  }
0x566: {  	v6 =	vld [tilespmem:s12+$0xCAD0]  }
0x567: {  	v7 =	vld [tilespmem:s7+$0x40]  }
0x568: {  	v8 =	vld [tilespmem:s7+$0x50]  }
0x569: {  	v9 =	vld [tilespmem:s7+$0xC0]  }
0x56a: {  	v4 =	vadd.f32 v4, v5;
	v5 =	vld [tilespmem:s7+$0xD0]  }
0x56b: {  	v10 =	vld [tilespmem:s7+$0x140];
	v3 =	vadd.f32 v3, v6  }
0x56c: {  	v4 =	vadd.f32 v7, v4;
	v6 =	vld [tilespmem:s7+$0x150]  }
0x56d: {  	v7 =	vld [tilespmem:s7+$0x1C0];
	v3 =	vadd.f32 v8, v3  }
0x56e: {  	v4 =	vadd.f32 v9, v4;
	v8 =	vld [tilespmem:s7+$0x1D0]  }
0x56f: {  	v9 =	vld [tilespmem:s7+$0x240];
	v3 =	vadd.f32 v5, v3  }
0x570: {  	v4 =	vadd.f32 v10, v4;
	v5 =	vld [tilespmem:s7+$0x250]  }
0x571: {  	v10 =	vld [tilespmem:s7+$0x2C0];
	v3 =	vadd.f32 v6, v3  }
0x572: {  	v4 =	vadd.f32 v7, v4;
	v6 =	vld [tilespmem:s7+$0x2D0]  }
0x573: {  	v7 =	vld [tilespmem:s7+$0x340];
	v3 =	vadd.f32 v8, v3  }
0x574: {  	v4 =	vadd.f32 v9, v4;
	v8 =	vld [tilespmem:s7+$0x350]  }
0x575: {  	v9 =	vld [tilespmem:s7+$0x3C0];
	v3 =	vadd.f32 v5, v3  }
0x576: {  	v4 =	vadd.f32 v10, v4;
	v5 =	vld [tilespmem:s7+$0x3D0]  }
0x577: {  	v10 =	vld [tilespmem:s7+$0x440];
	v3 =	vadd.f32 v6, v3  }
0x578: {  	v4 =	vadd.f32 v7, v4;
	v6 =	vld [tilespmem:s7+$0x450]  }
0x579: {  	v3 =	vadd.f32 v8, v3  }
0x57a: {  	v4 =	vadd.f32 v9, v4  }
0x57b: {  	v3 =	vadd.f32 v5, v3  }
0x57c: {  	v4 =	vadd.f32 v10, v4  }
0x57d: {  	v3 =	vadd.f32 v6, v3;
	_ =	sdelay $0x1  }
0x57e: {  	v4 =	vmul.f32 $9.090909360e-02, v4;
	v3 =	vmul.f32 $9.090909360e-02, v3;
	_ =	sdelay $0x1  }
0x57f: {  	v3 =	vpack.i.f32.bf16 v3, v4  }
0x580: {  	[tilespmem:v2+s12+$0x20 ss:$0x1] =	vst.idx.msk $0xffff, v3  }
0x581: {  	v3 =	vld [tilespmem:s7+$0x60]  }
0x582: {  	v4 =	vld [tilespmem:s12+$0xCAE0]  }
0x583: {  	v5 =	vld [tilespmem:s7+$0xFFFFFFF0]  }
0x584: {  	v6 =	vld [tilespmem:s7+$0xFFFFFFE0]  }
0x585: {  	v7 =	vld [tilespmem:s12+$0xCAF0]  }
0x586: {  	v8 =	vld [tilespmem:s7+$0x70]  }
0x587: {  	v9 =	vld [tilespmem:s7+$0xE0]  }
0x588: {  	v10 =	vld [tilespmem:s7+$0xF0]  }
0x589: {  	v4 =	vadd.f32 v6, v4;
	v6 =	vld [tilespmem:s7+$0x160]  }
0x58a: {  	v5 =	vadd.f32 v5, v7;
	v7 =	vld [tilespmem:s7+$0x170]  }
0x58b: {  	v3 =	vadd.f32 v3, v4;
	v4 =	vld [tilespmem:s7+$0x1E0]  }
0x58c: {  	v5 =	vadd.f32 v8, v5;
	v8 =	vld [tilespmem:s7+$0x1F0]  }
0x58d: {  	v3 =	vadd.f32 v9, v3;
	v9 =	vld [tilespmem:s7+$0x260]  }
0x58e: {  	v5 =	vadd.f32 v10, v5;
	v10 =	vld [tilespmem:s7+$0x270]  }
0x58f: {  	v3 =	vadd.f32 v6, v3;
	v11 =	vld [tilespmem:s7+$0x2E0]  }
0x590: {  	v6 =	vadd.f32 v7, v5;
	v5 =	vld [tilespmem:s7+$0x2F0]  }
.Ltmp5:
0x591: {  	v7 =	vadd.f32 v4, v3;
	v3 =	vld [tilespmem:s7+$0x360];
	(pc) =	sbr.rel @p0 .LBB2_13-.Ltmp5, $4  }
0x592: {  	v8 =	vadd.f32 v8, v6;
	v4 =	vld [tilespmem:s7+$0x370]  }
0x593: {  	v9 =	vadd.f32 v9, v7;
	v6 =	vld [tilespmem:s7+$0x3E0]  }
0x594: {  	v10 =	vadd.f32 v10, v8;
	v7 =	vld [tilespmem:s7+$0x3F0]  }
0x595: {  	v9 =	vadd.f32 v11, v9;
	v8 =	vld [tilespmem:s7+$0x460]  }
0x596: {  	v5 =	vadd.f32 v5, v10  }
0x597: {  	v63 =	vld [tilespmem:s7+$0x470]  }
0x598: {  	v3 =	vadd.f32 v3, v9;
	v4 =	vadd.f32 v4, v5;
	_ =	sdelay $0x1  }
0x599: {  	v3 =	vadd.f32 v6, v3;
	v4 =	vadd.f32 v7, v4;
	_ =	sdelay $0x1  }
0x59a: {  	s2 =	sadd.s32 $0x1, s2;
	v3 =	vadd.f32 v8, v3;
	v4 =	vadd.f32 v63, v4  }
0x59b: {  	p0 =	sne.s32 s2, $0x8  }
.Ltmp6:
0x59c: {  	s1 =	sshll.u32 s18, $0xA;
	s31 =	sadd.s32 s5, s19;
	v3 =	vmul.f32 $9.090909360e-02, v3;
	v4 =	vmul.f32 $9.090909360e-02, v4;
	(pc) =	sbr.rel @p0 .LBB2_4-.Ltmp6, $4  }
0x59d: {  	s0 =	sadd.s32 $0x1400, s0;
	s14 =	sadd.s32 $0x1400, s14;
	s15 =	sadd.s32 $0x1400, s15  }
0x59e: {  	s16 =	sadd.s32 $0x1400, s16;
	s1 =	sand.u32 $0x3FFFFC00, s1;
	s7 =	sshll.u32 s31, $0x4;
	v3 =	vpack.i.f32.bf16 v4, v3  }
0x59f: {  	s17 =	sadd.s32 $0x1400, s17;
	s1 =	sadd.s32 $0xF680, s1;
	s7 =	sadd.s32 s6, s7;
	[tilespmem:v2+s12+$0x30 ss:$0x1] =	vst.idx.msk $0xffff, v3  }
0x5a0: {  	[hbm4b:s7+s4] =	stream.linear.scatter [tilespmem:s1], [sflag:$0x6], $0x400, $0x38;
	[tilespmem:$0x19680] =	vst v63  }
0x5a1: {  	s1 =	simm.s32 $0x6  }
0x5a2: {  	_ =	swait.ge [sflag:s1], $0xA000  }
0x5a3: {  	s2 =	rddreg [dreg:$0x7]  }
0x5a4: {  	s0 =	rddreg [dreg:$0x6];
	s2 =	sadd.s32 $0x1, s2  }
0x5a5: {  	p0 =	sne.s32 s2, s0  }
.Ltmp7:
0x5a6: {  	_ = 	snop;
	(pc) =	sbr.rel @p0 .LBB2_1-.Ltmp7, $3  }
0x5a7: {  	_ =	sdelay $0x1  }
0x5a8: {  	[sflag:s1] =	ssyncset.done $0x0  }
0x5a9: {  	s9 =	simm.s32 $0x180;
	[sflag:s1] =	ssyncadd.s32 $0xFFFF6000  }
0x5aa: {  	_ =	sfence.sel $0x180000  }
0x5ab: {  	[bflag:$0x0] =	sbarrier.arrive $0xFFFF  }
0x5ac: {  	_ =	strace $0x90000047  }
0x5ad: {  	s0 =	stileid.u32;
	[bflag:$0x2] =	sbarrier.arrive $0xFFFF  }
0x5ae: {  	p0 =	sne.s32 s0, $0x0;
	s0 =	rddreg [dreg:$0x4]  }
0x5af: {  	s0 =	sadd.s32 @!p0 $0x100000, s0  }
0x5b0: {  	[sflag:s0] =	ssyncadd.tile.s32 @!p0 $0x1;
	_ =	shalt  }
.Lfunc_end2:
_tile_overlayer_lowered:
.L_overlay_start_2:
0x5b1: {  	(tag) =	ssettag $0x2  }
0x5b2: {  	s0 =	rddreg [dreg:$0x0];
	s2 =	stileid.u32  }
0x5b3: {  	s1 =	rddreg [dreg:$0x1];
	p0 =	sne.s32 s2, $0x0  }
0x5b4: {  	s3 =	rddreg [dreg:$0x2];
	[bflag:$0x3] =	sbarrier.arrive $0xFFFF;
	s2 =	simm.s32 @!p0 $0x1C08  }
0x5b5: {  	[timem:s3], [sflag:s2] =	dma.local @!p0 [hbm:s0], s1  }
0x5b6: {  	s0 =	simm.s32 @!p0 $0x8  }
0x5b7: {  	_ =	swait.ge @!p0 [sflag:s0], s1  }
0x5b8: {  	s1 =	ssub.s32 @!p0 $0x0, s1;
	[sflag:s0] =	ssyncset.done @!p0 $0x0  }
0x5b9: {  	[sflag:s0] =	ssyncadd.s32 @!p0 s1  }
0x5ba: {  	[bflag:$0x3] =	sbarrier.arrive $0xFFFF  }
0x5bb: {  	_ =	shalt  }

</sc_bundles>
